<compile_context>
chip_gen: v7x
topology: tpu7x:2x2x1
jax: 0.10.2.dev20260603
libtpu: 0.0.44.dev20260713+nightly
codegen_flags: <defaults>
</compile_context>

<pallas_src>
import functools

import jax
import jax.numpy as jnp
import numpy as np
from jax import lax
from jax.experimental import pallas as pl
from jax.experimental.pallas import tpu as pltpu
from jax.experimental.pallas import tpu_sc as plsc

N = 10000
E = 320000
D = 128
N_CLS = 2

NPAD = 10240
NC = 2
NS = 16
NW = NC * NS
CH = 128
CPT = 80
HPT = CPT // 2
EPT = CH * CPT
EPAD = EPT * NW
SROWS = NPAD // NS
SBLK = SROWS // CH

f32 = jnp.float32
i32 = jnp.int32


def _mesh():
    return plsc.VectorSubcoreMesh(core_axis_name="c", subcore_axis_name="s")


def _zero_rows(ref, nrows, width):
    z = jnp.zeros((16,), f32)

    def body(i, _):
        for k in range(width // 16):
            ref[i, pl.ds(k * 16, 16)] = z
        return 0

    lax.fori_loop(0, nrows, body, 0)


def _deg_kernel(dstr, degp, ones_v, idx_v, tmp_v, deg_sh):
    c = lax.axis_index("c")
    s = lax.axis_index("s")
    w = c * NS + s

    one = jnp.ones((16,), f32)

    def fill(i, _):
        ones_v[i, pl.ds(0, 16)] = one
        tmp_v[i, pl.ds(0, 16)] = jnp.zeros((16,), f32)
        return 0

    lax.fori_loop(0, CH, fill, 0)

    for k in range(SBLK):
        pltpu.sync_copy(tmp_v, deg_sh.at[pl.ds(s * SROWS + k * CH, CH)])
    plsc.subcore_barrier()

    pltpu.sync_copy(dstr.at[w], idx_v)

    def chunk(j, _):
        pltpu.sync_copy(ones_v, deg_sh.at[idx_v.at[j]], add=True)
        return 0

    lax.fori_loop(0, CPT, chunk, 0)
    plsc.subcore_barrier()

    for k in range(SBLK):
        r0 = s * SROWS + k * CH
        pltpu.sync_copy(deg_sh.at[pl.ds(r0, CH)], tmp_v)
        pltpu.sync_copy(tmp_v, degp.at[c, pl.ds(r0, CH)])


def _deg_call(dstr):
    return pl.kernel(
        _deg_kernel,
        out_type=jax.ShapeDtypeStruct((NC, NPAD, 16), f32),
        mesh=_mesh(),
        scratch_types=[
            pltpu.VMEM((CH, 16), f32),
            pltpu.VMEM((CPT, CH), i32),
            pltpu.VMEM((CH, 16), f32),
            pltpu.VMEM_SHARED((NPAD, 16), f32),
        ],
        name="sc_degree",
    )(dstr)


def _agg_kernel(y, srcr, dstr, aggp, sidx_v, didx_v, rows0, rows1, sem0, sem1,
                agg_sh):
    c = lax.axis_index("c")
    s = lax.axis_index("s")
    w = c * NS + s

    _zero_rows(rows0, CH, D)
    for k in range(SBLK):
        pltpu.sync_copy(rows0, agg_sh.at[pl.ds(s * SROWS + k * CH, CH)])
    plsc.subcore_barrier()

    rows = (rows0, rows1)
    sems = (sem0, sem1)

    for phase in range(2):
        base = phase * HPT
        pltpu.sync_copy(srcr.at[w, pl.ds(base, HPT)], sidx_v)
        pltpu.sync_copy(dstr.at[w, pl.ds(base, HPT)], didx_v)

        pltpu.async_copy(y.at[sidx_v.at[0]], rows0, sem0)
        pltpu.async_copy(y.at[sidx_v.at[1]], rows1, sem1)

        def pair(i, _):
            for b in range(2):
                j = 2 * i + b
                r, sem = rows[b], sems[b]
                pltpu.make_async_copy(y.at[sidx_v.at[j]], r, sem).wait()
                pltpu.sync_copy(r, agg_sh.at[didx_v.at[j]], add=True)
                jn = jnp.minimum(j + 2, HPT - 1)
                pltpu.async_copy(y.at[sidx_v.at[jn]], r, sem)
            return 0

        lax.fori_loop(0, HPT // 2, pair, 0)
        pltpu.make_async_copy(y.at[sidx_v.at[HPT - 1]], rows0, sem0).wait()
        pltpu.make_async_copy(y.at[sidx_v.at[HPT - 1]], rows1, sem1).wait()

    plsc.subcore_barrier()

    for k in range(SBLK):
        r0 = s * SROWS + k * CH
        pltpu.sync_copy(agg_sh.at[pl.ds(r0, CH)], rows0)
        pltpu.sync_copy(rows0, aggp.at[c, pl.ds(r0, CH)])


def _agg_call(y, srcr, dstr):
    return pl.kernel(
        _agg_kernel,
        out_type=jax.ShapeDtypeStruct((NC, NPAD, D), f32),
        mesh=_mesh(),
        scratch_types=[
            pltpu.VMEM((HPT, CH), i32),
            pltpu.VMEM((HPT, CH), i32),
            pltpu.VMEM((CH, D), f32),
            pltpu.VMEM((CH, D), f32),
            pltpu.SemaphoreType.DMA,
            pltpu.SemaphoreType.DMA,
            pltpu.VMEM_SHARED((NPAD, D), f32),
        ],
        name="sc_conv_agg",
    )(y, srcr, dstr)


def _edge_kernel(a1, a2, srcr, dstr, w0, w1, pout,
                 sidx_v, didx_v, g1a, g2a, g1b, g2b, sema, semb,
                 w0_v, w1_v, p_v):
    c = lax.axis_index("c")
    s = lax.axis_index("s")
    w = c * NS + s

    pltpu.sync_copy(w0, w0_v)
    pltpu.sync_copy(w1, w1_v)
    pltpu.sync_copy(srcr.at[w], sidx_v)
    pltpu.sync_copy(dstr.at[w], didx_v)

    g1s = (g1a, g1b)
    g2s = (g2a, g2b)
    sems = (sema, semb)

    w0s = tuple(w0_v[pl.ds(k * 16, 16)] for k in range(D // 16))
    w1s = tuple(w1_v[pl.ds(k * 16, 16)] for k in range(D // 16))

    pltpu.async_copy(a1.at[sidx_v.at[0]], g1a, sema)
    pltpu.async_copy(a2.at[didx_v.at[0]], g2a, sema)
    pltpu.async_copy(a1.at[sidx_v.at[1]], g1b, semb)
    pltpu.async_copy(a2.at[didx_v.at[1]], g2b, semb)

    def pair(i, _):
        for b in range(2):
            j = 2 * i + b
            g1_v, g2_v, sem = g1s[b], g2s[b], sems[b]
            pltpu.make_async_copy(a1.at[sidx_v.at[j]], g1_v, sem).wait()
            pltpu.make_async_copy(a2.at[didx_v.at[j]], g2_v, sem).wait()

            def edge(e, _):
                for k in range(D // 16):
                    sl = pl.ds(k * 16, 16)
                    v = jnp.maximum(g1_v[e, sl] + g2_v[e, sl], 0.0)
                    if k == 0:
                        a0e = v * w0s[k]
                        a1e = v * w1s[k]
                    elif k == 1:
                        a0o = v * w0s[k]
                        a1o = v * w1s[k]
                    elif k % 2 == 0:
                        a0e = a0e + v * w0s[k]
                        a1e = a1e + v * w1s[k]
                    else:
                        a0o = a0o + v * w0s[k]
                        a1o = a1o + v * w1s[k]
                q = e >> 4
                rm = (e & 15) * 32
                p_v[q, pl.ds(rm, 16)] = a0e + a0o
                p_v[q, pl.ds(rm + 16, 16)] = a1e + a1o
                return 0

            lax.fori_loop(0, CH, edge, 0)

            pltpu.sync_copy(p_v, pout.at[pl.ds((w * CPT + j) * 8, 8)])
            jn = jnp.minimum(j + 2, CPT - 1)
            pltpu.async_copy(a1.at[sidx_v.at[jn]], g1_v, sem)
            pltpu.async_copy(a2.at[didx_v.at[jn]], g2_v, sem)
        return 0

    lax.fori_loop(0, CPT // 2, pair, 0)
    pltpu.make_async_copy(a1.at[sidx_v.at[CPT - 1]], g1a, sema).wait()
    pltpu.make_async_copy(a2.at[didx_v.at[CPT - 1]], g2a, sema).wait()
    pltpu.make_async_copy(a1.at[sidx_v.at[CPT - 1]], g1b, semb).wait()
    pltpu.make_async_copy(a2.at[didx_v.at[CPT - 1]], g2b, semb).wait()


def _edge_call(a1, a2, srcr, dstr, w0, w1):
    return pl.kernel(
        _edge_kernel,
        out_type=jax.ShapeDtypeStruct((NW * CPT * 8, 512), f32),
        mesh=_mesh(),
        scratch_types=[
            pltpu.VMEM((CPT, CH), i32),
            pltpu.VMEM((CPT, CH), i32),
            pltpu.VMEM((CH, D), f32),
            pltpu.VMEM((CH, D), f32),
            pltpu.VMEM((CH, D), f32),
            pltpu.VMEM((CH, D), f32),
            pltpu.SemaphoreType.DMA,
            pltpu.SemaphoreType.DMA,
            pltpu.VMEM((D,), f32),
            pltpu.VMEM((D,), f32),
            pltpu.VMEM((8, 512), f32),
        ],
        name="sc_edge_head",
    )(a1, a2, srcr, dstr, w0, w1)


_RB = 1024


def _k1_body(x_ref, w_ref, d0_ref, d1_ref, y_ref, dis_ref):
    deg = d0_ref[:, 0:1] + d1_ref[:, 0:1] + 1.0
    dis = lax.rsqrt(deg)
    dis_ref[...] = dis
    xw = jnp.dot(x_ref[...], w_ref[...], preferred_element_type=f32)
    y_ref[...] = xw * dis


def _k1_call(x_pad, W1, d0, d1):
    grid = NPAD // _RB
    return pl.pallas_call(
        _k1_body,
        grid=(grid,),
        in_specs=[
            pl.BlockSpec((_RB, D), lambda i: (i, 0)),
            pl.BlockSpec((D, D), lambda i: (0, 0)),
            pl.BlockSpec((_RB, 16), lambda i: (i, 0)),
            pl.BlockSpec((_RB, 16), lambda i: (i, 0)),
        ],
        out_specs=[
            pl.BlockSpec((_RB, D), lambda i: (i, 0)),
            pl.BlockSpec((_RB, 1), lambda i: (i, 0)),
        ],
        out_shape=[
            jax.ShapeDtypeStruct((NPAD, D), f32),
            jax.ShapeDtypeStruct((NPAD, 1), f32),
        ],
        name="tc_y1_dis",
    )(x_pad, W1, d0, d1)


def _k2_body(aa_ref, ab_ref, y_ref, dis_ref, w_ref, b_ref, y2_ref):
    dis = dis_ref[...]
    t = (aa_ref[...] + ab_ref[...] + y_ref[...]) * dis + b_ref[...]
    h = jnp.maximum(t, 0.0)
    y2_ref[...] = jnp.dot(h, w_ref[...], preferred_element_type=f32) * dis


def _k2_call(agga, aggb, y1, dis, W2, b1row):
    grid = NPAD // _RB
    return pl.pallas_call(
        _k2_body,
        grid=(grid,),
        in_specs=[
            pl.BlockSpec((_RB, D), lambda i: (i, 0)),
            pl.BlockSpec((_RB, D), lambda i: (i, 0)),
            pl.BlockSpec((_RB, D), lambda i: (i, 0)),
            pl.BlockSpec((_RB, 1), lambda i: (i, 0)),
            pl.BlockSpec((D, D), lambda i: (0, 0)),
            pl.BlockSpec((1, D), lambda i: (0, 0)),
        ],
        out_specs=pl.BlockSpec((_RB, D), lambda i: (i, 0)),
        out_shape=jax.ShapeDtypeStruct((NPAD, D), f32),
        name="tc_y2",
    )(agga, aggb, y1, dis, W2, b1row)


def _k3_body(aa_ref, ab_ref, y_ref, dis_ref, b_ref, wt_ref, wb_ref, blr_ref,
             a1_ref, a2_ref):
    t = (aa_ref[...] + ab_ref[...] + y_ref[...]) * dis_ref[...] + b_ref[...]
    h = jnp.maximum(t, 0.0)
    a1_ref[...] = jnp.dot(h, wt_ref[...], preferred_element_type=f32) + blr_ref[...]
    a2_ref[...] = jnp.dot(h, wb_ref[...], preferred_element_type=f32)


def _k3_call(agga, aggb, y2, dis, b2row, Wl1t, Wl1b, bl1row):
    grid = NPAD // _RB
    return pl.pallas_call(
        _k3_body,
        grid=(grid,),
        in_specs=[
            pl.BlockSpec((_RB, D), lambda i: (i, 0)),
            pl.BlockSpec((_RB, D), lambda i: (i, 0)),
            pl.BlockSpec((_RB, D), lambda i: (i, 0)),
            pl.BlockSpec((_RB, 1), lambda i: (i, 0)),
            pl.BlockSpec((1, D), lambda i: (0, 0)),
            pl.BlockSpec((D, D), lambda i: (0, 0)),
            pl.BlockSpec((D, D), lambda i: (0, 0)),
            pl.BlockSpec((1, D), lambda i: (0, 0)),
        ],
        out_specs=[
            pl.BlockSpec((_RB, D), lambda i: (i, 0)),
            pl.BlockSpec((_RB, D), lambda i: (i, 0)),
        ],
        out_shape=[
            jax.ShapeDtypeStruct((NPAD, D), f32),
            jax.ShapeDtypeStruct((NPAD, D), f32),
        ],
        name="tc_a1_a2",
    )(agga, aggb, y2, dis, b2row, Wl1t, Wl1b, bl1row)


_EB = 4096


_CB = 50

_M_RED = np.zeros((512, 32), np.float32)
for _e in range(16):
    for _c in range(N_CLS):
        _M_RED[_e * 32 + _c * 16:_e * 32 + _c * 16 + 16, _e * N_CLS + _c] = 1.0


_RB4 = 400


def _k4_body(p_ref, m_ref, bl2_ref, o_ref):
    s = jnp.dot(p_ref[...], m_ref[...], preferred_element_type=f32)
    o_ref[...] = jnp.maximum(s + bl2_ref[...], 0.0)


def _k4_call(p, m, bl2row):
    grid = (E // 16) // _RB4
    return pl.pallas_call(
        _k4_body,
        grid=(grid,),
        in_specs=[
            pl.BlockSpec((_RB4, 512), lambda i: (i, 0)),
            pl.BlockSpec((512, 32), lambda i: (0, 0)),
            pl.BlockSpec((1, 32), lambda i: (0, 0)),
        ],
        out_specs=pl.BlockSpec((_RB4, 32), lambda i: (i, 0)),
        out_shape=jax.ShapeDtypeStruct((E // 16, 32), f32),
        name="tc_logits",
    )(p, m, bl2row)


def kernel(x, edge_index, W1, b1, W2, b2, Wl1, bl1, Wl2, bl2):
    x_pad = jnp.zeros((NPAD, D), f32).at[:N].set(x)

    src = edge_index[0]
    dst = edge_index[1]
    pad = N + (jnp.arange(EPAD - E, dtype=i32) % (NPAD - N))
    srcr = jnp.concatenate([src, pad]).reshape(NW, CPT, CH)
    dstr = jnp.concatenate([dst, pad]).reshape(NW, CPT, CH)

    degp = _deg_call(dstr)
    d0 = degp[0]
    d1 = degp[1]

    y1, dis = _k1_call(x_pad, W1, d0, d1)

    agg1 = _agg_call(y1, srcr, dstr)
    y2 = _k2_call(agg1[0], agg1[1], y1, dis, W2, b1.reshape(1, D))

    agg2 = _agg_call(y2, srcr, dstr)
    a1, a2 = _k3_call(agg2[0], agg2[1], y2, dis, b2.reshape(1, D),
                      Wl1[:D], Wl1[D:], bl1.reshape(1, D))

    p = _edge_call(a1, a2, srcr, dstr,
                   Wl2[:, 0] + 0.0,
                   Wl2[:, 1] + 0.0)

    bl2row = jnp.tile(bl2, (16,)).reshape(1, 32)
    out = _k4_call(p, jnp.asarray(_M_RED), bl2row)
    return out.reshape(E, N_CLS)

# --- scband reference (transcript-rebuilt; emitter-appended) ---
"""Pipeline reference for scband-graph-rules-90718299226435 (READ-ONLY COPY).

The authoritative reference and input builder live on the scoring server;
editing this copy changes nothing except your own understanding.
"""

import jax, jax.numpy as jnp
import numpy as np

N = 10000
E = 320000
D_IN = 128
D_H = 128
N_CLS = 2


def setup_inputs(seed: int = 0) -> dict:
    key = jax.random.key(seed)
    ks = jax.random.split(key, 12)
    x = jax.random.normal(ks[0], (N, D_IN), dtype=jnp.float32)
    edge_index = jax.random.randint(ks[1], (2, E), 0, N, dtype=jnp.int32)
    W1 = jax.random.normal(ks[2], (D_IN, D_H), dtype=jnp.float32) / np.sqrt(D_IN)
    b1 = jnp.zeros((D_H,), dtype=jnp.float32)
    W2 = jax.random.normal(ks[3], (D_H, D_H), dtype=jnp.float32) / np.sqrt(D_H)
    b2 = jnp.zeros((D_H,), dtype=jnp.float32)
    Wl1 = jax.random.normal(ks[4], (2 * D_H, D_H), dtype=jnp.float32) / np.sqrt(2 * D_H)
    bl1 = jnp.zeros((D_H,), dtype=jnp.float32)
    Wl2 = jax.random.normal(ks[5], (D_H, N_CLS), dtype=jnp.float32) / np.sqrt(D_H)
    bl2 = jnp.zeros((N_CLS,), dtype=jnp.float32)
    return {"x": x, "edge_index": edge_index, "W1": W1, "b1": b1, "W2": W2, "b2": b2,
            "Wl1": Wl1, "bl1": bl1, "Wl2": Wl2, "bl2": bl2}


def gcn_conv(x, edge_index, W, b):
    # PyG GCNConv: add self-loops, symmetric normalization, scatter-add aggregation
    n = x.shape[0]
    src = edge_index[0]
    dst = edge_index[1]
    loop = jnp.arange(n, dtype=src.dtype)
    src2 = jnp.concatenate([src, loop])
    dst2 = jnp.concatenate([dst, loop])
    deg = jnp.zeros((n,), jnp.float32).at[dst2].add(1.0)
    dis = jnp.where(deg > 0, jax.lax.rsqrt(deg), 0.0)
    norm = dis[src2] * dis[dst2]
    xw = x @ W
    msg = xw[src2] * norm[:, None]
    out = jnp.zeros((n, W.shape[1]), jnp.float32).at[dst2].add(msg)
    return out + b


def reference(x, edge_index, W1, b1, W2, b2, Wl1, bl1, Wl2, bl2):
    h = jax.nn.relu(gcn_conv(x, edge_index, W1, b1))
    h = jax.nn.relu(gcn_conv(h, edge_index, W2, b2))
    n1 = h[edge_index[0]]
    n2 = h[edge_index[1]]
    ef = jnp.concatenate([n1, n2], axis=1)
    ef = jax.nn.relu(ef @ Wl1 + bl1)
    logits = ef @ Wl2 + bl2
    edge_pos_features = jax.nn.relu(logits)
    return edge_pos_features

if __name__ == "__main__":
    import jax
    _d = setup_inputs()
    print(jax.jit(kernel)(*tuple(_d.values())))

</pallas_src>

<mosaic_0001>
#map = affine_map<(d0, d1) -> (0, 0, 0)>
module attributes {stable_mosaic.version = 14 : i64} {
  func.func @sc_degree(%arg0: i32, %arg1: i32, %arg2: memref<32x80x128xi32, #tpu.memory_space<hbm>>, %arg3: memref<2x10240x16xf32, #tpu.memory_space<hbm>>, %arg4: memref<128x16xf32, #tpu.memory_space<vmem>>, %arg5: memref<80x128xi32, #tpu.memory_space<vmem>>, %arg6: memref<128x16xf32, #tpu.memory_space<vmem>>, %arg7: memref<10240x16xf32, #tpu.memory_space<vmem_shared>>) attributes {dimension_semantics = [#tpu.dimension_semantics<core_parallel>, #tpu.dimension_semantics<subcore_parallel>], iteration_bounds = array<i64: 2, 16>, scalar_prefetch = 0 : i64, scratch_operands = 4 : i64, tpu.core_type = #tpu.core_type<sc_vector_subcore>, window_params = [{transform_indices = #map}, {transform_indices = #map}]} {
    %mul3A = arith.constant 16 : i32
    %mul3A_0 = arith.muli %arg0, %mul3A : i32
    %add3A = arith.addi %mul3A_0, %arg1 : i32
    %broadcast_in_dim3A = arith.constant 1.000000e+00 : f32
    %broadcast_in_dim3A_1 = vector.broadcast %broadcast_in_dim3A : f32 to vector<16xf32>
    %scan3A = arith.constant 0 : i32
    %scan3A_2 = arith.constant 0 : i32
    %scan3A_3 = arith.constant 128 : i32
    %scan3A_4 = arith.addi %scan3A_2, %scan3A_3 : i32
    %scan3A_5 = arith.constant 1 : i32
    %scan3A_6 = scf.for %scan3A_56 = %scan3A_2 to %scan3A_4 step %scan3A_5 iter_args(%scan3A_57 = %scan3A) -> (i32)  : i32 {
      %swap3A = arith.index_cast %scan3A_56 : i32 to index
      %swap3A_58 = arith.constant 0 : index
      %swap3A_59 = tpu.vector_load %arg4[%swap3A, %swap3A_58] {strides = array<i32>} : memref<128x16xf32, #tpu.memory_space<vmem>>, vector<1x16xf32>,
      %swap3A_60 = vector.shape_cast %swap3A_59 : vector<1x16xf32> to vector<16xf32>
      %swap3A_61 = vector.shape_cast %broadcast_in_dim3A_1 : vector<16xf32> to vector<1x16xf32>
      tpu.vector_store %arg4[%swap3A, %swap3A_58], %swap3A_61 {strides = array<i32>} : memref<128x16xf32, #tpu.memory_space<vmem>>, vector<1x16xf32>,
      %broadcast_in_dim3A_62 = arith.constant 0.000000e+00 : f32
      %broadcast_in_dim3A_63 = vector.broadcast %broadcast_in_dim3A_62 : f32 to vector<16xf32>
      %swap3A_64 = arith.index_cast %scan3A_56 : i32 to index
      %swap3A_65 = arith.constant 0 : index
      %swap3A_66 = tpu.vector_load %arg6[%swap3A_64, %swap3A_65] {strides = array<i32>} : memref<128x16xf32, #tpu.memory_space<vmem>>, vector<1x16xf32>,
      %swap3A_67 = vector.shape_cast %swap3A_66 : vector<1x16xf32> to vector<16xf32>
      %swap3A_68 = vector.shape_cast %broadcast_in_dim3A_63 : vector<16xf32> to vector<1x16xf32>
      tpu.vector_store %arg6[%swap3A_64, %swap3A_65], %swap3A_68 {strides = array<i32>} : memref<128x16xf32, #tpu.memory_space<vmem>>, vector<1x16xf32>,
      %scan3A_69 = arith.constant 0 : i32
      scf.yield %scan3A_69 : i32
    }
    %scan3A_7 = arith.constant 128 : i32
    %mul3A_8 = arith.constant 640 : i32
    %mul3A_9 = arith.muli %arg1, %mul3A_8 : i32
    %add3A_10 = arith.constant 0 : i32
    %add3A_11 = arith.addi %mul3A_9, %add3A_10 : i32
    "tpu.region"() ({
      %run_scoped3A = tpu.sem_alloc : memref<!tpu.dma_semaphore, #tpu.memory_space<semaphore_mem>>
      %dma_start3A = arith.constant 0 : i32
      %dma_start3A_56 = tpu.memref_slice %arg7[%add3A_11, %dma_start3A] : memref<10240x16xf32, #tpu.memory_space<vmem_shared>> -> memref<128x16xf32, #tpu.memory_space<vmem_shared>>
      %dma_start3A_57 = arith.constant 0 : i32
      %dma_start3A_58 = tpu.memref_slice %arg7[%add3A_11, %dma_start3A_57] : memref<10240x16xf32, #tpu.memory_space<vmem_shared>> -> memref<128x16xf32, #tpu.memory_space<vmem_shared>>
      tpu.enqueue_dma source(%arg6 : memref<128x16xf32, #tpu.memory_space<vmem>>) target(%dma_start3A_58 : memref<128x16xf32, #tpu.memory_space<vmem_shared>>) target_semaphore(%run_scoped3A : memref<!tpu.dma_semaphore, #tpu.memory_space<semaphore_mem>>)
      %dma_wait3A = arith.constant 0 : i32
      %dma_wait3A_59 = tpu.memref_slice %arg7[%add3A_11, %dma_wait3A] : memref<10240x16xf32, #tpu.memory_space<vmem_shared>> -> memref<128x16xf32, #tpu.memory_space<vmem_shared>>
      %dma_wait3A_60 = arith.constant 0 : i32
      %dma_wait3A_61 = tpu.memref_slice %arg7[%add3A_11, %dma_wait3A_60] : memref<10240x16xf32, #tpu.memory_space<vmem_shared>> -> memref<128x16xf32, #tpu.memory_space<vmem_shared>>
      tpu.wait_dma2 semaphore(%run_scoped3A : memref<!tpu.dma_semaphore, #tpu.memory_space<semaphore_mem>>) src(%arg6 : memref<128x16xf32, #tpu.memory_space<vmem>>) dst(%dma_wait3A_61 : memref<128x16xf32, #tpu.memory_space<vmem_shared>>)
      tpu.yield
    }) : () -> ()
    %mul3A_12 = arith.constant 640 : i32
    %mul3A_13 = arith.muli %arg1, %mul3A_12 : i32
    %add3A_14 = arith.constant 128 : i32
    %add3A_15 = arith.addi %mul3A_13, %add3A_14 : i32
    "tpu.region"() ({
      %run_scoped3A = tpu.sem_alloc : memref<!tpu.dma_semaphore, #tpu.memory_space<semaphore_mem>>
      %dma_start3A = arith.constant 0 : i32
      %dma_start3A_56 = tpu.memref_slice %arg7[%add3A_15, %dma_start3A] : memref<10240x16xf32, #tpu.memory_space<vmem_shared>> -> memref<128x16xf32, #tpu.memory_space<vmem_shared>>
      %dma_start3A_57 = arith.constant 0 : i32
      %dma_start3A_58 = tpu.memref_slice %arg7[%add3A_15, %dma_start3A_57] : memref<10240x16xf32, #tpu.memory_space<vmem_shared>> -> memref<128x16xf32, #tpu.memory_space<vmem_shared>>
      tpu.enqueue_dma source(%arg6 : memref<128x16xf32, #tpu.memory_space<vmem>>) target(%dma_start3A_58 : memref<128x16xf32, #tpu.memory_space<vmem_shared>>) target_semaphore(%run_scoped3A : memref<!tpu.dma_semaphore, #tpu.memory_space<semaphore_mem>>)
      %dma_wait3A = arith.constant 0 : i32
      %dma_wait3A_59 = tpu.memref_slice %arg7[%add3A_15, %dma_wait3A] : memref<10240x16xf32, #tpu.memory_space<vmem_shared>> -> memref<128x16xf32, #tpu.memory_space<vmem_shared>>
      %dma_wait3A_60 = arith.constant 0 : i32
      %dma_wait3A_61 = tpu.memref_slice %arg7[%add3A_15, %dma_wait3A_60] : memref<10240x16xf32, #tpu.memory_space<vmem_shared>> -> memref<128x16xf32, #tpu.memory_space<vmem_shared>>
      tpu.wait_dma2 semaphore(%run_scoped3A : memref<!tpu.dma_semaphore, #tpu.memory_space<semaphore_mem>>) src(%arg6 : memref<128x16xf32, #tpu.memory_space<vmem>>) dst(%dma_wait3A_61 : memref<128x16xf32, #tpu.memory_space<vmem_shared>>)
      tpu.yield
    }) : () -> ()
    %mul3A_16 = arith.constant 640 : i32
    %mul3A_17 = arith.muli %arg1, %mul3A_16 : i32
    %add3A_18 = arith.constant 256 : i32
    %add3A_19 = arith.addi %mul3A_17, %add3A_18 : i32
    "tpu.region"() ({
      %run_scoped3A = tpu.sem_alloc : memref<!tpu.dma_semaphore, #tpu.memory_space<semaphore_mem>>
      %dma_start3A = arith.constant 0 : i32
      %dma_start3A_56 = tpu.memref_slice %arg7[%add3A_19, %dma_start3A] : memref<10240x16xf32, #tpu.memory_space<vmem_shared>> -> memref<128x16xf32, #tpu.memory_space<vmem_shared>>
      %dma_start3A_57 = arith.constant 0 : i32
      %dma_start3A_58 = tpu.memref_slice %arg7[%add3A_19, %dma_start3A_57] : memref<10240x16xf32, #tpu.memory_space<vmem_shared>> -> memref<128x16xf32, #tpu.memory_space<vmem_shared>>
      tpu.enqueue_dma source(%arg6 : memref<128x16xf32, #tpu.memory_space<vmem>>) target(%dma_start3A_58 : memref<128x16xf32, #tpu.memory_space<vmem_shared>>) target_semaphore(%run_scoped3A : memref<!tpu.dma_semaphore, #tpu.memory_space<semaphore_mem>>)
      %dma_wait3A = arith.constant 0 : i32
      %dma_wait3A_59 = tpu.memref_slice %arg7[%add3A_19, %dma_wait3A] : memref<10240x16xf32, #tpu.memory_space<vmem_shared>> -> memref<128x16xf32, #tpu.memory_space<vmem_shared>>
      %dma_wait3A_60 = arith.constant 0 : i32
      %dma_wait3A_61 = tpu.memref_slice %arg7[%add3A_19, %dma_wait3A_60] : memref<10240x16xf32, #tpu.memory_space<vmem_shared>> -> memref<128x16xf32, #tpu.memory_space<vmem_shared>>
      tpu.wait_dma2 semaphore(%run_scoped3A : memref<!tpu.dma_semaphore, #tpu.memory_space<semaphore_mem>>) src(%arg6 : memref<128x16xf32, #tpu.memory_space<vmem>>) dst(%dma_wait3A_61 : memref<128x16xf32, #tpu.memory_space<vmem_shared>>)
      tpu.yield
    }) : () -> ()
    %mul3A_20 = arith.constant 640 : i32
    %mul3A_21 = arith.muli %arg1, %mul3A_20 : i32
    %add3A_22 = arith.constant 384 : i32
    %add3A_23 = arith.addi %mul3A_21, %add3A_22 : i32
    "tpu.region"() ({
      %run_scoped3A = tpu.sem_alloc : memref<!tpu.dma_semaphore, #tpu.memory_space<semaphore_mem>>
      %dma_start3A = arith.constant 0 : i32
      %dma_start3A_56 = tpu.memref_slice %arg7[%add3A_23, %dma_start3A] : memref<10240x16xf32, #tpu.memory_space<vmem_shared>> -> memref<128x16xf32, #tpu.memory_space<vmem_shared>>
      %dma_start3A_57 = arith.constant 0 : i32
      %dma_start3A_58 = tpu.memref_slice %arg7[%add3A_23, %dma_start3A_57] : memref<10240x16xf32, #tpu.memory_space<vmem_shared>> -> memref<128x16xf32, #tpu.memory_space<vmem_shared>>
      tpu.enqueue_dma source(%arg6 : memref<128x16xf32, #tpu.memory_space<vmem>>) target(%dma_start3A_58 : memref<128x16xf32, #tpu.memory_space<vmem_shared>>) target_semaphore(%run_scoped3A : memref<!tpu.dma_semaphore, #tpu.memory_space<semaphore_mem>>)
      %dma_wait3A = arith.constant 0 : i32
      %dma_wait3A_59 = tpu.memref_slice %arg7[%add3A_23, %dma_wait3A] : memref<10240x16xf32, #tpu.memory_space<vmem_shared>> -> memref<128x16xf32, #tpu.memory_space<vmem_shared>>
      %dma_wait3A_60 = arith.constant 0 : i32
      %dma_wait3A_61 = tpu.memref_slice %arg7[%add3A_23, %dma_wait3A_60] : memref<10240x16xf32, #tpu.memory_space<vmem_shared>> -> memref<128x16xf32, #tpu.memory_space<vmem_shared>>
      tpu.wait_dma2 semaphore(%run_scoped3A : memref<!tpu.dma_semaphore, #tpu.memory_space<semaphore_mem>>) src(%arg6 : memref<128x16xf32, #tpu.memory_space<vmem>>) dst(%dma_wait3A_61 : memref<128x16xf32, #tpu.memory_space<vmem_shared>>)
      tpu.yield
    }) : () -> ()
    %mul3A_24 = arith.constant 640 : i32
    %mul3A_25 = arith.muli %arg1, %mul3A_24 : i32
    %add3A_26 = arith.constant 512 : i32
    %add3A_27 = arith.addi %mul3A_25, %add3A_26 : i32
    "tpu.region"() ({
      %run_scoped3A = tpu.sem_alloc : memref<!tpu.dma_semaphore, #tpu.memory_space<semaphore_mem>>
      %dma_start3A = arith.constant 0 : i32
      %dma_start3A_56 = tpu.memref_slice %arg7[%add3A_27, %dma_start3A] : memref<10240x16xf32, #tpu.memory_space<vmem_shared>> -> memref<128x16xf32, #tpu.memory_space<vmem_shared>>
      %dma_start3A_57 = arith.constant 0 : i32
      %dma_start3A_58 = tpu.memref_slice %arg7[%add3A_27, %dma_start3A_57] : memref<10240x16xf32, #tpu.memory_space<vmem_shared>> -> memref<128x16xf32, #tpu.memory_space<vmem_shared>>
      tpu.enqueue_dma source(%arg6 : memref<128x16xf32, #tpu.memory_space<vmem>>) target(%dma_start3A_58 : memref<128x16xf32, #tpu.memory_space<vmem_shared>>) target_semaphore(%run_scoped3A : memref<!tpu.dma_semaphore, #tpu.memory_space<semaphore_mem>>)
      %dma_wait3A = arith.constant 0 : i32
      %dma_wait3A_59 = tpu.memref_slice %arg7[%add3A_27, %dma_wait3A] : memref<10240x16xf32, #tpu.memory_space<vmem_shared>> -> memref<128x16xf32, #tpu.memory_space<vmem_shared>>
      %dma_wait3A_60 = arith.constant 0 : i32
      %dma_wait3A_61 = tpu.memref_slice %arg7[%add3A_27, %dma_wait3A_60] : memref<10240x16xf32, #tpu.memory_space<vmem_shared>> -> memref<128x16xf32, #tpu.memory_space<vmem_shared>>
      tpu.wait_dma2 semaphore(%run_scoped3A : memref<!tpu.dma_semaphore, #tpu.memory_space<semaphore_mem>>) src(%arg6 : memref<128x16xf32, #tpu.memory_space<vmem>>) dst(%dma_wait3A_61 : memref<128x16xf32, #tpu.memory_space<vmem_shared>>)
      tpu.yield
    }) : () -> ()
    %barrier3A = arith.constant 0 : index
    tpu.barrier barrier_id(%barrier3A)
    "tpu.region"() ({
      %run_scoped3A = tpu.sem_alloc : memref<!tpu.dma_semaphore, #tpu.memory_space<semaphore_mem>>
      %dma_start3A = arith.constant 0 : i32
      %dma_start3A_56 = arith.constant 0 : i32
      %dma_start3A_57 = tpu.memref_slice %arg2[%add3A, %dma_start3A, %dma_start3A_56] : memref<32x80x128xi32, #tpu.memory_space<hbm>> -> memref<1x80x128xi32, #tpu.memory_space<hbm>>
      %dma_start3A_58 = tpu.memref_squeeze %dma_start3A_57 : memref<1x80x128xi32, #tpu.memory_space<hbm>> -> memref<80x128xi32, #tpu.memory_space<hbm>>
      %dma_start3A_59 = arith.constant 0 : i32
      %dma_start3A_60 = arith.constant 0 : i32
      %dma_start3A_61 = tpu.memref_slice %arg2[%add3A, %dma_start3A_59, %dma_start3A_60] : memref<32x80x128xi32, #tpu.memory_space<hbm>> -> memref<1x80x128xi32, #tpu.memory_space<hbm>>
      %dma_start3A_62 = tpu.memref_squeeze %dma_start3A_61 : memref<1x80x128xi32, #tpu.memory_space<hbm>> -> memref<80x128xi32, #tpu.memory_space<hbm>>
      tpu.enqueue_dma source(%dma_start3A_62 : memref<80x128xi32, #tpu.memory_space<hbm>>) target(%arg5 : memref<80x128xi32, #tpu.memory_space<vmem>>) target_semaphore(%run_scoped3A : memref<!tpu.dma_semaphore, #tpu.memory_space<semaphore_mem>>)
      %dma_wait3A = arith.constant 0 : i32
      %dma_wait3A_63 = arith.constant 0 : i32
      %dma_wait3A_64 = tpu.memref_slice %arg2[%add3A, %dma_wait3A, %dma_wait3A_63] : memref<32x80x128xi32, #tpu.memory_space<hbm>> -> memref<1x80x128xi32, #tpu.memory_space<hbm>>
      %dma_wait3A_65 = tpu.memref_squeeze %dma_wait3A_64 : memref<1x80x128xi32, #tpu.memory_space<hbm>> -> memref<80x128xi32, #tpu.memory_space<hbm>>
      %dma_wait3A_66 = arith.constant 0 : i32
      %dma_wait3A_67 = arith.constant 0 : i32
      %dma_wait3A_68 = tpu.memref_slice %arg2[%add3A, %dma_wait3A_66, %dma_wait3A_67] : memref<32x80x128xi32, #tpu.memory_space<hbm>> -> memref<1x80x128xi32, #tpu.memory_space<hbm>>
      %dma_wait3A_69 = tpu.memref_squeeze %dma_wait3A_68 : memref<1x80x128xi32, #tpu.memory_space<hbm>> -> memref<80x128xi32, #tpu.memory_space<hbm>>
      tpu.wait_dma2 semaphore(%run_scoped3A : memref<!tpu.dma_semaphore, #tpu.memory_space<semaphore_mem>>) src(%dma_wait3A_69 : memref<80x128xi32, #tpu.memory_space<hbm>>) dst(%arg5 : memref<80x128xi32, #tpu.memory_space<vmem>>)
      tpu.yield
    }) : () -> ()
    %scan3A_28 = arith.constant 0 : i32
    %scan3A_29 = arith.constant 0 : i32
    %scan3A_30 = arith.constant 80 : i32
    %scan3A_31 = arith.addi %scan3A_29, %scan3A_30 : i32
    %scan3A_32 = arith.constant 1 : i32
    %scan3A_33 = scf.for %scan3A_56 = %scan3A_29 to %scan3A_31 step %scan3A_32 iter_args(%scan3A_57 = %scan3A_28) -> (i32)  : i32 {
      "tpu.region"() ({
        %run_scoped3A = tpu.sem_alloc : memref<!tpu.dma_semaphore, #tpu.memory_space<semaphore_mem>>
        %dma_start3A = arith.constant 0 : i32
        %dma_start3A_59 = tpu.memref_slice %arg5[%scan3A_56, %dma_start3A] : memref<80x128xi32, #tpu.memory_space<vmem>> -> memref<1x128xi32, #tpu.memory_space<vmem>>
        %dma_start3A_60 = tpu.memref_squeeze %dma_start3A_59 : memref<1x128xi32, #tpu.memory_space<vmem>> -> memref<128xi32, #tpu.memory_space<vmem>>
        %dma_start3A_61 = arith.constant 0 : i32
        %dma_start3A_62 = arith.constant 0 : i32
        %dma_start3A_63 = tpu.memref_slice %arg7[%dma_start3A_61, %dma_start3A_62] : memref<10240x16xf32, #tpu.memory_space<vmem_shared>> -> memref<10240x16xf32, #tpu.memory_space<vmem_shared>>
        tpu.enqueue_indirect_dma source(%arg4 : memref<128x16xf32, #tpu.memory_space<vmem>>) target(%dma_start3A_63 : memref<10240x16xf32, #tpu.memory_space<vmem_shared>>) offsets(%dma_start3A_60 : memref<128xi32, #tpu.memory_space<vmem>>) semaphore(%run_scoped3A : memref<!tpu.dma_semaphore, #tpu.memory_space<semaphore_mem>>) {add = true}
        %dma_wait3A = arith.constant 0 : i32
        %dma_wait3A_64 = tpu.memref_slice %arg5[%scan3A_56, %dma_wait3A] : memref<80x128xi32, #tpu.memory_space<vmem>> -> memref<1x128xi32, #tpu.memory_space<vmem>>
        %dma_wait3A_65 = tpu.memref_squeeze %dma_wait3A_64 : memref<1x128xi32, #tpu.memory_space<vmem>> -> memref<128xi32, #tpu.memory_space<vmem>>
        %dma_wait3A_66 = arith.constant 0 : i32
        %dma_wait3A_67 = arith.constant 0 : i32
        %dma_wait3A_68 = tpu.memref_slice %arg7[%dma_wait3A_66, %dma_wait3A_67] : memref<10240x16xf32, #tpu.memory_space<vmem_shared>> -> memref<10240x16xf32, #tpu.memory_space<vmem_shared>>
        tpu.wait_indirect_dma semaphore(%run_scoped3A : memref<!tpu.dma_semaphore, #tpu.memory_space<semaphore_mem>>) src(%arg4 : memref<128x16xf32, #tpu.memory_space<vmem>>) dst(%dma_wait3A_68 : memref<10240x16xf32, #tpu.memory_space<vmem_shared>>)
        tpu.yield
      }) : () -> ()
      %scan3A_58 = arith.constant 0 : i32
      scf.yield %scan3A_58 : i32
    }
    %scan3A_34 = arith.constant 80 : i32
    %barrier3A_35 = arith.constant 0 : index
    tpu.barrier barrier_id(%barrier3A_35)
    %mul3A_36 = arith.constant 640 : i32
    %mul3A_37 = arith.muli %arg1, %mul3A_36 : i32
    %add3A_38 = arith.constant 0 : i32
    %add3A_39 = arith.addi %mul3A_37, %add3A_38 : i32
    "tpu.region"() ({
      %run_scoped3A = tpu.sem_alloc : memref<!tpu.dma_semaphore, #tpu.memory_space<semaphore_mem>>
      %dma_start3A = arith.constant 0 : i32
      %dma_start3A_56 = tpu.memref_slice %arg7[%add3A_39, %dma_start3A] : memref<10240x16xf32, #tpu.memory_space<vmem_shared>> -> memref<128x16xf32, #tpu.memory_space<vmem_shared>>
      %dma_start3A_57 = arith.constant 0 : i32
      %dma_start3A_58 = tpu.memref_slice %arg7[%add3A_39, %dma_start3A_57] : memref<10240x16xf32, #tpu.memory_space<vmem_shared>> -> memref<128x16xf32, #tpu.memory_space<vmem_shared>>
      tpu.enqueue_dma source(%dma_start3A_58 : memref<128x16xf32, #tpu.memory_space<vmem_shared>>) target(%arg6 : memref<128x16xf32, #tpu.memory_space<vmem>>) target_semaphore(%run_scoped3A : memref<!tpu.dma_semaphore, #tpu.memory_space<semaphore_mem>>)
      %dma_wait3A = arith.constant 0 : i32
      %dma_wait3A_59 = tpu.memref_slice %arg7[%add3A_39, %dma_wait3A] : memref<10240x16xf32, #tpu.memory_space<vmem_shared>> -> memref<128x16xf32, #tpu.memory_space<vmem_shared>>
      %dma_wait3A_60 = arith.constant 0 : i32
      %dma_wait3A_61 = tpu.memref_slice %arg7[%add3A_39, %dma_wait3A_60] : memref<10240x16xf32, #tpu.memory_space<vmem_shared>> -> memref<128x16xf32, #tpu.memory_space<vmem_shared>>
      tpu.wait_dma2 semaphore(%run_scoped3A : memref<!tpu.dma_semaphore, #tpu.memory_space<semaphore_mem>>) src(%dma_wait3A_61 : memref<128x16xf32, #tpu.memory_space<vmem_shared>>) dst(%arg6 : memref<128x16xf32, #tpu.memory_space<vmem>>)
      tpu.yield
    }) : () -> ()
    "tpu.region"() ({
      %run_scoped3A = tpu.sem_alloc : memref<!tpu.dma_semaphore, #tpu.memory_space<semaphore_mem>>
      %dma_start3A = arith.constant 0 : i32
      %dma_start3A_56 = tpu.memref_slice %arg3[%arg0, %add3A_39, %dma_start3A] : memref<2x10240x16xf32, #tpu.memory_space<hbm>> -> memref<1x128x16xf32, #tpu.memory_space<hbm>>
      %dma_start3A_57 = tpu.memref_squeeze %dma_start3A_56 : memref<1x128x16xf32, #tpu.memory_space<hbm>> -> memref<128x16xf32, #tpu.memory_space<hbm>>
      %dma_start3A_58 = arith.constant 0 : i32
      %dma_start3A_59 = tpu.memref_slice %arg3[%arg0, %add3A_39, %dma_start3A_58] : memref<2x10240x16xf32, #tpu.memory_space<hbm>> -> memref<1x128x16xf32, #tpu.memory_space<hbm>>
      %dma_start3A_60 = tpu.memref_squeeze %dma_start3A_59 : memref<1x128x16xf32, #tpu.memory_space<hbm>> -> memref<128x16xf32, #tpu.memory_space<hbm>>
      tpu.enqueue_dma source(%arg6 : memref<128x16xf32, #tpu.memory_space<vmem>>) target(%dma_start3A_60 : memref<128x16xf32, #tpu.memory_space<hbm>>) target_semaphore(%run_scoped3A : memref<!tpu.dma_semaphore, #tpu.memory_space<semaphore_mem>>)
      %dma_wait3A = arith.constant 0 : i32
      %dma_wait3A_61 = tpu.memref_slice %arg3[%arg0, %add3A_39, %dma_wait3A] : memref<2x10240x16xf32, #tpu.memory_space<hbm>> -> memref<1x128x16xf32, #tpu.memory_space<hbm>>
      %dma_wait3A_62 = tpu.memref_squeeze %dma_wait3A_61 : memref<1x128x16xf32, #tpu.memory_space<hbm>> -> memref<128x16xf32, #tpu.memory_space<hbm>>
      %dma_wait3A_63 = arith.constant 0 : i32
      %dma_wait3A_64 = tpu.memref_slice %arg3[%arg0, %add3A_39, %dma_wait3A_63] : memref<2x10240x16xf32, #tpu.memory_space<hbm>> -> memref<1x128x16xf32, #tpu.memory_space<hbm>>
      %dma_wait3A_65 = tpu.memref_squeeze %dma_wait3A_64 : memref<1x128x16xf32, #tpu.memory_space<hbm>> -> memref<128x16xf32, #tpu.memory_space<hbm>>
      tpu.wait_dma2 semaphore(%run_scoped3A : memref<!tpu.dma_semaphore, #tpu.memory_space<semaphore_mem>>) src(%arg6 : memref<128x16xf32, #tpu.memory_space<vmem>>) dst(%dma_wait3A_65 : memref<128x16xf32, #tpu.memory_space<hbm>>)
      tpu.yield
    }) : () -> ()
    %mul3A_40 = arith.constant 640 : i32
    %mul3A_41 = arith.muli %arg1, %mul3A_40 : i32
    %add3A_42 = arith.constant 128 : i32
    %add3A_43 = arith.addi %mul3A_41, %add3A_42 : i32
    "tpu.region"() ({
      %run_scoped3A = tpu.sem_alloc : memref<!tpu.dma_semaphore, #tpu.memory_space<semaphore_mem>>
      %dma_start3A = arith.constant 0 : i32
      %dma_start3A_56 = tpu.memref_slice %arg7[%add3A_43, %dma_start3A] : memref<10240x16xf32, #tpu.memory_space<vmem_shared>> -> memref<128x16xf32, #tpu.memory_space<vmem_shared>>
      %dma_start3A_57 = arith.constant 0 : i32
      %dma_start3A_58 = tpu.memref_slice %arg7[%add3A_43, %dma_start3A_57] : memref<10240x16xf32, #tpu.memory_space<vmem_shared>> -> memref<128x16xf32, #tpu.memory_space<vmem_shared>>
      tpu.enqueue_dma source(%dma_start3A_58 : memref<128x16xf32, #tpu.memory_space<vmem_shared>>) target(%arg6 : memref<128x16xf32, #tpu.memory_space<vmem>>) target_semaphore(%run_scoped3A : memref<!tpu.dma_semaphore, #tpu.memory_space<semaphore_mem>>)
      %dma_wait3A = arith.constant 0 : i32
      %dma_wait3A_59 = tpu.memref_slice %arg7[%add3A_43, %dma_wait3A] : memref<10240x16xf32, #tpu.memory_space<vmem_shared>> -> memref<128x16xf32, #tpu.memory_space<vmem_shared>>
      %dma_wait3A_60 = arith.constant 0 : i32
      %dma_wait3A_61 = tpu.memref_slice %arg7[%add3A_43, %dma_wait3A_60] : memref<10240x16xf32, #tpu.memory_space<vmem_shared>> -> memref<128x16xf32, #tpu.memory_space<vmem_shared>>
      tpu.wait_dma2 semaphore(%run_scoped3A : memref<!tpu.dma_semaphore, #tpu.memory_space<semaphore_mem>>) src(%dma_wait3A_61 : memref<128x16xf32, #tpu.memory_space<vmem_shared>>) dst(%arg6 : memref<128x16xf32, #tpu.memory_space<vmem>>)
      tpu.yield
    }) : () -> ()
    "tpu.region"() ({
      %run_scoped3A = tpu.sem_alloc : memref<!tpu.dma_semaphore, #tpu.memory_space<semaphore_mem>>
      %dma_start3A = arith.constant 0 : i32
      %dma_start3A_56 = tpu.memref_slice %arg3[%arg0, %add3A_43, %dma_start3A] : memref<2x10240x16xf32, #tpu.memory_space<hbm>> -> memref<1x128x16xf32, #tpu.memory_space<hbm>>
      %dma_start3A_57 = tpu.memref_squeeze %dma_start3A_56 : memref<1x128x16xf32, #tpu.memory_space<hbm>> -> memref<128x16xf32, #tpu.memory_space<hbm>>
      %dma_start3A_58 = arith.constant 0 : i32
      %dma_start3A_59 = tpu.memref_slice %arg3[%arg0, %add3A_43, %dma_start3A_58] : memref<2x10240x16xf32, #tpu.memory_space<hbm>> -> memref<1x128x16xf32, #tpu.memory_space<hbm>>
      %dma_start3A_60 = tpu.memref_squeeze %dma_start3A_59 : memref<1x128x16xf32, #tpu.memory_space<hbm>> -> memref<128x16xf32, #tpu.memory_space<hbm>>
      tpu.enqueue_dma source(%arg6 : memref<128x16xf32, #tpu.memory_space<vmem>>) target(%dma_start3A_60 : memref<128x16xf32, #tpu.memory_space<hbm>>) target_semaphore(%run_scoped3A : memref<!tpu.dma_semaphore, #tpu.memory_space<semaphore_mem>>)
      %dma_wait3A = arith.constant 0 : i32
      %dma_wait3A_61 = tpu.memref_slice %arg3[%arg0, %add3A_43, %dma_wait3A] : memref<2x10240x16xf32, #tpu.memory_space<hbm>> -> memref<1x128x16xf32, #tpu.memory_space<hbm>>
      %dma_wait3A_62 = tpu.memref_squeeze %dma_wait3A_61 : memref<1x128x16xf32, #tpu.memory_space<hbm>> -> memref<128x16xf32, #tpu.memory_space<hbm>>
      %dma_wait3A_63 = arith.constant 0 : i32
      %dma_wait3A_64 = tpu.memref_slice %arg3[%arg0, %add3A_43, %dma_wait3A_63] : memref<2x10240x16xf32, #tpu.memory_space<hbm>> -> memref<1x128x16xf32, #tpu.memory_space<hbm>>
      %dma_wait3A_65 = tpu.memref_squeeze %dma_wait3A_64 : memref<1x128x16xf32, #tpu.memory_space<hbm>> -> memref<128x16xf32, #tpu.memory_space<hbm>>
      tpu.wait_dma2 semaphore(%run_scoped3A : memref<!tpu.dma_semaphore, #tpu.memory_space<semaphore_mem>>) src(%arg6 : memref<128x16xf32, #tpu.memory_space<vmem>>) dst(%dma_wait3A_65 : memref<128x16xf32, #tpu.memory_space<hbm>>)
      tpu.yield
    }) : () -> ()
    %mul3A_44 = arith.constant 640 : i32
    %mul3A_45 = arith.muli %arg1, %mul3A_44 : i32
    %add3A_46 = arith.constant 256 : i32
    %add3A_47 = arith.addi %mul3A_45, %add3A_46 : i32
    "tpu.region"() ({
      %run_scoped3A = tpu.sem_alloc : memref<!tpu.dma_semaphore, #tpu.memory_space<semaphore_mem>>
      %dma_start3A = arith.constant 0 : i32
      %dma_start3A_56 = tpu.memref_slice %arg7[%add3A_47, %dma_start3A] : memref<10240x16xf32, #tpu.memory_space<vmem_shared>> -> memref<128x16xf32, #tpu.memory_space<vmem_shared>>
      %dma_start3A_57 = arith.constant 0 : i32
      %dma_start3A_58 = tpu.memref_slice %arg7[%add3A_47, %dma_start3A_57] : memref<10240x16xf32, #tpu.memory_space<vmem_shared>> -> memref<128x16xf32, #tpu.memory_space<vmem_shared>>
      tpu.enqueue_dma source(%dma_start3A_58 : memref<128x16xf32, #tpu.memory_space<vmem_shared>>) target(%arg6 : memref<128x16xf32, #tpu.memory_space<vmem>>) target_semaphore(%run_scoped3A : memref<!tpu.dma_semaphore, #tpu.memory_space<semaphore_mem>>)
      %dma_wait3A = arith.constant 0 : i32
      %dma_wait3A_59 = tpu.memref_slice %arg7[%add3A_47, %dma_wait3A] : memref<10240x16xf32, #tpu.memory_space<vmem_shared>> -> memref<128x16xf32, #tpu.memory_space<vmem_shared>>
      %dma_wait3A_60 = arith.constant 0 : i32
      %dma_wait3A_61 = tpu.memref_slice %arg7[%add3A_47, %dma_wait3A_60] : memref<10240x16xf32, #tpu.memory_space<vmem_shared>> -> memref<128x16xf32, #tpu.memory_space<vmem_shared>>
      tpu.wait_dma2 semaphore(%run_scoped3A : memref<!tpu.dma_semaphore, #tpu.memory_space<semaphore_mem>>) src(%dma_wait3A_61 : memref<128x16xf32, #tpu.memory_space<vmem_shared>>) dst(%arg6 : memref<128x16xf32, #tpu.memory_space<vmem>>)
      tpu.yield
    }) : () -> ()
    "tpu.region"() ({
      %run_scoped3A = tpu.sem_alloc : memref<!tpu.dma_semaphore, #tpu.memory_space<semaphore_mem>>
      %dma_start3A = arith.constant 0 : i32
      %dma_start3A_56 = tpu.memref_slice %arg3[%arg0, %add3A_47, %dma_start3A] : memref<2x10240x16xf32, #tpu.memory_space<hbm>> -> memref<1x128x16xf32, #tpu.memory_space<hbm>>
      %dma_start3A_57 = tpu.memref_squeeze %dma_start3A_56 : memref<1x128x16xf32, #tpu.memory_space<hbm>> -> memref<128x16xf32, #tpu.memory_space<hbm>>
      %dma_start3A_58 = arith.constant 0 : i32
      %dma_start3A_59 = tpu.memref_slice %arg3[%arg0, %add3A_47, %dma_start3A_58] : memref<2x10240x16xf32, #tpu.memory_space<hbm>> -> memref<1x128x16xf32, #tpu.memory_space<hbm>>
      %dma_start3A_60 = tpu.memref_squeeze %dma_start3A_59 : memref<1x128x16xf32, #tpu.memory_space<hbm>> -> memref<128x16xf32, #tpu.memory_space<hbm>>
      tpu.enqueue_dma source(%arg6 : memref<128x16xf32, #tpu.memory_space<vmem>>) target(%dma_start3A_60 : memref<128x16xf32, #tpu.memory_space<hbm>>) target_semaphore(%run_scoped3A : memref<!tpu.dma_semaphore, #tpu.memory_space<semaphore_mem>>)
      %dma_wait3A = arith.constant 0 : i32
      %dma_wait3A_61 = tpu.memref_slice %arg3[%arg0, %add3A_47, %dma_wait3A] : memref<2x10240x16xf32, #tpu.memory_space<hbm>> -> memref<1x128x16xf32, #tpu.memory_space<hbm>>
      %dma_wait3A_62 = tpu.memref_squeeze %dma_wait3A_61 : memref<1x128x16xf32, #tpu.memory_space<hbm>> -> memref<128x16xf32, #tpu.memory_space<hbm>>
      %dma_wait3A_63 = arith.constant 0 : i32
      %dma_wait3A_64 = tpu.memref_slice %arg3[%arg0, %add3A_47, %dma_wait3A_63] : memref<2x10240x16xf32, #tpu.memory_space<hbm>> -> memref<1x128x16xf32, #tpu.memory_space<hbm>>
      %dma_wait3A_65 = tpu.memref_squeeze %dma_wait3A_64 : memref<1x128x16xf32, #tpu.memory_space<hbm>> -> memref<128x16xf32, #tpu.memory_space<hbm>>
      tpu.wait_dma2 semaphore(%run_scoped3A : memref<!tpu.dma_semaphore, #tpu.memory_space<semaphore_mem>>) src(%arg6 : memref<128x16xf32, #tpu.memory_space<vmem>>) dst(%dma_wait3A_65 : memref<128x16xf32, #tpu.memory_space<hbm>>)
      tpu.yield
    }) : () -> ()
    %mul3A_48 = arith.constant 640 : i32
    %mul3A_49 = arith.muli %arg1, %mul3A_48 : i32
    %add3A_50 = arith.constant 384 : i32
    %add3A_51 = arith.addi %mul3A_49, %add3A_50 : i32
    "tpu.region"() ({
      %run_scoped3A = tpu.sem_alloc : memref<!tpu.dma_semaphore, #tpu.memory_space<semaphore_mem>>
      %dma_start3A = arith.constant 0 : i32
      %dma_start3A_56 = tpu.memref_slice %arg7[%add3A_51, %dma_start3A] : memref<10240x16xf32, #tpu.memory_space<vmem_shared>> -> memref<128x16xf32, #tpu.memory_space<vmem_shared>>
      %dma_start3A_57 = arith.constant 0 : i32
      %dma_start3A_58 = tpu.memref_slice %arg7[%add3A_51, %dma_start3A_57] : memref<10240x16xf32, #tpu.memory_space<vmem_shared>> -> memref<128x16xf32, #tpu.memory_space<vmem_shared>>
      tpu.enqueue_dma source(%dma_start3A_58 : memref<128x16xf32, #tpu.memory_space<vmem_shared>>) target(%arg6 : memref<128x16xf32, #tpu.memory_space<vmem>>) target_semaphore(%run_scoped3A : memref<!tpu.dma_semaphore, #tpu.memory_space<semaphore_mem>>)
      %dma_wait3A = arith.constant 0 : i32
      %dma_wait3A_59 = tpu.memref_slice %arg7[%add3A_51, %dma_wait3A] : memref<10240x16xf32, #tpu.memory_space<vmem_shared>> -> memref<128x16xf32, #tpu.memory_space<vmem_shared>>
      %dma_wait3A_60 = arith.constant 0 : i32
      %dma_wait3A_61 = tpu.memref_slice %arg7[%add3A_51, %dma_wait3A_60] : memref<10240x16xf32, #tpu.memory_space<vmem_shared>> -> memref<128x16xf32, #tpu.memory_space<vmem_shared>>
      tpu.wait_dma2 semaphore(%run_scoped3A : memref<!tpu.dma_semaphore, #tpu.memory_space<semaphore_mem>>) src(%dma_wait3A_61 : memref<128x16xf32, #tpu.memory_space<vmem_shared>>) dst(%arg6 : memref<128x16xf32, #tpu.memory_space<vmem>>)
      tpu.yield
    }) : () -> ()
    "tpu.region"() ({
      %run_scoped3A = tpu.sem_alloc : memref<!tpu.dma_semaphore, #tpu.memory_space<semaphore_mem>>
      %dma_start3A = arith.constant 0 : i32
      %dma_start3A_56 = tpu.memref_slice %arg3[%arg0, %add3A_51, %dma_start3A] : memref<2x10240x16xf32, #tpu.memory_space<hbm>> -> memref<1x128x16xf32, #tpu.memory_space<hbm>>
      %dma_start3A_57 = tpu.memref_squeeze %dma_start3A_56 : memref<1x128x16xf32, #tpu.memory_space<hbm>> -> memref<128x16xf32, #tpu.memory_space<hbm>>
      %dma_start3A_58 = arith.constant 0 : i32
      %dma_start3A_59 = tpu.memref_slice %arg3[%arg0, %add3A_51, %dma_start3A_58] : memref<2x10240x16xf32, #tpu.memory_space<hbm>> -> memref<1x128x16xf32, #tpu.memory_space<hbm>>
      %dma_start3A_60 = tpu.memref_squeeze %dma_start3A_59 : memref<1x128x16xf32, #tpu.memory_space<hbm>> -> memref<128x16xf32, #tpu.memory_space<hbm>>
      tpu.enqueue_dma source(%arg6 : memref<128x16xf32, #tpu.memory_space<vmem>>) target(%dma_start3A_60 : memref<128x16xf32, #tpu.memory_space<hbm>>) target_semaphore(%run_scoped3A : memref<!tpu.dma_semaphore, #tpu.memory_space<semaphore_mem>>)
      %dma_wait3A = arith.constant 0 : i32
      %dma_wait3A_61 = tpu.memref_slice %arg3[%arg0, %add3A_51, %dma_wait3A] : memref<2x10240x16xf32, #tpu.memory_space<hbm>> -> memref<1x128x16xf32, #tpu.memory_space<hbm>>
      %dma_wait3A_62 = tpu.memref_squeeze %dma_wait3A_61 : memref<1x128x16xf32, #tpu.memory_space<hbm>> -> memref<128x16xf32, #tpu.memory_space<hbm>>
      %dma_wait3A_63 = arith.constant 0 : i32
      %dma_wait3A_64 = tpu.memref_slice %arg3[%arg0, %add3A_51, %dma_wait3A_63] : memref<2x10240x16xf32, #tpu.memory_space<hbm>> -> memref<1x128x16xf32, #tpu.memory_space<hbm>>
      %dma_wait3A_65 = tpu.memref_squeeze %dma_wait3A_64 : memref<1x128x16xf32, #tpu.memory_space<hbm>> -> memref<128x16xf32, #tpu.memory_space<hbm>>
      tpu.wait_dma2 semaphore(%run_scoped3A : memref<!tpu.dma_semaphore, #tpu.memory_space<semaphore_mem>>) src(%arg6 : memref<128x16xf32, #tpu.memory_space<vmem>>) dst(%dma_wait3A_65 : memref<128x16xf32, #tpu.memory_space<hbm>>)
      tpu.yield
    }) : () -> ()
    %mul3A_52 = arith.constant 640 : i32
    %mul3A_53 = arith.muli %arg1, %mul3A_52 : i32
    %add3A_54 = arith.constant 512 : i32
    %add3A_55 = arith.addi %mul3A_53, %add3A_54 : i32
    "tpu.region"() ({
      %run_scoped3A = tpu.sem_alloc : memref<!tpu.dma_semaphore, #tpu.memory_space<semaphore_mem>>
      %dma_start3A = arith.constant 0 : i32
      %dma_start3A_56 = tpu.memref_slice %arg7[%add3A_55, %dma_start3A] : memref<10240x16xf32, #tpu.memory_space<vmem_shared>> -> memref<128x16xf32, #tpu.memory_space<vmem_shared>>
      %dma_start3A_57 = arith.constant 0 : i32
      %dma_start3A_58 = tpu.memref_slice %arg7[%add3A_55, %dma_start3A_57] : memref<10240x16xf32, #tpu.memory_space<vmem_shared>> -> memref<128x16xf32, #tpu.memory_space<vmem_shared>>
      tpu.enqueue_dma source(%dma_start3A_58 : memref<128x16xf32, #tpu.memory_space<vmem_shared>>) target(%arg6 : memref<128x16xf32, #tpu.memory_space<vmem>>) target_semaphore(%run_scoped3A : memref<!tpu.dma_semaphore, #tpu.memory_space<semaphore_mem>>)
      %dma_wait3A = arith.constant 0 : i32
      %dma_wait3A_59 = tpu.memref_slice %arg7[%add3A_55, %dma_wait3A] : memref<10240x16xf32, #tpu.memory_space<vmem_shared>> -> memref<128x16xf32, #tpu.memory_space<vmem_shared>>
      %dma_wait3A_60 = arith.constant 0 : i32
      %dma_wait3A_61 = tpu.memref_slice %arg7[%add3A_55, %dma_wait3A_60] : memref<10240x16xf32, #tpu.memory_space<vmem_shared>> -> memref<128x16xf32, #tpu.memory_space<vmem_shared>>
      tpu.wait_dma2 semaphore(%run_scoped3A : memref<!tpu.dma_semaphore, #tpu.memory_space<semaphore_mem>>) src(%dma_wait3A_61 : memref<128x16xf32, #tpu.memory_space<vmem_shared>>) dst(%arg6 : memref<128x16xf32, #tpu.memory_space<vmem>>)
      tpu.yield
    }) : () -> ()
    "tpu.region"() ({
      %run_scoped3A = tpu.sem_alloc : memref<!tpu.dma_semaphore, #tpu.memory_space<semaphore_mem>>
      %dma_start3A = arith.constant 0 : i32
      %dma_start3A_56 = tpu.memref_slice %arg3[%arg0, %add3A_55, %dma_start3A] : memref<2x10240x16xf32, #tpu.memory_space<hbm>> -> memref<1x128x16xf32, #tpu.memory_space<hbm>>
      %dma_start3A_57 = tpu.memref_squeeze %dma_start3A_56 : memref<1x128x16xf32, #tpu.memory_space<hbm>> -> memref<128x16xf32, #tpu.memory_space<hbm>>
      %dma_start3A_58 = arith.constant 0 : i32
      %dma_start3A_59 = tpu.memref_slice %arg3[%arg0, %add3A_55, %dma_start3A_58] : memref<2x10240x16xf32, #tpu.memory_space<hbm>> -> memref<1x128x16xf32, #tpu.memory_space<hbm>>
      %dma_start3A_60 = tpu.memref_squeeze %dma_start3A_59 : memref<1x128x16xf32, #tpu.memory_space<hbm>> -> memref<128x16xf32, #tpu.memory_space<hbm>>
      tpu.enqueue_dma source(%arg6 : memref<128x16xf32, #tpu.memory_space<vmem>>) target(%dma_start3A_60 : memref<128x16xf32, #tpu.memory_space<hbm>>) target_semaphore(%run_scoped3A : memref<!tpu.dma_semaphore, #tpu.memory_space<semaphore_mem>>)
      %dma_wait3A = arith.constant 0 : i32
      %dma_wait3A_61 = tpu.memref_slice %arg3[%arg0, %add3A_55, %dma_wait3A] : memref<2x10240x16xf32, #tpu.memory_space<hbm>> -> memref<1x128x16xf32, #tpu.memory_space<hbm>>
      %dma_wait3A_62 = tpu.memref_squeeze %dma_wait3A_61 : memref<1x128x16xf32, #tpu.memory_space<hbm>> -> memref<128x16xf32, #tpu.memory_space<hbm>>
      %dma_wait3A_63 = arith.constant 0 : i32
      %dma_wait3A_64 = tpu.memref_slice %arg3[%arg0, %add3A_55, %dma_wait3A_63] : memref<2x10240x16xf32, #tpu.memory_space<hbm>> -> memref<1x128x16xf32, #tpu.memory_space<hbm>>
      %dma_wait3A_65 = tpu.memref_squeeze %dma_wait3A_64 : memref<1x128x16xf32, #tpu.memory_space<hbm>> -> memref<128x16xf32, #tpu.memory_space<hbm>>
      tpu.wait_dma2 semaphore(%run_scoped3A : memref<!tpu.dma_semaphore, #tpu.memory_space<semaphore_mem>>) src(%arg6 : memref<128x16xf32, #tpu.memory_space<vmem>>) dst(%dma_wait3A_65 : memref<128x16xf32, #tpu.memory_space<hbm>>)
      tpu.yield
    }) : () -> ()
    return
  }
}

#map = affine_map<(d0, d1) -> (0, 0)>
#map1 = affine_map<(d0, d1) -> (0, 0, 0)>
module attributes {stable_mosaic.version = 14 : i64} {
  func.func @sc_conv_agg(%arg0: i32, %arg1: i32, %arg2: memref<10240x128xf32, #tpu.memory_space<hbm>>, %arg3: memref<32x80x128xi32, #tpu.memory_space<hbm>>, %arg4: memref<32x80x128xi32, #tpu.memory_space<hbm>>, %arg5: memref<2x10240x128xf32, #tpu.memory_space<hbm>>, %arg6: memref<40x128xi32, #tpu.memory_space<vmem>>, %arg7: memref<40x128xi32, #tpu.memory_space<vmem>>, %arg8: memref<128x128xf32, #tpu.memory_space<vmem>>, %arg9: memref<128x128xf32, #tpu.memory_space<vmem>>, %arg10: memref<!tpu.dma_semaphore, #tpu.memory_space<semaphore_mem>>, %arg11: memref<!tpu.dma_semaphore, #tpu.memory_space<semaphore_mem>>, %arg12: memref<10240x128xf32, #tpu.memory_space<vmem_shared>>) attributes {dimension_semantics = [#tpu.dimension_semantics<core_parallel>, #tpu.dimension_semantics<subcore_parallel>], iteration_bounds = array<i64: 2, 16>, scalar_prefetch = 0 : i64, scratch_operands = 7 : i64, tpu.core_type = #tpu.core_type<sc_vector_subcore>, window_params = [{transform_indices = #map}, {transform_indices = #map1}, {transform_indices = #map1}, {transform_indices = #map1}]} {
    %mul3A = arith.constant 16 : i32
    %mul3A_0 = arith.muli %arg0, %mul3A : i32
    %add3A = arith.addi %mul3A_0, %arg1 : i32
    %broadcast_in_dim3A = arith.constant 0.000000e+00 : f32
    %broadcast_in_dim3A_1 = vector.broadcast %broadcast_in_dim3A : f32 to vector<16xf32>
    %scan3A = arith.constant 0 : i32
    %scan3A_2 = arith.constant 0 : i32
    %scan3A_3 = arith.constant 128 : i32
    %scan3A_4 = arith.addi %scan3A_2, %scan3A_3 : i32
    %scan3A_5 = arith.constant 1 : i32
    %scan3A_6 = scf.for %scan3A_117 = %scan3A_2 to %scan3A_4 step %scan3A_5 iter_args(%scan3A_118 = %scan3A) -> (i32)  : i32 {
      %swap3A = arith.index_cast %scan3A_117 : i32 to index
      %swap3A_119 = arith.constant 0 : index
      %swap3A_120 = tpu.vector_load %arg8[%swap3A, %swap3A_119] {strides = array<i32>} : memref<128x128xf32, #tpu.memory_space<vmem>>, vector<1x16xf32>,
      %swap3A_121 = vector.shape_cast %swap3A_120 : vector<1x16xf32> to vector<16xf32>
      %swap3A_122 = vector.shape_cast %broadcast_in_dim3A_1 : vector<16xf32> to vector<1x16xf32>
      tpu.vector_store %arg8[%swap3A, %swap3A_119], %swap3A_122 {strides = array<i32>} : memref<128x128xf32, #tpu.memory_space<vmem>>, vector<1x16xf32>,
      %swap3A_123 = arith.index_cast %scan3A_117 : i32 to index
      %swap3A_124 = arith.constant 16 : index
      %swap3A_125 = tpu.vector_load %arg8[%swap3A_123, %swap3A_124] {strides = array<i32>} : memref<128x128xf32, #tpu.memory_space<vmem>>, vector<1x16xf32>,
      %swap3A_126 = vector.shape_cast %swap3A_125 : vector<1x16xf32> to vector<16xf32>
      %swap3A_127 = vector.shape_cast %broadcast_in_dim3A_1 : vector<16xf32> to vector<1x16xf32>
      tpu.vector_store %arg8[%swap3A_123, %swap3A_124], %swap3A_127 {strides = array<i32>} : memref<128x128xf32, #tpu.memory_space<vmem>>, vector<1x16xf32>,
      %swap3A_128 = arith.index_cast %scan3A_117 : i32 to index
      %swap3A_129 = arith.constant 32 : index
      %swap3A_130 = tpu.vector_load %arg8[%swap3A_128, %swap3A_129] {strides = array<i32>} : memref<128x128xf32, #tpu.memory_space<vmem>>, vector<1x16xf32>,
      %swap3A_131 = vector.shape_cast %swap3A_130 : vector<1x16xf32> to vector<16xf32>
      %swap3A_132 = vector.shape_cast %broadcast_in_dim3A_1 : vector<16xf32> to vector<1x16xf32>
      tpu.vector_store %arg8[%swap3A_128, %swap3A_129], %swap3A_132 {strides = array<i32>} : memref<128x128xf32, #tpu.memory_space<vmem>>, vector<1x16xf32>,
      %swap3A_133 = arith.index_cast %scan3A_117 : i32 to index
      %swap3A_134 = arith.constant 48 : index
      %swap3A_135 = tpu.vector_load %arg8[%swap3A_133, %swap3A_134] {strides = array<i32>} : memref<128x128xf32, #tpu.memory_space<vmem>>, vector<1x16xf32>,
      %swap3A_136 = vector.shape_cast %swap3A_135 : vector<1x16xf32> to vector<16xf32>
      %swap3A_137 = vector.shape_cast %broadcast_in_dim3A_1 : vector<16xf32> to vector<1x16xf32>
      tpu.vector_store %arg8[%swap3A_133, %swap3A_134], %swap3A_137 {strides = array<i32>} : memref<128x128xf32, #tpu.memory_space<vmem>>, vector<1x16xf32>,
      %swap3A_138 = arith.index_cast %scan3A_117 : i32 to index
      %swap3A_139 = arith.constant 64 : index
      %swap3A_140 = tpu.vector_load %arg8[%swap3A_138, %swap3A_139] {strides = array<i32>} : memref<128x128xf32, #tpu.memory_space<vmem>>, vector<1x16xf32>,
      %swap3A_141 = vector.shape_cast %swap3A_140 : vector<1x16xf32> to vector<16xf32>
      %swap3A_142 = vector.shape_cast %broadcast_in_dim3A_1 : vector<16xf32> to vector<1x16xf32>
      tpu.vector_store %arg8[%swap3A_138, %swap3A_139], %swap3A_142 {strides = array<i32>} : memref<128x128xf32, #tpu.memory_space<vmem>>, vector<1x16xf32>,
      %swap3A_143 = arith.index_cast %scan3A_117 : i32 to index
      %swap3A_144 = arith.constant 80 : index
      %swap3A_145 = tpu.vector_load %arg8[%swap3A_143, %swap3A_144] {strides = array<i32>} : memref<128x128xf32, #tpu.memory_space<vmem>>, vector<1x16xf32>,
      %swap3A_146 = vector.shape_cast %swap3A_145 : vector<1x16xf32> to vector<16xf32>
      %swap3A_147 = vector.shape_cast %broadcast_in_dim3A_1 : vector<16xf32> to vector<1x16xf32>
      tpu.vector_store %arg8[%swap3A_143, %swap3A_144], %swap3A_147 {strides = array<i32>} : memref<128x128xf32, #tpu.memory_space<vmem>>, vector<1x16xf32>,
      %swap3A_148 = arith.index_cast %scan3A_117 : i32 to index
      %swap3A_149 = arith.constant 96 : index
      %swap3A_150 = tpu.vector_load %arg8[%swap3A_148, %swap3A_149] {strides = array<i32>} : memref<128x128xf32, #tpu.memory_space<vmem>>, vector<1x16xf32>,
      %swap3A_151 = vector.shape_cast %swap3A_150 : vector<1x16xf32> to vector<16xf32>
      %swap3A_152 = vector.shape_cast %broadcast_in_dim3A_1 : vector<16xf32> to vector<1x16xf32>
      tpu.vector_store %arg8[%swap3A_148, %swap3A_149], %swap3A_152 {strides = array<i32>} : memref<128x128xf32, #tpu.memory_space<vmem>>, vector<1x16xf32>,
      %swap3A_153 = arith.index_cast %scan3A_117 : i32 to index
      %swap3A_154 = arith.constant 112 : index
      %swap3A_155 = tpu.vector_load %arg8[%swap3A_153, %swap3A_154] {strides = array<i32>} : memref<128x128xf32, #tpu.memory_space<vmem>>, vector<1x16xf32>,
      %swap3A_156 = vector.shape_cast %swap3A_155 : vector<1x16xf32> to vector<16xf32>
      %swap3A_157 = vector.shape_cast %broadcast_in_dim3A_1 : vector<16xf32> to vector<1x16xf32>
      tpu.vector_store %arg8[%swap3A_153, %swap3A_154], %swap3A_157 {strides = array<i32>} : memref<128x128xf32, #tpu.memory_space<vmem>>, vector<1x16xf32>,
      %scan3A_158 = arith.constant 0 : i32
      scf.yield %scan3A_158 : i32
    }
    %scan3A_7 = arith.constant 128 : i32
    %mul3A_8 = arith.constant 640 : i32
    %mul3A_9 = arith.muli %arg1, %mul3A_8 : i32
    %add3A_10 = arith.constant 0 : i32
    %add3A_11 = arith.addi %mul3A_9, %add3A_10 : i32
    "tpu.region"() ({
      %run_scoped3A = tpu.sem_alloc : memref<!tpu.dma_semaphore, #tpu.memory_space<semaphore_mem>>
      %dma_start3A_117 = arith.constant 0 : i32
      %dma_start3A_118 = tpu.memref_slice %arg12[%add3A_11, %dma_start3A_117] : memref<10240x128xf32, #tpu.memory_space<vmem_shared>> -> memref<128x128xf32, #tpu.memory_space<vmem_shared>>
      %dma_start3A_119 = arith.constant 0 : i32
      %dma_start3A_120 = tpu.memref_slice %arg12[%add3A_11, %dma_start3A_119] : memref<10240x128xf32, #tpu.memory_space<vmem_shared>> -> memref<128x128xf32, #tpu.memory_space<vmem_shared>>
      tpu.enqueue_dma source(%arg8 : memref<128x128xf32, #tpu.memory_space<vmem>>) target(%dma_start3A_120 : memref<128x128xf32, #tpu.memory_space<vmem_shared>>) target_semaphore(%run_scoped3A : memref<!tpu.dma_semaphore, #tpu.memory_space<semaphore_mem>>)
      %dma_wait3A_121 = arith.constant 0 : i32
      %dma_wait3A_122 = tpu.memref_slice %arg12[%add3A_11, %dma_wait3A_121] : memref<10240x128xf32, #tpu.memory_space<vmem_shared>> -> memref<128x128xf32, #tpu.memory_space<vmem_shared>>
      %dma_wait3A_123 = arith.constant 0 : i32
      %dma_wait3A_124 = tpu.memref_slice %arg12[%add3A_11, %dma_wait3A_123] : memref<10240x128xf32, #tpu.memory_space<vmem_shared>> -> memref<128x128xf32, #tpu.memory_space<vmem_shared>>
      tpu.wait_dma2 semaphore(%run_scoped3A : memref<!tpu.dma_semaphore, #tpu.memory_space<semaphore_mem>>) src(%arg8 : memref<128x128xf32, #tpu.memory_space<vmem>>) dst(%dma_wait3A_124 : memref<128x128xf32, #tpu.memory_space<vmem_shared>>)
      tpu.yield
    }) : () -> ()
    %mul3A_12 = arith.constant 640 : i32
    %mul3A_13 = arith.muli %arg1, %mul3A_12 : i32
    %add3A_14 = arith.constant 128 : i32
    %add3A_15 = arith.addi %mul3A_13, %add3A_14 : i32
    "tpu.region"() ({
      %run_scoped3A = tpu.sem_alloc : memref<!tpu.dma_semaphore, #tpu.memory_space<semaphore_mem>>
      %dma_start3A_117 = arith.constant 0 : i32
      %dma_start3A_118 = tpu.memref_slice %arg12[%add3A_15, %dma_start3A_117] : memref<10240x128xf32, #tpu.memory_space<vmem_shared>> -> memref<128x128xf32, #tpu.memory_space<vmem_shared>>
      %dma_start3A_119 = arith.constant 0 : i32
      %dma_start3A_120 = tpu.memref_slice %arg12[%add3A_15, %dma_start3A_119] : memref<10240x128xf32, #tpu.memory_space<vmem_shared>> -> memref<128x128xf32, #tpu.memory_space<vmem_shared>>
      tpu.enqueue_dma source(%arg8 : memref<128x128xf32, #tpu.memory_space<vmem>>) target(%dma_start3A_120 : memref<128x128xf32, #tpu.memory_space<vmem_shared>>) target_semaphore(%run_scoped3A : memref<!tpu.dma_semaphore, #tpu.memory_space<semaphore_mem>>)
      %dma_wait3A_121 = arith.constant 0 : i32
      %dma_wait3A_122 = tpu.memref_slice %arg12[%add3A_15, %dma_wait3A_121] : memref<10240x128xf32, #tpu.memory_space<vmem_shared>> -> memref<128x128xf32, #tpu.memory_space<vmem_shared>>
      %dma_wait3A_123 = arith.constant 0 : i32
      %dma_wait3A_124 = tpu.memref_slice %arg12[%add3A_15, %dma_wait3A_123] : memref<10240x128xf32, #tpu.memory_space<vmem_shared>> -> memref<128x128xf32, #tpu.memory_space<vmem_shared>>
      tpu.wait_dma2 semaphore(%run_scoped3A : memref<!tpu.dma_semaphore, #tpu.memory_space<semaphore_mem>>) src(%arg8 : memref<128x128xf32, #tpu.memory_space<vmem>>) dst(%dma_wait3A_124 : memref<128x128xf32, #tpu.memory_space<vmem_shared>>)
      tpu.yield
    }) : () -> ()
    %mul3A_16 = arith.constant 640 : i32
    %mul3A_17 = arith.muli %arg1, %mul3A_16 : i32
    %add3A_18 = arith.constant 256 : i32
    %add3A_19 = arith.addi %mul3A_17, %add3A_18 : i32
    "tpu.region"() ({
      %run_scoped3A = tpu.sem_alloc : memref<!tpu.dma_semaphore, #tpu.memory_space<semaphore_mem>>
      %dma_start3A_117 = arith.constant 0 : i32
      %dma_start3A_118 = tpu.memref_slice %arg12[%add3A_19, %dma_start3A_117] : memref<10240x128xf32, #tpu.memory_space<vmem_shared>> -> memref<128x128xf32, #tpu.memory_space<vmem_shared>>
      %dma_start3A_119 = arith.constant 0 : i32
      %dma_start3A_120 = tpu.memref_slice %arg12[%add3A_19, %dma_start3A_119] : memref<10240x128xf32, #tpu.memory_space<vmem_shared>> -> memref<128x128xf32, #tpu.memory_space<vmem_shared>>
      tpu.enqueue_dma source(%arg8 : memref<128x128xf32, #tpu.memory_space<vmem>>) target(%dma_start3A_120 : memref<128x128xf32, #tpu.memory_space<vmem_shared>>) target_semaphore(%run_scoped3A : memref<!tpu.dma_semaphore, #tpu.memory_space<semaphore_mem>>)
      %dma_wait3A_121 = arith.constant 0 : i32
      %dma_wait3A_122 = tpu.memref_slice %arg12[%add3A_19, %dma_wait3A_121] : memref<10240x128xf32, #tpu.memory_space<vmem_shared>> -> memref<128x128xf32, #tpu.memory_space<vmem_shared>>
      %dma_wait3A_123 = arith.constant 0 : i32
      %dma_wait3A_124 = tpu.memref_slice %arg12[%add3A_19, %dma_wait3A_123] : memref<10240x128xf32, #tpu.memory_space<vmem_shared>> -> memref<128x128xf32, #tpu.memory_space<vmem_shared>>
      tpu.wait_dma2 semaphore(%run_scoped3A : memref<!tpu.dma_semaphore, #tpu.memory_space<semaphore_mem>>) src(%arg8 : memref<128x128xf32, #tpu.memory_space<vmem>>) dst(%dma_wait3A_124 : memref<128x128xf32, #tpu.memory_space<vmem_shared>>)
      tpu.yield
    }) : () -> ()
    %mul3A_20 = arith.constant 640 : i32
    %mul3A_21 = arith.muli %arg1, %mul3A_20 : i32
    %add3A_22 = arith.constant 384 : i32
    %add3A_23 = arith.addi %mul3A_21, %add3A_22 : i32
    "tpu.region"() ({
      %run_scoped3A = tpu.sem_alloc : memref<!tpu.dma_semaphore, #tpu.memory_space<semaphore_mem>>
      %dma_start3A_117 = arith.constant 0 : i32
      %dma_start3A_118 = tpu.memref_slice %arg12[%add3A_23, %dma_start3A_117] : memref<10240x128xf32, #tpu.memory_space<vmem_shared>> -> memref<128x128xf32, #tpu.memory_space<vmem_shared>>
      %dma_start3A_119 = arith.constant 0 : i32
      %dma_start3A_120 = tpu.memref_slice %arg12[%add3A_23, %dma_start3A_119] : memref<10240x128xf32, #tpu.memory_space<vmem_shared>> -> memref<128x128xf32, #tpu.memory_space<vmem_shared>>
      tpu.enqueue_dma source(%arg8 : memref<128x128xf32, #tpu.memory_space<vmem>>) target(%dma_start3A_120 : memref<128x128xf32, #tpu.memory_space<vmem_shared>>) target_semaphore(%run_scoped3A : memref<!tpu.dma_semaphore, #tpu.memory_space<semaphore_mem>>)
      %dma_wait3A_121 = arith.constant 0 : i32
      %dma_wait3A_122 = tpu.memref_slice %arg12[%add3A_23, %dma_wait3A_121] : memref<10240x128xf32, #tpu.memory_space<vmem_shared>> -> memref<128x128xf32, #tpu.memory_space<vmem_shared>>
      %dma_wait3A_123 = arith.constant 0 : i32
      %dma_wait3A_124 = tpu.memref_slice %arg12[%add3A_23, %dma_wait3A_123] : memref<10240x128xf32, #tpu.memory_space<vmem_shared>> -> memref<128x128xf32, #tpu.memory_space<vmem_shared>>
      tpu.wait_dma2 semaphore(%run_scoped3A : memref<!tpu.dma_semaphore, #tpu.memory_space<semaphore_mem>>) src(%arg8 : memref<128x128xf32, #tpu.memory_space<vmem>>) dst(%dma_wait3A_124 : memref<128x128xf32, #tpu.memory_space<vmem_shared>>)
      tpu.yield
    }) : () -> ()
    %mul3A_24 = arith.constant 640 : i32
    %mul3A_25 = arith.muli %arg1, %mul3A_24 : i32
    %add3A_26 = arith.constant 512 : i32
    %add3A_27 = arith.addi %mul3A_25, %add3A_26 : i32
    "tpu.region"() ({
      %run_scoped3A = tpu.sem_alloc : memref<!tpu.dma_semaphore, #tpu.memory_space<semaphore_mem>>
      %dma_start3A_117 = arith.constant 0 : i32
      %dma_start3A_118 = tpu.memref_slice %arg12[%add3A_27, %dma_start3A_117] : memref<10240x128xf32, #tpu.memory_space<vmem_shared>> -> memref<128x128xf32, #tpu.memory_space<vmem_shared>>
      %dma_start3A_119 = arith.constant 0 : i32
      %dma_start3A_120 = tpu.memref_slice %arg12[%add3A_27, %dma_start3A_119] : memref<10240x128xf32, #tpu.memory_space<vmem_shared>> -> memref<128x128xf32, #tpu.memory_space<vmem_shared>>
      tpu.enqueue_dma source(%arg8 : memref<128x128xf32, #tpu.memory_space<vmem>>) target(%dma_start3A_120 : memref<128x128xf32, #tpu.memory_space<vmem_shared>>) target_semaphore(%run_scoped3A : memref<!tpu.dma_semaphore, #tpu.memory_space<semaphore_mem>>)
      %dma_wait3A_121 = arith.constant 0 : i32
      %dma_wait3A_122 = tpu.memref_slice %arg12[%add3A_27, %dma_wait3A_121] : memref<10240x128xf32, #tpu.memory_space<vmem_shared>> -> memref<128x128xf32, #tpu.memory_space<vmem_shared>>
      %dma_wait3A_123 = arith.constant 0 : i32
      %dma_wait3A_124 = tpu.memref_slice %arg12[%add3A_27, %dma_wait3A_123] : memref<10240x128xf32, #tpu.memory_space<vmem_shared>> -> memref<128x128xf32, #tpu.memory_space<vmem_shared>>
      tpu.wait_dma2 semaphore(%run_scoped3A : memref<!tpu.dma_semaphore, #tpu.memory_space<semaphore_mem>>) src(%arg8 : memref<128x128xf32, #tpu.memory_space<vmem>>) dst(%dma_wait3A_124 : memref<128x128xf32, #tpu.memory_space<vmem_shared>>)
      tpu.yield
    }) : () -> ()
    %barrier3A = arith.constant 0 : index
    tpu.barrier barrier_id(%barrier3A)
    "tpu.region"() ({
      %run_scoped3A = tpu.sem_alloc : memref<!tpu.dma_semaphore, #tpu.memory_space<semaphore_mem>>
      %dma_start3A_117 = arith.constant 0 : i32
      %dma_start3A_118 = arith.constant 0 : i32
      %dma_start3A_119 = tpu.memref_slice %arg3[%add3A, %dma_start3A_117, %dma_start3A_118] : memref<32x80x128xi32, #tpu.memory_space<hbm>> -> memref<1x40x128xi32, #tpu.memory_space<hbm>>
      %dma_start3A_120 = tpu.memref_squeeze %dma_start3A_119 : memref<1x40x128xi32, #tpu.memory_space<hbm>> -> memref<40x128xi32, #tpu.memory_space<hbm>>
      %dma_start3A_121 = arith.constant 0 : i32
      %dma_start3A_122 = arith.constant 0 : i32
      %dma_start3A_123 = tpu.memref_slice %arg3[%add3A, %dma_start3A_121, %dma_start3A_122] : memref<32x80x128xi32, #tpu.memory_space<hbm>> -> memref<1x40x128xi32, #tpu.memory_space<hbm>>
      %dma_start3A_124 = tpu.memref_squeeze %dma_start3A_123 : memref<1x40x128xi32, #tpu.memory_space<hbm>> -> memref<40x128xi32, #tpu.memory_space<hbm>>
      tpu.enqueue_dma source(%dma_start3A_124 : memref<40x128xi32, #tpu.memory_space<hbm>>) target(%arg6 : memref<40x128xi32, #tpu.memory_space<vmem>>) target_semaphore(%run_scoped3A : memref<!tpu.dma_semaphore, #tpu.memory_space<semaphore_mem>>)
      %dma_wait3A_125 = arith.constant 0 : i32
      %dma_wait3A_126 = arith.constant 0 : i32
      %dma_wait3A_127 = tpu.memref_slice %arg3[%add3A, %dma_wait3A_125, %dma_wait3A_126] : memref<32x80x128xi32, #tpu.memory_space<hbm>> -> memref<1x40x128xi32, #tpu.memory_space<hbm>>
      %dma_wait3A_128 = tpu.memref_squeeze %dma_wait3A_127 : memref<1x40x128xi32, #tpu.memory_space<hbm>> -> memref<40x128xi32, #tpu.memory_space<hbm>>
      %dma_wait3A_129 = arith.constant 0 : i32
      %dma_wait3A_130 = arith.constant 0 : i32
      %dma_wait3A_131 = tpu.memref_slice %arg3[%add3A, %dma_wait3A_129, %dma_wait3A_130] : memref<32x80x128xi32, #tpu.memory_space<hbm>> -> memref<1x40x128xi32, #tpu.memory_space<hbm>>
      %dma_wait3A_132 = tpu.memref_squeeze %dma_wait3A_131 : memref<1x40x128xi32, #tpu.memory_space<hbm>> -> memref<40x128xi32, #tpu.memory_space<hbm>>
      tpu.wait_dma2 semaphore(%run_scoped3A : memref<!tpu.dma_semaphore, #tpu.memory_space<semaphore_mem>>) src(%dma_wait3A_132 : memref<40x128xi32, #tpu.memory_space<hbm>>) dst(%arg6 : memref<40x128xi32, #tpu.memory_space<vmem>>)
      tpu.yield
    }) : () -> ()
    "tpu.region"() ({
      %run_scoped3A = tpu.sem_alloc : memref<!tpu.dma_semaphore, #tpu.memory_space<semaphore_mem>>
      %dma_start3A_117 = arith.constant 0 : i32
      %dma_start3A_118 = arith.constant 0 : i32
      %dma_start3A_119 = tpu.memref_slice %arg4[%add3A, %dma_start3A_117, %dma_start3A_118] : memref<32x80x128xi32, #tpu.memory_space<hbm>> -> memref<1x40x128xi32, #tpu.memory_space<hbm>>
      %dma_start3A_120 = tpu.memref_squeeze %dma_start3A_119 : memref<1x40x128xi32, #tpu.memory_space<hbm>> -> memref<40x128xi32, #tpu.memory_space<hbm>>
      %dma_start3A_121 = arith.constant 0 : i32
      %dma_start3A_122 = arith.constant 0 : i32
      %dma_start3A_123 = tpu.memref_slice %arg4[%add3A, %dma_start3A_121, %dma_start3A_122] : memref<32x80x128xi32, #tpu.memory_space<hbm>> -> memref<1x40x128xi32, #tpu.memory_space<hbm>>
      %dma_start3A_124 = tpu.memref_squeeze %dma_start3A_123 : memref<1x40x128xi32, #tpu.memory_space<hbm>> -> memref<40x128xi32, #tpu.memory_space<hbm>>
      tpu.enqueue_dma source(%dma_start3A_124 : memref<40x128xi32, #tpu.memory_space<hbm>>) target(%arg7 : memref<40x128xi32, #tpu.memory_space<vmem>>) target_semaphore(%run_scoped3A : memref<!tpu.dma_semaphore, #tpu.memory_space<semaphore_mem>>)
      %dma_wait3A_125 = arith.constant 0 : i32
      %dma_wait3A_126 = arith.constant 0 : i32
      %dma_wait3A_127 = tpu.memref_slice %arg4[%add3A, %dma_wait3A_125, %dma_wait3A_126] : memref<32x80x128xi32, #tpu.memory_space<hbm>> -> memref<1x40x128xi32, #tpu.memory_space<hbm>>
      %dma_wait3A_128 = tpu.memref_squeeze %dma_wait3A_127 : memref<1x40x128xi32, #tpu.memory_space<hbm>> -> memref<40x128xi32, #tpu.memory_space<hbm>>
      %dma_wait3A_129 = arith.constant 0 : i32
      %dma_wait3A_130 = arith.constant 0 : i32
      %dma_wait3A_131 = tpu.memref_slice %arg4[%add3A, %dma_wait3A_129, %dma_wait3A_130] : memref<32x80x128xi32, #tpu.memory_space<hbm>> -> memref<1x40x128xi32, #tpu.memory_space<hbm>>
      %dma_wait3A_132 = tpu.memref_squeeze %dma_wait3A_131 : memref<1x40x128xi32, #tpu.memory_space<hbm>> -> memref<40x128xi32, #tpu.memory_space<hbm>>
      tpu.wait_dma2 semaphore(%run_scoped3A : memref<!tpu.dma_semaphore, #tpu.memory_space<semaphore_mem>>) src(%dma_wait3A_132 : memref<40x128xi32, #tpu.memory_space<hbm>>) dst(%arg7 : memref<40x128xi32, #tpu.memory_space<vmem>>)
      tpu.yield
    }) : () -> ()
    %dma_start3A = arith.constant 0 : i32
    %dma_start3A_28 = arith.constant 0 : i32
    %dma_start3A_29 = tpu.memref_slice %arg6[%dma_start3A, %dma_start3A_28] : memref<40x128xi32, #tpu.memory_space<vmem>> -> memref<1x128xi32, #tpu.memory_space<vmem>>
    %dma_start3A_30 = tpu.memref_squeeze %dma_start3A_29 : memref<1x128xi32, #tpu.memory_space<vmem>> -> memref<128xi32, #tpu.memory_space<vmem>>
    %dma_start3A_31 = arith.constant 0 : i32
    %dma_start3A_32 = arith.constant 0 : i32
    %dma_start3A_33 = tpu.memref_slice %arg2[%dma_start3A_31, %dma_start3A_32] : memref<10240x128xf32, #tpu.memory_space<hbm>> -> memref<10240x128xf32, #tpu.memory_space<hbm>>
    tpu.enqueue_indirect_dma source(%dma_start3A_33 : memref<10240x128xf32, #tpu.memory_space<hbm>>) target(%arg8 : memref<128x128xf32, #tpu.memory_space<vmem>>) offsets(%dma_start3A_30 : memref<128xi32, #tpu.memory_space<vmem>>) semaphore(%arg10 : memref<!tpu.dma_semaphore, #tpu.memory_space<semaphore_mem>>)
    %dma_start3A_34 = arith.constant 1 : i32
    %dma_start3A_35 = arith.constant 0 : i32
    %dma_start3A_36 = tpu.memref_slice %arg6[%dma_start3A_34, %dma_start3A_35] : memref<40x128xi32, #tpu.memory_space<vmem>> -> memref<1x128xi32, #tpu.memory_space<vmem>>
    %dma_start3A_37 = tpu.memref_squeeze %dma_start3A_36 : memref<1x128xi32, #tpu.memory_space<vmem>> -> memref<128xi32, #tpu.memory_space<vmem>>
    %dma_start3A_38 = arith.constant 0 : i32
    %dma_start3A_39 = arith.constant 0 : i32
    %dma_start3A_40 = tpu.memref_slice %arg2[%dma_start3A_38, %dma_start3A_39] : memref<10240x128xf32, #tpu.memory_space<hbm>> -> memref<10240x128xf32, #tpu.memory_space<hbm>>
    tpu.enqueue_indirect_dma source(%dma_start3A_40 : memref<10240x128xf32, #tpu.memory_space<hbm>>) target(%arg9 : memref<128x128xf32, #tpu.memory_space<vmem>>) offsets(%dma_start3A_37 : memref<128xi32, #tpu.memory_space<vmem>>) semaphore(%arg11 : memref<!tpu.dma_semaphore, #tpu.memory_space<semaphore_mem>>)
    %scan3A_41 = arith.constant 0 : i32
    %scan3A_42 = arith.constant 0 : i32
    %scan3A_43 = arith.constant 20 : i32
    %scan3A_44 = arith.addi %scan3A_42, %scan3A_43 : i32
    %scan3A_45 = arith.constant 1 : i32
    %scan3A_46 = scf.for %scan3A_117 = %scan3A_42 to %scan3A_44 step %scan3A_45 iter_args(%scan3A_118 = %scan3A_41) -> (i32)  : i32 {
      %mul3A_119 = arith.constant 2 : i32
      %mul3A_120 = arith.muli %mul3A_119, %scan3A_117 : i32
      %add3A_121 = arith.constant 0 : i32
      %add3A_122 = arith.addi %mul3A_120, %add3A_121 : i32
      %dma_wait3A_123 = arith.constant 0 : i32
      %dma_wait3A_124 = tpu.memref_slice %arg6[%add3A_122, %dma_wait3A_123] : memref<40x128xi32, #tpu.memory_space<vmem>> -> memref<1x128xi32, #tpu.memory_space<vmem>>
      %dma_wait3A_125 = tpu.memref_squeeze %dma_wait3A_124 : memref<1x128xi32, #tpu.memory_space<vmem>> -> memref<128xi32, #tpu.memory_space<vmem>>
      %dma_wait3A_126 = arith.constant 0 : i32
      %dma_wait3A_127 = arith.constant 0 : i32
      %dma_wait3A_128 = tpu.memref_slice %arg2[%dma_wait3A_126, %dma_wait3A_127] : memref<10240x128xf32, #tpu.memory_space<hbm>> -> memref<10240x128xf32, #tpu.memory_space<hbm>>
      tpu.wait_indirect_dma semaphore(%arg10 : memref<!tpu.dma_semaphore, #tpu.memory_space<semaphore_mem>>) src(%dma_wait3A_128 : memref<10240x128xf32, #tpu.memory_space<hbm>>) dst(%arg8 : memref<128x128xf32, #tpu.memory_space<vmem>>)
      "tpu.region"() ({
        %run_scoped3A = tpu.sem_alloc : memref<!tpu.dma_semaphore, #tpu.memory_space<semaphore_mem>>
        %dma_start3A_159 = arith.constant 0 : i32
        %dma_start3A_160 = tpu.memref_slice %arg7[%add3A_122, %dma_start3A_159] : memref<40x128xi32, #tpu.memory_space<vmem>> -> memref<1x128xi32, #tpu.memory_space<vmem>>
        %dma_start3A_161 = tpu.memref_squeeze %dma_start3A_160 : memref<1x128xi32, #tpu.memory_space<vmem>> -> memref<128xi32, #tpu.memory_space<vmem>>
        %dma_start3A_162 = arith.constant 0 : i32
        %dma_start3A_163 = arith.constant 0 : i32
        %dma_start3A_164 = tpu.memref_slice %arg12[%dma_start3A_162, %dma_start3A_163] : memref<10240x128xf32, #tpu.memory_space<vmem_shared>> -> memref<10240x128xf32, #tpu.memory_space<vmem_shared>>
        tpu.enqueue_indirect_dma source(%arg8 : memref<128x128xf32, #tpu.memory_space<vmem>>) target(%dma_start3A_164 : memref<10240x128xf32, #tpu.memory_space<vmem_shared>>) offsets(%dma_start3A_161 : memref<128xi32, #tpu.memory_space<vmem>>) semaphore(%run_scoped3A : memref<!tpu.dma_semaphore, #tpu.memory_space<semaphore_mem>>) {add = true}
        %dma_wait3A_165 = arith.constant 0 : i32
        %dma_wait3A_166 = tpu.memref_slice %arg7[%add3A_122, %dma_wait3A_165] : memref<40x128xi32, #tpu.memory_space<vmem>> -> memref<1x128xi32, #tpu.memory_space<vmem>>
        %dma_wait3A_167 = tpu.memref_squeeze %dma_wait3A_166 : memref<1x128xi32, #tpu.memory_space<vmem>> -> memref<128xi32, #tpu.memory_space<vmem>>
        %dma_wait3A_168 = arith.constant 0 : i32
        %dma_wait3A_169 = arith.constant 0 : i32
        %dma_wait3A_170 = tpu.memref_slice %arg12[%dma_wait3A_168, %dma_wait3A_169] : memref<10240x128xf32, #tpu.memory_space<vmem_shared>> -> memref<10240x128xf32, #tpu.memory_space<vmem_shared>>
        tpu.wait_indirect_dma semaphore(%run_scoped3A : memref<!tpu.dma_semaphore, #tpu.memory_space<semaphore_mem>>) src(%arg8 : memref<128x128xf32, #tpu.memory_space<vmem>>) dst(%dma_wait3A_170 : memref<10240x128xf32, #tpu.memory_space<vmem_shared>>)
        tpu.yield
      }) : () -> ()
      %add3A_129 = arith.constant 2 : i32
      %add3A_130 = arith.addi %add3A_122, %add3A_129 : i32
      %min3A = arith.constant 39 : i32
      %min3A_131 = arith.minsi %add3A_130, %min3A : i32
      %dma_start3A_132 = arith.constant 0 : i32
      %dma_start3A_133 = tpu.memref_slice %arg6[%min3A_131, %dma_start3A_132] : memref<40x128xi32, #tpu.memory_space<vmem>> -> memref<1x128xi32, #tpu.memory_space<vmem>>
      %dma_start3A_134 = tpu.memref_squeeze %dma_start3A_133 : memref<1x128xi32, #tpu.memory_space<vmem>> -> memref<128xi32, #tpu.memory_space<vmem>>
      %dma_start3A_135 = arith.constant 0 : i32
      %dma_start3A_136 = arith.constant 0 : i32
      %dma_start3A_137 = tpu.memref_slice %arg2[%dma_start3A_135, %dma_start3A_136] : memref<10240x128xf32, #tpu.memory_space<hbm>> -> memref<10240x128xf32, #tpu.memory_space<hbm>>
      tpu.enqueue_indirect_dma source(%dma_start3A_137 : memref<10240x128xf32, #tpu.memory_space<hbm>>) target(%arg8 : memref<128x128xf32, #tpu.memory_space<vmem>>) offsets(%dma_start3A_134 : memref<128xi32, #tpu.memory_space<vmem>>) semaphore(%arg10 : memref<!tpu.dma_semaphore, #tpu.memory_space<semaphore_mem>>)
      %mul3A_138 = arith.constant 2 : i32
      %mul3A_139 = arith.muli %mul3A_138, %scan3A_117 : i32
      %add3A_140 = arith.constant 1 : i32
      %add3A_141 = arith.addi %mul3A_139, %add3A_140 : i32
      %dma_wait3A_142 = arith.constant 0 : i32
      %dma_wait3A_143 = tpu.memref_slice %arg6[%add3A_141, %dma_wait3A_142] : memref<40x128xi32, #tpu.memory_space<vmem>> -> memref<1x128xi32, #tpu.memory_space<vmem>>
      %dma_wait3A_144 = tpu.memref_squeeze %dma_wait3A_143 : memref<1x128xi32, #tpu.memory_space<vmem>> -> memref<128xi32, #tpu.memory_space<vmem>>
      %dma_wait3A_145 = arith.constant 0 : i32
      %dma_wait3A_146 = arith.constant 0 : i32
      %dma_wait3A_147 = tpu.memref_slice %arg2[%dma_wait3A_145, %dma_wait3A_146] : memref<10240x128xf32, #tpu.memory_space<hbm>> -> memref<10240x128xf32, #tpu.memory_space<hbm>>
      tpu.wait_indirect_dma semaphore(%arg11 : memref<!tpu.dma_semaphore, #tpu.memory_space<semaphore_mem>>) src(%dma_wait3A_147 : memref<10240x128xf32, #tpu.memory_space<hbm>>) dst(%arg9 : memref<128x128xf32, #tpu.memory_space<vmem>>)
      "tpu.region"() ({
        %run_scoped3A = tpu.sem_alloc : memref<!tpu.dma_semaphore, #tpu.memory_space<semaphore_mem>>
        %dma_start3A_159 = arith.constant 0 : i32
        %dma_start3A_160 = tpu.memref_slice %arg7[%add3A_141, %dma_start3A_159] : memref<40x128xi32, #tpu.memory_space<vmem>> -> memref<1x128xi32, #tpu.memory_space<vmem>>
        %dma_start3A_161 = tpu.memref_squeeze %dma_start3A_160 : memref<1x128xi32, #tpu.memory_space<vmem>> -> memref<128xi32, #tpu.memory_space<vmem>>
        %dma_start3A_162 = arith.constant 0 : i32
        %dma_start3A_163 = arith.constant 0 : i32
        %dma_start3A_164 = tpu.memref_slice %arg12[%dma_start3A_162, %dma_start3A_163] : memref<10240x128xf32, #tpu.memory_space<vmem_shared>> -> memref<10240x128xf32, #tpu.memory_space<vmem_shared>>
        tpu.enqueue_indirect_dma source(%arg9 : memref<128x128xf32, #tpu.memory_space<vmem>>) target(%dma_start3A_164 : memref<10240x128xf32, #tpu.memory_space<vmem_shared>>) offsets(%dma_start3A_161 : memref<128xi32, #tpu.memory_space<vmem>>) semaphore(%run_scoped3A : memref<!tpu.dma_semaphore, #tpu.memory_space<semaphore_mem>>) {add = true}
        %dma_wait3A_165 = arith.constant 0 : i32
        %dma_wait3A_166 = tpu.memref_slice %arg7[%add3A_141, %dma_wait3A_165] : memref<40x128xi32, #tpu.memory_space<vmem>> -> memref<1x128xi32, #tpu.memory_space<vmem>>
        %dma_wait3A_167 = tpu.memref_squeeze %dma_wait3A_166 : memref<1x128xi32, #tpu.memory_space<vmem>> -> memref<128xi32, #tpu.memory_space<vmem>>
        %dma_wait3A_168 = arith.constant 0 : i32
        %dma_wait3A_169 = arith.constant 0 : i32
        %dma_wait3A_170 = tpu.memref_slice %arg12[%dma_wait3A_168, %dma_wait3A_169] : memref<10240x128xf32, #tpu.memory_space<vmem_shared>> -> memref<10240x128xf32, #tpu.memory_space<vmem_shared>>
        tpu.wait_indirect_dma semaphore(%run_scoped3A : memref<!tpu.dma_semaphore, #tpu.memory_space<semaphore_mem>>) src(%arg9 : memref<128x128xf32, #tpu.memory_space<vmem>>) dst(%dma_wait3A_170 : memref<10240x128xf32, #tpu.memory_space<vmem_shared>>)
        tpu.yield
      }) : () -> ()
      %add3A_148 = arith.constant 2 : i32
      %add3A_149 = arith.addi %add3A_141, %add3A_148 : i32
      %min3A_150 = arith.constant 39 : i32
      %min3A_151 = arith.minsi %add3A_149, %min3A_150 : i32
      %dma_start3A_152 = arith.constant 0 : i32
      %dma_start3A_153 = tpu.memref_slice %arg6[%min3A_151, %dma_start3A_152] : memref<40x128xi32, #tpu.memory_space<vmem>> -> memref<1x128xi32, #tpu.memory_space<vmem>>
      %dma_start3A_154 = tpu.memref_squeeze %dma_start3A_153 : memref<1x128xi32, #tpu.memory_space<vmem>> -> memref<128xi32, #tpu.memory_space<vmem>>
      %dma_start3A_155 = arith.constant 0 : i32
      %dma_start3A_156 = arith.constant 0 : i32
      %dma_start3A_157 = tpu.memref_slice %arg2[%dma_start3A_155, %dma_start3A_156] : memref<10240x128xf32, #tpu.memory_space<hbm>> -> memref<10240x128xf32, #tpu.memory_space<hbm>>
      tpu.enqueue_indirect_dma source(%dma_start3A_157 : memref<10240x128xf32, #tpu.memory_space<hbm>>) target(%arg9 : memref<128x128xf32, #tpu.memory_space<vmem>>) offsets(%dma_start3A_154 : memref<128xi32, #tpu.memory_space<vmem>>) semaphore(%arg11 : memref<!tpu.dma_semaphore, #tpu.memory_space<semaphore_mem>>)
      %scan3A_158 = arith.constant 0 : i32
      scf.yield %scan3A_158 : i32
    }
    %scan3A_47 = arith.constant 20 : i32
    %dma_wait3A = arith.constant 39 : i32
    %dma_wait3A_48 = arith.constant 0 : i32
    %dma_wait3A_49 = tpu.memref_slice %arg6[%dma_wait3A, %dma_wait3A_48] : memref<40x128xi32, #tpu.memory_space<vmem>> -> memref<1x128xi32, #tpu.memory_space<vmem>>
    %dma_wait3A_50 = tpu.memref_squeeze %dma_wait3A_49 : memref<1x128xi32, #tpu.memory_space<vmem>> -> memref<128xi32, #tpu.memory_space<vmem>>
    %dma_wait3A_51 = arith.constant 0 : i32
    %dma_wait3A_52 = arith.constant 0 : i32
    %dma_wait3A_53 = tpu.memref_slice %arg2[%dma_wait3A_51, %dma_wait3A_52] : memref<10240x128xf32, #tpu.memory_space<hbm>> -> memref<10240x128xf32, #tpu.memory_space<hbm>>
    tpu.wait_indirect_dma semaphore(%arg10 : memref<!tpu.dma_semaphore, #tpu.memory_space<semaphore_mem>>) src(%dma_wait3A_53 : memref<10240x128xf32, #tpu.memory_space<hbm>>) dst(%arg8 : memref<128x128xf32, #tpu.memory_space<vmem>>)
    %dma_wait3A_54 = arith.constant 39 : i32
    %dma_wait3A_55 = arith.constant 0 : i32
    %dma_wait3A_56 = tpu.memref_slice %arg6[%dma_wait3A_54, %dma_wait3A_55] : memref<40x128xi32, #tpu.memory_space<vmem>> -> memref<1x128xi32, #tpu.memory_space<vmem>>
    %dma_wait3A_57 = tpu.memref_squeeze %dma_wait3A_56 : memref<1x128xi32, #tpu.memory_space<vmem>> -> memref<128xi32, #tpu.memory_space<vmem>>
    %dma_wait3A_58 = arith.constant 0 : i32
    %dma_wait3A_59 = arith.constant 0 : i32
    %dma_wait3A_60 = tpu.memref_slice %arg2[%dma_wait3A_58, %dma_wait3A_59] : memref<10240x128xf32, #tpu.memory_space<hbm>> -> memref<10240x128xf32, #tpu.memory_space<hbm>>
    tpu.wait_indirect_dma semaphore(%arg11 : memref<!tpu.dma_semaphore, #tpu.memory_space<semaphore_mem>>) src(%dma_wait3A_60 : memref<10240x128xf32, #tpu.memory_space<hbm>>) dst(%arg9 : memref<128x128xf32, #tpu.memory_space<vmem>>)
    "tpu.region"() ({
      %run_scoped3A = tpu.sem_alloc : memref<!tpu.dma_semaphore, #tpu.memory_space<semaphore_mem>>
      %dma_start3A_117 = arith.constant 40 : i32
      %dma_start3A_118 = arith.constant 0 : i32
      %dma_start3A_119 = tpu.memref_slice %arg3[%add3A, %dma_start3A_117, %dma_start3A_118] : memref<32x80x128xi32, #tpu.memory_space<hbm>> -> memref<1x40x128xi32, #tpu.memory_space<hbm>>
      %dma_start3A_120 = tpu.memref_squeeze %dma_start3A_119 : memref<1x40x128xi32, #tpu.memory_space<hbm>> -> memref<40x128xi32, #tpu.memory_space<hbm>>
      %dma_start3A_121 = arith.constant 40 : i32
      %dma_start3A_122 = arith.constant 0 : i32
      %dma_start3A_123 = tpu.memref_slice %arg3[%add3A, %dma_start3A_121, %dma_start3A_122] : memref<32x80x128xi32, #tpu.memory_space<hbm>> -> memref<1x40x128xi32, #tpu.memory_space<hbm>>
      %dma_start3A_124 = tpu.memref_squeeze %dma_start3A_123 : memref<1x40x128xi32, #tpu.memory_space<hbm>> -> memref<40x128xi32, #tpu.memory_space<hbm>>
      tpu.enqueue_dma source(%dma_start3A_124 : memref<40x128xi32, #tpu.memory_space<hbm>>) target(%arg6 : memref<40x128xi32, #tpu.memory_space<vmem>>) target_semaphore(%run_scoped3A : memref<!tpu.dma_semaphore, #tpu.memory_space<semaphore_mem>>)
      %dma_wait3A_125 = arith.constant 40 : i32
      %dma_wait3A_126 = arith.constant 0 : i32
      %dma_wait3A_127 = tpu.memref_slice %arg3[%add3A, %dma_wait3A_125, %dma_wait3A_126] : memref<32x80x128xi32, #tpu.memory_space<hbm>> -> memref<1x40x128xi32, #tpu.memory_space<hbm>>
      %dma_wait3A_128 = tpu.memref_squeeze %dma_wait3A_127 : memref<1x40x128xi32, #tpu.memory_space<hbm>> -> memref<40x128xi32, #tpu.memory_space<hbm>>
      %dma_wait3A_129 = arith.constant 40 : i32
      %dma_wait3A_130 = arith.constant 0 : i32
      %dma_wait3A_131 = tpu.memref_slice %arg3[%add3A, %dma_wait3A_129, %dma_wait3A_130] : memref<32x80x128xi32, #tpu.memory_space<hbm>> -> memref<1x40x128xi32, #tpu.memory_space<hbm>>
      %dma_wait3A_132 = tpu.memref_squeeze %dma_wait3A_131 : memref<1x40x128xi32, #tpu.memory_space<hbm>> -> memref<40x128xi32, #tpu.memory_space<hbm>>
      tpu.wait_dma2 semaphore(%run_scoped3A : memref<!tpu.dma_semaphore, #tpu.memory_space<semaphore_mem>>) src(%dma_wait3A_132 : memref<40x128xi32, #tpu.memory_space<hbm>>) dst(%arg6 : memref<40x128xi32, #tpu.memory_space<vmem>>)
      tpu.yield
    }) : () -> ()
    "tpu.region"() ({
      %run_scoped3A = tpu.sem_alloc : memref<!tpu.dma_semaphore, #tpu.memory_space<semaphore_mem>>
      %dma_start3A_117 = arith.constant 40 : i32
      %dma_start3A_118 = arith.constant 0 : i32
      %dma_start3A_119 = tpu.memref_slice %arg4[%add3A, %dma_start3A_117, %dma_start3A_118] : memref<32x80x128xi32, #tpu.memory_space<hbm>> -> memref<1x40x128xi32, #tpu.memory_space<hbm>>
      %dma_start3A_120 = tpu.memref_squeeze %dma_start3A_119 : memref<1x40x128xi32, #tpu.memory_space<hbm>> -> memref<40x128xi32, #tpu.memory_space<hbm>>
      %dma_start3A_121 = arith.constant 40 : i32
      %dma_start3A_122 = arith.constant 0 : i32
      %dma_start3A_123 = tpu.memref_slice %arg4[%add3A, %dma_start3A_121, %dma_start3A_122] : memref<32x80x128xi32, #tpu.memory_space<hbm>> -> memref<1x40x128xi32, #tpu.memory_space<hbm>>
      %dma_start3A_124 = tpu.memref_squeeze %dma_start3A_123 : memref<1x40x128xi32, #tpu.memory_space<hbm>> -> memref<40x128xi32, #tpu.memory_space<hbm>>
      tpu.enqueue_dma source(%dma_start3A_124 : memref<40x128xi32, #tpu.memory_space<hbm>>) target(%arg7 : memref<40x128xi32, #tpu.memory_space<vmem>>) target_semaphore(%run_scoped3A : memref<!tpu.dma_semaphore, #tpu.memory_space<semaphore_mem>>)
      %dma_wait3A_125 = arith.constant 40 : i32
      %dma_wait3A_126 = arith.constant 0 : i32
      %dma_wait3A_127 = tpu.memref_slice %arg4[%add3A, %dma_wait3A_125, %dma_wait3A_126] : memref<32x80x128xi32, #tpu.memory_space<hbm>> -> memref<1x40x128xi32, #tpu.memory_space<hbm>>
      %dma_wait3A_128 = tpu.memref_squeeze %dma_wait3A_127 : memref<1x40x128xi32, #tpu.memory_space<hbm>> -> memref<40x128xi32, #tpu.memory_space<hbm>>
      %dma_wait3A_129 = arith.constant 40 : i32
      %dma_wait3A_130 = arith.constant 0 : i32
      %dma_wait3A_131 = tpu.memref_slice %arg4[%add3A, %dma_wait3A_129, %dma_wait3A_130] : memref<32x80x128xi32, #tpu.memory_space<hbm>> -> memref<1x40x128xi32, #tpu.memory_space<hbm>>
      %dma_wait3A_132 = tpu.memref_squeeze %dma_wait3A_131 : memref<1x40x128xi32, #tpu.memory_space<hbm>> -> memref<40x128xi32, #tpu.memory_space<hbm>>
      tpu.wait_dma2 semaphore(%run_scoped3A : memref<!tpu.dma_semaphore, #tpu.memory_space<semaphore_mem>>) src(%dma_wait3A_132 : memref<40x128xi32, #tpu.memory_space<hbm>>) dst(%arg7 : memref<40x128xi32, #tpu.memory_space<vmem>>)
      tpu.yield
    }) : () -> ()
    %dma_start3A_61 = arith.constant 0 : i32
    %dma_start3A_62 = arith.constant 0 : i32
    %dma_start3A_63 = tpu.memref_slice %arg6[%dma_start3A_61, %dma_start3A_62] : memref<40x128xi32, #tpu.memory_space<vmem>> -> memref<1x128xi32, #tpu.memory_space<vmem>>
    %dma_start3A_64 = tpu.memref_squeeze %dma_start3A_63 : memref<1x128xi32, #tpu.memory_space<vmem>> -> memref<128xi32, #tpu.memory_space<vmem>>
    %dma_start3A_65 = arith.constant 0 : i32
    %dma_start3A_66 = arith.constant 0 : i32
    %dma_start3A_67 = tpu.memref_slice %arg2[%dma_start3A_65, %dma_start3A_66] : memref<10240x128xf32, #tpu.memory_space<hbm>> -> memref<10240x128xf32, #tpu.memory_space<hbm>>
    tpu.enqueue_indirect_dma source(%dma_start3A_67 : memref<10240x128xf32, #tpu.memory_space<hbm>>) target(%arg8 : memref<128x128xf32, #tpu.memory_space<vmem>>) offsets(%dma_start3A_64 : memref<128xi32, #tpu.memory_space<vmem>>) semaphore(%arg10 : memref<!tpu.dma_semaphore, #tpu.memory_space<semaphore_mem>>)
    %dma_start3A_68 = arith.constant 1 : i32
    %dma_start3A_69 = arith.constant 0 : i32
    %dma_start3A_70 = tpu.memref_slice %arg6[%dma_start3A_68, %dma_start3A_69] : memref<40x128xi32, #tpu.memory_space<vmem>> -> memref<1x128xi32, #tpu.memory_space<vmem>>
    %dma_start3A_71 = tpu.memref_squeeze %dma_start3A_70 : memref<1x128xi32, #tpu.memory_space<vmem>> -> memref<128xi32, #tpu.memory_space<vmem>>
    %dma_start3A_72 = arith.constant 0 : i32
    %dma_start3A_73 = arith.constant 0 : i32
    %dma_start3A_74 = tpu.memref_slice %arg2[%dma_start3A_72, %dma_start3A_73] : memref<10240x128xf32, #tpu.memory_space<hbm>> -> memref<10240x128xf32, #tpu.memory_space<hbm>>
    tpu.enqueue_indirect_dma source(%dma_start3A_74 : memref<10240x128xf32, #tpu.memory_space<hbm>>) target(%arg9 : memref<128x128xf32, #tpu.memory_space<vmem>>) offsets(%dma_start3A_71 : memref<128xi32, #tpu.memory_space<vmem>>) semaphore(%arg11 : memref<!tpu.dma_semaphore, #tpu.memory_space<semaphore_mem>>)
    %scan3A_75 = arith.constant 0 : i32
    %scan3A_76 = arith.constant 0 : i32
    %scan3A_77 = arith.constant 20 : i32
    %scan3A_78 = arith.addi %scan3A_76, %scan3A_77 : i32
    %scan3A_79 = arith.constant 1 : i32
    %scan3A_80 = scf.for %scan3A_117 = %scan3A_76 to %scan3A_78 step %scan3A_79 iter_args(%scan3A_118 = %scan3A_75) -> (i32)  : i32 {
      %mul3A_119 = arith.constant 2 : i32
      %mul3A_120 = arith.muli %mul3A_119, %scan3A_117 : i32
      %add3A_121 = arith.constant 0 : i32
      %add3A_122 = arith.addi %mul3A_120, %add3A_121 : i32
      %dma_wait3A_123 = arith.constant 0 : i32
      %dma_wait3A_124 = tpu.memref_slice %arg6[%add3A_122, %dma_wait3A_123] : memref<40x128xi32, #tpu.memory_space<vmem>> -> memref<1x128xi32, #tpu.memory_space<vmem>>
      %dma_wait3A_125 = tpu.memref_squeeze %dma_wait3A_124 : memref<1x128xi32, #tpu.memory_space<vmem>> -> memref<128xi32, #tpu.memory_space<vmem>>
      %dma_wait3A_126 = arith.constant 0 : i32
      %dma_wait3A_127 = arith.constant 0 : i32
      %dma_wait3A_128 = tpu.memref_slice %arg2[%dma_wait3A_126, %dma_wait3A_127] : memref<10240x128xf32, #tpu.memory_space<hbm>> -> memref<10240x128xf32, #tpu.memory_space<hbm>>
      tpu.wait_indirect_dma semaphore(%arg10 : memref<!tpu.dma_semaphore, #tpu.memory_space<semaphore_mem>>) src(%dma_wait3A_128 : memref<10240x128xf32, #tpu.memory_space<hbm>>) dst(%arg8 : memref<128x128xf32, #tpu.memory_space<vmem>>)
      "tpu.region"() ({
        %run_scoped3A = tpu.sem_alloc : memref<!tpu.dma_semaphore, #tpu.memory_space<semaphore_mem>>
        %dma_start3A_159 = arith.constant 0 : i32
        %dma_start3A_160 = tpu.memref_slice %arg7[%add3A_122, %dma_start3A_159] : memref<40x128xi32, #tpu.memory_space<vmem>> -> memref<1x128xi32, #tpu.memory_space<vmem>>
        %dma_start3A_161 = tpu.memref_squeeze %dma_start3A_160 : memref<1x128xi32, #tpu.memory_space<vmem>> -> memref<128xi32, #tpu.memory_space<vmem>>
        %dma_start3A_162 = arith.constant 0 : i32
        %dma_start3A_163 = arith.constant 0 : i32
        %dma_start3A_164 = tpu.memref_slice %arg12[%dma_start3A_162, %dma_start3A_163] : memref<10240x128xf32, #tpu.memory_space<vmem_shared>> -> memref<10240x128xf32, #tpu.memory_space<vmem_shared>>
        tpu.enqueue_indirect_dma source(%arg8 : memref<128x128xf32, #tpu.memory_space<vmem>>) target(%dma_start3A_164 : memref<10240x128xf32, #tpu.memory_space<vmem_shared>>) offsets(%dma_start3A_161 : memref<128xi32, #tpu.memory_space<vmem>>) semaphore(%run_scoped3A : memref<!tpu.dma_semaphore, #tpu.memory_space<semaphore_mem>>) {add = true}
        %dma_wait3A_165 = arith.constant 0 : i32
        %dma_wait3A_166 = tpu.memref_slice %arg7[%add3A_122, %dma_wait3A_165] : memref<40x128xi32, #tpu.memory_space<vmem>> -> memref<1x128xi32, #tpu.memory_space<vmem>>
        %dma_wait3A_167 = tpu.memref_squeeze %dma_wait3A_166 : memref<1x128xi32, #tpu.memory_space<vmem>> -> memref<128xi32, #tpu.memory_space<vmem>>
        %dma_wait3A_168 = arith.constant 0 : i32
        %dma_wait3A_169 = arith.constant 0 : i32
        %dma_wait3A_170 = tpu.memref_slice %arg12[%dma_wait3A_168, %dma_wait3A_169] : memref<10240x128xf32, #tpu.memory_space<vmem_shared>> -> memref<10240x128xf32, #tpu.memory_space<vmem_shared>>
        tpu.wait_indirect_dma semaphore(%run_scoped3A : memref<!tpu.dma_semaphore, #tpu.memory_space<semaphore_mem>>) src(%arg8 : memref<128x128xf32, #tpu.memory_space<vmem>>) dst(%dma_wait3A_170 : memref<10240x128xf32, #tpu.memory_space<vmem_shared>>)
        tpu.yield
      }) : () -> ()
      %add3A_129 = arith.constant 2 : i32
      %add3A_130 = arith.addi %add3A_122, %add3A_129 : i32
      %min3A = arith.constant 39 : i32
      %min3A_131 = arith.minsi %add3A_130, %min3A : i32
      %dma_start3A_132 = arith.constant 0 : i32
      %dma_start3A_133 = tpu.memref_slice %arg6[%min3A_131, %dma_start3A_132] : memref<40x128xi32, #tpu.memory_space<vmem>> -> memref<1x128xi32, #tpu.memory_space<vmem>>
      %dma_start3A_134 = tpu.memref_squeeze %dma_start3A_133 : memref<1x128xi32, #tpu.memory_space<vmem>> -> memref<128xi32, #tpu.memory_space<vmem>>
      %dma_start3A_135 = arith.constant 0 : i32
      %dma_start3A_136 = arith.constant 0 : i32
      %dma_start3A_137 = tpu.memref_slice %arg2[%dma_start3A_135, %dma_start3A_136] : memref<10240x128xf32, #tpu.memory_space<hbm>> -> memref<10240x128xf32, #tpu.memory_space<hbm>>
      tpu.enqueue_indirect_dma source(%dma_start3A_137 : memref<10240x128xf32, #tpu.memory_space<hbm>>) target(%arg8 : memref<128x128xf32, #tpu.memory_space<vmem>>) offsets(%dma_start3A_134 : memref<128xi32, #tpu.memory_space<vmem>>) semaphore(%arg10 : memref<!tpu.dma_semaphore, #tpu.memory_space<semaphore_mem>>)
      %mul3A_138 = arith.constant 2 : i32
      %mul3A_139 = arith.muli %mul3A_138, %scan3A_117 : i32
      %add3A_140 = arith.constant 1 : i32
      %add3A_141 = arith.addi %mul3A_139, %add3A_140 : i32
      %dma_wait3A_142 = arith.constant 0 : i32
      %dma_wait3A_143 = tpu.memref_slice %arg6[%add3A_141, %dma_wait3A_142] : memref<40x128xi32, #tpu.memory_space<vmem>> -> memref<1x128xi32, #tpu.memory_space<vmem>>
      %dma_wait3A_144 = tpu.memref_squeeze %dma_wait3A_143 : memref<1x128xi32, #tpu.memory_space<vmem>> -> memref<128xi32, #tpu.memory_space<vmem>>
      %dma_wait3A_145 = arith.constant 0 : i32
      %dma_wait3A_146 = arith.constant 0 : i32
      %dma_wait3A_147 = tpu.memref_slice %arg2[%dma_wait3A_145, %dma_wait3A_146] : memref<10240x128xf32, #tpu.memory_space<hbm>> -> memref<10240x128xf32, #tpu.memory_space<hbm>>
      tpu.wait_indirect_dma semaphore(%arg11 : memref<!tpu.dma_semaphore, #tpu.memory_space<semaphore_mem>>) src(%dma_wait3A_147 : memref<10240x128xf32, #tpu.memory_space<hbm>>) dst(%arg9 : memref<128x128xf32, #tpu.memory_space<vmem>>)
      "tpu.region"() ({
        %run_scoped3A = tpu.sem_alloc : memref<!tpu.dma_semaphore, #tpu.memory_space<semaphore_mem>>
        %dma_start3A_159 = arith.constant 0 : i32
        %dma_start3A_160 = tpu.memref_slice %arg7[%add3A_141, %dma_start3A_159] : memref<40x128xi32, #tpu.memory_space<vmem>> -> memref<1x128xi32, #tpu.memory_space<vmem>>
        %dma_start3A_161 = tpu.memref_squeeze %dma_start3A_160 : memref<1x128xi32, #tpu.memory_space<vmem>> -> memref<128xi32, #tpu.memory_space<vmem>>
        %dma_start3A_162 = arith.constant 0 : i32
        %dma_start3A_163 = arith.constant 0 : i32
        %dma_start3A_164 = tpu.memref_slice %arg12[%dma_start3A_162, %dma_start3A_163] : memref<10240x128xf32, #tpu.memory_space<vmem_shared>> -> memref<10240x128xf32, #tpu.memory_space<vmem_shared>>
        tpu.enqueue_indirect_dma source(%arg9 : memref<128x128xf32, #tpu.memory_space<vmem>>) target(%dma_start3A_164 : memref<10240x128xf32, #tpu.memory_space<vmem_shared>>) offsets(%dma_start3A_161 : memref<128xi32, #tpu.memory_space<vmem>>) semaphore(%run_scoped3A : memref<!tpu.dma_semaphore, #tpu.memory_space<semaphore_mem>>) {add = true}
        %dma_wait3A_165 = arith.constant 0 : i32
        %dma_wait3A_166 = tpu.memref_slice %arg7[%add3A_141, %dma_wait3A_165] : memref<40x128xi32, #tpu.memory_space<vmem>> -> memref<1x128xi32, #tpu.memory_space<vmem>>
        %dma_wait3A_167 = tpu.memref_squeeze %dma_wait3A_166 : memref<1x128xi32, #tpu.memory_space<vmem>> -> memref<128xi32, #tpu.memory_space<vmem>>
        %dma_wait3A_168 = arith.constant 0 : i32
        %dma_wait3A_169 = arith.constant 0 : i32
        %dma_wait3A_170 = tpu.memref_slice %arg12[%dma_wait3A_168, %dma_wait3A_169] : memref<10240x128xf32, #tpu.memory_space<vmem_shared>> -> memref<10240x128xf32, #tpu.memory_space<vmem_shared>>
        tpu.wait_indirect_dma semaphore(%run_scoped3A : memref<!tpu.dma_semaphore, #tpu.memory_space<semaphore_mem>>) src(%arg9 : memref<128x128xf32, #tpu.memory_space<vmem>>) dst(%dma_wait3A_170 : memref<10240x128xf32, #tpu.memory_space<vmem_shared>>)
        tpu.yield
      }) : () -> ()
      %add3A_148 = arith.constant 2 : i32
      %add3A_149 = arith.addi %add3A_141, %add3A_148 : i32
      %min3A_150 = arith.constant 39 : i32
      %min3A_151 = arith.minsi %add3A_149, %min3A_150 : i32
      %dma_start3A_152 = arith.constant 0 : i32
      %dma_start3A_153 = tpu.memref_slice %arg6[%min3A_151, %dma_start3A_152] : memref<40x128xi32, #tpu.memory_space<vmem>> -> memref<1x128xi32, #tpu.memory_space<vmem>>
      %dma_start3A_154 = tpu.memref_squeeze %dma_start3A_153 : memref<1x128xi32, #tpu.memory_space<vmem>> -> memref<128xi32, #tpu.memory_space<vmem>>
      %dma_start3A_155 = arith.constant 0 : i32
      %dma_start3A_156 = arith.constant 0 : i32
      %dma_start3A_157 = tpu.memref_slice %arg2[%dma_start3A_155, %dma_start3A_156] : memref<10240x128xf32, #tpu.memory_space<hbm>> -> memref<10240x128xf32, #tpu.memory_space<hbm>>
      tpu.enqueue_indirect_dma source(%dma_start3A_157 : memref<10240x128xf32, #tpu.memory_space<hbm>>) target(%arg9 : memref<128x128xf32, #tpu.memory_space<vmem>>) offsets(%dma_start3A_154 : memref<128xi32, #tpu.memory_space<vmem>>) semaphore(%arg11 : memref<!tpu.dma_semaphore, #tpu.memory_space<semaphore_mem>>)
      %scan3A_158 = arith.constant 0 : i32
      scf.yield %scan3A_158 : i32
    }
    %scan3A_81 = arith.constant 20 : i32
    %dma_wait3A_82 = arith.constant 39 : i32
    %dma_wait3A_83 = arith.constant 0 : i32
    %dma_wait3A_84 = tpu.memref_slice %arg6[%dma_wait3A_82, %dma_wait3A_83] : memref<40x128xi32, #tpu.memory_space<vmem>> -> memref<1x128xi32, #tpu.memory_space<vmem>>
    %dma_wait3A_85 = tpu.memref_squeeze %dma_wait3A_84 : memref<1x128xi32, #tpu.memory_space<vmem>> -> memref<128xi32, #tpu.memory_space<vmem>>
    %dma_wait3A_86 = arith.constant 0 : i32
    %dma_wait3A_87 = arith.constant 0 : i32
    %dma_wait3A_88 = tpu.memref_slice %arg2[%dma_wait3A_86, %dma_wait3A_87] : memref<10240x128xf32, #tpu.memory_space<hbm>> -> memref<10240x128xf32, #tpu.memory_space<hbm>>
    tpu.wait_indirect_dma semaphore(%arg10 : memref<!tpu.dma_semaphore, #tpu.memory_space<semaphore_mem>>) src(%dma_wait3A_88 : memref<10240x128xf32, #tpu.memory_space<hbm>>) dst(%arg8 : memref<128x128xf32, #tpu.memory_space<vmem>>)
    %dma_wait3A_89 = arith.constant 39 : i32
    %dma_wait3A_90 = arith.constant 0 : i32
    %dma_wait3A_91 = tpu.memref_slice %arg6[%dma_wait3A_89, %dma_wait3A_90] : memref<40x128xi32, #tpu.memory_space<vmem>> -> memref<1x128xi32, #tpu.memory_space<vmem>>
    %dma_wait3A_92 = tpu.memref_squeeze %dma_wait3A_91 : memref<1x128xi32, #tpu.memory_space<vmem>> -> memref<128xi32, #tpu.memory_space<vmem>>
    %dma_wait3A_93 = arith.constant 0 : i32
    %dma_wait3A_94 = arith.constant 0 : i32
    %dma_wait3A_95 = tpu.memref_slice %arg2[%dma_wait3A_93, %dma_wait3A_94] : memref<10240x128xf32, #tpu.memory_space<hbm>> -> memref<10240x128xf32, #tpu.memory_space<hbm>>
    tpu.wait_indirect_dma semaphore(%arg11 : memref<!tpu.dma_semaphore, #tpu.memory_space<semaphore_mem>>) src(%dma_wait3A_95 : memref<10240x128xf32, #tpu.memory_space<hbm>>) dst(%arg9 : memref<128x128xf32, #tpu.memory_space<vmem>>)
    %barrier3A_96 = arith.constant 0 : index
    tpu.barrier barrier_id(%barrier3A_96)
    %mul3A_97 = arith.constant 640 : i32
    %mul3A_98 = arith.muli %arg1, %mul3A_97 : i32
    %add3A_99 = arith.constant 0 : i32
    %add3A_100 = arith.addi %mul3A_98, %add3A_99 : i32
    "tpu.region"() ({
      %run_scoped3A = tpu.sem_alloc : memref<!tpu.dma_semaphore, #tpu.memory_space<semaphore_mem>>
      %dma_start3A_117 = arith.constant 0 : i32
      %dma_start3A_118 = tpu.memref_slice %arg12[%add3A_100, %dma_start3A_117] : memref<10240x128xf32, #tpu.memory_space<vmem_shared>> -> memref<128x128xf32, #tpu.memory_space<vmem_shared>>
      %dma_start3A_119 = arith.constant 0 : i32
      %dma_start3A_120 = tpu.memref_slice %arg12[%add3A_100, %dma_start3A_119] : memref<10240x128xf32, #tpu.memory_space<vmem_shared>> -> memref<128x128xf32, #tpu.memory_space<vmem_shared>>
      tpu.enqueue_dma source(%dma_start3A_120 : memref<128x128xf32, #tpu.memory_space<vmem_shared>>) target(%arg8 : memref<128x128xf32, #tpu.memory_space<vmem>>) target_semaphore(%run_scoped3A : memref<!tpu.dma_semaphore, #tpu.memory_space<semaphore_mem>>)
      %dma_wait3A_121 = arith.constant 0 : i32
      %dma_wait3A_122 = tpu.memref_slice %arg12[%add3A_100, %dma_wait3A_121] : memref<10240x128xf32, #tpu.memory_space<vmem_shared>> -> memref<128x128xf32, #tpu.memory_space<vmem_shared>>
      %dma_wait3A_123 = arith.constant 0 : i32
      %dma_wait3A_124 = tpu.memref_slice %arg12[%add3A_100, %dma_wait3A_123] : memref<10240x128xf32, #tpu.memory_space<vmem_shared>> -> memref<128x128xf32, #tpu.memory_space<vmem_shared>>
      tpu.wait_dma2 semaphore(%run_scoped3A : memref<!tpu.dma_semaphore, #tpu.memory_space<semaphore_mem>>) src(%dma_wait3A_124 : memref<128x128xf32, #tpu.memory_space<vmem_shared>>) dst(%arg8 : memref<128x128xf32, #tpu.memory_space<vmem>>)
      tpu.yield
    }) : () -> ()
    "tpu.region"() ({
      %run_scoped3A = tpu.sem_alloc : memref<!tpu.dma_semaphore, #tpu.memory_space<semaphore_mem>>
      %dma_start3A_117 = arith.constant 0 : i32
      %dma_start3A_118 = tpu.memref_slice %arg5[%arg0, %add3A_100, %dma_start3A_117] : memref<2x10240x128xf32, #tpu.memory_space<hbm>> -> memref<1x128x128xf32, #tpu.memory_space<hbm>>
      %dma_start3A_119 = tpu.memref_squeeze %dma_start3A_118 : memref<1x128x128xf32, #tpu.memory_space<hbm>> -> memref<128x128xf32, #tpu.memory_space<hbm>>
      %dma_start3A_120 = arith.constant 0 : i32
      %dma_start3A_121 = tpu.memref_slice %arg5[%arg0, %add3A_100, %dma_start3A_120] : memref<2x10240x128xf32, #tpu.memory_space<hbm>> -> memref<1x128x128xf32, #tpu.memory_space<hbm>>
      %dma_start3A_122 = tpu.memref_squeeze %dma_start3A_121 : memref<1x128x128xf32, #tpu.memory_space<hbm>> -> memref<128x128xf32, #tpu.memory_space<hbm>>
      tpu.enqueue_dma source(%arg8 : memref<128x128xf32, #tpu.memory_space<vmem>>) target(%dma_start3A_122 : memref<128x128xf32, #tpu.memory_space<hbm>>) target_semaphore(%run_scoped3A : memref<!tpu.dma_semaphore, #tpu.memory_space<semaphore_mem>>)
      %dma_wait3A_123 = arith.constant 0 : i32
      %dma_wait3A_124 = tpu.memref_slice %arg5[%arg0, %add3A_100, %dma_wait3A_123] : memref<2x10240x128xf32, #tpu.memory_space<hbm>> -> memref<1x128x128xf32, #tpu.memory_space<hbm>>
      %dma_wait3A_125 = tpu.memref_squeeze %dma_wait3A_124 : memref<1x128x128xf32, #tpu.memory_space<hbm>> -> memref<128x128xf32, #tpu.memory_space<hbm>>
      %dma_wait3A_126 = arith.constant 0 : i32
      %dma_wait3A_127 = tpu.memref_slice %arg5[%arg0, %add3A_100, %dma_wait3A_126] : memref<2x10240x128xf32, #tpu.memory_space<hbm>> -> memref<1x128x128xf32, #tpu.memory_space<hbm>>
      %dma_wait3A_128 = tpu.memref_squeeze %dma_wait3A_127 : memref<1x128x128xf32, #tpu.memory_space<hbm>> -> memref<128x128xf32, #tpu.memory_space<hbm>>
      tpu.wait_dma2 semaphore(%run_scoped3A : memref<!tpu.dma_semaphore, #tpu.memory_space<semaphore_mem>>) src(%arg8 : memref<128x128xf32, #tpu.memory_space<vmem>>) dst(%dma_wait3A_128 : memref<128x128xf32, #tpu.memory_space<hbm>>)
      tpu.yield
    }) : () -> ()
    %mul3A_101 = arith.constant 640 : i32
    %mul3A_102 = arith.muli %arg1, %mul3A_101 : i32
    %add3A_103 = arith.constant 128 : i32
    %add3A_104 = arith.addi %mul3A_102, %add3A_103 : i32
    "tpu.region"() ({
      %run_scoped3A = tpu.sem_alloc : memref<!tpu.dma_semaphore, #tpu.memory_space<semaphore_mem>>
      %dma_start3A_117 = arith.constant 0 : i32
      %dma_start3A_118 = tpu.memref_slice %arg12[%add3A_104, %dma_start3A_117] : memref<10240x128xf32, #tpu.memory_space<vmem_shared>> -> memref<128x128xf32, #tpu.memory_space<vmem_shared>>
      %dma_start3A_119 = arith.constant 0 : i32
      %dma_start3A_120 = tpu.memref_slice %arg12[%add3A_104, %dma_start3A_119] : memref<10240x128xf32, #tpu.memory_space<vmem_shared>> -> memref<128x128xf32, #tpu.memory_space<vmem_shared>>
      tpu.enqueue_dma source(%dma_start3A_120 : memref<128x128xf32, #tpu.memory_space<vmem_shared>>) target(%arg8 : memref<128x128xf32, #tpu.memory_space<vmem>>) target_semaphore(%run_scoped3A : memref<!tpu.dma_semaphore, #tpu.memory_space<semaphore_mem>>)
      %dma_wait3A_121 = arith.constant 0 : i32
      %dma_wait3A_122 = tpu.memref_slice %arg12[%add3A_104, %dma_wait3A_121] : memref<10240x128xf32, #tpu.memory_space<vmem_shared>> -> memref<128x128xf32, #tpu.memory_space<vmem_shared>>
      %dma_wait3A_123 = arith.constant 0 : i32
      %dma_wait3A_124 = tpu.memref_slice %arg12[%add3A_104, %dma_wait3A_123] : memref<10240x128xf32, #tpu.memory_space<vmem_shared>> -> memref<128x128xf32, #tpu.memory_space<vmem_shared>>
      tpu.wait_dma2 semaphore(%run_scoped3A : memref<!tpu.dma_semaphore, #tpu.memory_space<semaphore_mem>>) src(%dma_wait3A_124 : memref<128x128xf32, #tpu.memory_space<vmem_shared>>) dst(%arg8 : memref<128x128xf32, #tpu.memory_space<vmem>>)
      tpu.yield
    }) : () -> ()
    "tpu.region"() ({
      %run_scoped3A = tpu.sem_alloc : memref<!tpu.dma_semaphore, #tpu.memory_space<semaphore_mem>>
      %dma_start3A_117 = arith.constant 0 : i32
      %dma_start3A_118 = tpu.memref_slice %arg5[%arg0, %add3A_104, %dma_start3A_117] : memref<2x10240x128xf32, #tpu.memory_space<hbm>> -> memref<1x128x128xf32, #tpu.memory_space<hbm>>
      %dma_start3A_119 = tpu.memref_squeeze %dma_start3A_118 : memref<1x128x128xf32, #tpu.memory_space<hbm>> -> memref<128x128xf32, #tpu.memory_space<hbm>>
      %dma_start3A_120 = arith.constant 0 : i32
      %dma_start3A_121 = tpu.memref_slice %arg5[%arg0, %add3A_104, %dma_start3A_120] : memref<2x10240x128xf32, #tpu.memory_space<hbm>> -> memref<1x128x128xf32, #tpu.memory_space<hbm>>
      %dma_start3A_122 = tpu.memref_squeeze %dma_start3A_121 : memref<1x128x128xf32, #tpu.memory_space<hbm>> -> memref<128x128xf32, #tpu.memory_space<hbm>>
      tpu.enqueue_dma source(%arg8 : memref<128x128xf32, #tpu.memory_space<vmem>>) target(%dma_start3A_122 : memref<128x128xf32, #tpu.memory_space<hbm>>) target_semaphore(%run_scoped3A : memref<!tpu.dma_semaphore, #tpu.memory_space<semaphore_mem>>)
      %dma_wait3A_123 = arith.constant 0 : i32
      %dma_wait3A_124 = tpu.memref_slice %arg5[%arg0, %add3A_104, %dma_wait3A_123] : memref<2x10240x128xf32, #tpu.memory_space<hbm>> -> memref<1x128x128xf32, #tpu.memory_space<hbm>>
      %dma_wait3A_125 = tpu.memref_squeeze %dma_wait3A_124 : memref<1x128x128xf32, #tpu.memory_space<hbm>> -> memref<128x128xf32, #tpu.memory_space<hbm>>
      %dma_wait3A_126 = arith.constant 0 : i32
      %dma_wait3A_127 = tpu.memref_slice %arg5[%arg0, %add3A_104, %dma_wait3A_126] : memref<2x10240x128xf32, #tpu.memory_space<hbm>> -> memref<1x128x128xf32, #tpu.memory_space<hbm>>
      %dma_wait3A_128 = tpu.memref_squeeze %dma_wait3A_127 : memref<1x128x128xf32, #tpu.memory_space<hbm>> -> memref<128x128xf32, #tpu.memory_space<hbm>>
      tpu.wait_dma2 semaphore(%run_scoped3A : memref<!tpu.dma_semaphore, #tpu.memory_space<semaphore_mem>>) src(%arg8 : memref<128x128xf32, #tpu.memory_space<vmem>>) dst(%dma_wait3A_128 : memref<128x128xf32, #tpu.memory_space<hbm>>)
      tpu.yield
    }) : () -> ()
    %mul3A_105 = arith.constant 640 : i32
    %mul3A_106 = arith.muli %arg1, %mul3A_105 : i32
    %add3A_107 = arith.constant 256 : i32
    %add3A_108 = arith.addi %mul3A_106, %add3A_107 : i32
    "tpu.region"() ({
      %run_scoped3A = tpu.sem_alloc : memref<!tpu.dma_semaphore, #tpu.memory_space<semaphore_mem>>
      %dma_start3A_117 = arith.constant 0 : i32
      %dma_start3A_118 = tpu.memref_slice %arg12[%add3A_108, %dma_start3A_117] : memref<10240x128xf32, #tpu.memory_space<vmem_shared>> -> memref<128x128xf32, #tpu.memory_space<vmem_shared>>
      %dma_start3A_119 = arith.constant 0 : i32
      %dma_start3A_120 = tpu.memref_slice %arg12[%add3A_108, %dma_start3A_119] : memref<10240x128xf32, #tpu.memory_space<vmem_shared>> -> memref<128x128xf32, #tpu.memory_space<vmem_shared>>
      tpu.enqueue_dma source(%dma_start3A_120 : memref<128x128xf32, #tpu.memory_space<vmem_shared>>) target(%arg8 : memref<128x128xf32, #tpu.memory_space<vmem>>) target_semaphore(%run_scoped3A : memref<!tpu.dma_semaphore, #tpu.memory_space<semaphore_mem>>)
      %dma_wait3A_121 = arith.constant 0 : i32
      %dma_wait3A_122 = tpu.memref_slice %arg12[%add3A_108, %dma_wait3A_121] : memref<10240x128xf32, #tpu.memory_space<vmem_shared>> -> memref<128x128xf32, #tpu.memory_space<vmem_shared>>
      %dma_wait3A_123 = arith.constant 0 : i32
      %dma_wait3A_124 = tpu.memref_slice %arg12[%add3A_108, %dma_wait3A_123] : memref<10240x128xf32, #tpu.memory_space<vmem_shared>> -> memref<128x128xf32, #tpu.memory_space<vmem_shared>>
      tpu.wait_dma2 semaphore(%run_scoped3A : memref<!tpu.dma_semaphore, #tpu.memory_space<semaphore_mem>>) src(%dma_wait3A_124 : memref<128x128xf32, #tpu.memory_space<vmem_shared>>) dst(%arg8 : memref<128x128xf32, #tpu.memory_space<vmem>>)
      tpu.yield
    }) : () -> ()
    "tpu.region"() ({
      %run_scoped3A = tpu.sem_alloc : memref<!tpu.dma_semaphore, #tpu.memory_space<semaphore_mem>>
      %dma_start3A_117 = arith.constant 0 : i32
      %dma_start3A_118 = tpu.memref_slice %arg5[%arg0, %add3A_108, %dma_start3A_117] : memref<2x10240x128xf32, #tpu.memory_space<hbm>> -> memref<1x128x128xf32, #tpu.memory_space<hbm>>
      %dma_start3A_119 = tpu.memref_squeeze %dma_start3A_118 : memref<1x128x128xf32, #tpu.memory_space<hbm>> -> memref<128x128xf32, #tpu.memory_space<hbm>>
      %dma_start3A_120 = arith.constant 0 : i32
      %dma_start3A_121 = tpu.memref_slice %arg5[%arg0, %add3A_108, %dma_start3A_120] : memref<2x10240x128xf32, #tpu.memory_space<hbm>> -> memref<1x128x128xf32, #tpu.memory_space<hbm>>
      %dma_start3A_122 = tpu.memref_squeeze %dma_start3A_121 : memref<1x128x128xf32, #tpu.memory_space<hbm>> -> memref<128x128xf32, #tpu.memory_space<hbm>>
      tpu.enqueue_dma source(%arg8 : memref<128x128xf32, #tpu.memory_space<vmem>>) target(%dma_start3A_122 : memref<128x128xf32, #tpu.memory_space<hbm>>) target_semaphore(%run_scoped3A : memref<!tpu.dma_semaphore, #tpu.memory_space<semaphore_mem>>)
      %dma_wait3A_123 = arith.constant 0 : i32
      %dma_wait3A_124 = tpu.memref_slice %arg5[%arg0, %add3A_108, %dma_wait3A_123] : memref<2x10240x128xf32, #tpu.memory_space<hbm>> -> memref<1x128x128xf32, #tpu.memory_space<hbm>>
      %dma_wait3A_125 = tpu.memref_squeeze %dma_wait3A_124 : memref<1x128x128xf32, #tpu.memory_space<hbm>> -> memref<128x128xf32, #tpu.memory_space<hbm>>
      %dma_wait3A_126 = arith.constant 0 : i32
      %dma_wait3A_127 = tpu.memref_slice %arg5[%arg0, %add3A_108, %dma_wait3A_126] : memref<2x10240x128xf32, #tpu.memory_space<hbm>> -> memref<1x128x128xf32, #tpu.memory_space<hbm>>
      %dma_wait3A_128 = tpu.memref_squeeze %dma_wait3A_127 : memref<1x128x128xf32, #tpu.memory_space<hbm>> -> memref<128x128xf32, #tpu.memory_space<hbm>>
      tpu.wait_dma2 semaphore(%run_scoped3A : memref<!tpu.dma_semaphore, #tpu.memory_space<semaphore_mem>>) src(%arg8 : memref<128x128xf32, #tpu.memory_space<vmem>>) dst(%dma_wait3A_128 : memref<128x128xf32, #tpu.memory_space<hbm>>)
      tpu.yield
    }) : () -> ()
    %mul3A_109 = arith.constant 640 : i32
    %mul3A_110 = arith.muli %arg1, %mul3A_109 : i32
    %add3A_111 = arith.constant 384 : i32
    %add3A_112 = arith.addi %mul3A_110, %add3A_111 : i32
    "tpu.region"() ({
      %run_scoped3A = tpu.sem_alloc : memref<!tpu.dma_semaphore, #tpu.memory_space<semaphore_mem>>
      %dma_start3A_117 = arith.constant 0 : i32
      %dma_start3A_118 = tpu.memref_slice %arg12[%add3A_112, %dma_start3A_117] : memref<10240x128xf32, #tpu.memory_space<vmem_shared>> -> memref<128x128xf32, #tpu.memory_space<vmem_shared>>
      %dma_start3A_119 = arith.constant 0 : i32
      %dma_start3A_120 = tpu.memref_slice %arg12[%add3A_112, %dma_start3A_119] : memref<10240x128xf32, #tpu.memory_space<vmem_shared>> -> memref<128x128xf32, #tpu.memory_space<vmem_shared>>
      tpu.enqueue_dma source(%dma_start3A_120 : memref<128x128xf32, #tpu.memory_space<vmem_shared>>) target(%arg8 : memref<128x128xf32, #tpu.memory_space<vmem>>) target_semaphore(%run_scoped3A : memref<!tpu.dma_semaphore, #tpu.memory_space<semaphore_mem>>)
      %dma_wait3A_121 = arith.constant 0 : i32
      %dma_wait3A_122 = tpu.memref_slice %arg12[%add3A_112, %dma_wait3A_121] : memref<10240x128xf32, #tpu.memory_space<vmem_shared>> -> memref<128x128xf32, #tpu.memory_space<vmem_shared>>
      %dma_wait3A_123 = arith.constant 0 : i32
      %dma_wait3A_124 = tpu.memref_slice %arg12[%add3A_112, %dma_wait3A_123] : memref<10240x128xf32, #tpu.memory_space<vmem_shared>> -> memref<128x128xf32, #tpu.memory_space<vmem_shared>>
      tpu.wait_dma2 semaphore(%run_scoped3A : memref<!tpu.dma_semaphore, #tpu.memory_space<semaphore_mem>>) src(%dma_wait3A_124 : memref<128x128xf32, #tpu.memory_space<vmem_shared>>) dst(%arg8 : memref<128x128xf32, #tpu.memory_space<vmem>>)
      tpu.yield
    }) : () -> ()
    "tpu.region"() ({
      %run_scoped3A = tpu.sem_alloc : memref<!tpu.dma_semaphore, #tpu.memory_space<semaphore_mem>>
      %dma_start3A_117 = arith.constant 0 : i32
      %dma_start3A_118 = tpu.memref_slice %arg5[%arg0, %add3A_112, %dma_start3A_117] : memref<2x10240x128xf32, #tpu.memory_space<hbm>> -> memref<1x128x128xf32, #tpu.memory_space<hbm>>
      %dma_start3A_119 = tpu.memref_squeeze %dma_start3A_118 : memref<1x128x128xf32, #tpu.memory_space<hbm>> -> memref<128x128xf32, #tpu.memory_space<hbm>>
      %dma_start3A_120 = arith.constant 0 : i32
      %dma_start3A_121 = tpu.memref_slice %arg5[%arg0, %add3A_112, %dma_start3A_120] : memref<2x10240x128xf32, #tpu.memory_space<hbm>> -> memref<1x128x128xf32, #tpu.memory_space<hbm>>
      %dma_start3A_122 = tpu.memref_squeeze %dma_start3A_121 : memref<1x128x128xf32, #tpu.memory_space<hbm>> -> memref<128x128xf32, #tpu.memory_space<hbm>>
      tpu.enqueue_dma source(%arg8 : memref<128x128xf32, #tpu.memory_space<vmem>>) target(%dma_start3A_122 : memref<128x128xf32, #tpu.memory_space<hbm>>) target_semaphore(%run_scoped3A : memref<!tpu.dma_semaphore, #tpu.memory_space<semaphore_mem>>)
      %dma_wait3A_123 = arith.constant 0 : i32
      %dma_wait3A_124 = tpu.memref_slice %arg5[%arg0, %add3A_112, %dma_wait3A_123] : memref<2x10240x128xf32, #tpu.memory_space<hbm>> -> memref<1x128x128xf32, #tpu.memory_space<hbm>>
      %dma_wait3A_125 = tpu.memref_squeeze %dma_wait3A_124 : memref<1x128x128xf32, #tpu.memory_space<hbm>> -> memref<128x128xf32, #tpu.memory_space<hbm>>
      %dma_wait3A_126 = arith.constant 0 : i32
      %dma_wait3A_127 = tpu.memref_slice %arg5[%arg0, %add3A_112, %dma_wait3A_126] : memref<2x10240x128xf32, #tpu.memory_space<hbm>> -> memref<1x128x128xf32, #tpu.memory_space<hbm>>
      %dma_wait3A_128 = tpu.memref_squeeze %dma_wait3A_127 : memref<1x128x128xf32, #tpu.memory_space<hbm>> -> memref<128x128xf32, #tpu.memory_space<hbm>>
      tpu.wait_dma2 semaphore(%run_scoped3A : memref<!tpu.dma_semaphore, #tpu.memory_space<semaphore_mem>>) src(%arg8 : memref<128x128xf32, #tpu.memory_space<vmem>>) dst(%dma_wait3A_128 : memref<128x128xf32, #tpu.memory_space<hbm>>)
      tpu.yield
    }) : () -> ()
    %mul3A_113 = arith.constant 640 : i32
    %mul3A_114 = arith.muli %arg1, %mul3A_113 : i32
    %add3A_115 = arith.constant 512 : i32
    %add3A_116 = arith.addi %mul3A_114, %add3A_115 : i32
    "tpu.region"() ({
      %run_scoped3A = tpu.sem_alloc : memref<!tpu.dma_semaphore, #tpu.memory_space<semaphore_mem>>
      %dma_start3A_117 = arith.constant 0 : i32
      %dma_start3A_118 = tpu.memref_slice %arg12[%add3A_116, %dma_start3A_117] : memref<10240x128xf32, #tpu.memory_space<vmem_shared>> -> memref<128x128xf32, #tpu.memory_space<vmem_shared>>
      %dma_start3A_119 = arith.constant 0 : i32
      %dma_start3A_120 = tpu.memref_slice %arg12[%add3A_116, %dma_start3A_119] : memref<10240x128xf32, #tpu.memory_space<vmem_shared>> -> memref<128x128xf32, #tpu.memory_space<vmem_shared>>
      tpu.enqueue_dma source(%dma_start3A_120 : memref<128x128xf32, #tpu.memory_space<vmem_shared>>) target(%arg8 : memref<128x128xf32, #tpu.memory_space<vmem>>) target_semaphore(%run_scoped3A : memref<!tpu.dma_semaphore, #tpu.memory_space<semaphore_mem>>)
      %dma_wait3A_121 = arith.constant 0 : i32
      %dma_wait3A_122 = tpu.memref_slice %arg12[%add3A_116, %dma_wait3A_121] : memref<10240x128xf32, #tpu.memory_space<vmem_shared>> -> memref<128x128xf32, #tpu.memory_space<vmem_shared>>
      %dma_wait3A_123 = arith.constant 0 : i32
      %dma_wait3A_124 = tpu.memref_slice %arg12[%add3A_116, %dma_wait3A_123] : memref<10240x128xf32, #tpu.memory_space<vmem_shared>> -> memref<128x128xf32, #tpu.memory_space<vmem_shared>>
      tpu.wait_dma2 semaphore(%run_scoped3A : memref<!tpu.dma_semaphore, #tpu.memory_space<semaphore_mem>>) src(%dma_wait3A_124 : memref<128x128xf32, #tpu.memory_space<vmem_shared>>) dst(%arg8 : memref<128x128xf32, #tpu.memory_space<vmem>>)
      tpu.yield
    }) : () -> ()
    "tpu.region"() ({
      %run_scoped3A = tpu.sem_alloc : memref<!tpu.dma_semaphore, #tpu.memory_space<semaphore_mem>>
      %dma_start3A_117 = arith.constant 0 : i32
      %dma_start3A_118 = tpu.memref_slice %arg5[%arg0, %add3A_116, %dma_start3A_117] : memref<2x10240x128xf32, #tpu.memory_space<hbm>> -> memref<1x128x128xf32, #tpu.memory_space<hbm>>
      %dma_start3A_119 = tpu.memref_squeeze %dma_start3A_118 : memref<1x128x128xf32, #tpu.memory_space<hbm>> -> memref<128x128xf32, #tpu.memory_space<hbm>>
      %dma_start3A_120 = arith.constant 0 : i32
      %dma_start3A_121 = tpu.memref_slice %arg5[%arg0, %add3A_116, %dma_start3A_120] : memref<2x10240x128xf32, #tpu.memory_space<hbm>> -> memref<1x128x128xf32, #tpu.memory_space<hbm>>
      %dma_start3A_122 = tpu.memref_squeeze %dma_start3A_121 : memref<1x128x128xf32, #tpu.memory_space<hbm>> -> memref<128x128xf32, #tpu.memory_space<hbm>>
      tpu.enqueue_dma source(%arg8 : memref<128x128xf32, #tpu.memory_space<vmem>>) target(%dma_start3A_122 : memref<128x128xf32, #tpu.memory_space<hbm>>) target_semaphore(%run_scoped3A : memref<!tpu.dma_semaphore, #tpu.memory_space<semaphore_mem>>)
      %dma_wait3A_123 = arith.constant 0 : i32
      %dma_wait3A_124 = tpu.memref_slice %arg5[%arg0, %add3A_116, %dma_wait3A_123] : memref<2x10240x128xf32, #tpu.memory_space<hbm>> -> memref<1x128x128xf32, #tpu.memory_space<hbm>>
      %dma_wait3A_125 = tpu.memref_squeeze %dma_wait3A_124 : memref<1x128x128xf32, #tpu.memory_space<hbm>> -> memref<128x128xf32, #tpu.memory_space<hbm>>
      %dma_wait3A_126 = arith.constant 0 : i32
      %dma_wait3A_127 = tpu.memref_slice %arg5[%arg0, %add3A_116, %dma_wait3A_126] : memref<2x10240x128xf32, #tpu.memory_space<hbm>> -> memref<1x128x128xf32, #tpu.memory_space<hbm>>
      %dma_wait3A_128 = tpu.memref_squeeze %dma_wait3A_127 : memref<1x128x128xf32, #tpu.memory_space<hbm>> -> memref<128x128xf32, #tpu.memory_space<hbm>>
      tpu.wait_dma2 semaphore(%run_scoped3A : memref<!tpu.dma_semaphore, #tpu.memory_space<semaphore_mem>>) src(%arg8 : memref<128x128xf32, #tpu.memory_space<vmem>>) dst(%dma_wait3A_128 : memref<128x128xf32, #tpu.memory_space<hbm>>)
      tpu.yield
    }) : () -> ()
    return
  }
}

#map = affine_map<(d0, d1) -> (0, 0)>
#map1 = affine_map<(d0, d1) -> (0, 0, 0)>
module attributes {stable_mosaic.version = 14 : i64} {
  func.func @sc_conv_agg(%arg0: i32, %arg1: i32, %arg2: memref<10240x128xf32, #tpu.memory_space<hbm>>, %arg3: memref<32x80x128xi32, #tpu.memory_space<hbm>>, %arg4: memref<32x80x128xi32, #tpu.memory_space<hbm>>, %arg5: memref<2x10240x128xf32, #tpu.memory_space<hbm>>, %arg6: memref<40x128xi32, #tpu.memory_space<vmem>>, %arg7: memref<40x128xi32, #tpu.memory_space<vmem>>, %arg8: memref<128x128xf32, #tpu.memory_space<vmem>>, %arg9: memref<128x128xf32, #tpu.memory_space<vmem>>, %arg10: memref<!tpu.dma_semaphore, #tpu.memory_space<semaphore_mem>>, %arg11: memref<!tpu.dma_semaphore, #tpu.memory_space<semaphore_mem>>, %arg12: memref<10240x128xf32, #tpu.memory_space<vmem_shared>>) attributes {dimension_semantics = [#tpu.dimension_semantics<core_parallel>, #tpu.dimension_semantics<subcore_parallel>], iteration_bounds = array<i64: 2, 16>, scalar_prefetch = 0 : i64, scratch_operands = 7 : i64, tpu.core_type = #tpu.core_type<sc_vector_subcore>, window_params = [{transform_indices = #map}, {transform_indices = #map1}, {transform_indices = #map1}, {transform_indices = #map1}]} {
    %mul3A = arith.constant 16 : i32
    %mul3A_0 = arith.muli %arg0, %mul3A : i32
    %add3A = arith.addi %mul3A_0, %arg1 : i32
    %broadcast_in_dim3A = arith.constant 0.000000e+00 : f32
    %broadcast_in_dim3A_1 = vector.broadcast %broadcast_in_dim3A : f32 to vector<16xf32>
    %scan3A = arith.constant 0 : i32
    %scan3A_2 = arith.constant 0 : i32
    %scan3A_3 = arith.constant 128 : i32
    %scan3A_4 = arith.addi %scan3A_2, %scan3A_3 : i32
    %scan3A_5 = arith.constant 1 : i32
    %scan3A_6 = scf.for %scan3A_117 = %scan3A_2 to %scan3A_4 step %scan3A_5 iter_args(%scan3A_118 = %scan3A) -> (i32)  : i32 {
      %swap3A = arith.index_cast %scan3A_117 : i32 to index
      %swap3A_119 = arith.constant 0 : index
      %swap3A_120 = tpu.vector_load %arg8[%swap3A, %swap3A_119] {strides = array<i32>} : memref<128x128xf32, #tpu.memory_space<vmem>>, vector<1x16xf32>,
      %swap3A_121 = vector.shape_cast %swap3A_120 : vector<1x16xf32> to vector<16xf32>
      %swap3A_122 = vector.shape_cast %broadcast_in_dim3A_1 : vector<16xf32> to vector<1x16xf32>
      tpu.vector_store %arg8[%swap3A, %swap3A_119], %swap3A_122 {strides = array<i32>} : memref<128x128xf32, #tpu.memory_space<vmem>>, vector<1x16xf32>,
      %swap3A_123 = arith.index_cast %scan3A_117 : i32 to index
      %swap3A_124 = arith.constant 16 : index
      %swap3A_125 = tpu.vector_load %arg8[%swap3A_123, %swap3A_124] {strides = array<i32>} : memref<128x128xf32, #tpu.memory_space<vmem>>, vector<1x16xf32>,
      %swap3A_126 = vector.shape_cast %swap3A_125 : vector<1x16xf32> to vector<16xf32>
      %swap3A_127 = vector.shape_cast %broadcast_in_dim3A_1 : vector<16xf32> to vector<1x16xf32>
      tpu.vector_store %arg8[%swap3A_123, %swap3A_124], %swap3A_127 {strides = array<i32>} : memref<128x128xf32, #tpu.memory_space<vmem>>, vector<1x16xf32>,
      %swap3A_128 = arith.index_cast %scan3A_117 : i32 to index
      %swap3A_129 = arith.constant 32 : index
      %swap3A_130 = tpu.vector_load %arg8[%swap3A_128, %swap3A_129] {strides = array<i32>} : memref<128x128xf32, #tpu.memory_space<vmem>>, vector<1x16xf32>,
      %swap3A_131 = vector.shape_cast %swap3A_130 : vector<1x16xf32> to vector<16xf32>
      %swap3A_132 = vector.shape_cast %broadcast_in_dim3A_1 : vector<16xf32> to vector<1x16xf32>
      tpu.vector_store %arg8[%swap3A_128, %swap3A_129], %swap3A_132 {strides = array<i32>} : memref<128x128xf32, #tpu.memory_space<vmem>>, vector<1x16xf32>,
      %swap3A_133 = arith.index_cast %scan3A_117 : i32 to index
      %swap3A_134 = arith.constant 48 : index
      %swap3A_135 = tpu.vector_load %arg8[%swap3A_133, %swap3A_134] {strides = array<i32>} : memref<128x128xf32, #tpu.memory_space<vmem>>, vector<1x16xf32>,
      %swap3A_136 = vector.shape_cast %swap3A_135 : vector<1x16xf32> to vector<16xf32>
      %swap3A_137 = vector.shape_cast %broadcast_in_dim3A_1 : vector<16xf32> to vector<1x16xf32>
      tpu.vector_store %arg8[%swap3A_133, %swap3A_134], %swap3A_137 {strides = array<i32>} : memref<128x128xf32, #tpu.memory_space<vmem>>, vector<1x16xf32>,
      %swap3A_138 = arith.index_cast %scan3A_117 : i32 to index
      %swap3A_139 = arith.constant 64 : index
      %swap3A_140 = tpu.vector_load %arg8[%swap3A_138, %swap3A_139] {strides = array<i32>} : memref<128x128xf32, #tpu.memory_space<vmem>>, vector<1x16xf32>,
      %swap3A_141 = vector.shape_cast %swap3A_140 : vector<1x16xf32> to vector<16xf32>
      %swap3A_142 = vector.shape_cast %broadcast_in_dim3A_1 : vector<16xf32> to vector<1x16xf32>
      tpu.vector_store %arg8[%swap3A_138, %swap3A_139], %swap3A_142 {strides = array<i32>} : memref<128x128xf32, #tpu.memory_space<vmem>>, vector<1x16xf32>,
      %swap3A_143 = arith.index_cast %scan3A_117 : i32 to index
      %swap3A_144 = arith.constant 80 : index
      %swap3A_145 = tpu.vector_load %arg8[%swap3A_143, %swap3A_144] {strides = array<i32>} : memref<128x128xf32, #tpu.memory_space<vmem>>, vector<1x16xf32>,
      %swap3A_146 = vector.shape_cast %swap3A_145 : vector<1x16xf32> to vector<16xf32>
      %swap3A_147 = vector.shape_cast %broadcast_in_dim3A_1 : vector<16xf32> to vector<1x16xf32>
      tpu.vector_store %arg8[%swap3A_143, %swap3A_144], %swap3A_147 {strides = array<i32>} : memref<128x128xf32, #tpu.memory_space<vmem>>, vector<1x16xf32>,
      %swap3A_148 = arith.index_cast %scan3A_117 : i32 to index
      %swap3A_149 = arith.constant 96 : index
      %swap3A_150 = tpu.vector_load %arg8[%swap3A_148, %swap3A_149] {strides = array<i32>} : memref<128x128xf32, #tpu.memory_space<vmem>>, vector<1x16xf32>,
      %swap3A_151 = vector.shape_cast %swap3A_150 : vector<1x16xf32> to vector<16xf32>
      %swap3A_152 = vector.shape_cast %broadcast_in_dim3A_1 : vector<16xf32> to vector<1x16xf32>
      tpu.vector_store %arg8[%swap3A_148, %swap3A_149], %swap3A_152 {strides = array<i32>} : memref<128x128xf32, #tpu.memory_space<vmem>>, vector<1x16xf32>,
      %swap3A_153 = arith.index_cast %scan3A_117 : i32 to index
      %swap3A_154 = arith.constant 112 : index
      %swap3A_155 = tpu.vector_load %arg8[%swap3A_153, %swap3A_154] {strides = array<i32>} : memref<128x128xf32, #tpu.memory_space<vmem>>, vector<1x16xf32>,
      %swap3A_156 = vector.shape_cast %swap3A_155 : vector<1x16xf32> to vector<16xf32>
      %swap3A_157 = vector.shape_cast %broadcast_in_dim3A_1 : vector<16xf32> to vector<1x16xf32>
      tpu.vector_store %arg8[%swap3A_153, %swap3A_154], %swap3A_157 {strides = array<i32>} : memref<128x128xf32, #tpu.memory_space<vmem>>, vector<1x16xf32>,
      %scan3A_158 = arith.constant 0 : i32
      scf.yield %scan3A_158 : i32
    }
    %scan3A_7 = arith.constant 128 : i32
    %mul3A_8 = arith.constant 640 : i32
    %mul3A_9 = arith.muli %arg1, %mul3A_8 : i32
    %add3A_10 = arith.constant 0 : i32
    %add3A_11 = arith.addi %mul3A_9, %add3A_10 : i32
    "tpu.region"() ({
      %run_scoped3A = tpu.sem_alloc : memref<!tpu.dma_semaphore, #tpu.memory_space<semaphore_mem>>
      %dma_start3A_117 = arith.constant 0 : i32
      %dma_start3A_118 = tpu.memref_slice %arg12[%add3A_11, %dma_start3A_117] : memref<10240x128xf32, #tpu.memory_space<vmem_shared>> -> memref<128x128xf32, #tpu.memory_space<vmem_shared>>
      %dma_start3A_119 = arith.constant 0 : i32
      %dma_start3A_120 = tpu.memref_slice %arg12[%add3A_11, %dma_start3A_119] : memref<10240x128xf32, #tpu.memory_space<vmem_shared>> -> memref<128x128xf32, #tpu.memory_space<vmem_shared>>
      tpu.enqueue_dma source(%arg8 : memref<128x128xf32, #tpu.memory_space<vmem>>) target(%dma_start3A_120 : memref<128x128xf32, #tpu.memory_space<vmem_shared>>) target_semaphore(%run_scoped3A : memref<!tpu.dma_semaphore, #tpu.memory_space<semaphore_mem>>)
      %dma_wait3A_121 = arith.constant 0 : i32
      %dma_wait3A_122 = tpu.memref_slice %arg12[%add3A_11, %dma_wait3A_121] : memref<10240x128xf32, #tpu.memory_space<vmem_shared>> -> memref<128x128xf32, #tpu.memory_space<vmem_shared>>
      %dma_wait3A_123 = arith.constant 0 : i32
      %dma_wait3A_124 = tpu.memref_slice %arg12[%add3A_11, %dma_wait3A_123] : memref<10240x128xf32, #tpu.memory_space<vmem_shared>> -> memref<128x128xf32, #tpu.memory_space<vmem_shared>>
      tpu.wait_dma2 semaphore(%run_scoped3A : memref<!tpu.dma_semaphore, #tpu.memory_space<semaphore_mem>>) src(%arg8 : memref<128x128xf32, #tpu.memory_space<vmem>>) dst(%dma_wait3A_124 : memref<128x128xf32, #tpu.memory_space<vmem_shared>>)
      tpu.yield
    }) : () -> ()
    %mul3A_12 = arith.constant 640 : i32
    %mul3A_13 = arith.muli %arg1, %mul3A_12 : i32
    %add3A_14 = arith.constant 128 : i32
    %add3A_15 = arith.addi %mul3A_13, %add3A_14 : i32
    "tpu.region"() ({
      %run_scoped3A = tpu.sem_alloc : memref<!tpu.dma_semaphore, #tpu.memory_space<semaphore_mem>>
      %dma_start3A_117 = arith.constant 0 : i32
      %dma_start3A_118 = tpu.memref_slice %arg12[%add3A_15, %dma_start3A_117] : memref<10240x128xf32, #tpu.memory_space<vmem_shared>> -> memref<128x128xf32, #tpu.memory_space<vmem_shared>>
      %dma_start3A_119 = arith.constant 0 : i32
      %dma_start3A_120 = tpu.memref_slice %arg12[%add3A_15, %dma_start3A_119] : memref<10240x128xf32, #tpu.memory_space<vmem_shared>> -> memref<128x128xf32, #tpu.memory_space<vmem_shared>>
      tpu.enqueue_dma source(%arg8 : memref<128x128xf32, #tpu.memory_space<vmem>>) target(%dma_start3A_120 : memref<128x128xf32, #tpu.memory_space<vmem_shared>>) target_semaphore(%run_scoped3A : memref<!tpu.dma_semaphore, #tpu.memory_space<semaphore_mem>>)
      %dma_wait3A_121 = arith.constant 0 : i32
      %dma_wait3A_122 = tpu.memref_slice %arg12[%add3A_15, %dma_wait3A_121] : memref<10240x128xf32, #tpu.memory_space<vmem_shared>> -> memref<128x128xf32, #tpu.memory_space<vmem_shared>>
      %dma_wait3A_123 = arith.constant 0 : i32
      %dma_wait3A_124 = tpu.memref_slice %arg12[%add3A_15, %dma_wait3A_123] : memref<10240x128xf32, #tpu.memory_space<vmem_shared>> -> memref<128x128xf32, #tpu.memory_space<vmem_shared>>
      tpu.wait_dma2 semaphore(%run_scoped3A : memref<!tpu.dma_semaphore, #tpu.memory_space<semaphore_mem>>) src(%arg8 : memref<128x128xf32, #tpu.memory_space<vmem>>) dst(%dma_wait3A_124 : memref<128x128xf32, #tpu.memory_space<vmem_shared>>)
      tpu.yield
    }) : () -> ()
    %mul3A_16 = arith.constant 640 : i32
    %mul3A_17 = arith.muli %arg1, %mul3A_16 : i32
    %add3A_18 = arith.constant 256 : i32
    %add3A_19 = arith.addi %mul3A_17, %add3A_18 : i32
    "tpu.region"() ({
      %run_scoped3A = tpu.sem_alloc : memref<!tpu.dma_semaphore, #tpu.memory_space<semaphore_mem>>
      %dma_start3A_117 = arith.constant 0 : i32
      %dma_start3A_118 = tpu.memref_slice %arg12[%add3A_19, %dma_start3A_117] : memref<10240x128xf32, #tpu.memory_space<vmem_shared>> -> memref<128x128xf32, #tpu.memory_space<vmem_shared>>
      %dma_start3A_119 = arith.constant 0 : i32
      %dma_start3A_120 = tpu.memref_slice %arg12[%add3A_19, %dma_start3A_119] : memref<10240x128xf32, #tpu.memory_space<vmem_shared>> -> memref<128x128xf32, #tpu.memory_space<vmem_shared>>
      tpu.enqueue_dma source(%arg8 : memref<128x128xf32, #tpu.memory_space<vmem>>) target(%dma_start3A_120 : memref<128x128xf32, #tpu.memory_space<vmem_shared>>) target_semaphore(%run_scoped3A : memref<!tpu.dma_semaphore, #tpu.memory_space<semaphore_mem>>)
      %dma_wait3A_121 = arith.constant 0 : i32
      %dma_wait3A_122 = tpu.memref_slice %arg12[%add3A_19, %dma_wait3A_121] : memref<10240x128xf32, #tpu.memory_space<vmem_shared>> -> memref<128x128xf32, #tpu.memory_space<vmem_shared>>
      %dma_wait3A_123 = arith.constant 0 : i32
      %dma_wait3A_124 = tpu.memref_slice %arg12[%add3A_19, %dma_wait3A_123] : memref<10240x128xf32, #tpu.memory_space<vmem_shared>> -> memref<128x128xf32, #tpu.memory_space<vmem_shared>>
      tpu.wait_dma2 semaphore(%run_scoped3A : memref<!tpu.dma_semaphore, #tpu.memory_space<semaphore_mem>>) src(%arg8 : memref<128x128xf32, #tpu.memory_space<vmem>>) dst(%dma_wait3A_124 : memref<128x128xf32, #tpu.memory_space<vmem_shared>>)
      tpu.yield
    }) : () -> ()
    %mul3A_20 = arith.constant 640 : i32
    %mul3A_21 = arith.muli %arg1, %mul3A_20 : i32
    %add3A_22 = arith.constant 384 : i32
    %add3A_23 = arith.addi %mul3A_21, %add3A_22 : i32
    "tpu.region"() ({
      %run_scoped3A = tpu.sem_alloc : memref<!tpu.dma_semaphore, #tpu.memory_space<semaphore_mem>>
      %dma_start3A_117 = arith.constant 0 : i32
      %dma_start3A_118 = tpu.memref_slice %arg12[%add3A_23, %dma_start3A_117] : memref<10240x128xf32, #tpu.memory_space<vmem_shared>> -> memref<128x128xf32, #tpu.memory_space<vmem_shared>>
      %dma_start3A_119 = arith.constant 0 : i32
      %dma_start3A_120 = tpu.memref_slice %arg12[%add3A_23, %dma_start3A_119] : memref<10240x128xf32, #tpu.memory_space<vmem_shared>> -> memref<128x128xf32, #tpu.memory_space<vmem_shared>>
      tpu.enqueue_dma source(%arg8 : memref<128x128xf32, #tpu.memory_space<vmem>>) target(%dma_start3A_120 : memref<128x128xf32, #tpu.memory_space<vmem_shared>>) target_semaphore(%run_scoped3A : memref<!tpu.dma_semaphore, #tpu.memory_space<semaphore_mem>>)
      %dma_wait3A_121 = arith.constant 0 : i32
      %dma_wait3A_122 = tpu.memref_slice %arg12[%add3A_23, %dma_wait3A_121] : memref<10240x128xf32, #tpu.memory_space<vmem_shared>> -> memref<128x128xf32, #tpu.memory_space<vmem_shared>>
      %dma_wait3A_123 = arith.constant 0 : i32
      %dma_wait3A_124 = tpu.memref_slice %arg12[%add3A_23, %dma_wait3A_123] : memref<10240x128xf32, #tpu.memory_space<vmem_shared>> -> memref<128x128xf32, #tpu.memory_space<vmem_shared>>
      tpu.wait_dma2 semaphore(%run_scoped3A : memref<!tpu.dma_semaphore, #tpu.memory_space<semaphore_mem>>) src(%arg8 : memref<128x128xf32, #tpu.memory_space<vmem>>) dst(%dma_wait3A_124 : memref<128x128xf32, #tpu.memory_space<vmem_shared>>)
      tpu.yield
    }) : () -> ()
    %mul3A_24 = arith.constant 640 : i32
    %mul3A_25 = arith.muli %arg1, %mul3A_24 : i32
    %add3A_26 = arith.constant 512 : i32
    %add3A_27 = arith.addi %mul3A_25, %add3A_26 : i32
    "tpu.region"() ({
      %run_scoped3A = tpu.sem_alloc : memref<!tpu.dma_semaphore, #tpu.memory_space<semaphore_mem>>
      %dma_start3A_117 = arith.constant 0 : i32
      %dma_start3A_118 = tpu.memref_slice %arg12[%add3A_27, %dma_start3A_117] : memref<10240x128xf32, #tpu.memory_space<vmem_shared>> -> memref<128x128xf32, #tpu.memory_space<vmem_shared>>
      %dma_start3A_119 = arith.constant 0 : i32
      %dma_start3A_120 = tpu.memref_slice %arg12[%add3A_27, %dma_start3A_119] : memref<10240x128xf32, #tpu.memory_space<vmem_shared>> -> memref<128x128xf32, #tpu.memory_space<vmem_shared>>
      tpu.enqueue_dma source(%arg8 : memref<128x128xf32, #tpu.memory_space<vmem>>) target(%dma_start3A_120 : memref<128x128xf32, #tpu.memory_space<vmem_shared>>) target_semaphore(%run_scoped3A : memref<!tpu.dma_semaphore, #tpu.memory_space<semaphore_mem>>)
      %dma_wait3A_121 = arith.constant 0 : i32
      %dma_wait3A_122 = tpu.memref_slice %arg12[%add3A_27, %dma_wait3A_121] : memref<10240x128xf32, #tpu.memory_space<vmem_shared>> -> memref<128x128xf32, #tpu.memory_space<vmem_shared>>
      %dma_wait3A_123 = arith.constant 0 : i32
      %dma_wait3A_124 = tpu.memref_slice %arg12[%add3A_27, %dma_wait3A_123] : memref<10240x128xf32, #tpu.memory_space<vmem_shared>> -> memref<128x128xf32, #tpu.memory_space<vmem_shared>>
      tpu.wait_dma2 semaphore(%run_scoped3A : memref<!tpu.dma_semaphore, #tpu.memory_space<semaphore_mem>>) src(%arg8 : memref<128x128xf32, #tpu.memory_space<vmem>>) dst(%dma_wait3A_124 : memref<128x128xf32, #tpu.memory_space<vmem_shared>>)
      tpu.yield
    }) : () -> ()
    %barrier3A = arith.constant 0 : index
    tpu.barrier barrier_id(%barrier3A)
    "tpu.region"() ({
      %run_scoped3A = tpu.sem_alloc : memref<!tpu.dma_semaphore, #tpu.memory_space<semaphore_mem>>
      %dma_start3A_117 = arith.constant 0 : i32
      %dma_start3A_118 = arith.constant 0 : i32
      %dma_start3A_119 = tpu.memref_slice %arg3[%add3A, %dma_start3A_117, %dma_start3A_118] : memref<32x80x128xi32, #tpu.memory_space<hbm>> -> memref<1x40x128xi32, #tpu.memory_space<hbm>>
      %dma_start3A_120 = tpu.memref_squeeze %dma_start3A_119 : memref<1x40x128xi32, #tpu.memory_space<hbm>> -> memref<40x128xi32, #tpu.memory_space<hbm>>
      %dma_start3A_121 = arith.constant 0 : i32
      %dma_start3A_122 = arith.constant 0 : i32
      %dma_start3A_123 = tpu.memref_slice %arg3[%add3A, %dma_start3A_121, %dma_start3A_122] : memref<32x80x128xi32, #tpu.memory_space<hbm>> -> memref<1x40x128xi32, #tpu.memory_space<hbm>>
      %dma_start3A_124 = tpu.memref_squeeze %dma_start3A_123 : memref<1x40x128xi32, #tpu.memory_space<hbm>> -> memref<40x128xi32, #tpu.memory_space<hbm>>
      tpu.enqueue_dma source(%dma_start3A_124 : memref<40x128xi32, #tpu.memory_space<hbm>>) target(%arg6 : memref<40x128xi32, #tpu.memory_space<vmem>>) target_semaphore(%run_scoped3A : memref<!tpu.dma_semaphore, #tpu.memory_space<semaphore_mem>>)
      %dma_wait3A_125 = arith.constant 0 : i32
      %dma_wait3A_126 = arith.constant 0 : i32
      %dma_wait3A_127 = tpu.memref_slice %arg3[%add3A, %dma_wait3A_125, %dma_wait3A_126] : memref<32x80x128xi32, #tpu.memory_space<hbm>> -> memref<1x40x128xi32, #tpu.memory_space<hbm>>
      %dma_wait3A_128 = tpu.memref_squeeze %dma_wait3A_127 : memref<1x40x128xi32, #tpu.memory_space<hbm>> -> memref<40x128xi32, #tpu.memory_space<hbm>>
      %dma_wait3A_129 = arith.constant 0 : i32
      %dma_wait3A_130 = arith.constant 0 : i32
      %dma_wait3A_131 = tpu.memref_slice %arg3[%add3A, %dma_wait3A_129, %dma_wait3A_130] : memref<32x80x128xi32, #tpu.memory_space<hbm>> -> memref<1x40x128xi32, #tpu.memory_space<hbm>>
      %dma_wait3A_132 = tpu.memref_squeeze %dma_wait3A_131 : memref<1x40x128xi32, #tpu.memory_space<hbm>> -> memref<40x128xi32, #tpu.memory_space<hbm>>
      tpu.wait_dma2 semaphore(%run_scoped3A : memref<!tpu.dma_semaphore, #tpu.memory_space<semaphore_mem>>) src(%dma_wait3A_132 : memref<40x128xi32, #tpu.memory_space<hbm>>) dst(%arg6 : memref<40x128xi32, #tpu.memory_space<vmem>>)
      tpu.yield
    }) : () -> ()
    "tpu.region"() ({
      %run_scoped3A = tpu.sem_alloc : memref<!tpu.dma_semaphore, #tpu.memory_space<semaphore_mem>>
      %dma_start3A_117 = arith.constant 0 : i32
      %dma_start3A_118 = arith.constant 0 : i32
      %dma_start3A_119 = tpu.memref_slice %arg4[%add3A, %dma_start3A_117, %dma_start3A_118] : memref<32x80x128xi32, #tpu.memory_space<hbm>> -> memref<1x40x128xi32, #tpu.memory_space<hbm>>
      %dma_start3A_120 = tpu.memref_squeeze %dma_start3A_119 : memref<1x40x128xi32, #tpu.memory_space<hbm>> -> memref<40x128xi32, #tpu.memory_space<hbm>>
      %dma_start3A_121 = arith.constant 0 : i32
      %dma_start3A_122 = arith.constant 0 : i32
      %dma_start3A_123 = tpu.memref_slice %arg4[%add3A, %dma_start3A_121, %dma_start3A_122] : memref<32x80x128xi32, #tpu.memory_space<hbm>> -> memref<1x40x128xi32, #tpu.memory_space<hbm>>
      %dma_start3A_124 = tpu.memref_squeeze %dma_start3A_123 : memref<1x40x128xi32, #tpu.memory_space<hbm>> -> memref<40x128xi32, #tpu.memory_space<hbm>>
      tpu.enqueue_dma source(%dma_start3A_124 : memref<40x128xi32, #tpu.memory_space<hbm>>) target(%arg7 : memref<40x128xi32, #tpu.memory_space<vmem>>) target_semaphore(%run_scoped3A : memref<!tpu.dma_semaphore, #tpu.memory_space<semaphore_mem>>)
      %dma_wait3A_125 = arith.constant 0 : i32
      %dma_wait3A_126 = arith.constant 0 : i32
      %dma_wait3A_127 = tpu.memref_slice %arg4[%add3A, %dma_wait3A_125, %dma_wait3A_126] : memref<32x80x128xi32, #tpu.memory_space<hbm>> -> memref<1x40x128xi32, #tpu.memory_space<hbm>>
      %dma_wait3A_128 = tpu.memref_squeeze %dma_wait3A_127 : memref<1x40x128xi32, #tpu.memory_space<hbm>> -> memref<40x128xi32, #tpu.memory_space<hbm>>
      %dma_wait3A_129 = arith.constant 0 : i32
      %dma_wait3A_130 = arith.constant 0 : i32
      %dma_wait3A_131 = tpu.memref_slice %arg4[%add3A, %dma_wait3A_129, %dma_wait3A_130] : memref<32x80x128xi32, #tpu.memory_space<hbm>> -> memref<1x40x128xi32, #tpu.memory_space<hbm>>
      %dma_wait3A_132 = tpu.memref_squeeze %dma_wait3A_131 : memref<1x40x128xi32, #tpu.memory_space<hbm>> -> memref<40x128xi32, #tpu.memory_space<hbm>>
      tpu.wait_dma2 semaphore(%run_scoped3A : memref<!tpu.dma_semaphore, #tpu.memory_space<semaphore_mem>>) src(%dma_wait3A_132 : memref<40x128xi32, #tpu.memory_space<hbm>>) dst(%arg7 : memref<40x128xi32, #tpu.memory_space<vmem>>)
      tpu.yield
    }) : () -> ()
    %dma_start3A = arith.constant 0 : i32
    %dma_start3A_28 = arith.constant 0 : i32
    %dma_start3A_29 = tpu.memref_slice %arg6[%dma_start3A, %dma_start3A_28] : memref<40x128xi32, #tpu.memory_space<vmem>> -> memref<1x128xi32, #tpu.memory_space<vmem>>
    %dma_start3A_30 = tpu.memref_squeeze %dma_start3A_29 : memref<1x128xi32, #tpu.memory_space<vmem>> -> memref<128xi32, #tpu.memory_space<vmem>>
    %dma_start3A_31 = arith.constant 0 : i32
    %dma_start3A_32 = arith.constant 0 : i32
    %dma_start3A_33 = tpu.memref_slice %arg2[%dma_start3A_31, %dma_start3A_32] : memref<10240x128xf32, #tpu.memory_space<hbm>> -> memref<10240x128xf32, #tpu.memory_space<hbm>>
    tpu.enqueue_indirect_dma source(%dma_start3A_33 : memref<10240x128xf32, #tpu.memory_space<hbm>>) target(%arg8 : memref<128x128xf32, #tpu.memory_space<vmem>>) offsets(%dma_start3A_30 : memref<128xi32, #tpu.memory_space<vmem>>) semaphore(%arg10 : memref<!tpu.dma_semaphore, #tpu.memory_space<semaphore_mem>>)
    %dma_start3A_34 = arith.constant 1 : i32
    %dma_start3A_35 = arith.constant 0 : i32
    %dma_start3A_36 = tpu.memref_slice %arg6[%dma_start3A_34, %dma_start3A_35] : memref<40x128xi32, #tpu.memory_space<vmem>> -> memref<1x128xi32, #tpu.memory_space<vmem>>
    %dma_start3A_37 = tpu.memref_squeeze %dma_start3A_36 : memref<1x128xi32, #tpu.memory_space<vmem>> -> memref<128xi32, #tpu.memory_space<vmem>>
    %dma_start3A_38 = arith.constant 0 : i32
    %dma_start3A_39 = arith.constant 0 : i32
    %dma_start3A_40 = tpu.memref_slice %arg2[%dma_start3A_38, %dma_start3A_39] : memref<10240x128xf32, #tpu.memory_space<hbm>> -> memref<10240x128xf32, #tpu.memory_space<hbm>>
    tpu.enqueue_indirect_dma source(%dma_start3A_40 : memref<10240x128xf32, #tpu.memory_space<hbm>>) target(%arg9 : memref<128x128xf32, #tpu.memory_space<vmem>>) offsets(%dma_start3A_37 : memref<128xi32, #tpu.memory_space<vmem>>) semaphore(%arg11 : memref<!tpu.dma_semaphore, #tpu.memory_space<semaphore_mem>>)
    %scan3A_41 = arith.constant 0 : i32
    %scan3A_42 = arith.constant 0 : i32
    %scan3A_43 = arith.constant 20 : i32
    %scan3A_44 = arith.addi %scan3A_42, %scan3A_43 : i32
    %scan3A_45 = arith.constant 1 : i32
    %scan3A_46 = scf.for %scan3A_117 = %scan3A_42 to %scan3A_44 step %scan3A_45 iter_args(%scan3A_118 = %scan3A_41) -> (i32)  : i32 {
      %mul3A_119 = arith.constant 2 : i32
      %mul3A_120 = arith.muli %mul3A_119, %scan3A_117 : i32
      %add3A_121 = arith.constant 0 : i32
      %add3A_122 = arith.addi %mul3A_120, %add3A_121 : i32
      %dma_wait3A_123 = arith.constant 0 : i32
      %dma_wait3A_124 = tpu.memref_slice %arg6[%add3A_122, %dma_wait3A_123] : memref<40x128xi32, #tpu.memory_space<vmem>> -> memref<1x128xi32, #tpu.memory_space<vmem>>
      %dma_wait3A_125 = tpu.memref_squeeze %dma_wait3A_124 : memref<1x128xi32, #tpu.memory_space<vmem>> -> memref<128xi32, #tpu.memory_space<vmem>>
      %dma_wait3A_126 = arith.constant 0 : i32
      %dma_wait3A_127 = arith.constant 0 : i32
      %dma_wait3A_128 = tpu.memref_slice %arg2[%dma_wait3A_126, %dma_wait3A_127] : memref<10240x128xf32, #tpu.memory_space<hbm>> -> memref<10240x128xf32, #tpu.memory_space<hbm>>
      tpu.wait_indirect_dma semaphore(%arg10 : memref<!tpu.dma_semaphore, #tpu.memory_space<semaphore_mem>>) src(%dma_wait3A_128 : memref<10240x128xf32, #tpu.memory_space<hbm>>) dst(%arg8 : memref<128x128xf32, #tpu.memory_space<vmem>>)
      "tpu.region"() ({
        %run_scoped3A = tpu.sem_alloc : memref<!tpu.dma_semaphore, #tpu.memory_space<semaphore_mem>>
        %dma_start3A_159 = arith.constant 0 : i32
        %dma_start3A_160 = tpu.memref_slice %arg7[%add3A_122, %dma_start3A_159] : memref<40x128xi32, #tpu.memory_space<vmem>> -> memref<1x128xi32, #tpu.memory_space<vmem>>
        %dma_start3A_161 = tpu.memref_squeeze %dma_start3A_160 : memref<1x128xi32, #tpu.memory_space<vmem>> -> memref<128xi32, #tpu.memory_space<vmem>>
        %dma_start3A_162 = arith.constant 0 : i32
        %dma_start3A_163 = arith.constant 0 : i32
        %dma_start3A_164 = tpu.memref_slice %arg12[%dma_start3A_162, %dma_start3A_163] : memref<10240x128xf32, #tpu.memory_space<vmem_shared>> -> memref<10240x128xf32, #tpu.memory_space<vmem_shared>>
        tpu.enqueue_indirect_dma source(%arg8 : memref<128x128xf32, #tpu.memory_space<vmem>>) target(%dma_start3A_164 : memref<10240x128xf32, #tpu.memory_space<vmem_shared>>) offsets(%dma_start3A_161 : memref<128xi32, #tpu.memory_space<vmem>>) semaphore(%run_scoped3A : memref<!tpu.dma_semaphore, #tpu.memory_space<semaphore_mem>>) {add = true}
        %dma_wait3A_165 = arith.constant 0 : i32
        %dma_wait3A_166 = tpu.memref_slice %arg7[%add3A_122, %dma_wait3A_165] : memref<40x128xi32, #tpu.memory_space<vmem>> -> memref<1x128xi32, #tpu.memory_space<vmem>>
        %dma_wait3A_167 = tpu.memref_squeeze %dma_wait3A_166 : memref<1x128xi32, #tpu.memory_space<vmem>> -> memref<128xi32, #tpu.memory_space<vmem>>
        %dma_wait3A_168 = arith.constant 0 : i32
        %dma_wait3A_169 = arith.constant 0 : i32
        %dma_wait3A_170 = tpu.memref_slice %arg12[%dma_wait3A_168, %dma_wait3A_169] : memref<10240x128xf32, #tpu.memory_space<vmem_shared>> -> memref<10240x128xf32, #tpu.memory_space<vmem_shared>>
        tpu.wait_indirect_dma semaphore(%run_scoped3A : memref<!tpu.dma_semaphore, #tpu.memory_space<semaphore_mem>>) src(%arg8 : memref<128x128xf32, #tpu.memory_space<vmem>>) dst(%dma_wait3A_170 : memref<10240x128xf32, #tpu.memory_space<vmem_shared>>)
        tpu.yield
      }) : () -> ()
      %add3A_129 = arith.constant 2 : i32
      %add3A_130 = arith.addi %add3A_122, %add3A_129 : i32
      %min3A = arith.constant 39 : i32
      %min3A_131 = arith.minsi %add3A_130, %min3A : i32
      %dma_start3A_132 = arith.constant 0 : i32
      %dma_start3A_133 = tpu.memref_slice %arg6[%min3A_131, %dma_start3A_132] : memref<40x128xi32, #tpu.memory_space<vmem>> -> memref<1x128xi32, #tpu.memory_space<vmem>>
      %dma_start3A_134 = tpu.memref_squeeze %dma_start3A_133 : memref<1x128xi32, #tpu.memory_space<vmem>> -> memref<128xi32, #tpu.memory_space<vmem>>
      %dma_start3A_135 = arith.constant 0 : i32
      %dma_start3A_136 = arith.constant 0 : i32
      %dma_start3A_137 = tpu.memref_slice %arg2[%dma_start3A_135, %dma_start3A_136] : memref<10240x128xf32, #tpu.memory_space<hbm>> -> memref<10240x128xf32, #tpu.memory_space<hbm>>
      tpu.enqueue_indirect_dma source(%dma_start3A_137 : memref<10240x128xf32, #tpu.memory_space<hbm>>) target(%arg8 : memref<128x128xf32, #tpu.memory_space<vmem>>) offsets(%dma_start3A_134 : memref<128xi32, #tpu.memory_space<vmem>>) semaphore(%arg10 : memref<!tpu.dma_semaphore, #tpu.memory_space<semaphore_mem>>)
      %mul3A_138 = arith.constant 2 : i32
      %mul3A_139 = arith.muli %mul3A_138, %scan3A_117 : i32
      %add3A_140 = arith.constant 1 : i32
      %add3A_141 = arith.addi %mul3A_139, %add3A_140 : i32
      %dma_wait3A_142 = arith.constant 0 : i32
      %dma_wait3A_143 = tpu.memref_slice %arg6[%add3A_141, %dma_wait3A_142] : memref<40x128xi32, #tpu.memory_space<vmem>> -> memref<1x128xi32, #tpu.memory_space<vmem>>
      %dma_wait3A_144 = tpu.memref_squeeze %dma_wait3A_143 : memref<1x128xi32, #tpu.memory_space<vmem>> -> memref<128xi32, #tpu.memory_space<vmem>>
      %dma_wait3A_145 = arith.constant 0 : i32
      %dma_wait3A_146 = arith.constant 0 : i32
      %dma_wait3A_147 = tpu.memref_slice %arg2[%dma_wait3A_145, %dma_wait3A_146] : memref<10240x128xf32, #tpu.memory_space<hbm>> -> memref<10240x128xf32, #tpu.memory_space<hbm>>
      tpu.wait_indirect_dma semaphore(%arg11 : memref<!tpu.dma_semaphore, #tpu.memory_space<semaphore_mem>>) src(%dma_wait3A_147 : memref<10240x128xf32, #tpu.memory_space<hbm>>) dst(%arg9 : memref<128x128xf32, #tpu.memory_space<vmem>>)
      "tpu.region"() ({
        %run_scoped3A = tpu.sem_alloc : memref<!tpu.dma_semaphore, #tpu.memory_space<semaphore_mem>>
        %dma_start3A_159 = arith.constant 0 : i32
        %dma_start3A_160 = tpu.memref_slice %arg7[%add3A_141, %dma_start3A_159] : memref<40x128xi32, #tpu.memory_space<vmem>> -> memref<1x128xi32, #tpu.memory_space<vmem>>
        %dma_start3A_161 = tpu.memref_squeeze %dma_start3A_160 : memref<1x128xi32, #tpu.memory_space<vmem>> -> memref<128xi32, #tpu.memory_space<vmem>>
        %dma_start3A_162 = arith.constant 0 : i32
        %dma_start3A_163 = arith.constant 0 : i32
        %dma_start3A_164 = tpu.memref_slice %arg12[%dma_start3A_162, %dma_start3A_163] : memref<10240x128xf32, #tpu.memory_space<vmem_shared>> -> memref<10240x128xf32, #tpu.memory_space<vmem_shared>>
        tpu.enqueue_indirect_dma source(%arg9 : memref<128x128xf32, #tpu.memory_space<vmem>>) target(%dma_start3A_164 : memref<10240x128xf32, #tpu.memory_space<vmem_shared>>) offsets(%dma_start3A_161 : memref<128xi32, #tpu.memory_space<vmem>>) semaphore(%run_scoped3A : memref<!tpu.dma_semaphore, #tpu.memory_space<semaphore_mem>>) {add = true}
        %dma_wait3A_165 = arith.constant 0 : i32
        %dma_wait3A_166 = tpu.memref_slice %arg7[%add3A_141, %dma_wait3A_165] : memref<40x128xi32, #tpu.memory_space<vmem>> -> memref<1x128xi32, #tpu.memory_space<vmem>>
        %dma_wait3A_167 = tpu.memref_squeeze %dma_wait3A_166 : memref<1x128xi32, #tpu.memory_space<vmem>> -> memref<128xi32, #tpu.memory_space<vmem>>
        %dma_wait3A_168 = arith.constant 0 : i32
        %dma_wait3A_169 = arith.constant 0 : i32
        %dma_wait3A_170 = tpu.memref_slice %arg12[%dma_wait3A_168, %dma_wait3A_169] : memref<10240x128xf32, #tpu.memory_space<vmem_shared>> -> memref<10240x128xf32, #tpu.memory_space<vmem_shared>>
        tpu.wait_indirect_dma semaphore(%run_scoped3A : memref<!tpu.dma_semaphore, #tpu.memory_space<semaphore_mem>>) src(%arg9 : memref<128x128xf32, #tpu.memory_space<vmem>>) dst(%dma_wait3A_170 : memref<10240x128xf32, #tpu.memory_space<vmem_shared>>)
        tpu.yield
      }) : () -> ()
      %add3A_148 = arith.constant 2 : i32
      %add3A_149 = arith.addi %add3A_141, %add3A_148 : i32
      %min3A_150 = arith.constant 39 : i32
      %min3A_151 = arith.minsi %add3A_149, %min3A_150 : i32
      %dma_start3A_152 = arith.constant 0 : i32
      %dma_start3A_153 = tpu.memref_slice %arg6[%min3A_151, %dma_start3A_152] : memref<40x128xi32, #tpu.memory_space<vmem>> -> memref<1x128xi32, #tpu.memory_space<vmem>>
      %dma_start3A_154 = tpu.memref_squeeze %dma_start3A_153 : memref<1x128xi32, #tpu.memory_space<vmem>> -> memref<128xi32, #tpu.memory_space<vmem>>
      %dma_start3A_155 = arith.constant 0 : i32
      %dma_start3A_156 = arith.constant 0 : i32
      %dma_start3A_157 = tpu.memref_slice %arg2[%dma_start3A_155, %dma_start3A_156] : memref<10240x128xf32, #tpu.memory_space<hbm>> -> memref<10240x128xf32, #tpu.memory_space<hbm>>
      tpu.enqueue_indirect_dma source(%dma_start3A_157 : memref<10240x128xf32, #tpu.memory_space<hbm>>) target(%arg9 : memref<128x128xf32, #tpu.memory_space<vmem>>) offsets(%dma_start3A_154 : memref<128xi32, #tpu.memory_space<vmem>>) semaphore(%arg11 : memref<!tpu.dma_semaphore, #tpu.memory_space<semaphore_mem>>)
      %scan3A_158 = arith.constant 0 : i32
      scf.yield %scan3A_158 : i32
    }
    %scan3A_47 = arith.constant 20 : i32
    %dma_wait3A = arith.constant 39 : i32
    %dma_wait3A_48 = arith.constant 0 : i32
    %dma_wait3A_49 = tpu.memref_slice %arg6[%dma_wait3A, %dma_wait3A_48] : memref<40x128xi32, #tpu.memory_space<vmem>> -> memref<1x128xi32, #tpu.memory_space<vmem>>
    %dma_wait3A_50 = tpu.memref_squeeze %dma_wait3A_49 : memref<1x128xi32, #tpu.memory_space<vmem>> -> memref<128xi32, #tpu.memory_space<vmem>>
    %dma_wait3A_51 = arith.constant 0 : i32
    %dma_wait3A_52 = arith.constant 0 : i32
    %dma_wait3A_53 = tpu.memref_slice %arg2[%dma_wait3A_51, %dma_wait3A_52] : memref<10240x128xf32, #tpu.memory_space<hbm>> -> memref<10240x128xf32, #tpu.memory_space<hbm>>
    tpu.wait_indirect_dma semaphore(%arg10 : memref<!tpu.dma_semaphore, #tpu.memory_space<semaphore_mem>>) src(%dma_wait3A_53 : memref<10240x128xf32, #tpu.memory_space<hbm>>) dst(%arg8 : memref<128x128xf32, #tpu.memory_space<vmem>>)
    %dma_wait3A_54 = arith.constant 39 : i32
    %dma_wait3A_55 = arith.constant 0 : i32
    %dma_wait3A_56 = tpu.memref_slice %arg6[%dma_wait3A_54, %dma_wait3A_55] : memref<40x128xi32, #tpu.memory_space<vmem>> -> memref<1x128xi32, #tpu.memory_space<vmem>>
    %dma_wait3A_57 = tpu.memref_squeeze %dma_wait3A_56 : memref<1x128xi32, #tpu.memory_space<vmem>> -> memref<128xi32, #tpu.memory_space<vmem>>
    %dma_wait3A_58 = arith.constant 0 : i32
    %dma_wait3A_59 = arith.constant 0 : i32
    %dma_wait3A_60 = tpu.memref_slice %arg2[%dma_wait3A_58, %dma_wait3A_59] : memref<10240x128xf32, #tpu.memory_space<hbm>> -> memref<10240x128xf32, #tpu.memory_space<hbm>>
    tpu.wait_indirect_dma semaphore(%arg11 : memref<!tpu.dma_semaphore, #tpu.memory_space<semaphore_mem>>) src(%dma_wait3A_60 : memref<10240x128xf32, #tpu.memory_space<hbm>>) dst(%arg9 : memref<128x128xf32, #tpu.memory_space<vmem>>)
    "tpu.region"() ({
      %run_scoped3A = tpu.sem_alloc : memref<!tpu.dma_semaphore, #tpu.memory_space<semaphore_mem>>
      %dma_start3A_117 = arith.constant 40 : i32
      %dma_start3A_118 = arith.constant 0 : i32
      %dma_start3A_119 = tpu.memref_slice %arg3[%add3A, %dma_start3A_117, %dma_start3A_118] : memref<32x80x128xi32, #tpu.memory_space<hbm>> -> memref<1x40x128xi32, #tpu.memory_space<hbm>>
      %dma_start3A_120 = tpu.memref_squeeze %dma_start3A_119 : memref<1x40x128xi32, #tpu.memory_space<hbm>> -> memref<40x128xi32, #tpu.memory_space<hbm>>
      %dma_start3A_121 = arith.constant 40 : i32
      %dma_start3A_122 = arith.constant 0 : i32
      %dma_start3A_123 = tpu.memref_slice %arg3[%add3A, %dma_start3A_121, %dma_start3A_122] : memref<32x80x128xi32, #tpu.memory_space<hbm>> -> memref<1x40x128xi32, #tpu.memory_space<hbm>>
      %dma_start3A_124 = tpu.memref_squeeze %dma_start3A_123 : memref<1x40x128xi32, #tpu.memory_space<hbm>> -> memref<40x128xi32, #tpu.memory_space<hbm>>
      tpu.enqueue_dma source(%dma_start3A_124 : memref<40x128xi32, #tpu.memory_space<hbm>>) target(%arg6 : memref<40x128xi32, #tpu.memory_space<vmem>>) target_semaphore(%run_scoped3A : memref<!tpu.dma_semaphore, #tpu.memory_space<semaphore_mem>>)
      %dma_wait3A_125 = arith.constant 40 : i32
      %dma_wait3A_126 = arith.constant 0 : i32
      %dma_wait3A_127 = tpu.memref_slice %arg3[%add3A, %dma_wait3A_125, %dma_wait3A_126] : memref<32x80x128xi32, #tpu.memory_space<hbm>> -> memref<1x40x128xi32, #tpu.memory_space<hbm>>
      %dma_wait3A_128 = tpu.memref_squeeze %dma_wait3A_127 : memref<1x40x128xi32, #tpu.memory_space<hbm>> -> memref<40x128xi32, #tpu.memory_space<hbm>>
      %dma_wait3A_129 = arith.constant 40 : i32
      %dma_wait3A_130 = arith.constant 0 : i32
      %dma_wait3A_131 = tpu.memref_slice %arg3[%add3A, %dma_wait3A_129, %dma_wait3A_130] : memref<32x80x128xi32, #tpu.memory_space<hbm>> -> memref<1x40x128xi32, #tpu.memory_space<hbm>>
      %dma_wait3A_132 = tpu.memref_squeeze %dma_wait3A_131 : memref<1x40x128xi32, #tpu.memory_space<hbm>> -> memref<40x128xi32, #tpu.memory_space<hbm>>
      tpu.wait_dma2 semaphore(%run_scoped3A : memref<!tpu.dma_semaphore, #tpu.memory_space<semaphore_mem>>) src(%dma_wait3A_132 : memref<40x128xi32, #tpu.memory_space<hbm>>) dst(%arg6 : memref<40x128xi32, #tpu.memory_space<vmem>>)
      tpu.yield
    }) : () -> ()
    "tpu.region"() ({
      %run_scoped3A = tpu.sem_alloc : memref<!tpu.dma_semaphore, #tpu.memory_space<semaphore_mem>>
      %dma_start3A_117 = arith.constant 40 : i32
      %dma_start3A_118 = arith.constant 0 : i32
      %dma_start3A_119 = tpu.memref_slice %arg4[%add3A, %dma_start3A_117, %dma_start3A_118] : memref<32x80x128xi32, #tpu.memory_space<hbm>> -> memref<1x40x128xi32, #tpu.memory_space<hbm>>
      %dma_start3A_120 = tpu.memref_squeeze %dma_start3A_119 : memref<1x40x128xi32, #tpu.memory_space<hbm>> -> memref<40x128xi32, #tpu.memory_space<hbm>>
      %dma_start3A_121 = arith.constant 40 : i32
      %dma_start3A_122 = arith.constant 0 : i32
      %dma_start3A_123 = tpu.memref_slice %arg4[%add3A, %dma_start3A_121, %dma_start3A_122] : memref<32x80x128xi32, #tpu.memory_space<hbm>> -> memref<1x40x128xi32, #tpu.memory_space<hbm>>
      %dma_start3A_124 = tpu.memref_squeeze %dma_start3A_123 : memref<1x40x128xi32, #tpu.memory_space<hbm>> -> memref<40x128xi32, #tpu.memory_space<hbm>>
      tpu.enqueue_dma source(%dma_start3A_124 : memref<40x128xi32, #tpu.memory_space<hbm>>) target(%arg7 : memref<40x128xi32, #tpu.memory_space<vmem>>) target_semaphore(%run_scoped3A : memref<!tpu.dma_semaphore, #tpu.memory_space<semaphore_mem>>)
      %dma_wait3A_125 = arith.constant 40 : i32
      %dma_wait3A_126 = arith.constant 0 : i32
      %dma_wait3A_127 = tpu.memref_slice %arg4[%add3A, %dma_wait3A_125, %dma_wait3A_126] : memref<32x80x128xi32, #tpu.memory_space<hbm>> -> memref<1x40x128xi32, #tpu.memory_space<hbm>>
      %dma_wait3A_128 = tpu.memref_squeeze %dma_wait3A_127 : memref<1x40x128xi32, #tpu.memory_space<hbm>> -> memref<40x128xi32, #tpu.memory_space<hbm>>
      %dma_wait3A_129 = arith.constant 40 : i32
      %dma_wait3A_130 = arith.constant 0 : i32
      %dma_wait3A_131 = tpu.memref_slice %arg4[%add3A, %dma_wait3A_129, %dma_wait3A_130] : memref<32x80x128xi32, #tpu.memory_space<hbm>> -> memref<1x40x128xi32, #tpu.memory_space<hbm>>
      %dma_wait3A_132 = tpu.memref_squeeze %dma_wait3A_131 : memref<1x40x128xi32, #tpu.memory_space<hbm>> -> memref<40x128xi32, #tpu.memory_space<hbm>>
      tpu.wait_dma2 semaphore(%run_scoped3A : memref<!tpu.dma_semaphore, #tpu.memory_space<semaphore_mem>>) src(%dma_wait3A_132 : memref<40x128xi32, #tpu.memory_space<hbm>>) dst(%arg7 : memref<40x128xi32, #tpu.memory_space<vmem>>)
      tpu.yield
    }) : () -> ()
    %dma_start3A_61 = arith.constant 0 : i32
    %dma_start3A_62 = arith.constant 0 : i32
    %dma_start3A_63 = tpu.memref_slice %arg6[%dma_start3A_61, %dma_start3A_62] : memref<40x128xi32, #tpu.memory_space<vmem>> -> memref<1x128xi32, #tpu.memory_space<vmem>>
    %dma_start3A_64 = tpu.memref_squeeze %dma_start3A_63 : memref<1x128xi32, #tpu.memory_space<vmem>> -> memref<128xi32, #tpu.memory_space<vmem>>
    %dma_start3A_65 = arith.constant 0 : i32
    %dma_start3A_66 = arith.constant 0 : i32
    %dma_start3A_67 = tpu.memref_slice %arg2[%dma_start3A_65, %dma_start3A_66] : memref<10240x128xf32, #tpu.memory_space<hbm>> -> memref<10240x128xf32, #tpu.memory_space<hbm>>
    tpu.enqueue_indirect_dma source(%dma_start3A_67 : memref<10240x128xf32, #tpu.memory_space<hbm>>) target(%arg8 : memref<128x128xf32, #tpu.memory_space<vmem>>) offsets(%dma_start3A_64 : memref<128xi32, #tpu.memory_space<vmem>>) semaphore(%arg10 : memref<!tpu.dma_semaphore, #tpu.memory_space<semaphore_mem>>)
    %dma_start3A_68 = arith.constant 1 : i32
    %dma_start3A_69 = arith.constant 0 : i32
    %dma_start3A_70 = tpu.memref_slice %arg6[%dma_start3A_68, %dma_start3A_69] : memref<40x128xi32, #tpu.memory_space<vmem>> -> memref<1x128xi32, #tpu.memory_space<vmem>>
    %dma_start3A_71 = tpu.memref_squeeze %dma_start3A_70 : memref<1x128xi32, #tpu.memory_space<vmem>> -> memref<128xi32, #tpu.memory_space<vmem>>
    %dma_start3A_72 = arith.constant 0 : i32
    %dma_start3A_73 = arith.constant 0 : i32
    %dma_start3A_74 = tpu.memref_slice %arg2[%dma_start3A_72, %dma_start3A_73] : memref<10240x128xf32, #tpu.memory_space<hbm>> -> memref<10240x128xf32, #tpu.memory_space<hbm>>
    tpu.enqueue_indirect_dma source(%dma_start3A_74 : memref<10240x128xf32, #tpu.memory_space<hbm>>) target(%arg9 : memref<128x128xf32, #tpu.memory_space<vmem>>) offsets(%dma_start3A_71 : memref<128xi32, #tpu.memory_space<vmem>>) semaphore(%arg11 : memref<!tpu.dma_semaphore, #tpu.memory_space<semaphore_mem>>)
    %scan3A_75 = arith.constant 0 : i32
    %scan3A_76 = arith.constant 0 : i32
    %scan3A_77 = arith.constant 20 : i32
    %scan3A_78 = arith.addi %scan3A_76, %scan3A_77 : i32
    %scan3A_79 = arith.constant 1 : i32
    %scan3A_80 = scf.for %scan3A_117 = %scan3A_76 to %scan3A_78 step %scan3A_79 iter_args(%scan3A_118 = %scan3A_75) -> (i32)  : i32 {
      %mul3A_119 = arith.constant 2 : i32
      %mul3A_120 = arith.muli %mul3A_119, %scan3A_117 : i32
      %add3A_121 = arith.constant 0 : i32
      %add3A_122 = arith.addi %mul3A_120, %add3A_121 : i32
      %dma_wait3A_123 = arith.constant 0 : i32
      %dma_wait3A_124 = tpu.memref_slice %arg6[%add3A_122, %dma_wait3A_123] : memref<40x128xi32, #tpu.memory_space<vmem>> -> memref<1x128xi32, #tpu.memory_space<vmem>>
      %dma_wait3A_125 = tpu.memref_squeeze %dma_wait3A_124 : memref<1x128xi32, #tpu.memory_space<vmem>> -> memref<128xi32, #tpu.memory_space<vmem>>
      %dma_wait3A_126 = arith.constant 0 : i32
      %dma_wait3A_127 = arith.constant 0 : i32
      %dma_wait3A_128 = tpu.memref_slice %arg2[%dma_wait3A_126, %dma_wait3A_127] : memref<10240x128xf32, #tpu.memory_space<hbm>> -> memref<10240x128xf32, #tpu.memory_space<hbm>>
      tpu.wait_indirect_dma semaphore(%arg10 : memref<!tpu.dma_semaphore, #tpu.memory_space<semaphore_mem>>) src(%dma_wait3A_128 : memref<10240x128xf32, #tpu.memory_space<hbm>>) dst(%arg8 : memref<128x128xf32, #tpu.memory_space<vmem>>)
      "tpu.region"() ({
        %run_scoped3A = tpu.sem_alloc : memref<!tpu.dma_semaphore, #tpu.memory_space<semaphore_mem>>
        %dma_start3A_159 = arith.constant 0 : i32
        %dma_start3A_160 = tpu.memref_slice %arg7[%add3A_122, %dma_start3A_159] : memref<40x128xi32, #tpu.memory_space<vmem>> -> memref<1x128xi32, #tpu.memory_space<vmem>>
        %dma_start3A_161 = tpu.memref_squeeze %dma_start3A_160 : memref<1x128xi32, #tpu.memory_space<vmem>> -> memref<128xi32, #tpu.memory_space<vmem>>
        %dma_start3A_162 = arith.constant 0 : i32
        %dma_start3A_163 = arith.constant 0 : i32
        %dma_start3A_164 = tpu.memref_slice %arg12[%dma_start3A_162, %dma_start3A_163] : memref<10240x128xf32, #tpu.memory_space<vmem_shared>> -> memref<10240x128xf32, #tpu.memory_space<vmem_shared>>
        tpu.enqueue_indirect_dma source(%arg8 : memref<128x128xf32, #tpu.memory_space<vmem>>) target(%dma_start3A_164 : memref<10240x128xf32, #tpu.memory_space<vmem_shared>>) offsets(%dma_start3A_161 : memref<128xi32, #tpu.memory_space<vmem>>) semaphore(%run_scoped3A : memref<!tpu.dma_semaphore, #tpu.memory_space<semaphore_mem>>) {add = true}
        %dma_wait3A_165 = arith.constant 0 : i32
        %dma_wait3A_166 = tpu.memref_slice %arg7[%add3A_122, %dma_wait3A_165] : memref<40x128xi32, #tpu.memory_space<vmem>> -> memref<1x128xi32, #tpu.memory_space<vmem>>
        %dma_wait3A_167 = tpu.memref_squeeze %dma_wait3A_166 : memref<1x128xi32, #tpu.memory_space<vmem>> -> memref<128xi32, #tpu.memory_space<vmem>>
        %dma_wait3A_168 = arith.constant 0 : i32
        %dma_wait3A_169 = arith.constant 0 : i32
        %dma_wait3A_170 = tpu.memref_slice %arg12[%dma_wait3A_168, %dma_wait3A_169] : memref<10240x128xf32, #tpu.memory_space<vmem_shared>> -> memref<10240x128xf32, #tpu.memory_space<vmem_shared>>
        tpu.wait_indirect_dma semaphore(%run_scoped3A : memref<!tpu.dma_semaphore, #tpu.memory_space<semaphore_mem>>) src(%arg8 : memref<128x128xf32, #tpu.memory_space<vmem>>) dst(%dma_wait3A_170 : memref<10240x128xf32, #tpu.memory_space<vmem_shared>>)
        tpu.yield
      }) : () -> ()
      %add3A_129 = arith.constant 2 : i32
      %add3A_130 = arith.addi %add3A_122, %add3A_129 : i32
      %min3A = arith.constant 39 : i32
      %min3A_131 = arith.minsi %add3A_130, %min3A : i32
      %dma_start3A_132 = arith.constant 0 : i32
      %dma_start3A_133 = tpu.memref_slice %arg6[%min3A_131, %dma_start3A_132] : memref<40x128xi32, #tpu.memory_space<vmem>> -> memref<1x128xi32, #tpu.memory_space<vmem>>
      %dma_start3A_134 = tpu.memref_squeeze %dma_start3A_133 : memref<1x128xi32, #tpu.memory_space<vmem>> -> memref<128xi32, #tpu.memory_space<vmem>>
      %dma_start3A_135 = arith.constant 0 : i32
      %dma_start3A_136 = arith.constant 0 : i32
      %dma_start3A_137 = tpu.memref_slice %arg2[%dma_start3A_135, %dma_start3A_136] : memref<10240x128xf32, #tpu.memory_space<hbm>> -> memref<10240x128xf32, #tpu.memory_space<hbm>>
      tpu.enqueue_indirect_dma source(%dma_start3A_137 : memref<10240x128xf32, #tpu.memory_space<hbm>>) target(%arg8 : memref<128x128xf32, #tpu.memory_space<vmem>>) offsets(%dma_start3A_134 : memref<128xi32, #tpu.memory_space<vmem>>) semaphore(%arg10 : memref<!tpu.dma_semaphore, #tpu.memory_space<semaphore_mem>>)
      %mul3A_138 = arith.constant 2 : i32
      %mul3A_139 = arith.muli %mul3A_138, %scan3A_117 : i32
      %add3A_140 = arith.constant 1 : i32
      %add3A_141 = arith.addi %mul3A_139, %add3A_140 : i32
      %dma_wait3A_142 = arith.constant 0 : i32
      %dma_wait3A_143 = tpu.memref_slice %arg6[%add3A_141, %dma_wait3A_142] : memref<40x128xi32, #tpu.memory_space<vmem>> -> memref<1x128xi32, #tpu.memory_space<vmem>>
      %dma_wait3A_144 = tpu.memref_squeeze %dma_wait3A_143 : memref<1x128xi32, #tpu.memory_space<vmem>> -> memref<128xi32, #tpu.memory_space<vmem>>
      %dma_wait3A_145 = arith.constant 0 : i32
      %dma_wait3A_146 = arith.constant 0 : i32
      %dma_wait3A_147 = tpu.memref_slice %arg2[%dma_wait3A_145, %dma_wait3A_146] : memref<10240x128xf32, #tpu.memory_space<hbm>> -> memref<10240x128xf32, #tpu.memory_space<hbm>>
      tpu.wait_indirect_dma semaphore(%arg11 : memref<!tpu.dma_semaphore, #tpu.memory_space<semaphore_mem>>) src(%dma_wait3A_147 : memref<10240x128xf32, #tpu.memory_space<hbm>>) dst(%arg9 : memref<128x128xf32, #tpu.memory_space<vmem>>)
      "tpu.region"() ({
        %run_scoped3A = tpu.sem_alloc : memref<!tpu.dma_semaphore, #tpu.memory_space<semaphore_mem>>
        %dma_start3A_159 = arith.constant 0 : i32
        %dma_start3A_160 = tpu.memref_slice %arg7[%add3A_141, %dma_start3A_159] : memref<40x128xi32, #tpu.memory_space<vmem>> -> memref<1x128xi32, #tpu.memory_space<vmem>>
        %dma_start3A_161 = tpu.memref_squeeze %dma_start3A_160 : memref<1x128xi32, #tpu.memory_space<vmem>> -> memref<128xi32, #tpu.memory_space<vmem>>
        %dma_start3A_162 = arith.constant 0 : i32
        %dma_start3A_163 = arith.constant 0 : i32
        %dma_start3A_164 = tpu.memref_slice %arg12[%dma_start3A_162, %dma_start3A_163] : memref<10240x128xf32, #tpu.memory_space<vmem_shared>> -> memref<10240x128xf32, #tpu.memory_space<vmem_shared>>
        tpu.enqueue_indirect_dma source(%arg9 : memref<128x128xf32, #tpu.memory_space<vmem>>) target(%dma_start3A_164 : memref<10240x128xf32, #tpu.memory_space<vmem_shared>>) offsets(%dma_start3A_161 : memref<128xi32, #tpu.memory_space<vmem>>) semaphore(%run_scoped3A : memref<!tpu.dma_semaphore, #tpu.memory_space<semaphore_mem>>) {add = true}
        %dma_wait3A_165 = arith.constant 0 : i32
        %dma_wait3A_166 = tpu.memref_slice %arg7[%add3A_141, %dma_wait3A_165] : memref<40x128xi32, #tpu.memory_space<vmem>> -> memref<1x128xi32, #tpu.memory_space<vmem>>
        %dma_wait3A_167 = tpu.memref_squeeze %dma_wait3A_166 : memref<1x128xi32, #tpu.memory_space<vmem>> -> memref<128xi32, #tpu.memory_space<vmem>>
        %dma_wait3A_168 = arith.constant 0 : i32
        %dma_wait3A_169 = arith.constant 0 : i32
        %dma_wait3A_170 = tpu.memref_slice %arg12[%dma_wait3A_168, %dma_wait3A_169] : memref<10240x128xf32, #tpu.memory_space<vmem_shared>> -> memref<10240x128xf32, #tpu.memory_space<vmem_shared>>
        tpu.wait_indirect_dma semaphore(%run_scoped3A : memref<!tpu.dma_semaphore, #tpu.memory_space<semaphore_mem>>) src(%arg9 : memref<128x128xf32, #tpu.memory_space<vmem>>) dst(%dma_wait3A_170 : memref<10240x128xf32, #tpu.memory_space<vmem_shared>>)
        tpu.yield
      }) : () -> ()
      %add3A_148 = arith.constant 2 : i32
      %add3A_149 = arith.addi %add3A_141, %add3A_148 : i32
      %min3A_150 = arith.constant 39 : i32
      %min3A_151 = arith.minsi %add3A_149, %min3A_150 : i32
      %dma_start3A_152 = arith.constant 0 : i32
      %dma_start3A_153 = tpu.memref_slice %arg6[%min3A_151, %dma_start3A_152] : memref<40x128xi32, #tpu.memory_space<vmem>> -> memref<1x128xi32, #tpu.memory_space<vmem>>
      %dma_start3A_154 = tpu.memref_squeeze %dma_start3A_153 : memref<1x128xi32, #tpu.memory_space<vmem>> -> memref<128xi32, #tpu.memory_space<vmem>>
      %dma_start3A_155 = arith.constant 0 : i32
      %dma_start3A_156 = arith.constant 0 : i32
      %dma_start3A_157 = tpu.memref_slice %arg2[%dma_start3A_155, %dma_start3A_156] : memref<10240x128xf32, #tpu.memory_space<hbm>> -> memref<10240x128xf32, #tpu.memory_space<hbm>>
      tpu.enqueue_indirect_dma source(%dma_start3A_157 : memref<10240x128xf32, #tpu.memory_space<hbm>>) target(%arg9 : memref<128x128xf32, #tpu.memory_space<vmem>>) offsets(%dma_start3A_154 : memref<128xi32, #tpu.memory_space<vmem>>) semaphore(%arg11 : memref<!tpu.dma_semaphore, #tpu.memory_space<semaphore_mem>>)
      %scan3A_158 = arith.constant 0 : i32
      scf.yield %scan3A_158 : i32
    }
    %scan3A_81 = arith.constant 20 : i32
    %dma_wait3A_82 = arith.constant 39 : i32
    %dma_wait3A_83 = arith.constant 0 : i32
    %dma_wait3A_84 = tpu.memref_slice %arg6[%dma_wait3A_82, %dma_wait3A_83] : memref<40x128xi32, #tpu.memory_space<vmem>> -> memref<1x128xi32, #tpu.memory_space<vmem>>
    %dma_wait3A_85 = tpu.memref_squeeze %dma_wait3A_84 : memref<1x128xi32, #tpu.memory_space<vmem>> -> memref<128xi32, #tpu.memory_space<vmem>>
    %dma_wait3A_86 = arith.constant 0 : i32
    %dma_wait3A_87 = arith.constant 0 : i32
    %dma_wait3A_88 = tpu.memref_slice %arg2[%dma_wait3A_86, %dma_wait3A_87] : memref<10240x128xf32, #tpu.memory_space<hbm>> -> memref<10240x128xf32, #tpu.memory_space<hbm>>
    tpu.wait_indirect_dma semaphore(%arg10 : memref<!tpu.dma_semaphore, #tpu.memory_space<semaphore_mem>>) src(%dma_wait3A_88 : memref<10240x128xf32, #tpu.memory_space<hbm>>) dst(%arg8 : memref<128x128xf32, #tpu.memory_space<vmem>>)
    %dma_wait3A_89 = arith.constant 39 : i32
    %dma_wait3A_90 = arith.constant 0 : i32
    %dma_wait3A_91 = tpu.memref_slice %arg6[%dma_wait3A_89, %dma_wait3A_90] : memref<40x128xi32, #tpu.memory_space<vmem>> -> memref<1x128xi32, #tpu.memory_space<vmem>>
    %dma_wait3A_92 = tpu.memref_squeeze %dma_wait3A_91 : memref<1x128xi32, #tpu.memory_space<vmem>> -> memref<128xi32, #tpu.memory_space<vmem>>
    %dma_wait3A_93 = arith.constant 0 : i32
    %dma_wait3A_94 = arith.constant 0 : i32
    %dma_wait3A_95 = tpu.memref_slice %arg2[%dma_wait3A_93, %dma_wait3A_94] : memref<10240x128xf32, #tpu.memory_space<hbm>> -> memref<10240x128xf32, #tpu.memory_space<hbm>>
    tpu.wait_indirect_dma semaphore(%arg11 : memref<!tpu.dma_semaphore, #tpu.memory_space<semaphore_mem>>) src(%dma_wait3A_95 : memref<10240x128xf32, #tpu.memory_space<hbm>>) dst(%arg9 : memref<128x128xf32, #tpu.memory_space<vmem>>)
    %barrier3A_96 = arith.constant 0 : index
    tpu.barrier barrier_id(%barrier3A_96)
    %mul3A_97 = arith.constant 640 : i32
    %mul3A_98 = arith.muli %arg1, %mul3A_97 : i32
    %add3A_99 = arith.constant 0 : i32
    %add3A_100 = arith.addi %mul3A_98, %add3A_99 : i32
    "tpu.region"() ({
      %run_scoped3A = tpu.sem_alloc : memref<!tpu.dma_semaphore, #tpu.memory_space<semaphore_mem>>
      %dma_start3A_117 = arith.constant 0 : i32
      %dma_start3A_118 = tpu.memref_slice %arg12[%add3A_100, %dma_start3A_117] : memref<10240x128xf32, #tpu.memory_space<vmem_shared>> -> memref<128x128xf32, #tpu.memory_space<vmem_shared>>
      %dma_start3A_119 = arith.constant 0 : i32
      %dma_start3A_120 = tpu.memref_slice %arg12[%add3A_100, %dma_start3A_119] : memref<10240x128xf32, #tpu.memory_space<vmem_shared>> -> memref<128x128xf32, #tpu.memory_space<vmem_shared>>
      tpu.enqueue_dma source(%dma_start3A_120 : memref<128x128xf32, #tpu.memory_space<vmem_shared>>) target(%arg8 : memref<128x128xf32, #tpu.memory_space<vmem>>) target_semaphore(%run_scoped3A : memref<!tpu.dma_semaphore, #tpu.memory_space<semaphore_mem>>)
      %dma_wait3A_121 = arith.constant 0 : i32
      %dma_wait3A_122 = tpu.memref_slice %arg12[%add3A_100, %dma_wait3A_121] : memref<10240x128xf32, #tpu.memory_space<vmem_shared>> -> memref<128x128xf32, #tpu.memory_space<vmem_shared>>
      %dma_wait3A_123 = arith.constant 0 : i32
      %dma_wait3A_124 = tpu.memref_slice %arg12[%add3A_100, %dma_wait3A_123] : memref<10240x128xf32, #tpu.memory_space<vmem_shared>> -> memref<128x128xf32, #tpu.memory_space<vmem_shared>>
      tpu.wait_dma2 semaphore(%run_scoped3A : memref<!tpu.dma_semaphore, #tpu.memory_space<semaphore_mem>>) src(%dma_wait3A_124 : memref<128x128xf32, #tpu.memory_space<vmem_shared>>) dst(%arg8 : memref<128x128xf32, #tpu.memory_space<vmem>>)
      tpu.yield
    }) : () -> ()
    "tpu.region"() ({
      %run_scoped3A = tpu.sem_alloc : memref<!tpu.dma_semaphore, #tpu.memory_space<semaphore_mem>>
      %dma_start3A_117 = arith.constant 0 : i32
      %dma_start3A_118 = tpu.memref_slice %arg5[%arg0, %add3A_100, %dma_start3A_117] : memref<2x10240x128xf32, #tpu.memory_space<hbm>> -> memref<1x128x128xf32, #tpu.memory_space<hbm>>
      %dma_start3A_119 = tpu.memref_squeeze %dma_start3A_118 : memref<1x128x128xf32, #tpu.memory_space<hbm>> -> memref<128x128xf32, #tpu.memory_space<hbm>>
      %dma_start3A_120 = arith.constant 0 : i32
      %dma_start3A_121 = tpu.memref_slice %arg5[%arg0, %add3A_100, %dma_start3A_120] : memref<2x10240x128xf32, #tpu.memory_space<hbm>> -> memref<1x128x128xf32, #tpu.memory_space<hbm>>
      %dma_start3A_122 = tpu.memref_squeeze %dma_start3A_121 : memref<1x128x128xf32, #tpu.memory_space<hbm>> -> memref<128x128xf32, #tpu.memory_space<hbm>>
      tpu.enqueue_dma source(%arg8 : memref<128x128xf32, #tpu.memory_space<vmem>>) target(%dma_start3A_122 : memref<128x128xf32, #tpu.memory_space<hbm>>) target_semaphore(%run_scoped3A : memref<!tpu.dma_semaphore, #tpu.memory_space<semaphore_mem>>)
      %dma_wait3A_123 = arith.constant 0 : i32
      %dma_wait3A_124 = tpu.memref_slice %arg5[%arg0, %add3A_100, %dma_wait3A_123] : memref<2x10240x128xf32, #tpu.memory_space<hbm>> -> memref<1x128x128xf32, #tpu.memory_space<hbm>>
      %dma_wait3A_125 = tpu.memref_squeeze %dma_wait3A_124 : memref<1x128x128xf32, #tpu.memory_space<hbm>> -> memref<128x128xf32, #tpu.memory_space<hbm>>
      %dma_wait3A_126 = arith.constant 0 : i32
      %dma_wait3A_127 = tpu.memref_slice %arg5[%arg0, %add3A_100, %dma_wait3A_126] : memref<2x10240x128xf32, #tpu.memory_space<hbm>> -> memref<1x128x128xf32, #tpu.memory_space<hbm>>
      %dma_wait3A_128 = tpu.memref_squeeze %dma_wait3A_127 : memref<1x128x128xf32, #tpu.memory_space<hbm>> -> memref<128x128xf32, #tpu.memory_space<hbm>>
      tpu.wait_dma2 semaphore(%run_scoped3A : memref<!tpu.dma_semaphore, #tpu.memory_space<semaphore_mem>>) src(%arg8 : memref<128x128xf32, #tpu.memory_space<vmem>>) dst(%dma_wait3A_128 : memref<128x128xf32, #tpu.memory_space<hbm>>)
      tpu.yield
    }) : () -> ()
    %mul3A_101 = arith.constant 640 : i32
    %mul3A_102 = arith.muli %arg1, %mul3A_101 : i32
    %add3A_103 = arith.constant 128 : i32
    %add3A_104 = arith.addi %mul3A_102, %add3A_103 : i32
    "tpu.region"() ({
      %run_scoped3A = tpu.sem_alloc : memref<!tpu.dma_semaphore, #tpu.memory_space<semaphore_mem>>
      %dma_start3A_117 = arith.constant 0 : i32
      %dma_start3A_118 = tpu.memref_slice %arg12[%add3A_104, %dma_start3A_117] : memref<10240x128xf32, #tpu.memory_space<vmem_shared>> -> memref<128x128xf32, #tpu.memory_space<vmem_shared>>
      %dma_start3A_119 = arith.constant 0 : i32
      %dma_start3A_120 = tpu.memref_slice %arg12[%add3A_104, %dma_start3A_119] : memref<10240x128xf32, #tpu.memory_space<vmem_shared>> -> memref<128x128xf32, #tpu.memory_space<vmem_shared>>
      tpu.enqueue_dma source(%dma_start3A_120 : memref<128x128xf32, #tpu.memory_space<vmem_shared>>) target(%arg8 : memref<128x128xf32, #tpu.memory_space<vmem>>) target_semaphore(%run_scoped3A : memref<!tpu.dma_semaphore, #tpu.memory_space<semaphore_mem>>)
      %dma_wait3A_121 = arith.constant 0 : i32
      %dma_wait3A_122 = tpu.memref_slice %arg12[%add3A_104, %dma_wait3A_121] : memref<10240x128xf32, #tpu.memory_space<vmem_shared>> -> memref<128x128xf32, #tpu.memory_space<vmem_shared>>
      %dma_wait3A_123 = arith.constant 0 : i32
      %dma_wait3A_124 = tpu.memref_slice %arg12[%add3A_104, %dma_wait3A_123] : memref<10240x128xf32, #tpu.memory_space<vmem_shared>> -> memref<128x128xf32, #tpu.memory_space<vmem_shared>>
      tpu.wait_dma2 semaphore(%run_scoped3A : memref<!tpu.dma_semaphore, #tpu.memory_space<semaphore_mem>>) src(%dma_wait3A_124 : memref<128x128xf32, #tpu.memory_space<vmem_shared>>) dst(%arg8 : memref<128x128xf32, #tpu.memory_space<vmem>>)
      tpu.yield
    }) : () -> ()
    "tpu.region"() ({
      %run_scoped3A = tpu.sem_alloc : memref<!tpu.dma_semaphore, #tpu.memory_space<semaphore_mem>>
      %dma_start3A_117 = arith.constant 0 : i32
      %dma_start3A_118 = tpu.memref_slice %arg5[%arg0, %add3A_104, %dma_start3A_117] : memref<2x10240x128xf32, #tpu.memory_space<hbm>> -> memref<1x128x128xf32, #tpu.memory_space<hbm>>
      %dma_start3A_119 = tpu.memref_squeeze %dma_start3A_118 : memref<1x128x128xf32, #tpu.memory_space<hbm>> -> memref<128x128xf32, #tpu.memory_space<hbm>>
      %dma_start3A_120 = arith.constant 0 : i32
      %dma_start3A_121 = tpu.memref_slice %arg5[%arg0, %add3A_104, %dma_start3A_120] : memref<2x10240x128xf32, #tpu.memory_space<hbm>> -> memref<1x128x128xf32, #tpu.memory_space<hbm>>
      %dma_start3A_122 = tpu.memref_squeeze %dma_start3A_121 : memref<1x128x128xf32, #tpu.memory_space<hbm>> -> memref<128x128xf32, #tpu.memory_space<hbm>>
      tpu.enqueue_dma source(%arg8 : memref<128x128xf32, #tpu.memory_space<vmem>>) target(%dma_start3A_122 : memref<128x128xf32, #tpu.memory_space<hbm>>) target_semaphore(%run_scoped3A : memref<!tpu.dma_semaphore, #tpu.memory_space<semaphore_mem>>)
      %dma_wait3A_123 = arith.constant 0 : i32
      %dma_wait3A_124 = tpu.memref_slice %arg5[%arg0, %add3A_104, %dma_wait3A_123] : memref<2x10240x128xf32, #tpu.memory_space<hbm>> -> memref<1x128x128xf32, #tpu.memory_space<hbm>>
      %dma_wait3A_125 = tpu.memref_squeeze %dma_wait3A_124 : memref<1x128x128xf32, #tpu.memory_space<hbm>> -> memref<128x128xf32, #tpu.memory_space<hbm>>
      %dma_wait3A_126 = arith.constant 0 : i32
      %dma_wait3A_127 = tpu.memref_slice %arg5[%arg0, %add3A_104, %dma_wait3A_126] : memref<2x10240x128xf32, #tpu.memory_space<hbm>> -> memref<1x128x128xf32, #tpu.memory_space<hbm>>
      %dma_wait3A_128 = tpu.memref_squeeze %dma_wait3A_127 : memref<1x128x128xf32, #tpu.memory_space<hbm>> -> memref<128x128xf32, #tpu.memory_space<hbm>>
      tpu.wait_dma2 semaphore(%run_scoped3A : memref<!tpu.dma_semaphore, #tpu.memory_space<semaphore_mem>>) src(%arg8 : memref<128x128xf32, #tpu.memory_space<vmem>>) dst(%dma_wait3A_128 : memref<128x128xf32, #tpu.memory_space<hbm>>)
      tpu.yield
    }) : () -> ()
    %mul3A_105 = arith.constant 640 : i32
    %mul3A_106 = arith.muli %arg1, %mul3A_105 : i32
    %add3A_107 = arith.constant 256 : i32
    %add3A_108 = arith.addi %mul3A_106, %add3A_107 : i32
    "tpu.region"() ({
      %run_scoped3A = tpu.sem_alloc : memref<!tpu.dma_semaphore, #tpu.memory_space<semaphore_mem>>
      %dma_start3A_117 = arith.constant 0 : i32
      %dma_start3A_118 = tpu.memref_slice %arg12[%add3A_108, %dma_start3A_117] : memref<10240x128xf32, #tpu.memory_space<vmem_shared>> -> memref<128x128xf32, #tpu.memory_space<vmem_shared>>
      %dma_start3A_119 = arith.constant 0 : i32
      %dma_start3A_120 = tpu.memref_slice %arg12[%add3A_108, %dma_start3A_119] : memref<10240x128xf32, #tpu.memory_space<vmem_shared>> -> memref<128x128xf32, #tpu.memory_space<vmem_shared>>
      tpu.enqueue_dma source(%dma_start3A_120 : memref<128x128xf32, #tpu.memory_space<vmem_shared>>) target(%arg8 : memref<128x128xf32, #tpu.memory_space<vmem>>) target_semaphore(%run_scoped3A : memref<!tpu.dma_semaphore, #tpu.memory_space<semaphore_mem>>)
      %dma_wait3A_121 = arith.constant 0 : i32
      %dma_wait3A_122 = tpu.memref_slice %arg12[%add3A_108, %dma_wait3A_121] : memref<10240x128xf32, #tpu.memory_space<vmem_shared>> -> memref<128x128xf32, #tpu.memory_space<vmem_shared>>
      %dma_wait3A_123 = arith.constant 0 : i32
      %dma_wait3A_124 = tpu.memref_slice %arg12[%add3A_108, %dma_wait3A_123] : memref<10240x128xf32, #tpu.memory_space<vmem_shared>> -> memref<128x128xf32, #tpu.memory_space<vmem_shared>>
      tpu.wait_dma2 semaphore(%run_scoped3A : memref<!tpu.dma_semaphore, #tpu.memory_space<semaphore_mem>>) src(%dma_wait3A_124 : memref<128x128xf32, #tpu.memory_space<vmem_shared>>) dst(%arg8 : memref<128x128xf32, #tpu.memory_space<vmem>>)
      tpu.yield
    }) : () -> ()
    "tpu.region"() ({
      %run_scoped3A = tpu.sem_alloc : memref<!tpu.dma_semaphore, #tpu.memory_space<semaphore_mem>>
      %dma_start3A_117 = arith.constant 0 : i32
      %dma_start3A_118 = tpu.memref_slice %arg5[%arg0, %add3A_108, %dma_start3A_117] : memref<2x10240x128xf32, #tpu.memory_space<hbm>> -> memref<1x128x128xf32, #tpu.memory_space<hbm>>
      %dma_start3A_119 = tpu.memref_squeeze %dma_start3A_118 : memref<1x128x128xf32, #tpu.memory_space<hbm>> -> memref<128x128xf32, #tpu.memory_space<hbm>>
      %dma_start3A_120 = arith.constant 0 : i32
      %dma_start3A_121 = tpu.memref_slice %arg5[%arg0, %add3A_108, %dma_start3A_120] : memref<2x10240x128xf32, #tpu.memory_space<hbm>> -> memref<1x128x128xf32, #tpu.memory_space<hbm>>
      %dma_start3A_122 = tpu.memref_squeeze %dma_start3A_121 : memref<1x128x128xf32, #tpu.memory_space<hbm>> -> memref<128x128xf32, #tpu.memory_space<hbm>>
      tpu.enqueue_dma source(%arg8 : memref<128x128xf32, #tpu.memory_space<vmem>>) target(%dma_start3A_122 : memref<128x128xf32, #tpu.memory_space<hbm>>) target_semaphore(%run_scoped3A : memref<!tpu.dma_semaphore, #tpu.memory_space<semaphore_mem>>)
      %dma_wait3A_123 = arith.constant 0 : i32
      %dma_wait3A_124 = tpu.memref_slice %arg5[%arg0, %add3A_108, %dma_wait3A_123] : memref<2x10240x128xf32, #tpu.memory_space<hbm>> -> memref<1x128x128xf32, #tpu.memory_space<hbm>>
      %dma_wait3A_125 = tpu.memref_squeeze %dma_wait3A_124 : memref<1x128x128xf32, #tpu.memory_space<hbm>> -> memref<128x128xf32, #tpu.memory_space<hbm>>
      %dma_wait3A_126 = arith.constant 0 : i32
      %dma_wait3A_127 = tpu.memref_slice %arg5[%arg0, %add3A_108, %dma_wait3A_126] : memref<2x10240x128xf32, #tpu.memory_space<hbm>> -> memref<1x128x128xf32, #tpu.memory_space<hbm>>
      %dma_wait3A_128 = tpu.memref_squeeze %dma_wait3A_127 : memref<1x128x128xf32, #tpu.memory_space<hbm>> -> memref<128x128xf32, #tpu.memory_space<hbm>>
      tpu.wait_dma2 semaphore(%run_scoped3A : memref<!tpu.dma_semaphore, #tpu.memory_space<semaphore_mem>>) src(%arg8 : memref<128x128xf32, #tpu.memory_space<vmem>>) dst(%dma_wait3A_128 : memref<128x128xf32, #tpu.memory_space<hbm>>)
      tpu.yield
    }) : () -> ()
    %mul3A_109 = arith.constant 640 : i32
    %mul3A_110 = arith.muli %arg1, %mul3A_109 : i32
    %add3A_111 = arith.constant 384 : i32
    %add3A_112 = arith.addi %mul3A_110, %add3A_111 : i32
    "tpu.region"() ({
      %run_scoped3A = tpu.sem_alloc : memref<!tpu.dma_semaphore, #tpu.memory_space<semaphore_mem>>
      %dma_start3A_117 = arith.constant 0 : i32
      %dma_start3A_118 = tpu.memref_slice %arg12[%add3A_112, %dma_start3A_117] : memref<10240x128xf32, #tpu.memory_space<vmem_shared>> -> memref<128x128xf32, #tpu.memory_space<vmem_shared>>
      %dma_start3A_119 = arith.constant 0 : i32
      %dma_start3A_120 = tpu.memref_slice %arg12[%add3A_112, %dma_start3A_119] : memref<10240x128xf32, #tpu.memory_space<vmem_shared>> -> memref<128x128xf32, #tpu.memory_space<vmem_shared>>
      tpu.enqueue_dma source(%dma_start3A_120 : memref<128x128xf32, #tpu.memory_space<vmem_shared>>) target(%arg8 : memref<128x128xf32, #tpu.memory_space<vmem>>) target_semaphore(%run_scoped3A : memref<!tpu.dma_semaphore, #tpu.memory_space<semaphore_mem>>)
      %dma_wait3A_121 = arith.constant 0 : i32
      %dma_wait3A_122 = tpu.memref_slice %arg12[%add3A_112, %dma_wait3A_121] : memref<10240x128xf32, #tpu.memory_space<vmem_shared>> -> memref<128x128xf32, #tpu.memory_space<vmem_shared>>
      %dma_wait3A_123 = arith.constant 0 : i32
      %dma_wait3A_124 = tpu.memref_slice %arg12[%add3A_112, %dma_wait3A_123] : memref<10240x128xf32, #tpu.memory_space<vmem_shared>> -> memref<128x128xf32, #tpu.memory_space<vmem_shared>>
      tpu.wait_dma2 semaphore(%run_scoped3A : memref<!tpu.dma_semaphore, #tpu.memory_space<semaphore_mem>>) src(%dma_wait3A_124 : memref<128x128xf32, #tpu.memory_space<vmem_shared>>) dst(%arg8 : memref<128x128xf32, #tpu.memory_space<vmem>>)
      tpu.yield
    }) : () -> ()
    "tpu.region"() ({
      %run_scoped3A = tpu.sem_alloc : memref<!tpu.dma_semaphore, #tpu.memory_space<semaphore_mem>>
      %dma_start3A_117 = arith.constant 0 : i32
      %dma_start3A_118 = tpu.memref_slice %arg5[%arg0, %add3A_112, %dma_start3A_117] : memref<2x10240x128xf32, #tpu.memory_space<hbm>> -> memref<1x128x128xf32, #tpu.memory_space<hbm>>
      %dma_start3A_119 = tpu.memref_squeeze %dma_start3A_118 : memref<1x128x128xf32, #tpu.memory_space<hbm>> -> memref<128x128xf32, #tpu.memory_space<hbm>>
      %dma_start3A_120 = arith.constant 0 : i32
      %dma_start3A_121 = tpu.memref_slice %arg5[%arg0, %add3A_112, %dma_start3A_120] : memref<2x10240x128xf32, #tpu.memory_space<hbm>> -> memref<1x128x128xf32, #tpu.memory_space<hbm>>
      %dma_start3A_122 = tpu.memref_squeeze %dma_start3A_121 : memref<1x128x128xf32, #tpu.memory_space<hbm>> -> memref<128x128xf32, #tpu.memory_space<hbm>>
      tpu.enqueue_dma source(%arg8 : memref<128x128xf32, #tpu.memory_space<vmem>>) target(%dma_start3A_122 : memref<128x128xf32, #tpu.memory_space<hbm>>) target_semaphore(%run_scoped3A : memref<!tpu.dma_semaphore, #tpu.memory_space<semaphore_mem>>)
      %dma_wait3A_123 = arith.constant 0 : i32
      %dma_wait3A_124 = tpu.memref_slice %arg5[%arg0, %add3A_112, %dma_wait3A_123] : memref<2x10240x128xf32, #tpu.memory_space<hbm>> -> memref<1x128x128xf32, #tpu.memory_space<hbm>>
      %dma_wait3A_125 = tpu.memref_squeeze %dma_wait3A_124 : memref<1x128x128xf32, #tpu.memory_space<hbm>> -> memref<128x128xf32, #tpu.memory_space<hbm>>
      %dma_wait3A_126 = arith.constant 0 : i32
      %dma_wait3A_127 = tpu.memref_slice %arg5[%arg0, %add3A_112, %dma_wait3A_126] : memref<2x10240x128xf32, #tpu.memory_space<hbm>> -> memref<1x128x128xf32, #tpu.memory_space<hbm>>
      %dma_wait3A_128 = tpu.memref_squeeze %dma_wait3A_127 : memref<1x128x128xf32, #tpu.memory_space<hbm>> -> memref<128x128xf32, #tpu.memory_space<hbm>>
      tpu.wait_dma2 semaphore(%run_scoped3A : memref<!tpu.dma_semaphore, #tpu.memory_space<semaphore_mem>>) src(%arg8 : memref<128x128xf32, #tpu.memory_space<vmem>>) dst(%dma_wait3A_128 : memref<128x128xf32, #tpu.memory_space<hbm>>)
      tpu.yield
    }) : () -> ()
    %mul3A_113 = arith.constant 640 : i32
    %mul3A_114 = arith.muli %arg1, %mul3A_113 : i32
    %add3A_115 = arith.constant 512 : i32
    %add3A_116 = arith.addi %mul3A_114, %add3A_115 : i32
    "tpu.region"() ({
      %run_scoped3A = tpu.sem_alloc : memref<!tpu.dma_semaphore, #tpu.memory_space<semaphore_mem>>
      %dma_start3A_117 = arith.constant 0 : i32
      %dma_start3A_118 = tpu.memref_slice %arg12[%add3A_116, %dma_start3A_117] : memref<10240x128xf32, #tpu.memory_space<vmem_shared>> -> memref<128x128xf32, #tpu.memory_space<vmem_shared>>
      %dma_start3A_119 = arith.constant 0 : i32
      %dma_start3A_120 = tpu.memref_slice %arg12[%add3A_116, %dma_start3A_119] : memref<10240x128xf32, #tpu.memory_space<vmem_shared>> -> memref<128x128xf32, #tpu.memory_space<vmem_shared>>
      tpu.enqueue_dma source(%dma_start3A_120 : memref<128x128xf32, #tpu.memory_space<vmem_shared>>) target(%arg8 : memref<128x128xf32, #tpu.memory_space<vmem>>) target_semaphore(%run_scoped3A : memref<!tpu.dma_semaphore, #tpu.memory_space<semaphore_mem>>)
      %dma_wait3A_121 = arith.constant 0 : i32
      %dma_wait3A_122 = tpu.memref_slice %arg12[%add3A_116, %dma_wait3A_121] : memref<10240x128xf32, #tpu.memory_space<vmem_shared>> -> memref<128x128xf32, #tpu.memory_space<vmem_shared>>
      %dma_wait3A_123 = arith.constant 0 : i32
      %dma_wait3A_124 = tpu.memref_slice %arg12[%add3A_116, %dma_wait3A_123] : memref<10240x128xf32, #tpu.memory_space<vmem_shared>> -> memref<128x128xf32, #tpu.memory_space<vmem_shared>>
      tpu.wait_dma2 semaphore(%run_scoped3A : memref<!tpu.dma_semaphore, #tpu.memory_space<semaphore_mem>>) src(%dma_wait3A_124 : memref<128x128xf32, #tpu.memory_space<vmem_shared>>) dst(%arg8 : memref<128x128xf32, #tpu.memory_space<vmem>>)
      tpu.yield
    }) : () -> ()
    "tpu.region"() ({
      %run_scoped3A = tpu.sem_alloc : memref<!tpu.dma_semaphore, #tpu.memory_space<semaphore_mem>>
      %dma_start3A_117 = arith.constant 0 : i32
      %dma_start3A_118 = tpu.memref_slice %arg5[%arg0, %add3A_116, %dma_start3A_117] : memref<2x10240x128xf32, #tpu.memory_space<hbm>> -> memref<1x128x128xf32, #tpu.memory_space<hbm>>
      %dma_start3A_119 = tpu.memref_squeeze %dma_start3A_118 : memref<1x128x128xf32, #tpu.memory_space<hbm>> -> memref<128x128xf32, #tpu.memory_space<hbm>>
      %dma_start3A_120 = arith.constant 0 : i32
      %dma_start3A_121 = tpu.memref_slice %arg5[%arg0, %add3A_116, %dma_start3A_120] : memref<2x10240x128xf32, #tpu.memory_space<hbm>> -> memref<1x128x128xf32, #tpu.memory_space<hbm>>
      %dma_start3A_122 = tpu.memref_squeeze %dma_start3A_121 : memref<1x128x128xf32, #tpu.memory_space<hbm>> -> memref<128x128xf32, #tpu.memory_space<hbm>>
      tpu.enqueue_dma source(%arg8 : memref<128x128xf32, #tpu.memory_space<vmem>>) target(%dma_start3A_122 : memref<128x128xf32, #tpu.memory_space<hbm>>) target_semaphore(%run_scoped3A : memref<!tpu.dma_semaphore, #tpu.memory_space<semaphore_mem>>)
      %dma_wait3A_123 = arith.constant 0 : i32
      %dma_wait3A_124 = tpu.memref_slice %arg5[%arg0, %add3A_116, %dma_wait3A_123] : memref<2x10240x128xf32, #tpu.memory_space<hbm>> -> memref<1x128x128xf32, #tpu.memory_space<hbm>>
      %dma_wait3A_125 = tpu.memref_squeeze %dma_wait3A_124 : memref<1x128x128xf32, #tpu.memory_space<hbm>> -> memref<128x128xf32, #tpu.memory_space<hbm>>
      %dma_wait3A_126 = arith.constant 0 : i32
      %dma_wait3A_127 = tpu.memref_slice %arg5[%arg0, %add3A_116, %dma_wait3A_126] : memref<2x10240x128xf32, #tpu.memory_space<hbm>> -> memref<1x128x128xf32, #tpu.memory_space<hbm>>
      %dma_wait3A_128 = tpu.memref_squeeze %dma_wait3A_127 : memref<1x128x128xf32, #tpu.memory_space<hbm>> -> memref<128x128xf32, #tpu.memory_space<hbm>>
      tpu.wait_dma2 semaphore(%run_scoped3A : memref<!tpu.dma_semaphore, #tpu.memory_space<semaphore_mem>>) src(%arg8 : memref<128x128xf32, #tpu.memory_space<vmem>>) dst(%dma_wait3A_128 : memref<128x128xf32, #tpu.memory_space<hbm>>)
      tpu.yield
    }) : () -> ()
    return
  }
}

#map = affine_map<(d0, d1) -> (0, 0)>
#map1 = affine_map<(d0, d1) -> (0, 0, 0)>
#map2 = affine_map<(d0, d1) -> (0)>
module attributes {stable_mosaic.version = 14 : i64} {
  func.func @sc_edge_head(%arg0: i32, %arg1: i32, %arg2: memref<10240x128xf32, #tpu.memory_space<hbm>>, %arg3: memref<10240x128xf32, #tpu.memory_space<hbm>>, %arg4: memref<32x80x128xi32, #tpu.memory_space<hbm>>, %arg5: memref<32x80x128xi32, #tpu.memory_space<hbm>>, %arg6: memref<128xf32, #tpu.memory_space<hbm>>, %arg7: memref<128xf32, #tpu.memory_space<hbm>>, %arg8: memref<20480x512xf32, #tpu.memory_space<hbm>>, %arg9: memref<80x128xi32, #tpu.memory_space<vmem>>, %arg10: memref<80x128xi32, #tpu.memory_space<vmem>>, %arg11: memref<128x128xf32, #tpu.memory_space<vmem>>, %arg12: memref<128x128xf32, #tpu.memory_space<vmem>>, %arg13: memref<128x128xf32, #tpu.memory_space<vmem>>, %arg14: memref<128x128xf32, #tpu.memory_space<vmem>>, %arg15: memref<!tpu.dma_semaphore, #tpu.memory_space<semaphore_mem>>, %arg16: memref<!tpu.dma_semaphore, #tpu.memory_space<semaphore_mem>>, %arg17: memref<128xf32, #tpu.memory_space<vmem>>, %arg18: memref<128xf32, #tpu.memory_space<vmem>>, %arg19: memref<8x512xf32, #tpu.memory_space<vmem>>) attributes {dimension_semantics = [#tpu.dimension_semantics<core_parallel>, #tpu.dimension_semantics<subcore_parallel>], iteration_bounds = array<i64: 2, 16>, scalar_prefetch = 0 : i64, scratch_operands = 11 : i64, tpu.core_type = #tpu.core_type<sc_vector_subcore>, window_params = [{transform_indices = #map}, {transform_indices = #map}, {transform_indices = #map1}, {transform_indices = #map1}, {transform_indices = #map2}, {transform_indices = #map2}, {transform_indices = #map}]} {
    %mul3A = arith.constant 16 : i32
    %mul3A_0 = arith.muli %arg0, %mul3A : i32
    %add3A = arith.addi %mul3A_0, %arg1 : i32
    "tpu.region"() ({
      %run_scoped3A = tpu.sem_alloc : memref<!tpu.dma_semaphore, #tpu.memory_space<semaphore_mem>>
      tpu.enqueue_dma source(%arg6 : memref<128xf32, #tpu.memory_space<hbm>>) target(%arg17 : memref<128xf32, #tpu.memory_space<vmem>>) target_semaphore(%run_scoped3A : memref<!tpu.dma_semaphore, #tpu.memory_space<semaphore_mem>>)
      tpu.wait_dma2 semaphore(%run_scoped3A : memref<!tpu.dma_semaphore, #tpu.memory_space<semaphore_mem>>) src(%arg6 : memref<128xf32, #tpu.memory_space<hbm>>) dst(%arg17 : memref<128xf32, #tpu.memory_space<vmem>>)
      tpu.yield
    }) : () -> ()
    "tpu.region"() ({
      %run_scoped3A = tpu.sem_alloc : memref<!tpu.dma_semaphore, #tpu.memory_space<semaphore_mem>>
      tpu.enqueue_dma source(%arg7 : memref<128xf32, #tpu.memory_space<hbm>>) target(%arg18 : memref<128xf32, #tpu.memory_space<vmem>>) target_semaphore(%run_scoped3A : memref<!tpu.dma_semaphore, #tpu.memory_space<semaphore_mem>>)
      tpu.wait_dma2 semaphore(%run_scoped3A : memref<!tpu.dma_semaphore, #tpu.memory_space<semaphore_mem>>) src(%arg7 : memref<128xf32, #tpu.memory_space<hbm>>) dst(%arg18 : memref<128xf32, #tpu.memory_space<vmem>>)
      tpu.yield
    }) : () -> ()
    "tpu.region"() ({
      %run_scoped3A = tpu.sem_alloc : memref<!tpu.dma_semaphore, #tpu.memory_space<semaphore_mem>>
      %dma_start3A_108 = arith.constant 0 : i32
      %dma_start3A_109 = arith.constant 0 : i32
      %dma_start3A_110 = tpu.memref_slice %arg4[%add3A, %dma_start3A_108, %dma_start3A_109] : memref<32x80x128xi32, #tpu.memory_space<hbm>> -> memref<1x80x128xi32, #tpu.memory_space<hbm>>
      %dma_start3A_111 = tpu.memref_squeeze %dma_start3A_110 : memref<1x80x128xi32, #tpu.memory_space<hbm>> -> memref<80x128xi32, #tpu.memory_space<hbm>>
      %dma_start3A_112 = arith.constant 0 : i32
      %dma_start3A_113 = arith.constant 0 : i32
      %dma_start3A_114 = tpu.memref_slice %arg4[%add3A, %dma_start3A_112, %dma_start3A_113] : memref<32x80x128xi32, #tpu.memory_space<hbm>> -> memref<1x80x128xi32, #tpu.memory_space<hbm>>
      %dma_start3A_115 = tpu.memref_squeeze %dma_start3A_114 : memref<1x80x128xi32, #tpu.memory_space<hbm>> -> memref<80x128xi32, #tpu.memory_space<hbm>>
      tpu.enqueue_dma source(%dma_start3A_115 : memref<80x128xi32, #tpu.memory_space<hbm>>) target(%arg9 : memref<80x128xi32, #tpu.memory_space<vmem>>) target_semaphore(%run_scoped3A : memref<!tpu.dma_semaphore, #tpu.memory_space<semaphore_mem>>)
      %dma_wait3A_116 = arith.constant 0 : i32
      %dma_wait3A_117 = arith.constant 0 : i32
      %dma_wait3A_118 = tpu.memref_slice %arg4[%add3A, %dma_wait3A_116, %dma_wait3A_117] : memref<32x80x128xi32, #tpu.memory_space<hbm>> -> memref<1x80x128xi32, #tpu.memory_space<hbm>>
      %dma_wait3A_119 = tpu.memref_squeeze %dma_wait3A_118 : memref<1x80x128xi32, #tpu.memory_space<hbm>> -> memref<80x128xi32, #tpu.memory_space<hbm>>
      %dma_wait3A_120 = arith.constant 0 : i32
      %dma_wait3A_121 = arith.constant 0 : i32
      %dma_wait3A_122 = tpu.memref_slice %arg4[%add3A, %dma_wait3A_120, %dma_wait3A_121] : memref<32x80x128xi32, #tpu.memory_space<hbm>> -> memref<1x80x128xi32, #tpu.memory_space<hbm>>
      %dma_wait3A_123 = tpu.memref_squeeze %dma_wait3A_122 : memref<1x80x128xi32, #tpu.memory_space<hbm>> -> memref<80x128xi32, #tpu.memory_space<hbm>>
      tpu.wait_dma2 semaphore(%run_scoped3A : memref<!tpu.dma_semaphore, #tpu.memory_space<semaphore_mem>>) src(%dma_wait3A_123 : memref<80x128xi32, #tpu.memory_space<hbm>>) dst(%arg9 : memref<80x128xi32, #tpu.memory_space<vmem>>)
      tpu.yield
    }) : () -> ()
    "tpu.region"() ({
      %run_scoped3A = tpu.sem_alloc : memref<!tpu.dma_semaphore, #tpu.memory_space<semaphore_mem>>
      %dma_start3A_108 = arith.constant 0 : i32
      %dma_start3A_109 = arith.constant 0 : i32
      %dma_start3A_110 = tpu.memref_slice %arg5[%add3A, %dma_start3A_108, %dma_start3A_109] : memref<32x80x128xi32, #tpu.memory_space<hbm>> -> memref<1x80x128xi32, #tpu.memory_space<hbm>>
      %dma_start3A_111 = tpu.memref_squeeze %dma_start3A_110 : memref<1x80x128xi32, #tpu.memory_space<hbm>> -> memref<80x128xi32, #tpu.memory_space<hbm>>
      %dma_start3A_112 = arith.constant 0 : i32
      %dma_start3A_113 = arith.constant 0 : i32
      %dma_start3A_114 = tpu.memref_slice %arg5[%add3A, %dma_start3A_112, %dma_start3A_113] : memref<32x80x128xi32, #tpu.memory_space<hbm>> -> memref<1x80x128xi32, #tpu.memory_space<hbm>>
      %dma_start3A_115 = tpu.memref_squeeze %dma_start3A_114 : memref<1x80x128xi32, #tpu.memory_space<hbm>> -> memref<80x128xi32, #tpu.memory_space<hbm>>
      tpu.enqueue_dma source(%dma_start3A_115 : memref<80x128xi32, #tpu.memory_space<hbm>>) target(%arg10 : memref<80x128xi32, #tpu.memory_space<vmem>>) target_semaphore(%run_scoped3A : memref<!tpu.dma_semaphore, #tpu.memory_space<semaphore_mem>>)
      %dma_wait3A_116 = arith.constant 0 : i32
      %dma_wait3A_117 = arith.constant 0 : i32
      %dma_wait3A_118 = tpu.memref_slice %arg5[%add3A, %dma_wait3A_116, %dma_wait3A_117] : memref<32x80x128xi32, #tpu.memory_space<hbm>> -> memref<1x80x128xi32, #tpu.memory_space<hbm>>
      %dma_wait3A_119 = tpu.memref_squeeze %dma_wait3A_118 : memref<1x80x128xi32, #tpu.memory_space<hbm>> -> memref<80x128xi32, #tpu.memory_space<hbm>>
      %dma_wait3A_120 = arith.constant 0 : i32
      %dma_wait3A_121 = arith.constant 0 : i32
      %dma_wait3A_122 = tpu.memref_slice %arg5[%add3A, %dma_wait3A_120, %dma_wait3A_121] : memref<32x80x128xi32, #tpu.memory_space<hbm>> -> memref<1x80x128xi32, #tpu.memory_space<hbm>>
      %dma_wait3A_123 = tpu.memref_squeeze %dma_wait3A_122 : memref<1x80x128xi32, #tpu.memory_space<hbm>> -> memref<80x128xi32, #tpu.memory_space<hbm>>
      tpu.wait_dma2 semaphore(%run_scoped3A : memref<!tpu.dma_semaphore, #tpu.memory_space<semaphore_mem>>) src(%dma_wait3A_123 : memref<80x128xi32, #tpu.memory_space<hbm>>) dst(%arg10 : memref<80x128xi32, #tpu.memory_space<vmem>>)
      tpu.yield
    }) : () -> ()
    %get3A = arith.constant 0 : index
    %get3A_1 = tpu.vector_load %arg17[%get3A] {strides = array<i32>} : memref<128xf32, #tpu.memory_space<vmem>>, vector<16xf32>,
    %get3A_2 = vector.shape_cast %get3A_1 : vector<16xf32> to vector<16xf32>
    %get3A_3 = arith.constant 16 : index
    %get3A_4 = tpu.vector_load %arg17[%get3A_3] {strides = array<i32>} : memref<128xf32, #tpu.memory_space<vmem>>, vector<16xf32>,
    %get3A_5 = vector.shape_cast %get3A_4 : vector<16xf32> to vector<16xf32>
    %get3A_6 = arith.constant 32 : index
    %get3A_7 = tpu.vector_load %arg17[%get3A_6] {strides = array<i32>} : memref<128xf32, #tpu.memory_space<vmem>>, vector<16xf32>,
    %get3A_8 = vector.shape_cast %get3A_7 : vector<16xf32> to vector<16xf32>
    %get3A_9 = arith.constant 48 : index
    %get3A_10 = tpu.vector_load %arg17[%get3A_9] {strides = array<i32>} : memref<128xf32, #tpu.memory_space<vmem>>, vector<16xf32>,
    %get3A_11 = vector.shape_cast %get3A_10 : vector<16xf32> to vector<16xf32>
    %get3A_12 = arith.constant 64 : index
    %get3A_13 = tpu.vector_load %arg17[%get3A_12] {strides = array<i32>} : memref<128xf32, #tpu.memory_space<vmem>>, vector<16xf32>,
    %get3A_14 = vector.shape_cast %get3A_13 : vector<16xf32> to vector<16xf32>
    %get3A_15 = arith.constant 80 : index
    %get3A_16 = tpu.vector_load %arg17[%get3A_15] {strides = array<i32>} : memref<128xf32, #tpu.memory_space<vmem>>, vector<16xf32>,
    %get3A_17 = vector.shape_cast %get3A_16 : vector<16xf32> to vector<16xf32>
    %get3A_18 = arith.constant 96 : index
    %get3A_19 = tpu.vector_load %arg17[%get3A_18] {strides = array<i32>} : memref<128xf32, #tpu.memory_space<vmem>>, vector<16xf32>,
    %get3A_20 = vector.shape_cast %get3A_19 : vector<16xf32> to vector<16xf32>
    %get3A_21 = arith.constant 112 : index
    %get3A_22 = tpu.vector_load %arg17[%get3A_21] {strides = array<i32>} : memref<128xf32, #tpu.memory_space<vmem>>, vector<16xf32>,
    %get3A_23 = vector.shape_cast %get3A_22 : vector<16xf32> to vector<16xf32>
    %get3A_24 = arith.constant 0 : index
    %get3A_25 = tpu.vector_load %arg18[%get3A_24] {strides = array<i32>} : memref<128xf32, #tpu.memory_space<vmem>>, vector<16xf32>,
    %get3A_26 = vector.shape_cast %get3A_25 : vector<16xf32> to vector<16xf32>
    %get3A_27 = arith.constant 16 : index
    %get3A_28 = tpu.vector_load %arg18[%get3A_27] {strides = array<i32>} : memref<128xf32, #tpu.memory_space<vmem>>, vector<16xf32>,
    %get3A_29 = vector.shape_cast %get3A_28 : vector<16xf32> to vector<16xf32>
    %get3A_30 = arith.constant 32 : index
    %get3A_31 = tpu.vector_load %arg18[%get3A_30] {strides = array<i32>} : memref<128xf32, #tpu.memory_space<vmem>>, vector<16xf32>,
    %get3A_32 = vector.shape_cast %get3A_31 : vector<16xf32> to vector<16xf32>
    %get3A_33 = arith.constant 48 : index
    %get3A_34 = tpu.vector_load %arg18[%get3A_33] {strides = array<i32>} : memref<128xf32, #tpu.memory_space<vmem>>, vector<16xf32>,
    %get3A_35 = vector.shape_cast %get3A_34 : vector<16xf32> to vector<16xf32>
    %get3A_36 = arith.constant 64 : index
    %get3A_37 = tpu.vector_load %arg18[%get3A_36] {strides = array<i32>} : memref<128xf32, #tpu.memory_space<vmem>>, vector<16xf32>,
    %get3A_38 = vector.shape_cast %get3A_37 : vector<16xf32> to vector<16xf32>
    %get3A_39 = arith.constant 80 : index
    %get3A_40 = tpu.vector_load %arg18[%get3A_39] {strides = array<i32>} : memref<128xf32, #tpu.memory_space<vmem>>, vector<16xf32>,
    %get3A_41 = vector.shape_cast %get3A_40 : vector<16xf32> to vector<16xf32>
    %get3A_42 = arith.constant 96 : index
    %get3A_43 = tpu.vector_load %arg18[%get3A_42] {strides = array<i32>} : memref<128xf32, #tpu.memory_space<vmem>>, vector<16xf32>,
    %get3A_44 = vector.shape_cast %get3A_43 : vector<16xf32> to vector<16xf32>
    %get3A_45 = arith.constant 112 : index
    %get3A_46 = tpu.vector_load %arg18[%get3A_45] {strides = array<i32>} : memref<128xf32, #tpu.memory_space<vmem>>, vector<16xf32>,
    %get3A_47 = vector.shape_cast %get3A_46 : vector<16xf32> to vector<16xf32>
    %dma_start3A = arith.constant 0 : i32
    %dma_start3A_48 = arith.constant 0 : i32
    %dma_start3A_49 = tpu.memref_slice %arg9[%dma_start3A, %dma_start3A_48] : memref<80x128xi32, #tpu.memory_space<vmem>> -> memref<1x128xi32, #tpu.memory_space<vmem>>
    %dma_start3A_50 = tpu.memref_squeeze %dma_start3A_49 : memref<1x128xi32, #tpu.memory_space<vmem>> -> memref<128xi32, #tpu.memory_space<vmem>>
    %dma_start3A_51 = arith.constant 0 : i32
    %dma_start3A_52 = arith.constant 0 : i32
    %dma_start3A_53 = tpu.memref_slice %arg2[%dma_start3A_51, %dma_start3A_52] : memref<10240x128xf32, #tpu.memory_space<hbm>> -> memref<10240x128xf32, #tpu.memory_space<hbm>>
    tpu.enqueue_indirect_dma source(%dma_start3A_53 : memref<10240x128xf32, #tpu.memory_space<hbm>>) target(%arg11 : memref<128x128xf32, #tpu.memory_space<vmem>>) offsets(%dma_start3A_50 : memref<128xi32, #tpu.memory_space<vmem>>) semaphore(%arg15 : memref<!tpu.dma_semaphore, #tpu.memory_space<semaphore_mem>>)
    %dma_start3A_54 = arith.constant 0 : i32
    %dma_start3A_55 = arith.constant 0 : i32
    %dma_start3A_56 = tpu.memref_slice %arg10[%dma_start3A_54, %dma_start3A_55] : memref<80x128xi32, #tpu.memory_space<vmem>> -> memref<1x128xi32, #tpu.memory_space<vmem>>
    %dma_start3A_57 = tpu.memref_squeeze %dma_start3A_56 : memref<1x128xi32, #tpu.memory_space<vmem>> -> memref<128xi32, #tpu.memory_space<vmem>>
    %dma_start3A_58 = arith.constant 0 : i32
    %dma_start3A_59 = arith.constant 0 : i32
    %dma_start3A_60 = tpu.memref_slice %arg3[%dma_start3A_58, %dma_start3A_59] : memref<10240x128xf32, #tpu.memory_space<hbm>> -> memref<10240x128xf32, #tpu.memory_space<hbm>>
    tpu.enqueue_indirect_dma source(%dma_start3A_60 : memref<10240x128xf32, #tpu.memory_space<hbm>>) target(%arg12 : memref<128x128xf32, #tpu.memory_space<vmem>>) offsets(%dma_start3A_57 : memref<128xi32, #tpu.memory_space<vmem>>) semaphore(%arg15 : memref<!tpu.dma_semaphore, #tpu.memory_space<semaphore_mem>>)
    %dma_start3A_61 = arith.constant 1 : i32
    %dma_start3A_62 = arith.constant 0 : i32
    %dma_start3A_63 = tpu.memref_slice %arg9[%dma_start3A_61, %dma_start3A_62] : memref<80x128xi32, #tpu.memory_space<vmem>> -> memref<1x128xi32, #tpu.memory_space<vmem>>
    %dma_start3A_64 = tpu.memref_squeeze %dma_start3A_63 : memref<1x128xi32, #tpu.memory_space<vmem>> -> memref<128xi32, #tpu.memory_space<vmem>>
    %dma_start3A_65 = arith.constant 0 : i32
    %dma_start3A_66 = arith.constant 0 : i32
    %dma_start3A_67 = tpu.memref_slice %arg2[%dma_start3A_65, %dma_start3A_66] : memref<10240x128xf32, #tpu.memory_space<hbm>> -> memref<10240x128xf32, #tpu.memory_space<hbm>>
    tpu.enqueue_indirect_dma source(%dma_start3A_67 : memref<10240x128xf32, #tpu.memory_space<hbm>>) target(%arg13 : memref<128x128xf32, #tpu.memory_space<vmem>>) offsets(%dma_start3A_64 : memref<128xi32, #tpu.memory_space<vmem>>) semaphore(%arg16 : memref<!tpu.dma_semaphore, #tpu.memory_space<semaphore_mem>>)
    %dma_start3A_68 = arith.constant 1 : i32
    %dma_start3A_69 = arith.constant 0 : i32
    %dma_start3A_70 = tpu.memref_slice %arg10[%dma_start3A_68, %dma_start3A_69] : memref<80x128xi32, #tpu.memory_space<vmem>> -> memref<1x128xi32, #tpu.memory_space<vmem>>
    %dma_start3A_71 = tpu.memref_squeeze %dma_start3A_70 : memref<1x128xi32, #tpu.memory_space<vmem>> -> memref<128xi32, #tpu.memory_space<vmem>>
    %dma_start3A_72 = arith.constant 0 : i32
    %dma_start3A_73 = arith.constant 0 : i32
    %dma_start3A_74 = tpu.memref_slice %arg3[%dma_start3A_72, %dma_start3A_73] : memref<10240x128xf32, #tpu.memory_space<hbm>> -> memref<10240x128xf32, #tpu.memory_space<hbm>>
    tpu.enqueue_indirect_dma source(%dma_start3A_74 : memref<10240x128xf32, #tpu.memory_space<hbm>>) target(%arg14 : memref<128x128xf32, #tpu.memory_space<vmem>>) offsets(%dma_start3A_71 : memref<128xi32, #tpu.memory_space<vmem>>) semaphore(%arg16 : memref<!tpu.dma_semaphore, #tpu.memory_space<semaphore_mem>>)
    %scan3A = arith.constant 0 : i32
    %scan3A_75 = arith.constant 0 : i32
    %scan3A_76 = arith.constant 40 : i32
    %scan3A_77 = arith.addi %scan3A_75, %scan3A_76 : i32
    %scan3A_78 = arith.constant 1 : i32
    %scan3A_79 = scf.for %scan3A_108 = %scan3A_75 to %scan3A_77 step %scan3A_78 iter_args(%scan3A_109 = %scan3A) -> (i32)  : i32 {
      %mul3A_110 = arith.constant 2 : i32
      %mul3A_111 = arith.muli %mul3A_110, %scan3A_108 : i32
      %add3A_112 = arith.constant 0 : i32
      %add3A_113 = arith.addi %mul3A_111, %add3A_112 : i32
      %dma_wait3A_114 = arith.constant 0 : i32
      %dma_wait3A_115 = tpu.memref_slice %arg9[%add3A_113, %dma_wait3A_114] : memref<80x128xi32, #tpu.memory_space<vmem>> -> memref<1x128xi32, #tpu.memory_space<vmem>>
      %dma_wait3A_116 = tpu.memref_squeeze %dma_wait3A_115 : memref<1x128xi32, #tpu.memory_space<vmem>> -> memref<128xi32, #tpu.memory_space<vmem>>
      %dma_wait3A_117 = arith.constant 0 : i32
      %dma_wait3A_118 = arith.constant 0 : i32
      %dma_wait3A_119 = tpu.memref_slice %arg2[%dma_wait3A_117, %dma_wait3A_118] : memref<10240x128xf32, #tpu.memory_space<hbm>> -> memref<10240x128xf32, #tpu.memory_space<hbm>>
      tpu.wait_indirect_dma semaphore(%arg15 : memref<!tpu.dma_semaphore, #tpu.memory_space<semaphore_mem>>) src(%dma_wait3A_119 : memref<10240x128xf32, #tpu.memory_space<hbm>>) dst(%arg11 : memref<128x128xf32, #tpu.memory_space<vmem>>)
      %dma_wait3A_120 = arith.constant 0 : i32
      %dma_wait3A_121 = tpu.memref_slice %arg10[%add3A_113, %dma_wait3A_120] : memref<80x128xi32, #tpu.memory_space<vmem>> -> memref<1x128xi32, #tpu.memory_space<vmem>>
      %dma_wait3A_122 = tpu.memref_squeeze %dma_wait3A_121 : memref<1x128xi32, #tpu.memory_space<vmem>> -> memref<128xi32, #tpu.memory_space<vmem>>
      %dma_wait3A_123 = arith.constant 0 : i32
      %dma_wait3A_124 = arith.constant 0 : i32
      %dma_wait3A_125 = tpu.memref_slice %arg3[%dma_wait3A_123, %dma_wait3A_124] : memref<10240x128xf32, #tpu.memory_space<hbm>> -> memref<10240x128xf32, #tpu.memory_space<hbm>>
      tpu.wait_indirect_dma semaphore(%arg15 : memref<!tpu.dma_semaphore, #tpu.memory_space<semaphore_mem>>) src(%dma_wait3A_125 : memref<10240x128xf32, #tpu.memory_space<hbm>>) dst(%arg12 : memref<128x128xf32, #tpu.memory_space<vmem>>)
      %scan3A_126 = arith.constant 0 : i32
      %scan3A_127 = arith.constant 0 : i32
      %scan3A_128 = arith.constant 128 : i32
      %scan3A_129 = arith.addi %scan3A_127, %scan3A_128 : i32
      %scan3A_130 = arith.constant 1 : i32
      %scan3A_131 = scf.for %scan3A_198 = %scan3A_127 to %scan3A_129 step %scan3A_130 iter_args(%scan3A_199 = %scan3A_126) -> (i32)  : i32 {
        %get3A_200 = arith.index_cast %scan3A_198 : i32 to index
        %get3A_201 = arith.constant 0 : index
        %get3A_202 = tpu.vector_load %arg11[%get3A_200, %get3A_201] {strides = array<i32>} : memref<128x128xf32, #tpu.memory_space<vmem>>, vector<1x16xf32>,
        %get3A_203 = vector.shape_cast %get3A_202 : vector<1x16xf32> to vector<16xf32>
        %get3A_204 = arith.index_cast %scan3A_198 : i32 to index
        %get3A_205 = arith.constant 0 : index
        %get3A_206 = tpu.vector_load %arg12[%get3A_204, %get3A_205] {strides = array<i32>} : memref<128x128xf32, #tpu.memory_space<vmem>>, vector<1x16xf32>,
        %get3A_207 = vector.shape_cast %get3A_206 : vector<1x16xf32> to vector<16xf32>
        %add3A_208 = arith.addf %get3A_203, %get3A_207 : vector<16xf32>
        %max3A = arith.constant 0.000000e+00 : f32
        %max3A_209 = vector.broadcast %max3A : f32 to vector<16xf32>
        %max3A_210 = arith.maximumf %add3A_208, %max3A_209 : vector<16xf32>
        %mul3A_211 = arith.mulf %max3A_210, %get3A_2 : vector<16xf32>
        %mul3A_212 = arith.mulf %max3A_210, %get3A_26 : vector<16xf32>
        %get3A_213 = arith.index_cast %scan3A_198 : i32 to index
        %get3A_214 = arith.constant 16 : index
        %get3A_215 = tpu.vector_load %arg11[%get3A_213, %get3A_214] {strides = array<i32>} : memref<128x128xf32, #tpu.memory_space<vmem>>, vector<1x16xf32>,
        %get3A_216 = vector.shape_cast %get3A_215 : vector<1x16xf32> to vector<16xf32>
        %get3A_217 = arith.index_cast %scan3A_198 : i32 to index
        %get3A_218 = arith.constant 16 : index
        %get3A_219 = tpu.vector_load %arg12[%get3A_217, %get3A_218] {strides = array<i32>} : memref<128x128xf32, #tpu.memory_space<vmem>>, vector<1x16xf32>,
        %get3A_220 = vector.shape_cast %get3A_219 : vector<1x16xf32> to vector<16xf32>
        %add3A_221 = arith.addf %get3A_216, %get3A_220 : vector<16xf32>
        %max3A_222 = arith.constant 0.000000e+00 : f32
        %max3A_223 = vector.broadcast %max3A_222 : f32 to vector<16xf32>
        %max3A_224 = arith.maximumf %add3A_221, %max3A_223 : vector<16xf32>
        %mul3A_225 = arith.mulf %max3A_224, %get3A_5 : vector<16xf32>
        %mul3A_226 = arith.mulf %max3A_224, %get3A_29 : vector<16xf32>
        %get3A_227 = arith.index_cast %scan3A_198 : i32 to index
        %get3A_228 = arith.constant 32 : index
        %get3A_229 = tpu.vector_load %arg11[%get3A_227, %get3A_228] {strides = array<i32>} : memref<128x128xf32, #tpu.memory_space<vmem>>, vector<1x16xf32>,
        %get3A_230 = vector.shape_cast %get3A_229 : vector<1x16xf32> to vector<16xf32>
        %get3A_231 = arith.index_cast %scan3A_198 : i32 to index
        %get3A_232 = arith.constant 32 : index
        %get3A_233 = tpu.vector_load %arg12[%get3A_231, %get3A_232] {strides = array<i32>} : memref<128x128xf32, #tpu.memory_space<vmem>>, vector<1x16xf32>,
        %get3A_234 = vector.shape_cast %get3A_233 : vector<1x16xf32> to vector<16xf32>
        %add3A_235 = arith.addf %get3A_230, %get3A_234 : vector<16xf32>
        %max3A_236 = arith.constant 0.000000e+00 : f32
        %max3A_237 = vector.broadcast %max3A_236 : f32 to vector<16xf32>
        %max3A_238 = arith.maximumf %add3A_235, %max3A_237 : vector<16xf32>
        %mul3A_239 = arith.mulf %max3A_238, %get3A_8 : vector<16xf32>
        %add3A_240 = arith.addf %mul3A_211, %mul3A_239 : vector<16xf32>
        %mul3A_241 = arith.mulf %max3A_238, %get3A_32 : vector<16xf32>
        %add3A_242 = arith.addf %mul3A_212, %mul3A_241 : vector<16xf32>
        %get3A_243 = arith.index_cast %scan3A_198 : i32 to index
        %get3A_244 = arith.constant 48 : index
        %get3A_245 = tpu.vector_load %arg11[%get3A_243, %get3A_244] {strides = array<i32>} : memref<128x128xf32, #tpu.memory_space<vmem>>, vector<1x16xf32>,
        %get3A_246 = vector.shape_cast %get3A_245 : vector<1x16xf32> to vector<16xf32>
        %get3A_247 = arith.index_cast %scan3A_198 : i32 to index
        %get3A_248 = arith.constant 48 : index
        %get3A_249 = tpu.vector_load %arg12[%get3A_247, %get3A_248] {strides = array<i32>} : memref<128x128xf32, #tpu.memory_space<vmem>>, vector<1x16xf32>,
        %get3A_250 = vector.shape_cast %get3A_249 : vector<1x16xf32> to vector<16xf32>
        %add3A_251 = arith.addf %get3A_246, %get3A_250 : vector<16xf32>
        %max3A_252 = arith.constant 0.000000e+00 : f32
        %max3A_253 = vector.broadcast %max3A_252 : f32 to vector<16xf32>
        %max3A_254 = arith.maximumf %add3A_251, %max3A_253 : vector<16xf32>
        %mul3A_255 = arith.mulf %max3A_254, %get3A_11 : vector<16xf32>
        %add3A_256 = arith.addf %mul3A_225, %mul3A_255 : vector<16xf32>
        %mul3A_257 = arith.mulf %max3A_254, %get3A_35 : vector<16xf32>
        %add3A_258 = arith.addf %mul3A_226, %mul3A_257 : vector<16xf32>
        %get3A_259 = arith.index_cast %scan3A_198 : i32 to index
        %get3A_260 = arith.constant 64 : index
        %get3A_261 = tpu.vector_load %arg11[%get3A_259, %get3A_260] {strides = array<i32>} : memref<128x128xf32, #tpu.memory_space<vmem>>, vector<1x16xf32>,
        %get3A_262 = vector.shape_cast %get3A_261 : vector<1x16xf32> to vector<16xf32>
        %get3A_263 = arith.index_cast %scan3A_198 : i32 to index
        %get3A_264 = arith.constant 64 : index
        %get3A_265 = tpu.vector_load %arg12[%get3A_263, %get3A_264] {strides = array<i32>} : memref<128x128xf32, #tpu.memory_space<vmem>>, vector<1x16xf32>,
        %get3A_266 = vector.shape_cast %get3A_265 : vector<1x16xf32> to vector<16xf32>
        %add3A_267 = arith.addf %get3A_262, %get3A_266 : vector<16xf32>
        %max3A_268 = arith.constant 0.000000e+00 : f32
        %max3A_269 = vector.broadcast %max3A_268 : f32 to vector<16xf32>
        %max3A_270 = arith.maximumf %add3A_267, %max3A_269 : vector<16xf32>
        %mul3A_271 = arith.mulf %max3A_270, %get3A_14 : vector<16xf32>
        %add3A_272 = arith.addf %add3A_240, %mul3A_271 : vector<16xf32>
        %mul3A_273 = arith.mulf %max3A_270, %get3A_38 : vector<16xf32>
        %add3A_274 = arith.addf %add3A_242, %mul3A_273 : vector<16xf32>
        %get3A_275 = arith.index_cast %scan3A_198 : i32 to index
        %get3A_276 = arith.constant 80 : index
        %get3A_277 = tpu.vector_load %arg11[%get3A_275, %get3A_276] {strides = array<i32>} : memref<128x128xf32, #tpu.memory_space<vmem>>, vector<1x16xf32>,
        %get3A_278 = vector.shape_cast %get3A_277 : vector<1x16xf32> to vector<16xf32>
        %get3A_279 = arith.index_cast %scan3A_198 : i32 to index
        %get3A_280 = arith.constant 80 : index
        %get3A_281 = tpu.vector_load %arg12[%get3A_279, %get3A_280] {strides = array<i32>} : memref<128x128xf32, #tpu.memory_space<vmem>>, vector<1x16xf32>,
        %get3A_282 = vector.shape_cast %get3A_281 : vector<1x16xf32> to vector<16xf32>
        %add3A_283 = arith.addf %get3A_278, %get3A_282 : vector<16xf32>
        %max3A_284 = arith.constant 0.000000e+00 : f32
        %max3A_285 = vector.broadcast %max3A_284 : f32 to vector<16xf32>
        %max3A_286 = arith.maximumf %add3A_283, %max3A_285 : vector<16xf32>
        %mul3A_287 = arith.mulf %max3A_286, %get3A_17 : vector<16xf32>
        %add3A_288 = arith.addf %add3A_256, %mul3A_287 : vector<16xf32>
        %mul3A_289 = arith.mulf %max3A_286, %get3A_41 : vector<16xf32>
        %add3A_290 = arith.addf %add3A_258, %mul3A_289 : vector<16xf32>
        %get3A_291 = arith.index_cast %scan3A_198 : i32 to index
        %get3A_292 = arith.constant 96 : index
        %get3A_293 = tpu.vector_load %arg11[%get3A_291, %get3A_292] {strides = array<i32>} : memref<128x128xf32, #tpu.memory_space<vmem>>, vector<1x16xf32>,
        %get3A_294 = vector.shape_cast %get3A_293 : vector<1x16xf32> to vector<16xf32>
        %get3A_295 = arith.index_cast %scan3A_198 : i32 to index
        %get3A_296 = arith.constant 96 : index
        %get3A_297 = tpu.vector_load %arg12[%get3A_295, %get3A_296] {strides = array<i32>} : memref<128x128xf32, #tpu.memory_space<vmem>>, vector<1x16xf32>,
        %get3A_298 = vector.shape_cast %get3A_297 : vector<1x16xf32> to vector<16xf32>
        %add3A_299 = arith.addf %get3A_294, %get3A_298 : vector<16xf32>
        %max3A_300 = arith.constant 0.000000e+00 : f32
        %max3A_301 = vector.broadcast %max3A_300 : f32 to vector<16xf32>
        %max3A_302 = arith.maximumf %add3A_299, %max3A_301 : vector<16xf32>
        %mul3A_303 = arith.mulf %max3A_302, %get3A_20 : vector<16xf32>
        %add3A_304 = arith.addf %add3A_272, %mul3A_303 : vector<16xf32>
        %mul3A_305 = arith.mulf %max3A_302, %get3A_44 : vector<16xf32>
        %add3A_306 = arith.addf %add3A_274, %mul3A_305 : vector<16xf32>
        %get3A_307 = arith.index_cast %scan3A_198 : i32 to index
        %get3A_308 = arith.constant 112 : index
        %get3A_309 = tpu.vector_load %arg11[%get3A_307, %get3A_308] {strides = array<i32>} : memref<128x128xf32, #tpu.memory_space<vmem>>, vector<1x16xf32>,
        %get3A_310 = vector.shape_cast %get3A_309 : vector<1x16xf32> to vector<16xf32>
        %get3A_311 = arith.index_cast %scan3A_198 : i32 to index
        %get3A_312 = arith.constant 112 : index
        %get3A_313 = tpu.vector_load %arg12[%get3A_311, %get3A_312] {strides = array<i32>} : memref<128x128xf32, #tpu.memory_space<vmem>>, vector<1x16xf32>,
        %get3A_314 = vector.shape_cast %get3A_313 : vector<1x16xf32> to vector<16xf32>
        %add3A_315 = arith.addf %get3A_310, %get3A_314 : vector<16xf32>
        %max3A_316 = arith.constant 0.000000e+00 : f32
        %max3A_317 = vector.broadcast %max3A_316 : f32 to vector<16xf32>
        %max3A_318 = arith.maximumf %add3A_315, %max3A_317 : vector<16xf32>
        %mul3A_319 = arith.mulf %max3A_318, %get3A_23 : vector<16xf32>
        %add3A_320 = arith.addf %add3A_288, %mul3A_319 : vector<16xf32>
        %mul3A_321 = arith.mulf %max3A_318, %get3A_47 : vector<16xf32>
        %add3A_322 = arith.addf %add3A_290, %mul3A_321 : vector<16xf32>
        %shift_right_arithmetic3A = arith.constant 4 : i32
        %shift_right_arithmetic3A_323 = arith.shrsi %scan3A_198, %shift_right_arithmetic3A : i32
        %and3A = arith.constant 15 : i32
        %and3A_324 = arith.andi %scan3A_198, %and3A : i32
        %mul3A_325 = arith.constant 32 : i32
        %mul3A_326 = arith.muli %and3A_324, %mul3A_325 : i32
        %add3A_327 = arith.addf %add3A_304, %add3A_320 : vector<16xf32>
        %swap3A = arith.index_cast %shift_right_arithmetic3A_323 : i32 to index
        %swap3A_328 = arith.index_cast %mul3A_326 : i32 to index
        %swap3A_329 = tpu.vector_load %arg19[%swap3A, %swap3A_328] {strides = array<i32>} : memref<8x512xf32, #tpu.memory_space<vmem>>, vector<1x16xf32>,
        %swap3A_330 = vector.shape_cast %swap3A_329 : vector<1x16xf32> to vector<16xf32>
        %swap3A_331 = vector.shape_cast %add3A_327 : vector<16xf32> to vector<1x16xf32>
        tpu.vector_store %arg19[%swap3A, %swap3A_328], %swap3A_331 {strides = array<i32>} : memref<8x512xf32, #tpu.memory_space<vmem>>, vector<1x16xf32>,
        %add3A_332 = arith.addf %add3A_306, %add3A_322 : vector<16xf32>
        %add3A_333 = arith.constant 16 : i32
        %add3A_334 = arith.addi %mul3A_326, %add3A_333 : i32
        %swap3A_335 = arith.index_cast %shift_right_arithmetic3A_323 : i32 to index
        %swap3A_336 = arith.index_cast %add3A_334 : i32 to index
        %swap3A_337 = tpu.vector_load %arg19[%swap3A_335, %swap3A_336] {strides = array<i32>} : memref<8x512xf32, #tpu.memory_space<vmem>>, vector<1x16xf32>,
        %swap3A_338 = vector.shape_cast %swap3A_337 : vector<1x16xf32> to vector<16xf32>
        %swap3A_339 = vector.shape_cast %add3A_332 : vector<16xf32> to vector<1x16xf32>
        tpu.vector_store %arg19[%swap3A_335, %swap3A_336], %swap3A_339 {strides = array<i32>} : memref<8x512xf32, #tpu.memory_space<vmem>>, vector<1x16xf32>,
        %scan3A_340 = arith.constant 0 : i32
        scf.yield %scan3A_340 : i32
      }
      %scan3A_132 = arith.constant 128 : i32
      %mul3A_133 = arith.constant 80 : i32
      %mul3A_134 = arith.muli %add3A, %mul3A_133 : i32
      %add3A_135 = arith.addi %mul3A_134, %add3A_113 : i32
      %mul3A_136 = arith.constant 8 : i32
      %mul3A_137 = arith.muli %add3A_135, %mul3A_136 : i32
      "tpu.region"() ({
        %run_scoped3A = tpu.sem_alloc : memref<!tpu.dma_semaphore, #tpu.memory_space<semaphore_mem>>
        %dma_start3A_198 = arith.constant 0 : i32
        %dma_start3A_199 = tpu.memref_slice %arg8[%mul3A_137, %dma_start3A_198] : memref<20480x512xf32, #tpu.memory_space<hbm>> -> memref<8x512xf32, #tpu.memory_space<hbm>>
        %dma_start3A_200 = arith.constant 0 : i32
        %dma_start3A_201 = tpu.memref_slice %arg8[%mul3A_137, %dma_start3A_200] : memref<20480x512xf32, #tpu.memory_space<hbm>> -> memref<8x512xf32, #tpu.memory_space<hbm>>
        tpu.enqueue_dma source(%arg19 : memref<8x512xf32, #tpu.memory_space<vmem>>) target(%dma_start3A_201 : memref<8x512xf32, #tpu.memory_space<hbm>>) target_semaphore(%run_scoped3A : memref<!tpu.dma_semaphore, #tpu.memory_space<semaphore_mem>>)
        %dma_wait3A_202 = arith.constant 0 : i32
        %dma_wait3A_203 = tpu.memref_slice %arg8[%mul3A_137, %dma_wait3A_202] : memref<20480x512xf32, #tpu.memory_space<hbm>> -> memref<8x512xf32, #tpu.memory_space<hbm>>
        %dma_wait3A_204 = arith.constant 0 : i32
        %dma_wait3A_205 = tpu.memref_slice %arg8[%mul3A_137, %dma_wait3A_204] : memref<20480x512xf32, #tpu.memory_space<hbm>> -> memref<8x512xf32, #tpu.memory_space<hbm>>
        tpu.wait_dma2 semaphore(%run_scoped3A : memref<!tpu.dma_semaphore, #tpu.memory_space<semaphore_mem>>) src(%arg19 : memref<8x512xf32, #tpu.memory_space<vmem>>) dst(%dma_wait3A_205 : memref<8x512xf32, #tpu.memory_space<hbm>>)
        tpu.yield
      }) : () -> ()
      %add3A_138 = arith.constant 2 : i32
      %add3A_139 = arith.addi %add3A_113, %add3A_138 : i32
      %min3A = arith.constant 79 : i32
      %min3A_140 = arith.minsi %add3A_139, %min3A : i32
      %dma_start3A_141 = arith.constant 0 : i32
      %dma_start3A_142 = tpu.memref_slice %arg9[%min3A_140, %dma_start3A_141] : memref<80x128xi32, #tpu.memory_space<vmem>> -> memref<1x128xi32, #tpu.memory_space<vmem>>
      %dma_start3A_143 = tpu.memref_squeeze %dma_start3A_142 : memref<1x128xi32, #tpu.memory_space<vmem>> -> memref<128xi32, #tpu.memory_space<vmem>>
      %dma_start3A_144 = arith.constant 0 : i32
      %dma_start3A_145 = arith.constant 0 : i32
      %dma_start3A_146 = tpu.memref_slice %arg2[%dma_start3A_144, %dma_start3A_145] : memref<10240x128xf32, #tpu.memory_space<hbm>> -> memref<10240x128xf32, #tpu.memory_space<hbm>>
      tpu.enqueue_indirect_dma source(%dma_start3A_146 : memref<10240x128xf32, #tpu.memory_space<hbm>>) target(%arg11 : memref<128x128xf32, #tpu.memory_space<vmem>>) offsets(%dma_start3A_143 : memref<128xi32, #tpu.memory_space<vmem>>) semaphore(%arg15 : memref<!tpu.dma_semaphore, #tpu.memory_space<semaphore_mem>>)
      %dma_start3A_147 = arith.constant 0 : i32
      %dma_start3A_148 = tpu.memref_slice %arg10[%min3A_140, %dma_start3A_147] : memref<80x128xi32, #tpu.memory_space<vmem>> -> memref<1x128xi32, #tpu.memory_space<vmem>>
      %dma_start3A_149 = tpu.memref_squeeze %dma_start3A_148 : memref<1x128xi32, #tpu.memory_space<vmem>> -> memref<128xi32, #tpu.memory_space<vmem>>
      %dma_start3A_150 = arith.constant 0 : i32
      %dma_start3A_151 = arith.constant 0 : i32
      %dma_start3A_152 = tpu.memref_slice %arg3[%dma_start3A_150, %dma_start3A_151] : memref<10240x128xf32, #tpu.memory_space<hbm>> -> memref<10240x128xf32, #tpu.memory_space<hbm>>
      tpu.enqueue_indirect_dma source(%dma_start3A_152 : memref<10240x128xf32, #tpu.memory_space<hbm>>) target(%arg12 : memref<128x128xf32, #tpu.memory_space<vmem>>) offsets(%dma_start3A_149 : memref<128xi32, #tpu.memory_space<vmem>>) semaphore(%arg15 : memref<!tpu.dma_semaphore, #tpu.memory_space<semaphore_mem>>)
      %mul3A_153 = arith.constant 2 : i32
      %mul3A_154 = arith.muli %mul3A_153, %scan3A_108 : i32
      %add3A_155 = arith.constant 1 : i32
      %add3A_156 = arith.addi %mul3A_154, %add3A_155 : i32
      %dma_wait3A_157 = arith.constant 0 : i32
      %dma_wait3A_158 = tpu.memref_slice %arg9[%add3A_156, %dma_wait3A_157] : memref<80x128xi32, #tpu.memory_space<vmem>> -> memref<1x128xi32, #tpu.memory_space<vmem>>
      %dma_wait3A_159 = tpu.memref_squeeze %dma_wait3A_158 : memref<1x128xi32, #tpu.memory_space<vmem>> -> memref<128xi32, #tpu.memory_space<vmem>>
      %dma_wait3A_160 = arith.constant 0 : i32
      %dma_wait3A_161 = arith.constant 0 : i32
      %dma_wait3A_162 = tpu.memref_slice %arg2[%dma_wait3A_160, %dma_wait3A_161] : memref<10240x128xf32, #tpu.memory_space<hbm>> -> memref<10240x128xf32, #tpu.memory_space<hbm>>
      tpu.wait_indirect_dma semaphore(%arg16 : memref<!tpu.dma_semaphore, #tpu.memory_space<semaphore_mem>>) src(%dma_wait3A_162 : memref<10240x128xf32, #tpu.memory_space<hbm>>) dst(%arg13 : memref<128x128xf32, #tpu.memory_space<vmem>>)
      %dma_wait3A_163 = arith.constant 0 : i32
      %dma_wait3A_164 = tpu.memref_slice %arg10[%add3A_156, %dma_wait3A_163] : memref<80x128xi32, #tpu.memory_space<vmem>> -> memref<1x128xi32, #tpu.memory_space<vmem>>
      %dma_wait3A_165 = tpu.memref_squeeze %dma_wait3A_164 : memref<1x128xi32, #tpu.memory_space<vmem>> -> memref<128xi32, #tpu.memory_space<vmem>>
      %dma_wait3A_166 = arith.constant 0 : i32
      %dma_wait3A_167 = arith.constant 0 : i32
      %dma_wait3A_168 = tpu.memref_slice %arg3[%dma_wait3A_166, %dma_wait3A_167] : memref<10240x128xf32, #tpu.memory_space<hbm>> -> memref<10240x128xf32, #tpu.memory_space<hbm>>
      tpu.wait_indirect_dma semaphore(%arg16 : memref<!tpu.dma_semaphore, #tpu.memory_space<semaphore_mem>>) src(%dma_wait3A_168 : memref<10240x128xf32, #tpu.memory_space<hbm>>) dst(%arg14 : memref<128x128xf32, #tpu.memory_space<vmem>>)
      %scan3A_169 = arith.constant 0 : i32
      %scan3A_170 = arith.constant 0 : i32
      %scan3A_171 = arith.constant 128 : i32
      %scan3A_172 = arith.addi %scan3A_170, %scan3A_171 : i32
      %scan3A_173 = arith.constant 1 : i32
      %scan3A_174 = scf.for %scan3A_198 = %scan3A_170 to %scan3A_172 step %scan3A_173 iter_args(%scan3A_199 = %scan3A_169) -> (i32)  : i32 {
        %get3A_200 = arith.index_cast %scan3A_198 : i32 to index
        %get3A_201 = arith.constant 0 : index
        %get3A_202 = tpu.vector_load %arg13[%get3A_200, %get3A_201] {strides = array<i32>} : memref<128x128xf32, #tpu.memory_space<vmem>>, vector<1x16xf32>,
        %get3A_203 = vector.shape_cast %get3A_202 : vector<1x16xf32> to vector<16xf32>
        %get3A_204 = arith.index_cast %scan3A_198 : i32 to index
        %get3A_205 = arith.constant 0 : index
        %get3A_206 = tpu.vector_load %arg14[%get3A_204, %get3A_205] {strides = array<i32>} : memref<128x128xf32, #tpu.memory_space<vmem>>, vector<1x16xf32>,
        %get3A_207 = vector.shape_cast %get3A_206 : vector<1x16xf32> to vector<16xf32>
        %add3A_208 = arith.addf %get3A_203, %get3A_207 : vector<16xf32>
        %max3A = arith.constant 0.000000e+00 : f32
        %max3A_209 = vector.broadcast %max3A : f32 to vector<16xf32>
        %max3A_210 = arith.maximumf %add3A_208, %max3A_209 : vector<16xf32>
        %mul3A_211 = arith.mulf %max3A_210, %get3A_2 : vector<16xf32>
        %mul3A_212 = arith.mulf %max3A_210, %get3A_26 : vector<16xf32>
        %get3A_213 = arith.index_cast %scan3A_198 : i32 to index
        %get3A_214 = arith.constant 16 : index
        %get3A_215 = tpu.vector_load %arg13[%get3A_213, %get3A_214] {strides = array<i32>} : memref<128x128xf32, #tpu.memory_space<vmem>>, vector<1x16xf32>,
        %get3A_216 = vector.shape_cast %get3A_215 : vector<1x16xf32> to vector<16xf32>
        %get3A_217 = arith.index_cast %scan3A_198 : i32 to index
        %get3A_218 = arith.constant 16 : index
        %get3A_219 = tpu.vector_load %arg14[%get3A_217, %get3A_218] {strides = array<i32>} : memref<128x128xf32, #tpu.memory_space<vmem>>, vector<1x16xf32>,
        %get3A_220 = vector.shape_cast %get3A_219 : vector<1x16xf32> to vector<16xf32>
        %add3A_221 = arith.addf %get3A_216, %get3A_220 : vector<16xf32>
        %max3A_222 = arith.constant 0.000000e+00 : f32
        %max3A_223 = vector.broadcast %max3A_222 : f32 to vector<16xf32>
        %max3A_224 = arith.maximumf %add3A_221, %max3A_223 : vector<16xf32>
        %mul3A_225 = arith.mulf %max3A_224, %get3A_5 : vector<16xf32>
        %mul3A_226 = arith.mulf %max3A_224, %get3A_29 : vector<16xf32>
        %get3A_227 = arith.index_cast %scan3A_198 : i32 to index
        %get3A_228 = arith.constant 32 : index
        %get3A_229 = tpu.vector_load %arg13[%get3A_227, %get3A_228] {strides = array<i32>} : memref<128x128xf32, #tpu.memory_space<vmem>>, vector<1x16xf32>,
        %get3A_230 = vector.shape_cast %get3A_229 : vector<1x16xf32> to vector<16xf32>
        %get3A_231 = arith.index_cast %scan3A_198 : i32 to index
        %get3A_232 = arith.constant 32 : index
        %get3A_233 = tpu.vector_load %arg14[%get3A_231, %get3A_232] {strides = array<i32>} : memref<128x128xf32, #tpu.memory_space<vmem>>, vector<1x16xf32>,
        %get3A_234 = vector.shape_cast %get3A_233 : vector<1x16xf32> to vector<16xf32>
        %add3A_235 = arith.addf %get3A_230, %get3A_234 : vector<16xf32>
        %max3A_236 = arith.constant 0.000000e+00 : f32
        %max3A_237 = vector.broadcast %max3A_236 : f32 to vector<16xf32>
        %max3A_238 = arith.maximumf %add3A_235, %max3A_237 : vector<16xf32>
        %mul3A_239 = arith.mulf %max3A_238, %get3A_8 : vector<16xf32>
        %add3A_240 = arith.addf %mul3A_211, %mul3A_239 : vector<16xf32>
        %mul3A_241 = arith.mulf %max3A_238, %get3A_32 : vector<16xf32>
        %add3A_242 = arith.addf %mul3A_212, %mul3A_241 : vector<16xf32>
        %get3A_243 = arith.index_cast %scan3A_198 : i32 to index
        %get3A_244 = arith.constant 48 : index
        %get3A_245 = tpu.vector_load %arg13[%get3A_243, %get3A_244] {strides = array<i32>} : memref<128x128xf32, #tpu.memory_space<vmem>>, vector<1x16xf32>,
        %get3A_246 = vector.shape_cast %get3A_245 : vector<1x16xf32> to vector<16xf32>
        %get3A_247 = arith.index_cast %scan3A_198 : i32 to index
        %get3A_248 = arith.constant 48 : index
        %get3A_249 = tpu.vector_load %arg14[%get3A_247, %get3A_248] {strides = array<i32>} : memref<128x128xf32, #tpu.memory_space<vmem>>, vector<1x16xf32>,
        %get3A_250 = vector.shape_cast %get3A_249 : vector<1x16xf32> to vector<16xf32>
        %add3A_251 = arith.addf %get3A_246, %get3A_250 : vector<16xf32>
        %max3A_252 = arith.constant 0.000000e+00 : f32
        %max3A_253 = vector.broadcast %max3A_252 : f32 to vector<16xf32>
        %max3A_254 = arith.maximumf %add3A_251, %max3A_253 : vector<16xf32>
        %mul3A_255 = arith.mulf %max3A_254, %get3A_11 : vector<16xf32>
        %add3A_256 = arith.addf %mul3A_225, %mul3A_255 : vector<16xf32>
        %mul3A_257 = arith.mulf %max3A_254, %get3A_35 : vector<16xf32>
        %add3A_258 = arith.addf %mul3A_226, %mul3A_257 : vector<16xf32>
        %get3A_259 = arith.index_cast %scan3A_198 : i32 to index
        %get3A_260 = arith.constant 64 : index
        %get3A_261 = tpu.vector_load %arg13[%get3A_259, %get3A_260] {strides = array<i32>} : memref<128x128xf32, #tpu.memory_space<vmem>>, vector<1x16xf32>,
        %get3A_262 = vector.shape_cast %get3A_261 : vector<1x16xf32> to vector<16xf32>
        %get3A_263 = arith.index_cast %scan3A_198 : i32 to index
        %get3A_264 = arith.constant 64 : index
        %get3A_265 = tpu.vector_load %arg14[%get3A_263, %get3A_264] {strides = array<i32>} : memref<128x128xf32, #tpu.memory_space<vmem>>, vector<1x16xf32>,
        %get3A_266 = vector.shape_cast %get3A_265 : vector<1x16xf32> to vector<16xf32>
        %add3A_267 = arith.addf %get3A_262, %get3A_266 : vector<16xf32>
        %max3A_268 = arith.constant 0.000000e+00 : f32
        %max3A_269 = vector.broadcast %max3A_268 : f32 to vector<16xf32>
        %max3A_270 = arith.maximumf %add3A_267, %max3A_269 : vector<16xf32>
        %mul3A_271 = arith.mulf %max3A_270, %get3A_14 : vector<16xf32>
        %add3A_272 = arith.addf %add3A_240, %mul3A_271 : vector<16xf32>
        %mul3A_273 = arith.mulf %max3A_270, %get3A_38 : vector<16xf32>
        %add3A_274 = arith.addf %add3A_242, %mul3A_273 : vector<16xf32>
        %get3A_275 = arith.index_cast %scan3A_198 : i32 to index
        %get3A_276 = arith.constant 80 : index
        %get3A_277 = tpu.vector_load %arg13[%get3A_275, %get3A_276] {strides = array<i32>} : memref<128x128xf32, #tpu.memory_space<vmem>>, vector<1x16xf32>,
        %get3A_278 = vector.shape_cast %get3A_277 : vector<1x16xf32> to vector<16xf32>
        %get3A_279 = arith.index_cast %scan3A_198 : i32 to index
        %get3A_280 = arith.constant 80 : index
        %get3A_281 = tpu.vector_load %arg14[%get3A_279, %get3A_280] {strides = array<i32>} : memref<128x128xf32, #tpu.memory_space<vmem>>, vector<1x16xf32>,
        %get3A_282 = vector.shape_cast %get3A_281 : vector<1x16xf32> to vector<16xf32>
        %add3A_283 = arith.addf %get3A_278, %get3A_282 : vector<16xf32>
        %max3A_284 = arith.constant 0.000000e+00 : f32
        %max3A_285 = vector.broadcast %max3A_284 : f32 to vector<16xf32>
        %max3A_286 = arith.maximumf %add3A_283, %max3A_285 : vector<16xf32>
        %mul3A_287 = arith.mulf %max3A_286, %get3A_17 : vector<16xf32>
        %add3A_288 = arith.addf %add3A_256, %mul3A_287 : vector<16xf32>
        %mul3A_289 = arith.mulf %max3A_286, %get3A_41 : vector<16xf32>
        %add3A_290 = arith.addf %add3A_258, %mul3A_289 : vector<16xf32>
        %get3A_291 = arith.index_cast %scan3A_198 : i32 to index
        %get3A_292 = arith.constant 96 : index
        %get3A_293 = tpu.vector_load %arg13[%get3A_291, %get3A_292] {strides = array<i32>} : memref<128x128xf32, #tpu.memory_space<vmem>>, vector<1x16xf32>,
        %get3A_294 = vector.shape_cast %get3A_293 : vector<1x16xf32> to vector<16xf32>
        %get3A_295 = arith.index_cast %scan3A_198 : i32 to index
        %get3A_296 = arith.constant 96 : index
        %get3A_297 = tpu.vector_load %arg14[%get3A_295, %get3A_296] {strides = array<i32>} : memref<128x128xf32, #tpu.memory_space<vmem>>, vector<1x16xf32>,
        %get3A_298 = vector.shape_cast %get3A_297 : vector<1x16xf32> to vector<16xf32>
        %add3A_299 = arith.addf %get3A_294, %get3A_298 : vector<16xf32>
        %max3A_300 = arith.constant 0.000000e+00 : f32
        %max3A_301 = vector.broadcast %max3A_300 : f32 to vector<16xf32>
        %max3A_302 = arith.maximumf %add3A_299, %max3A_301 : vector<16xf32>
        %mul3A_303 = arith.mulf %max3A_302, %get3A_20 : vector<16xf32>
        %add3A_304 = arith.addf %add3A_272, %mul3A_303 : vector<16xf32>
        %mul3A_305 = arith.mulf %max3A_302, %get3A_44 : vector<16xf32>
        %add3A_306 = arith.addf %add3A_274, %mul3A_305 : vector<16xf32>
        %get3A_307 = arith.index_cast %scan3A_198 : i32 to index
        %get3A_308 = arith.constant 112 : index
        %get3A_309 = tpu.vector_load %arg13[%get3A_307, %get3A_308] {strides = array<i32>} : memref<128x128xf32, #tpu.memory_space<vmem>>, vector<1x16xf32>,
        %get3A_310 = vector.shape_cast %get3A_309 : vector<1x16xf32> to vector<16xf32>
        %get3A_311 = arith.index_cast %scan3A_198 : i32 to index
        %get3A_312 = arith.constant 112 : index
        %get3A_313 = tpu.vector_load %arg14[%get3A_311, %get3A_312] {strides = array<i32>} : memref<128x128xf32, #tpu.memory_space<vmem>>, vector<1x16xf32>,
        %get3A_314 = vector.shape_cast %get3A_313 : vector<1x16xf32> to vector<16xf32>
        %add3A_315 = arith.addf %get3A_310, %get3A_314 : vector<16xf32>
        %max3A_316 = arith.constant 0.000000e+00 : f32
        %max3A_317 = vector.broadcast %max3A_316 : f32 to vector<16xf32>
        %max3A_318 = arith.maximumf %add3A_315, %max3A_317 : vector<16xf32>
        %mul3A_319 = arith.mulf %max3A_318, %get3A_23 : vector<16xf32>
        %add3A_320 = arith.addf %add3A_288, %mul3A_319 : vector<16xf32>
        %mul3A_321 = arith.mulf %max3A_318, %get3A_47 : vector<16xf32>
        %add3A_322 = arith.addf %add3A_290, %mul3A_321 : vector<16xf32>
        %shift_right_arithmetic3A = arith.constant 4 : i32
        %shift_right_arithmetic3A_323 = arith.shrsi %scan3A_198, %shift_right_arithmetic3A : i32
        %and3A = arith.constant 15 : i32
        %and3A_324 = arith.andi %scan3A_198, %and3A : i32
        %mul3A_325 = arith.constant 32 : i32
        %mul3A_326 = arith.muli %and3A_324, %mul3A_325 : i32
        %add3A_327 = arith.addf %add3A_304, %add3A_320 : vector<16xf32>
        %swap3A = arith.index_cast %shift_right_arithmetic3A_323 : i32 to index
        %swap3A_328 = arith.index_cast %mul3A_326 : i32 to index
        %swap3A_329 = tpu.vector_load %arg19[%swap3A, %swap3A_328] {strides = array<i32>} : memref<8x512xf32, #tpu.memory_space<vmem>>, vector<1x16xf32>,
        %swap3A_330 = vector.shape_cast %swap3A_329 : vector<1x16xf32> to vector<16xf32>
        %swap3A_331 = vector.shape_cast %add3A_327 : vector<16xf32> to vector<1x16xf32>
        tpu.vector_store %arg19[%swap3A, %swap3A_328], %swap3A_331 {strides = array<i32>} : memref<8x512xf32, #tpu.memory_space<vmem>>, vector<1x16xf32>,
        %add3A_332 = arith.addf %add3A_306, %add3A_322 : vector<16xf32>
        %add3A_333 = arith.constant 16 : i32
        %add3A_334 = arith.addi %mul3A_326, %add3A_333 : i32
        %swap3A_335 = arith.index_cast %shift_right_arithmetic3A_323 : i32 to index
        %swap3A_336 = arith.index_cast %add3A_334 : i32 to index
        %swap3A_337 = tpu.vector_load %arg19[%swap3A_335, %swap3A_336] {strides = array<i32>} : memref<8x512xf32, #tpu.memory_space<vmem>>, vector<1x16xf32>,
        %swap3A_338 = vector.shape_cast %swap3A_337 : vector<1x16xf32> to vector<16xf32>
        %swap3A_339 = vector.shape_cast %add3A_332 : vector<16xf32> to vector<1x16xf32>
        tpu.vector_store %arg19[%swap3A_335, %swap3A_336], %swap3A_339 {strides = array<i32>} : memref<8x512xf32, #tpu.memory_space<vmem>>, vector<1x16xf32>,
        %scan3A_340 = arith.constant 0 : i32
        scf.yield %scan3A_340 : i32
      }
      %scan3A_175 = arith.constant 128 : i32
      %mul3A_176 = arith.constant 80 : i32
      %mul3A_177 = arith.muli %add3A, %mul3A_176 : i32
      %add3A_178 = arith.addi %mul3A_177, %add3A_156 : i32
      %mul3A_179 = arith.constant 8 : i32
      %mul3A_180 = arith.muli %add3A_178, %mul3A_179 : i32
      "tpu.region"() ({
        %run_scoped3A = tpu.sem_alloc : memref<!tpu.dma_semaphore, #tpu.memory_space<semaphore_mem>>
        %dma_start3A_198 = arith.constant 0 : i32
        %dma_start3A_199 = tpu.memref_slice %arg8[%mul3A_180, %dma_start3A_198] : memref<20480x512xf32, #tpu.memory_space<hbm>> -> memref<8x512xf32, #tpu.memory_space<hbm>>
        %dma_start3A_200 = arith.constant 0 : i32
        %dma_start3A_201 = tpu.memref_slice %arg8[%mul3A_180, %dma_start3A_200] : memref<20480x512xf32, #tpu.memory_space<hbm>> -> memref<8x512xf32, #tpu.memory_space<hbm>>
        tpu.enqueue_dma source(%arg19 : memref<8x512xf32, #tpu.memory_space<vmem>>) target(%dma_start3A_201 : memref<8x512xf32, #tpu.memory_space<hbm>>) target_semaphore(%run_scoped3A : memref<!tpu.dma_semaphore, #tpu.memory_space<semaphore_mem>>)
        %dma_wait3A_202 = arith.constant 0 : i32
        %dma_wait3A_203 = tpu.memref_slice %arg8[%mul3A_180, %dma_wait3A_202] : memref<20480x512xf32, #tpu.memory_space<hbm>> -> memref<8x512xf32, #tpu.memory_space<hbm>>
        %dma_wait3A_204 = arith.constant 0 : i32
        %dma_wait3A_205 = tpu.memref_slice %arg8[%mul3A_180, %dma_wait3A_204] : memref<20480x512xf32, #tpu.memory_space<hbm>> -> memref<8x512xf32, #tpu.memory_space<hbm>>
        tpu.wait_dma2 semaphore(%run_scoped3A : memref<!tpu.dma_semaphore, #tpu.memory_space<semaphore_mem>>) src(%arg19 : memref<8x512xf32, #tpu.memory_space<vmem>>) dst(%dma_wait3A_205 : memref<8x512xf32, #tpu.memory_space<hbm>>)
        tpu.yield
      }) : () -> ()
      %add3A_181 = arith.constant 2 : i32
      %add3A_182 = arith.addi %add3A_156, %add3A_181 : i32
      %min3A_183 = arith.constant 79 : i32
      %min3A_184 = arith.minsi %add3A_182, %min3A_183 : i32
      %dma_start3A_185 = arith.constant 0 : i32
      %dma_start3A_186 = tpu.memref_slice %arg9[%min3A_184, %dma_start3A_185] : memref<80x128xi32, #tpu.memory_space<vmem>> -> memref<1x128xi32, #tpu.memory_space<vmem>>
      %dma_start3A_187 = tpu.memref_squeeze %dma_start3A_186 : memref<1x128xi32, #tpu.memory_space<vmem>> -> memref<128xi32, #tpu.memory_space<vmem>>
      %dma_start3A_188 = arith.constant 0 : i32
      %dma_start3A_189 = arith.constant 0 : i32
      %dma_start3A_190 = tpu.memref_slice %arg2[%dma_start3A_188, %dma_start3A_189] : memref<10240x128xf32, #tpu.memory_space<hbm>> -> memref<10240x128xf32, #tpu.memory_space<hbm>>
      tpu.enqueue_indirect_dma source(%dma_start3A_190 : memref<10240x128xf32, #tpu.memory_space<hbm>>) target(%arg13 : memref<128x128xf32, #tpu.memory_space<vmem>>) offsets(%dma_start3A_187 : memref<128xi32, #tpu.memory_space<vmem>>) semaphore(%arg16 : memref<!tpu.dma_semaphore, #tpu.memory_space<semaphore_mem>>)
      %dma_start3A_191 = arith.constant 0 : i32
      %dma_start3A_192 = tpu.memref_slice %arg10[%min3A_184, %dma_start3A_191] : memref<80x128xi32, #tpu.memory_space<vmem>> -> memref<1x128xi32, #tpu.memory_space<vmem>>
      %dma_start3A_193 = tpu.memref_squeeze %dma_start3A_192 : memref<1x128xi32, #tpu.memory_space<vmem>> -> memref<128xi32, #tpu.memory_space<vmem>>
      %dma_start3A_194 = arith.constant 0 : i32
      %dma_start3A_195 = arith.constant 0 : i32
      %dma_start3A_196 = tpu.memref_slice %arg3[%dma_start3A_194, %dma_start3A_195] : memref<10240x128xf32, #tpu.memory_space<hbm>> -> memref<10240x128xf32, #tpu.memory_space<hbm>>
      tpu.enqueue_indirect_dma source(%dma_start3A_196 : memref<10240x128xf32, #tpu.memory_space<hbm>>) target(%arg14 : memref<128x128xf32, #tpu.memory_space<vmem>>) offsets(%dma_start3A_193 : memref<128xi32, #tpu.memory_space<vmem>>) semaphore(%arg16 : memref<!tpu.dma_semaphore, #tpu.memory_space<semaphore_mem>>)
      %scan3A_197 = arith.constant 0 : i32
      scf.yield %scan3A_197 : i32
    }
    %scan3A_80 = arith.constant 40 : i32
    %dma_wait3A = arith.constant 79 : i32
    %dma_wait3A_81 = arith.constant 0 : i32
    %dma_wait3A_82 = tpu.memref_slice %arg9[%dma_wait3A, %dma_wait3A_81] : memref<80x128xi32, #tpu.memory_space<vmem>> -> memref<1x128xi32, #tpu.memory_space<vmem>>
    %dma_wait3A_83 = tpu.memref_squeeze %dma_wait3A_82 : memref<1x128xi32, #tpu.memory_space<vmem>> -> memref<128xi32, #tpu.memory_space<vmem>>
    %dma_wait3A_84 = arith.constant 0 : i32
    %dma_wait3A_85 = arith.constant 0 : i32
    %dma_wait3A_86 = tpu.memref_slice %arg2[%dma_wait3A_84, %dma_wait3A_85] : memref<10240x128xf32, #tpu.memory_space<hbm>> -> memref<10240x128xf32, #tpu.memory_space<hbm>>
    tpu.wait_indirect_dma semaphore(%arg15 : memref<!tpu.dma_semaphore, #tpu.memory_space<semaphore_mem>>) src(%dma_wait3A_86 : memref<10240x128xf32, #tpu.memory_space<hbm>>) dst(%arg11 : memref<128x128xf32, #tpu.memory_space<vmem>>)
    %dma_wait3A_87 = arith.constant 79 : i32
    %dma_wait3A_88 = arith.constant 0 : i32
    %dma_wait3A_89 = tpu.memref_slice %arg10[%dma_wait3A_87, %dma_wait3A_88] : memref<80x128xi32, #tpu.memory_space<vmem>> -> memref<1x128xi32, #tpu.memory_space<vmem>>
    %dma_wait3A_90 = tpu.memref_squeeze %dma_wait3A_89 : memref<1x128xi32, #tpu.memory_space<vmem>> -> memref<128xi32, #tpu.memory_space<vmem>>
    %dma_wait3A_91 = arith.constant 0 : i32
    %dma_wait3A_92 = arith.constant 0 : i32
    %dma_wait3A_93 = tpu.memref_slice %arg3[%dma_wait3A_91, %dma_wait3A_92] : memref<10240x128xf32, #tpu.memory_space<hbm>> -> memref<10240x128xf32, #tpu.memory_space<hbm>>
    tpu.wait_indirect_dma semaphore(%arg15 : memref<!tpu.dma_semaphore, #tpu.memory_space<semaphore_mem>>) src(%dma_wait3A_93 : memref<10240x128xf32, #tpu.memory_space<hbm>>) dst(%arg12 : memref<128x128xf32, #tpu.memory_space<vmem>>)
    %dma_wait3A_94 = arith.constant 79 : i32
    %dma_wait3A_95 = arith.constant 0 : i32
    %dma_wait3A_96 = tpu.memref_slice %arg9[%dma_wait3A_94, %dma_wait3A_95] : memref<80x128xi32, #tpu.memory_space<vmem>> -> memref<1x128xi32, #tpu.memory_space<vmem>>
    %dma_wait3A_97 = tpu.memref_squeeze %dma_wait3A_96 : memref<1x128xi32, #tpu.memory_space<vmem>> -> memref<128xi32, #tpu.memory_space<vmem>>
    %dma_wait3A_98 = arith.constant 0 : i32
    %dma_wait3A_99 = arith.constant 0 : i32
    %dma_wait3A_100 = tpu.memref_slice %arg2[%dma_wait3A_98, %dma_wait3A_99] : memref<10240x128xf32, #tpu.memory_space<hbm>> -> memref<10240x128xf32, #tpu.memory_space<hbm>>
    tpu.wait_indirect_dma semaphore(%arg16 : memref<!tpu.dma_semaphore, #tpu.memory_space<semaphore_mem>>) src(%dma_wait3A_100 : memref<10240x128xf32, #tpu.memory_space<hbm>>) dst(%arg13 : memref<128x128xf32, #tpu.memory_space<vmem>>)
    %dma_wait3A_101 = arith.constant 79 : i32
    %dma_wait3A_102 = arith.constant 0 : i32
    %dma_wait3A_103 = tpu.memref_slice %arg10[%dma_wait3A_101, %dma_wait3A_102] : memref<80x128xi32, #tpu.memory_space<vmem>> -> memref<1x128xi32, #tpu.memory_space<vmem>>
    %dma_wait3A_104 = tpu.memref_squeeze %dma_wait3A_103 : memref<1x128xi32, #tpu.memory_space<vmem>> -> memref<128xi32, #tpu.memory_space<vmem>>
    %dma_wait3A_105 = arith.constant 0 : i32
    %dma_wait3A_106 = arith.constant 0 : i32
    %dma_wait3A_107 = tpu.memref_slice %arg3[%dma_wait3A_105, %dma_wait3A_106] : memref<10240x128xf32, #tpu.memory_space<hbm>> -> memref<10240x128xf32, #tpu.memory_space<hbm>>
    tpu.wait_indirect_dma semaphore(%arg16 : memref<!tpu.dma_semaphore, #tpu.memory_space<semaphore_mem>>) src(%dma_wait3A_107 : memref<10240x128xf32, #tpu.memory_space<hbm>>) dst(%arg14 : memref<128x128xf32, #tpu.memory_space<vmem>>)
    return
  }
}

module attributes {stable_mosaic.version = 14 : i64} {
  func.func @tc_y1_dis(%arg0: i32, %arg1: memref<1024x128xf32, #tpu.memory_space<vmem>>, %arg2: memref<128x128xf32, #tpu.memory_space<vmem>>, %arg3: memref<1024x16xf32, #tpu.memory_space<vmem>>, %arg4: memref<1024x16xf32, #tpu.memory_space<vmem>>, %arg5: memref<1024x128xf32, #tpu.memory_space<vmem>>, %arg6: memref<1024x1xf32, #tpu.memory_space<vmem>>) attributes {dimension_semantics = [#tpu.dimension_semantics<arbitrary>], iteration_bounds = array<i64: 10>, scalar_prefetch = 0 : i64, scratch_operands = 0 : i64, tpu.core_type = #tpu.core_type<tc>, window_params = [{transform_indices = @transform_0, window_bounds = array<i64: 1024, 128>}, {pipeline_mode = #tpu.pipeline_mode<synchronous>, transform_indices = @transform_1, window_bounds = array<i64: 128, 128>}, {transform_indices = @transform_2, window_bounds = array<i64: 1024, 16>}, {transform_indices = @transform_3, window_bounds = array<i64: 1024, 16>}, {transform_indices = @transform_4, window_bounds = array<i64: 1024, 128>}, {transform_indices = @transform_5, window_bounds = array<i64: 1024, 1>}]} {
    %get3A = arith.constant 0 : index
    %get3A_0 = arith.constant 0 : index
    %get3A_1 = vector.load %arg3[%get3A, %get3A_0] : memref<1024x16xf32, #tpu.memory_space<vmem>>, vector<1024x1xf32>
    %get3A_2 = arith.constant 0 : index
    %get3A_3 = arith.constant 0 : index
    %get3A_4 = vector.load %arg4[%get3A_2, %get3A_3] : memref<1024x16xf32, #tpu.memory_space<vmem>>, vector<1024x1xf32>
    %add3A = arith.addf %get3A_1, %get3A_4 : vector<1024x1xf32>
    %add3A_5 = arith.constant 1.000000e+00 : f32
    %add3A_6 = vector.broadcast %add3A_5 : f32 to vector<1024x1xf32>
    %add3A_7 = arith.addf %add3A, %add3A_6 : vector<1024x1xf32>
    %rsqrt3A = math.rsqrt %add3A_7 : vector<1024x1xf32>
    %swap3A = arith.constant 0 : index
    %swap3A_8 = arith.constant 0 : index
    %swap3A_9 = vector.load %arg6[%swap3A, %swap3A_8] : memref<1024x1xf32, #tpu.memory_space<vmem>>, vector<1024x1xf32>
    tpu.vector_store %arg6[%swap3A, %swap3A_8], %rsqrt3A {strides = array<i32>} : memref<1024x1xf32, #tpu.memory_space<vmem>>, vector<1024x1xf32>,
    %get3A_10 = arith.constant 0 : index
    %get3A_11 = arith.constant 0 : index
    %get3A_12 = vector.load %arg1[%get3A_10, %get3A_11] : memref<1024x128xf32, #tpu.memory_space<vmem>>, vector<1024x128xf32>
    %get3A_13 = arith.constant 0 : index
    %get3A_14 = arith.constant 0 : index
    %get3A_15 = vector.load %arg2[%get3A_13, %get3A_14] : memref<128x128xf32, #tpu.memory_space<vmem>>, vector<128x128xf32>
    %dot_general3A = arith.constant dense<0.000000e+00> : vector<1024x128xf32>
    %dot_general3A_16 = tpu.matmul %get3A_12, %get3A_15, %dot_general3A {dimension_numbers = #tpu.dot_dimension_numbers<[1], [0], [0], [1], [0, 0, 1, 1], [], []>, transpose_lhs_hint = false} : vector<1024x128xf32>, vector<128x128xf32>, vector<1024x128xf32> -> vector<1024x128xf32>
    %mul3A = vector.broadcast %rsqrt3A : vector<1024x1xf32> to vector<1024x128xf32>
    %mul3A_17 = arith.mulf %dot_general3A_16, %mul3A : vector<1024x128xf32>
    %swap3A_18 = arith.constant 0 : index
    %swap3A_19 = arith.constant 0 : index
    %swap3A_20 = vector.load %arg5[%swap3A_18, %swap3A_19] : memref<1024x128xf32, #tpu.memory_space<vmem>>, vector<1024x128xf32>
    tpu.vector_store %arg5[%swap3A_18, %swap3A_19], %mul3A_17 {strides = array<i32>} : memref<1024x128xf32, #tpu.memory_space<vmem>>, vector<1024x128xf32>,
    return
  }
  func.func @transform_0(%arg0: i32) -> (i32, i32) {
    %c0_i32 = arith.constant 0 : i32
    %c0_i32_0 = arith.constant 0 : i32
    return %arg0, %c0_i32 : i32, i32
  }
  func.func @transform_1(%arg0: i32) -> (i32, i32) {
    %c0_i32 = arith.constant 0 : i32
    %c0_i32_0 = arith.constant 0 : i32
    %c0_i32_1 = arith.constant 0 : i32
    return %c0_i32, %c0_i32_0 : i32, i32
  }
  func.func @transform_2(%arg0: i32) -> (i32, i32) {
    %c0_i32 = arith.constant 0 : i32
    %c0_i32_0 = arith.constant 0 : i32
    return %arg0, %c0_i32 : i32, i32
  }
  func.func @transform_3(%arg0: i32) -> (i32, i32) {
    %c0_i32 = arith.constant 0 : i32
    %c0_i32_0 = arith.constant 0 : i32
    return %arg0, %c0_i32 : i32, i32
  }
  func.func @transform_4(%arg0: i32) -> (i32, i32) {
    %c0_i32 = arith.constant 0 : i32
    %c0_i32_0 = arith.constant 0 : i32
    return %arg0, %c0_i32 : i32, i32
  }
  func.func @transform_5(%arg0: i32) -> (i32, i32) {
    %c0_i32 = arith.constant 0 : i32
    %c0_i32_0 = arith.constant 0 : i32
    return %arg0, %c0_i32 : i32, i32
  }
}

module attributes {stable_mosaic.version = 14 : i64} {
  func.func @tc_y2(%arg0: i32, %arg1: memref<1024x128xf32, #tpu.memory_space<vmem>>, %arg2: memref<1024x128xf32, #tpu.memory_space<vmem>>, %arg3: memref<1024x128xf32, #tpu.memory_space<vmem>>, %arg4: memref<1024x1xf32, #tpu.memory_space<vmem>>, %arg5: memref<128x128xf32, #tpu.memory_space<vmem>>, %arg6: memref<1x128xf32, #tpu.memory_space<vmem>>, %arg7: memref<1024x128xf32, #tpu.memory_space<vmem>>) attributes {dimension_semantics = [#tpu.dimension_semantics<arbitrary>], iteration_bounds = array<i64: 10>, scalar_prefetch = 0 : i64, scratch_operands = 0 : i64, tpu.core_type = #tpu.core_type<tc>, window_params = [{transform_indices = @transform_0, window_bounds = array<i64: 1024, 128>}, {transform_indices = @transform_1, window_bounds = array<i64: 1024, 128>}, {transform_indices = @transform_2, window_bounds = array<i64: 1024, 128>}, {transform_indices = @transform_3, window_bounds = array<i64: 1024, 1>}, {pipeline_mode = #tpu.pipeline_mode<synchronous>, transform_indices = @transform_4, window_bounds = array<i64: 128, 128>}, {pipeline_mode = #tpu.pipeline_mode<synchronous>, transform_indices = @transform_5, window_bounds = array<i64: 1, 128>}, {transform_indices = @transform_6, window_bounds = array<i64: 1024, 128>}]} {
    %get3A = arith.constant 0 : index
    %get3A_0 = arith.constant 0 : index
    %get3A_1 = vector.load %arg4[%get3A, %get3A_0] : memref<1024x1xf32, #tpu.memory_space<vmem>>, vector<1024x1xf32>
    %get3A_2 = arith.constant 0 : index
    %get3A_3 = arith.constant 0 : index
    %get3A_4 = vector.load %arg1[%get3A_2, %get3A_3] : memref<1024x128xf32, #tpu.memory_space<vmem>>, vector<1024x128xf32>
    %get3A_5 = arith.constant 0 : index
    %get3A_6 = arith.constant 0 : index
    %get3A_7 = vector.load %arg2[%get3A_5, %get3A_6] : memref<1024x128xf32, #tpu.memory_space<vmem>>, vector<1024x128xf32>
    %add3A = arith.addf %get3A_4, %get3A_7 : vector<1024x128xf32>
    %get3A_8 = arith.constant 0 : index
    %get3A_9 = arith.constant 0 : index
    %get3A_10 = vector.load %arg3[%get3A_8, %get3A_9] : memref<1024x128xf32, #tpu.memory_space<vmem>>, vector<1024x128xf32>
    %add3A_11 = arith.addf %add3A, %get3A_10 : vector<1024x128xf32>
    %mul3A = vector.broadcast %get3A_1 : vector<1024x1xf32> to vector<1024x128xf32>
    %mul3A_12 = arith.mulf %add3A_11, %mul3A : vector<1024x128xf32>
    %get3A_13 = arith.constant 0 : index
    %get3A_14 = arith.constant 0 : index
    %get3A_15 = vector.load %arg6[%get3A_13, %get3A_14] : memref<1x128xf32, #tpu.memory_space<vmem>>, vector<1x128xf32>
    %add3A_16 = vector.broadcast %get3A_15 : vector<1x128xf32> to vector<1024x128xf32>
    %add3A_17 = arith.addf %mul3A_12, %add3A_16 : vector<1024x128xf32>
    %max3A = arith.constant 0.000000e+00 : f32
    %max3A_18 = vector.broadcast %max3A : f32 to vector<1024x128xf32>
    %max3A_19 = arith.maximumf %add3A_17, %max3A_18 : vector<1024x128xf32>
    %get3A_20 = arith.constant 0 : index
    %get3A_21 = arith.constant 0 : index
    %get3A_22 = vector.load %arg5[%get3A_20, %get3A_21] : memref<128x128xf32, #tpu.memory_space<vmem>>, vector<128x128xf32>
    %dot_general3A = arith.constant dense<0.000000e+00> : vector<1024x128xf32>
    %dot_general3A_23 = tpu.matmul %max3A_19, %get3A_22, %dot_general3A {dimension_numbers = #tpu.dot_dimension_numbers<[1], [0], [0], [1], [0, 0, 1, 1], [], []>, transpose_lhs_hint = false} : vector<1024x128xf32>, vector<128x128xf32>, vector<1024x128xf32> -> vector<1024x128xf32>
    %mul3A_24 = vector.broadcast %get3A_1 : vector<1024x1xf32> to vector<1024x128xf32>
    %mul3A_25 = arith.mulf %dot_general3A_23, %mul3A_24 : vector<1024x128xf32>
    %swap3A = arith.constant 0 : index
    %swap3A_26 = arith.constant 0 : index
    %swap3A_27 = vector.load %arg7[%swap3A, %swap3A_26] : memref<1024x128xf32, #tpu.memory_space<vmem>>, vector<1024x128xf32>
    tpu.vector_store %arg7[%swap3A, %swap3A_26], %mul3A_25 {strides = array<i32>} : memref<1024x128xf32, #tpu.memory_space<vmem>>, vector<1024x128xf32>,
    return
  }
  func.func @transform_0(%arg0: i32) -> (i32, i32) {
    %c0_i32 = arith.constant 0 : i32
    %c0_i32_0 = arith.constant 0 : i32
    return %arg0, %c0_i32 : i32, i32
  }
  func.func @transform_1(%arg0: i32) -> (i32, i32) {
    %c0_i32 = arith.constant 0 : i32
    %c0_i32_0 = arith.constant 0 : i32
    return %arg0, %c0_i32 : i32, i32
  }
  func.func @transform_2(%arg0: i32) -> (i32, i32) {
    %c0_i32 = arith.constant 0 : i32
    %c0_i32_0 = arith.constant 0 : i32
    return %arg0, %c0_i32 : i32, i32
  }
  func.func @transform_3(%arg0: i32) -> (i32, i32) {
    %c0_i32 = arith.constant 0 : i32
    %c0_i32_0 = arith.constant 0 : i32
    return %arg0, %c0_i32 : i32, i32
  }
  func.func @transform_4(%arg0: i32) -> (i32, i32) {
    %c0_i32 = arith.constant 0 : i32
    %c0_i32_0 = arith.constant 0 : i32
    %c0_i32_1 = arith.constant 0 : i32
    return %c0_i32, %c0_i32_0 : i32, i32
  }
  func.func @transform_5(%arg0: i32) -> (i32, i32) {
    %c0_i32 = arith.constant 0 : i32
    %c0_i32_0 = arith.constant 0 : i32
    %c0_i32_1 = arith.constant 0 : i32
    return %c0_i32, %c0_i32_0 : i32, i32
  }
  func.func @transform_6(%arg0: i32) -> (i32, i32) {
    %c0_i32 = arith.constant 0 : i32
    %c0_i32_0 = arith.constant 0 : i32
    return %arg0, %c0_i32 : i32, i32
  }
}

module attributes {stable_mosaic.version = 14 : i64} {
  func.func @tc_a1_a2(%arg0: i32, %arg1: memref<1024x128xf32, #tpu.memory_space<vmem>>, %arg2: memref<1024x128xf32, #tpu.memory_space<vmem>>, %arg3: memref<1024x128xf32, #tpu.memory_space<vmem>>, %arg4: memref<1024x1xf32, #tpu.memory_space<vmem>>, %arg5: memref<1x128xf32, #tpu.memory_space<vmem>>, %arg6: memref<128x128xf32, #tpu.memory_space<vmem>>, %arg7: memref<128x128xf32, #tpu.memory_space<vmem>>, %arg8: memref<1x128xf32, #tpu.memory_space<vmem>>, %arg9: memref<1024x128xf32, #tpu.memory_space<vmem>>, %arg10: memref<1024x128xf32, #tpu.memory_space<vmem>>) attributes {dimension_semantics = [#tpu.dimension_semantics<arbitrary>], iteration_bounds = array<i64: 10>, scalar_prefetch = 0 : i64, scratch_operands = 0 : i64, tpu.core_type = #tpu.core_type<tc>, window_params = [{transform_indices = @transform_0, window_bounds = array<i64: 1024, 128>}, {transform_indices = @transform_1, window_bounds = array<i64: 1024, 128>}, {transform_indices = @transform_2, window_bounds = array<i64: 1024, 128>}, {transform_indices = @transform_3, window_bounds = array<i64: 1024, 1>}, {pipeline_mode = #tpu.pipeline_mode<synchronous>, transform_indices = @transform_4, window_bounds = array<i64: 1, 128>}, {pipeline_mode = #tpu.pipeline_mode<synchronous>, transform_indices = @transform_5, window_bounds = array<i64: 128, 128>}, {pipeline_mode = #tpu.pipeline_mode<synchronous>, transform_indices = @transform_6, window_bounds = array<i64: 128, 128>}, {pipeline_mode = #tpu.pipeline_mode<synchronous>, transform_indices = @transform_7, window_bounds = array<i64: 1, 128>}, {transform_indices = @transform_8, window_bounds = array<i64: 1024, 128>}, {transform_indices = @transform_9, window_bounds = array<i64: 1024, 128>}]} {
    %get3A = arith.constant 0 : index
    %get3A_0 = arith.constant 0 : index
    %get3A_1 = vector.load %arg1[%get3A, %get3A_0] : memref<1024x128xf32, #tpu.memory_space<vmem>>, vector<1024x128xf32>
    %get3A_2 = arith.constant 0 : index
    %get3A_3 = arith.constant 0 : index
    %get3A_4 = vector.load %arg2[%get3A_2, %get3A_3] : memref<1024x128xf32, #tpu.memory_space<vmem>>, vector<1024x128xf32>
    %add3A = arith.addf %get3A_1, %get3A_4 : vector<1024x128xf32>
    %get3A_5 = arith.constant 0 : index
    %get3A_6 = arith.constant 0 : index
    %get3A_7 = vector.load %arg3[%get3A_5, %get3A_6] : memref<1024x128xf32, #tpu.memory_space<vmem>>, vector<1024x128xf32>
    %add3A_8 = arith.addf %add3A, %get3A_7 : vector<1024x128xf32>
    %get3A_9 = arith.constant 0 : index
    %get3A_10 = arith.constant 0 : index
    %get3A_11 = vector.load %arg4[%get3A_9, %get3A_10] : memref<1024x1xf32, #tpu.memory_space<vmem>>, vector<1024x1xf32>
    %mul3A = vector.broadcast %get3A_11 : vector<1024x1xf32> to vector<1024x128xf32>
    %mul3A_12 = arith.mulf %add3A_8, %mul3A : vector<1024x128xf32>
    %get3A_13 = arith.constant 0 : index
    %get3A_14 = arith.constant 0 : index
    %get3A_15 = vector.load %arg5[%get3A_13, %get3A_14] : memref<1x128xf32, #tpu.memory_space<vmem>>, vector<1x128xf32>
    %add3A_16 = vector.broadcast %get3A_15 : vector<1x128xf32> to vector<1024x128xf32>
    %add3A_17 = arith.addf %mul3A_12, %add3A_16 : vector<1024x128xf32>
    %max3A = arith.constant 0.000000e+00 : f32
    %max3A_18 = vector.broadcast %max3A : f32 to vector<1024x128xf32>
    %max3A_19 = arith.maximumf %add3A_17, %max3A_18 : vector<1024x128xf32>
    %get3A_20 = arith.constant 0 : index
    %get3A_21 = arith.constant 0 : index
    %get3A_22 = vector.load %arg6[%get3A_20, %get3A_21] : memref<128x128xf32, #tpu.memory_space<vmem>>, vector<128x128xf32>
    %dot_general3A = arith.constant dense<0.000000e+00> : vector<1024x128xf32>
    %dot_general3A_23 = tpu.matmul %max3A_19, %get3A_22, %dot_general3A {dimension_numbers = #tpu.dot_dimension_numbers<[1], [0], [0], [1], [0, 0, 1, 1], [], []>, transpose_lhs_hint = false} : vector<1024x128xf32>, vector<128x128xf32>, vector<1024x128xf32> -> vector<1024x128xf32>
    %get3A_24 = arith.constant 0 : index
    %get3A_25 = arith.constant 0 : index
    %get3A_26 = vector.load %arg8[%get3A_24, %get3A_25] : memref<1x128xf32, #tpu.memory_space<vmem>>, vector<1x128xf32>
    %add3A_27 = vector.broadcast %get3A_26 : vector<1x128xf32> to vector<1024x128xf32>
    %add3A_28 = arith.addf %dot_general3A_23, %add3A_27 : vector<1024x128xf32>
    %swap3A = arith.constant 0 : index
    %swap3A_29 = arith.constant 0 : index
    %swap3A_30 = vector.load %arg9[%swap3A, %swap3A_29] : memref<1024x128xf32, #tpu.memory_space<vmem>>, vector<1024x128xf32>
    tpu.vector_store %arg9[%swap3A, %swap3A_29], %add3A_28 {strides = array<i32>} : memref<1024x128xf32, #tpu.memory_space<vmem>>, vector<1024x128xf32>,
    %get3A_31 = arith.constant 0 : index
    %get3A_32 = arith.constant 0 : index
    %get3A_33 = vector.load %arg7[%get3A_31, %get3A_32] : memref<128x128xf32, #tpu.memory_space<vmem>>, vector<128x128xf32>
    %dot_general3A_34 = arith.constant dense<0.000000e+00> : vector<1024x128xf32>
    %dot_general3A_35 = tpu.matmul %max3A_19, %get3A_33, %dot_general3A_34 {dimension_numbers = #tpu.dot_dimension_numbers<[1], [0], [0], [1], [0, 0, 1, 1], [], []>, transpose_lhs_hint = false} : vector<1024x128xf32>, vector<128x128xf32>, vector<1024x128xf32> -> vector<1024x128xf32>
    %swap3A_36 = arith.constant 0 : index
    %swap3A_37 = arith.constant 0 : index
    %swap3A_38 = vector.load %arg10[%swap3A_36, %swap3A_37] : memref<1024x128xf32, #tpu.memory_space<vmem>>, vector<1024x128xf32>
    tpu.vector_store %arg10[%swap3A_36, %swap3A_37], %dot_general3A_35 {strides = array<i32>} : memref<1024x128xf32, #tpu.memory_space<vmem>>, vector<1024x128xf32>,
    return
  }
  func.func @transform_0(%arg0: i32) -> (i32, i32) {
    %c0_i32 = arith.constant 0 : i32
    %c0_i32_0 = arith.constant 0 : i32
    return %arg0, %c0_i32 : i32, i32
  }
  func.func @transform_1(%arg0: i32) -> (i32, i32) {
    %c0_i32 = arith.constant 0 : i32
    %c0_i32_0 = arith.constant 0 : i32
    return %arg0, %c0_i32 : i32, i32
  }
  func.func @transform_2(%arg0: i32) -> (i32, i32) {
    %c0_i32 = arith.constant 0 : i32
    %c0_i32_0 = arith.constant 0 : i32
    return %arg0, %c0_i32 : i32, i32
  }
  func.func @transform_3(%arg0: i32) -> (i32, i32) {
    %c0_i32 = arith.constant 0 : i32
    %c0_i32_0 = arith.constant 0 : i32
    return %arg0, %c0_i32 : i32, i32
  }
  func.func @transform_4(%arg0: i32) -> (i32, i32) {
    %c0_i32 = arith.constant 0 : i32
    %c0_i32_0 = arith.constant 0 : i32
    %c0_i32_1 = arith.constant 0 : i32
    return %c0_i32, %c0_i32_0 : i32, i32
  }
  func.func @transform_5(%arg0: i32) -> (i32, i32) {
    %c0_i32 = arith.constant 0 : i32
    %c0_i32_0 = arith.constant 0 : i32
    %c0_i32_1 = arith.constant 0 : i32
    return %c0_i32, %c0_i32_0 : i32, i32
  }
  func.func @transform_6(%arg0: i32) -> (i32, i32) {
    %c0_i32 = arith.constant 0 : i32
    %c0_i32_0 = arith.constant 0 : i32
    %c0_i32_1 = arith.constant 0 : i32
    return %c0_i32, %c0_i32_0 : i32, i32
  }
  func.func @transform_7(%arg0: i32) -> (i32, i32) {
    %c0_i32 = arith.constant 0 : i32
    %c0_i32_0 = arith.constant 0 : i32
    %c0_i32_1 = arith.constant 0 : i32
    return %c0_i32, %c0_i32_0 : i32, i32
  }
  func.func @transform_8(%arg0: i32) -> (i32, i32) {
    %c0_i32 = arith.constant 0 : i32
    %c0_i32_0 = arith.constant 0 : i32
    return %arg0, %c0_i32 : i32, i32
  }
  func.func @transform_9(%arg0: i32) -> (i32, i32) {
    %c0_i32 = arith.constant 0 : i32
    %c0_i32_0 = arith.constant 0 : i32
    return %arg0, %c0_i32 : i32, i32
  }
}

module attributes {stable_mosaic.version = 14 : i64} {
  func.func @tc_logits(%arg0: i32, %arg1: memref<400x512xf32, #tpu.memory_space<vmem>>, %arg2: memref<512x32xf32, #tpu.memory_space<vmem>>, %arg3: memref<1x32xf32, #tpu.memory_space<vmem>>, %arg4: memref<400x32xf32, #tpu.memory_space<vmem>>) attributes {dimension_semantics = [#tpu.dimension_semantics<arbitrary>], iteration_bounds = array<i64: 50>, scalar_prefetch = 0 : i64, scratch_operands = 0 : i64, tpu.core_type = #tpu.core_type<tc>, window_params = [{transform_indices = @transform_0, window_bounds = array<i64: 400, 512>}, {pipeline_mode = #tpu.pipeline_mode<synchronous>, transform_indices = @transform_1, window_bounds = array<i64: 512, 32>}, {pipeline_mode = #tpu.pipeline_mode<synchronous>, transform_indices = @transform_2, window_bounds = array<i64: 1, 32>}, {transform_indices = @transform_3, window_bounds = array<i64: 400, 32>}]} {
    %get3A = arith.constant 0 : index
    %get3A_0 = arith.constant 0 : index
    %get3A_1 = vector.load %arg1[%get3A, %get3A_0] : memref<400x512xf32, #tpu.memory_space<vmem>>, vector<400x512xf32>
    %get3A_2 = arith.constant 0 : index
    %get3A_3 = arith.constant 0 : index
    %get3A_4 = vector.load %arg2[%get3A_2, %get3A_3] : memref<512x32xf32, #tpu.memory_space<vmem>>, vector<512x32xf32>
    %dot_general3A = arith.constant dense<0.000000e+00> : vector<400x32xf32>
    %dot_general3A_5 = tpu.matmul %get3A_1, %get3A_4, %dot_general3A {dimension_numbers = #tpu.dot_dimension_numbers<[1], [0], [0], [1], [0, 0, 1, 1], [], []>, transpose_lhs_hint = false} : vector<400x512xf32>, vector<512x32xf32>, vector<400x32xf32> -> vector<400x32xf32>
    %get3A_6 = arith.constant 0 : index
    %get3A_7 = arith.constant 0 : index
    %get3A_8 = vector.load %arg3[%get3A_6, %get3A_7] : memref<1x32xf32, #tpu.memory_space<vmem>>, vector<1x32xf32>
    %add3A = vector.broadcast %get3A_8 : vector<1x32xf32> to vector<400x32xf32>
    %add3A_9 = arith.addf %dot_general3A_5, %add3A : vector<400x32xf32>
    %max3A = arith.constant 0.000000e+00 : f32
    %max3A_10 = vector.broadcast %max3A : f32 to vector<400x32xf32>
    %max3A_11 = arith.maximumf %add3A_9, %max3A_10 : vector<400x32xf32>
    %swap3A = arith.constant 0 : index
    %swap3A_12 = arith.constant 0 : index
    %swap3A_13 = vector.load %arg4[%swap3A, %swap3A_12] : memref<400x32xf32, #tpu.memory_space<vmem>>, vector<400x32xf32>
    tpu.vector_store %arg4[%swap3A, %swap3A_12], %max3A_11 {strides = array<i32>} : memref<400x32xf32, #tpu.memory_space<vmem>>, vector<400x32xf32>,
    return
  }
  func.func @transform_0(%arg0: i32) -> (i32, i32) {
    %c0_i32 = arith.constant 0 : i32
    %c0_i32_0 = arith.constant 0 : i32
    return %arg0, %c0_i32 : i32, i32
  }
  func.func @transform_1(%arg0: i32) -> (i32, i32) {
    %c0_i32 = arith.constant 0 : i32
    %c0_i32_0 = arith.constant 0 : i32
    %c0_i32_1 = arith.constant 0 : i32
    return %c0_i32, %c0_i32_0 : i32, i32
  }
  func.func @transform_2(%arg0: i32) -> (i32, i32) {
    %c0_i32 = arith.constant 0 : i32
    %c0_i32_0 = arith.constant 0 : i32
    %c0_i32_1 = arith.constant 0 : i32
    return %c0_i32, %c0_i32_0 : i32, i32
  }
  func.func @transform_3(%arg0: i32) -> (i32, i32) {
    %c0_i32 = arith.constant 0 : i32
    %c0_i32_0 = arith.constant 0 : i32
    return %arg0, %c0_i32 : i32, i32
  }
}

</mosaic_0001>

<sc_bundles>
// kernel: sc_conv_agg.4.cloned.1.call-start
scs
__scs_entry_jumppad:
0x0: {  	(pc) =	sbr.rel $0x88, $3  }
0x1: {  	(tag) =	ssettag $0x0;
	lr =	simm.s32 $0x1  }
0x2: {  	[smem:$0x3F97] =	sst lr;
	_ =	strace $0xD0000000  }
0x3: {  	_ = 	snop  }
0x4: {  	_ = 	snop  }
0x5: {  	_ = 	snop  }
0x6: {  	_ = 	snop  }
0x7: {  	_ = 	snop  }
__scs_overlays_trampoline_lowered:
0x8: {  	[smem:$0x3FA6] =	sst s0  }
0x9: {  	[smem:$0x3FA7] =	sst s1  }
0xa: {  	[smem:$0x3FA8] =	sst s2  }
0xb: {  	[smem:$0x3FA9] =	sst s3  }
0xc: {  	[smem:$0x3FAA] =	sst s4  }
0xd: {  	[smem:$0x3FAB] =	sst s5  }
0xe: {  	[smem:$0x3FAC] =	sst s6  }
0xf: {  	[smem:$0x3FAD] =	sst s7  }
0x10: {  	[smem:$0x3FAE] =	sst s8  }
0x11: {  	[smem:$0x3FAF] =	sst s9;
	s0 =	simm.s32 @!p0 $0x0  }
0x12: {  	s1 =	sld [smem:$0x3F95];
	s0 =	simm.s32 @p0 $0x1  }
0x13: {  	[smem:$0x3FB0] =	sst s0;
	s0 =	simm.s32 @!p1 $0x0  }
0x14: {  	s2 =	sld [smem:$0x3F94];
	s0 =	simm.s32 @p1 $0x1  }
0x15: {  	[smem:$0x3FB1] =	sst s0;
	s0 =	simm.s32 @!p2 $0x0  }
0x16: {  	s3 =	sld [smem:$0x3FDB];
	s0 =	simm.s32 @p2 $0x1  }
0x17: {  	s4 =	simm.s32 $0x1BF5;
	[smem:$0x3FB3] =	sst s0  }
0x18: {  	s0 =	sld [smem:$0x3F96];
	_ =	swait.ge [sflag:s4], $0x0  }
0x19: {  	s7 =	sld [smem:$0x3F97]  }
0x1a: {  	s8 =	sadd.s32 $0xFFFFE003, lr  }
0x1b: {  	s9 =	sadd.s32 $0xFFFFFEF7, lr;
	s5 =	simm.s32 $0xFFFFFFFF;
	p2 =	slt.u32 s8, $0xFFFFF086  }
0x1c: {  	p1 =	slt.u32 s9, $0xF7A;
	s5 =	simm.s32 @!p2 $0x0  }
0x1d: {  	s5 =	simm.s32 @p1 $0x1;
	p0 =	seq.s32 s7, s2  }
0x1e: {  	s7 =	smul.u32 @!p0 $0xF7A, s2;
	p2 =	seq.s32 @!p0 s5, $0x0  }
0x1f: {  	s9 =	smul.u32 $0xF7A, s1;
	s8 =	simm.s32 @!p0 $0x1BF5;
	p2 =	por !p2, p0  }
0x20: {  	[sflag:s8] =	ssyncset.s32 @!p0 $0xFFFFF086;
	s6 =	sadd.s32 @!p0 s3, s7;
	s7 =	simm.s32 @!p0 $0x108  }
0x21: {  	s3 =	sadd.s32 s3, s9;
	s6 =	sadd.s32 @!p0 $0x88, s6;
	s7 =	simm.s32 @p2 $0x1082  }
0x22: {  	[simem:s7], [sflag:s8] =	dma.local @!p0 [hbm:s6], $0xF7A  }
0x23: {  	s9 =	sor.u32 $0xD0000000, s2;
	s6 =	simm.s32 $0x108;
	_ =	swait.ge @!p0 [sflag:s8], $0x0  }
0x24: {  	s3 =	sadd.s32 $0x88, s3;
	s6 =	simm.s32 @!p1 $0x1082;
	[sflag:s4] =	ssyncset.s32 $0xFFFFF086  }
0x25: {  	[simem:s6], [sflag:s4] =	dma.local [hbm:s3], $0xF7A  }
0x26: {  	[smem:$0x3F97] =	sst s1;
	(tag) =	ssettag s2;
	_ =	strace s9  }
0x27: {  	s1 =	sld [smem:$0x3FA7]  }
0x28: {  	s2 =	sld [smem:$0x3FA8]  }
0x29: {  	s4 =	sld [smem:$0x3FAA]  }
0x2a: {  	p0 =	seq.s32 s5, $0x0;
	s5 =	sld [smem:$0x3FAB]  }
0x2b: {  	s6 =	sld [smem:$0x3FAC]  }
0x2c: {  	s7 =	sld [smem:$0x3FAD]  }
0x2d: {  	s3 =	simm.s32 $0x108;
	s8 =	sld [smem:$0x3FAE]  }
0x2e: {  	s3 =	simm.s32 @!p0 $0x1082;
	s9 =	sld [smem:$0x3FAF]  }
0x2f: {  	lr =	sadd.s32 s0, s3;
	s0 =	sld [smem:$0x3FA6]  }
0x30: {  	s3 =	sld [smem:$0x3FA9]  }
0x31: {  	[smem:$0x3FB2] =	sst s10  }
0x32: {  	s10 =	sld [smem:$0x3FB0];
	_ =	sdelay $0x3  }
0x33: {  	p0 =	seq.s32 s10, $0x1;
	s10 =	sld [smem:$0x3FB2];
	_ =	sdelay $0x3  }
0x34: {  	[smem:$0x3FB2] =	sst s10  }
0x35: {  	s10 =	sld [smem:$0x3FB1];
	_ =	sdelay $0x3  }
0x36: {  	p1 =	seq.s32 s10, $0x1;
	s10 =	sld [smem:$0x3FB2];
	_ =	sdelay $0x3  }
0x37: {  	[smem:$0x3FB2] =	sst s10  }
0x38: {  	s10 =	sld [smem:$0x3FB3]  }
0x39: {  	_ = 	snop;
	(pc) =	sbr.ind lr, $3  }
0x3a: {  	_ = 	snop  }
0x3b: {  	_ = 	snop  }
0x3c: {  	p2 =	seq.s32 s10, $0x1;
	s10 =	sld [smem:$0x3FB2]  }
0x3d: {  	_ =	shalt  }
0x3e: {  	_ =	shalt  }
0x3f: {  	_ =	shalt  }
0x40: {  	_ =	shalt  }
0x41: {  	_ =	shalt  }
0x42: {  	_ =	shalt  }
0x43: {  	_ =	shalt  }
0x44: {  	_ =	shalt  }
0x45: {  	_ =	shalt  }
0x46: {  	_ =	shalt  }
0x47: {  	_ =	shalt  }
0x48: {  	_ =	shalt  }
0x49: {  	_ =	shalt  }
0x4a: {  	_ =	shalt  }
0x4b: {  	_ =	shalt  }
0x4c: {  	_ =	shalt  }
0x4d: {  	_ =	shalt  }
0x4e: {  	_ =	shalt  }
0x4f: {  	_ =	shalt  }
0x50: {  	_ =	shalt  }
0x51: {  	_ =	shalt  }
0x52: {  	_ =	shalt  }
0x53: {  	_ =	shalt  }
0x54: {  	_ =	shalt  }
0x55: {  	_ =	shalt  }
0x56: {  	_ =	shalt  }
0x57: {  	_ =	shalt  }
0x58: {  	_ =	shalt  }
0x59: {  	_ =	shalt  }
0x5a: {  	_ =	shalt  }
0x5b: {  	_ =	shalt  }
0x5c: {  	_ =	shalt  }
0x5d: {  	_ =	shalt  }
0x5e: {  	_ =	shalt  }
0x5f: {  	_ =	shalt  }
0x60: {  	_ =	shalt  }
0x61: {  	_ =	shalt  }
0x62: {  	_ =	shalt  }
0x63: {  	_ =	shalt  }
0x64: {  	_ =	shalt  }
0x65: {  	_ =	shalt  }
0x66: {  	_ =	shalt  }
0x67: {  	_ =	shalt  }
0x68: {  	_ =	shalt  }
0x69: {  	_ =	shalt  }
0x6a: {  	_ =	shalt  }
0x6b: {  	_ =	shalt  }
0x6c: {  	_ =	shalt  }
0x6d: {  	_ =	shalt  }
0x6e: {  	_ =	shalt  }
0x6f: {  	_ =	shalt  }
0x70: {  	_ =	shalt  }
0x71: {  	_ =	shalt  }
0x72: {  	_ =	shalt  }
0x73: {  	_ =	shalt  }
0x74: {  	_ =	shalt  }
0x75: {  	_ =	shalt  }
0x76: {  	_ =	shalt  }
0x77: {  	_ =	shalt  }
0x78: {  	_ =	shalt  }
0x79: {  	_ =	shalt  }
0x7a: {  	_ =	shalt  }
0x7b: {  	_ =	shalt  }
0x7c: {  	_ =	shalt  }
0x7d: {  	_ =	shalt  }
0x7e: {  	_ =	shalt  }
0x7f: {  	_ =	shalt  }
0x80: {  	_ =	shalt  }
0x81: {  	_ =	shalt  }
0x82: {  	_ =	shalt  }
0x83: {  	_ =	shalt  }
0x84: {  	_ =	shalt  }
0x85: {  	_ =	shalt  }
0x86: {  	_ =	shalt  }
0x87: {  	_ =	shalt  }
.Lfunc_end0:
.L_simem_size_0:
called_computation.1_lowered:
.L_overlay_start_0:
0x88: {  	s2 =	sld [smem:$0x3FD9]  }
0x89: {  	s3 =	sld [smem:$0x3FFE];
	_ =	sdelay $0x1  }
0x8a: {  	s1 =	srdreg.scid  }
0x8b: {  	s0 =	sand.u32 $0x1, s1  }
0x8c: {  	s17 =	sshll.u32 s0, $0xA;
	s2 =	sadd.s32 s3, s2  }
0x8d: {  	s2 =	sadd.s32 s2, s17  }
0x8e: {  	[smem:$0x3FBE] =	sst s2  }
0x8f: {  	_ = 	snop  }
0x90: {  	s2 =	sld [smem:$0x3FD0];
	(tm) =	ssettm $0x1  }
0x91: {  	s18 =	sld [smem:$0x3FFB];
	_ =	sdelay $0x3  }
0x92: {  	_ =	strace s18  }
0x93: {  	s3 =	sld [smem:$0x3FFC];
	_ =	sdelay $0x3  }
0x94: {  	_ =	strace s3  }
0x95: {  	s3 =	sld [smem:$0x3FFD];
	_ =	sdelay $0x3  }
0x96: {  	_ =	strace s3  }
0x97: {  	_ =	strace $0x8FFFFFFF  }
0x98: {  	s19 =	sld [smem:$0x3FDB];
	_ =	sdelay $0x1  }
0x99: {  	s4 =	simm.s32 $_scs_section_size  }
0x9a: {  	s5 =	simm.s32 $_size__tile_overlayer_lowered;
	s6 =	simm.s32 $_tile_overlayer_lowered  }
0x9b: {  	s22 =	simm.s32 $0x1BFF;
	s21 =	sshll.u32 s6, $0x1;
	s3 =	sadd.s32 s4, s19  }
0x9c: {  	s7 =	simm.s32 $0x0;
	s20 =	sshll.u32 s5, $0x1;
	s5 =	sadd.s32 s21, s3  }
0x9d: {  	[timem:s7], [sflag:s22] =	dma.local [hbm:s5], s20  }
0x9e: {  	_ =	swait.ge [sflag:s22], s20  }
0x9f: {  	s4 =	ssub.s32 $0x0, s20;
	[sflag:s22] =	ssyncset.done $0x0  }
0xa0: {  	[sflag:s22] =	ssyncadd.s32 s4;
	_ =	sdelay $0x1  }
0xa1: {  	s23 =	simm.s32 $0x1B8B  }
0xa2: {  	_ =	swait.ge [sflag:s23], $0x1  }
0xa3: {  	[sflag:s23] =	ssyncset.done $0x0  }
0xa4: {  	s25 =	simm.s32 $0x1B8E;
	s24 =	sld [smem:$0x3FFE];
	[sflag:s23] =	ssyncadd.s32 $0xFFFFFFFF  }
0xa5: {  	s26 =	simm.s32 $execute0_lowered;
	[smem:$0x3FD2] =	sst s25  }
0xa6: {  	s5 =	sshll.u32 s26, $0x1;
	_ =	strace $0x80000049;
	[dreg:$0x1] =	wrdreg $0xFFFFFFFF  }
0xa7: {  	s28 =	simm.s32 $_size_execute0_lowered;
	s3 =	sadd.s32 s3, s5;
	[dreg:$0x0] =	wrdreg $0x0  }
0xa8: {  	s5 =	sshll.u32 s28, $0x1;
	[dreg:$0x2] =	wrdreg s3  }
0xa9: {  	[dreg:$0x3] =	wrdreg s5  }
0xaa: {  	[dreg:$0x4] =	wrdreg $0xC0  }
0xab: {  	_ =	task [dreg:s7], $0x5FFFF  }
0xac: {  	[dreg:$0x1] =	wrdreg $0xFFFFFFFF  }
0xad: {  	[dreg:$0x0] =	wrdreg $0x60  }
0xae: {  	[dreg:$0x2] =	wrdreg s24  }
0xaf: {  	[dreg:$0x3] =	wrdreg s2  }
0xb0: {  	[dreg:$0x4] =	wrdreg $0xA8000  }
0xb1: {  	[dreg:$0x5] =	wrdreg $0x9  }
0xb2: {  	_ =	task.clear_ibuf [dreg:s7], $0x6FFFF;
	_ =	strace $0x90000049  }
0xb3: {  	s29 =	simm.s32 $0x9;
	_ =	strace $0x8000004B  }
0xb4: {  	_ =	swait.ge [sflag:s29], $0x1  }
0xb5: {  	[sflag:s29] =	ssyncadd.s32 $0xFFFFFFFF  }
0xb6: {  	_ =	strace $0x9000004B  }
0xb7: {  	_ =	sfence  }
0xb8: {  	s30 =	sld [smem:$0x0];
	_ =	sdelay $0x2  }
0xb9: {  	s31 =	sshll.u32 s1, $0xD;
	s1 =	sshrl.u32 s1, $0x2  }
0xba: {  	s3 =	sand.u32 $0x4000, s31;
	s1 =	sadd.s32 s1, s30  }
0xbb: {  	s0 =	sor.u32 s3, s0;
	s1 =	sshll.u32 s1, $0x11  }
0xbc: {  	s0 =	sor.u32 s1, s0  }
0xbd: {  	s0 =	sadd.s32 $0x8F2B, s0  }
0xbe: {  	[sflag:s0] =	ssyncadd.remote.s32 $0x1  }
0xbf: {  	_ =	sfence.sel $0xFFFF  }
0xc0: {  	[dreg:$0x0] =	wrdreg $0xFFFFFFFF;
	(pc) =	sbr.abs _section_cstart, $3  }
0xc1: {  	[dreg:$0x1] =	wrdreg $0xFFFFFFFF  }
0xc2: {  	_ =	task.clear_ibuf [dreg:s7], $0x2FFFF;
	_ =	strace $0x9FFFFFFF  }
0xc3: {  	(tm) =	ssettm $0x7FFFFFFF  }
tec
execute0_lowered:
.L_overlay_start_1:
0x0: {  	(tag) =	ssettag $0x1  }
0x1: {  	s0 =	rddreg [dreg:$0x0]  }
0x2: {  	s3 =	rddreg [dreg:$0x1]  }
0x3: {  	s1 =	rddreg [dreg:$0x2];
	s2 =	simm.s32 $0x0;
	s5 =	srdreg.scid  }
0x4: {  	s8 =	stileid.u32;
	s28 =	simm.s32 $0x2600;
	s29 =	simm.s32 $0x1300  }
0x5: {  	s30 =	simm.s32 $0x2680;
	s31 =	simm.s32 $0x1380;
	[smem:$0x7FF] =	sst s2  }
0x6: {  	s4 =	sadd.s32 $0xE400, s0;
	s9 =	sand.u32 $0x1, s5;
	s6 =	smul.u32 $0x50000, s8  }
0x7: {  	s10 =	sadd.s32 $0x4400, s0;
	s0 =	sadd.s32 $0x5E400, s0;
	s11 =	smul.u32 $0x14000, s8  }
0x8: {  	_ =	strace $0x8000004A;
	s5 =	ssub.s32 $0x2, s9;
	s19 =	sshll.u32 s9, $0x4  }
0x9: {  	s7 =	sshrl.u32 s5, $0x1;
	s6 =	sshrl.u32 s6, $0x2;
	s20 =	sor.u32 s8, s19  }
0xa: {  	s13 =	sadd.s32 $0x4000, s11;
	s16 =	sadd.s32 $0x8000, s11;
	s17 =	sadd.s32 $0xC000, s11  }
0xb: {  	s18 =	sadd.s32 $0x10000, s11;
	s19 =	smul.u32 $0x140000, s9;
	s12 =	ssub.s32 s5, s7  }
0xc: {  	s5 =	sadd.s32 s6, s1;
	s14 =	smul.u32 $0x2800, s20;
	s6 =	sadd.s32 s13, s1  }
0xd: {  	s7 =	sadd.s32 s16, s1;
	s8 =	sadd.s32 s17, s1;
	s9 =	sadd.s32 s18, s1  }
0xe: {  	s20 =	simm.s32 $0x2800;
	s11 =	sadd.s32 s11, s19;
	s13 =	sadd.s32 s19, s13  }
0xf: {  	s24 =	sadd.s32 s19, s16;
	s25 =	sadd.s32 s19, s17;
	s26 =	sadd.s32 s19, s18  }
0x10: {  	s19 =	smax.u32 s12, $0x1;
	s14 =	sshrl.u32 s14, $0x3;
	s22 =	sshrl.u32 s11, $0x3  }
0x11: {  	s23 =	sshrl.u32 s13, $0x3;
	s11 =	sshrl.u32 s26, $0x3;
	s15 =	sadd.s32 s3, s14  }
0x12: {  	s26 =	simm.s32 $0x2;
	s21 =	sadd.s32 s10, s14;
	[dreg:$0x4] =	wrdreg s15  }
0x13: {  	s14 =	sadd.s32 $0x280, s14;
	s18 =	sadd.s32 s0, s11;
	[dreg:$0x5] =	wrdreg s21  }
0x14: {  	s3 =	sadd.s32 s3, s14;
	s10 =	sadd.s32 s10, s14;
	s14 =	sadd.s32 s0, s22  }
0x15: {  	s15 =	sadd.s32 s0, s23;
	s21 =	simm.s32 $0x3;
	[dreg:$0x6] =	wrdreg s3  }
0x16: {  	s22 =	simm.s32 $0x1400;
	s23 =	simm.s32 $0x80;
	[dreg:$0x7] =	wrdreg s10  }
0x17: {  	s3 =	sshrl.u32 s24, $0x3;
	s10 =	sshrl.u32 s25, $0x3;
	s24 =	simm.s32 $0x6800  }
0x18: {  	s25 =	simm.s32 $0x1;
	s16 =	sadd.s32 s0, s3;
	s17 =	sadd.s32 s0, s10  }
0x19: {  	v0 =	vimm.f32 $0.0e+00;
	s0 =	simm.s32 $0x2700;
	s3 =	simm.s32 $0x2780;
	s10 =	simm.s32 $0x0  }
.LBB2_1:
0x1a: {  	s11 =	simm.s32 $0x0;
	s12 =	simm.s32 $0x200  }
.LBB2_2:
0x1b: {  	p0 =	sne.s32 s12, $0xFE00;
	[tilespmem:s11+$0x2870] =	vst v0  }
0x1c: {  	[tilespmem:s11+$0x2800] =	vst v0  }
0x1d: {  	[tilespmem:s11+$0x2810] =	vst v0  }
.Ltmp0:
0x1e: {  	[tilespmem:s11+$0x2820] =	vst v0;
	(pc) =	sbr.rel @p0 .LBB2_2-.Ltmp0, $4  }
0x1f: {  	[tilespmem:s11+$0x2830] =	vst v0  }
0x20: {  	[tilespmem:s11+$0x2840] =	vst v0  }
0x21: {  	[tilespmem:s11+$0x2850] =	vst v0  }
0x22: {  	[tilespmem:s11+$0x2860] =	vst v0;
	s11 =	sshra.s32 s12, $0x2;
	s12 =	sadd.s32 $0x200, s12  }
0x23: {  	[tilespmem:s11+$0x2870] =	vst v0  }
0x24: {  	[tilespmem:s11+$0x2800] =	vst v0  }
0x25: {  	[tilespmem:s11+$0x2810] =	vst v0  }
0x26: {  	[tilespmem:s11+$0x2820] =	vst v0  }
0x27: {  	[tilespmem:s11+$0x2830] =	vst v0  }
0x28: {  	[tilespmem:s11+$0x2840] =	vst v0  }
0x29: {  	[tilespmem:s11+$0x2850] =	vst v0  }
0x2a: {  	[tilespmem:s11+$0x2860] =	vst v0  }
0x2b: {  	[spmem:s5] =	stream.linear.scatter [tilespmem:s20], [sflag:$0x3], $0x4000, $0x38;
	[tilespmem:$0x1E800] =	vst v63  }
0x2c: {  	_ =	swait.ge [sflag:s21], $0x4000  }
0x2d: {  	[sflag:s21] =	ssyncset.done $0x0  }
0x2e: {  	[sflag:s21] =	ssyncadd.s32 $0xFFFFC000  }
0x2f: {  	[spmem:s6] =	stream.linear.scatter [tilespmem:s20], [sflag:$0x3], $0x4000, $0x38;
	[tilespmem:$0x1E800] =	vst v63  }
0x30: {  	_ =	swait.ge [sflag:s21], $0x4000  }
0x31: {  	[sflag:s21] =	ssyncset.done $0x0  }
0x32: {  	[sflag:s21] =	ssyncadd.s32 $0xFFFFC000  }
0x33: {  	[spmem:s7] =	stream.linear.scatter [tilespmem:s20], [sflag:$0x3], $0x4000, $0x38;
	[tilespmem:$0x1E800] =	vst v63  }
0x34: {  	_ =	swait.ge [sflag:s21], $0x4000  }
0x35: {  	[sflag:s21] =	ssyncset.done $0x0  }
0x36: {  	[sflag:s21] =	ssyncadd.s32 $0xFFFFC000  }
0x37: {  	[spmem:s8] =	stream.linear.scatter [tilespmem:s20], [sflag:$0x3], $0x4000, $0x38;
	[tilespmem:$0x1E800] =	vst v63  }
0x38: {  	_ =	swait.ge [sflag:s21], $0x4000  }
0x39: {  	[sflag:s21] =	ssyncset.done $0x0  }
0x3a: {  	[sflag:s21] =	ssyncadd.s32 $0xFFFFC000  }
0x3b: {  	[spmem:s9] =	stream.linear.scatter [tilespmem:s20], [sflag:$0x3], $0x4000, $0x38;
	[tilespmem:$0x1E800] =	vst v63  }
0x3c: {  	_ =	swait.ge [sflag:s21], $0x4000  }
0x3d: {  	[sflag:s21] =	ssyncset.done $0x0  }
0x3e: {  	[sflag:s21] =	ssyncadd.s32 $0xFFFFC000  }
0x3f: {  	[bflag:$0x0] =	sbarrier.arrive $0xFFFF  }
0x40: {  	s11 =	simm.s32 $0x0;
	s12 =	rddreg [dreg:$0x4]  }
0x41: {  	[tilespmem:s11], [sflag:$0x3] =	stream.linear.gather [hbm4b:s12+s11], $0x1400, $0x38;
	[tilespmem:$0x1E800] =	vst v63  }
0x42: {  	_ =	swait.ge [sflag:s21], $0x1400  }
0x43: {  	[sflag:s21] =	ssyncset.done $0x0  }
0x44: {  	s13 =	rddreg [dreg:$0x5];
	[sflag:s21] =	ssyncadd.s32 $0xFFFFEC00  }
0x45: {  	[tilespmem:s22], [sflag:$0x3] =	stream.linear.gather [hbm4b:s13+s11], $0x1400, $0x38;
	[tilespmem:$0x1E800] =	vst v63  }
0x46: {  	_ =	swait.ge [sflag:s21], $0x1400  }
0x47: {  	[sflag:s21] =	ssyncset.done $0x0  }
0x48: {  	[sflag:s21] =	ssyncadd.s32 $0xFFFFEC00  }
0x49: {  	[tilespmem:s20], [sflag:$0x1] =	stream.indirect.gather [hbm4b:s4+s23], $0x80, s11, s23, $0xb8;
	[tilespmem:$0x1E800] =	vst v63  }
0x4a: {  	_ = 	snop  }
0x4b: {  	[tilespmem:s24], [sflag:$0x2] =	stream.indirect.gather [hbm4b:s4+s23], $0x80, s23, s23, $0xb8;
	[tilespmem:$0x1E800] =	vst v63  }
0x4c: {  	_ =	swait.ge [sflag:s25], $0x4000  }
0x4d: {  	[sflag:s25] =	ssyncset.done $0x0  }
0x4e: {  	s13 =	simm.s32 $0x1400;
	[sflag:s25] =	ssyncadd.s32 $0xFFFFC000  }
0x4f: {  	[spmem:s1] =	stream.indirect.scatter.add.f32 [tilespmem:s20], [sflag:$0x3], $0x80, s13, s23, $0xb8;
	[tilespmem:$0x1E800] =	vst v63  }
0x50: {  	_ =	swait.ge [sflag:s21], $0x4000  }
0x51: {  	[sflag:s21] =	ssyncset.done $0x0  }
0x52: {  	s12 =	simm.s32 $0x100;
	[sflag:s21] =	ssyncadd.s32 $0xFFFFC000  }
0x53: {  	[tilespmem:s20], [sflag:$0x1] =	stream.indirect.gather [hbm4b:s4+s23], $0x80, s12, s23, $0xb8;
	[tilespmem:$0x1E800] =	vst v63  }
0x54: {  	_ =	swait.ge [sflag:s26], $0x4000  }
0x55: {  	[sflag:s26] =	ssyncset.done $0x0  }
0x56: {  	s13 =	simm.s32 $0x1480;
	[sflag:s26] =	ssyncadd.s32 $0xFFFFC000  }
0x57: {  	[spmem:s1] =	stream.indirect.scatter.add.f32 [tilespmem:s24], [sflag:$0x3], $0x80, s13, s23, $0xb8;
	[tilespmem:$0x1E800] =	vst v63  }
0x58: {  	_ =	swait.ge [sflag:s21], $0x4000  }
0x59: {  	[sflag:s21] =	ssyncset.done $0x0  }
0x5a: {  	s11 =	simm.s32 $0x400;
	s12 =	simm.s32 $0x180;
	[sflag:s21] =	ssyncadd.s32 $0xFFFFC000  }
.LBB2_4:
0x5b: {  	[tilespmem:s24], [sflag:$0x2] =	stream.indirect.gather [hbm4b:s4+s23], $0x80, s12, s23, $0xb8;
	[tilespmem:$0x1E800] =	vst v63  }
0x5c: {  	s12 =	smov.u32 s11  }
0x5d: {  	p0 =	sne.s32 s11, $0x4400;
	s11 =	sadd.s32 $0x400, s11;
	_ =	swait.ge [sflag:s25], $0x4000  }
0x5e: {  	s12 =	sshra.s32 s12, $0x2;
	[sflag:s25] =	ssyncset.done $0x0  }
0x5f: {  	s13 =	sadd.s32 $0x1400, s12;
	[sflag:s25] =	ssyncadd.s32 $0xFFFFC000  }
0x60: {  	[spmem:s1] =	stream.indirect.scatter.add.f32 [tilespmem:s20], [sflag:$0x3], $0x80, s13, s23, $0xb8;
	[tilespmem:$0x1E800] =	vst v63  }
0x61: {  	_ =	swait.ge [sflag:s21], $0x4000  }
0x62: {  	[sflag:s21] =	ssyncset.done $0x0  }
0x63: {  	s13 =	sadd.s32 $0x100, s12;
	[sflag:s21] =	ssyncadd.s32 $0xFFFFC000  }
0x64: {  	[tilespmem:s20], [sflag:$0x1] =	stream.indirect.gather [hbm4b:s4+s23], $0x80, s13, s23, $0xb8;
	[tilespmem:$0x1E800] =	vst v63  }
0x65: {  	_ =	swait.ge [sflag:s26], $0x4000  }
0x66: {  	[sflag:s26] =	ssyncset.done $0x0  }
.Ltmp1:
0x67: {  	s13 =	sadd.s32 $0x1480, s12;
	[sflag:s26] =	ssyncadd.s32 $0xFFFFC000;
	(pc) =	sbr.rel @p0 .LBB2_4-.Ltmp1, $4  }
0x68: {  	[spmem:s1] =	stream.indirect.scatter.add.f32 [tilespmem:s24], [sflag:$0x3], $0x80, s13, s23, $0xb8;
	[tilespmem:$0x1E800] =	vst v63  }
0x69: {  	_ =	swait.ge [sflag:s21], $0x4000  }
0x6a: {  	[sflag:s21] =	ssyncset.done $0x0  }
0x6b: {  	s12 =	sadd.s32 $0x180, s12;
	[sflag:s21] =	ssyncadd.s32 $0xFFFFC000  }
0x6c: {  	[tilespmem:s24], [sflag:$0x2] =	stream.indirect.gather [hbm4b:s4+s23], $0x80, s12, s23, $0xb8;
	[tilespmem:$0x1E800] =	vst v63  }
0x6d: {  	_ =	swait.ge [sflag:s25], $0x4000  }
0x6e: {  	[sflag:s25] =	ssyncset.done $0x0  }
0x6f: {  	[sflag:s25] =	ssyncadd.s32 $0xFFFFC000  }
0x70: {  	[spmem:s1] =	stream.indirect.scatter.add.f32 [tilespmem:s20], [sflag:$0x3], $0x80, s28, s23, $0xb8;
	[tilespmem:$0x1E800] =	vst v63  }
0x71: {  	_ =	swait.ge [sflag:s21], $0x4000  }
0x72: {  	[sflag:s21] =	ssyncset.done $0x0  }
0x73: {  	[sflag:s21] =	ssyncadd.s32 $0xFFFFC000  }
0x74: {  	[tilespmem:s20], [sflag:$0x1] =	stream.indirect.gather [hbm4b:s4+s23], $0x80, s29, s23, $0xb8;
	[tilespmem:$0x1E800] =	vst v63  }
0x75: {  	_ =	swait.ge [sflag:s26], $0x4000  }
0x76: {  	[sflag:s26] =	ssyncset.done $0x0  }
0x77: {  	[sflag:s26] =	ssyncadd.s32 $0xFFFFC000  }
0x78: {  	[spmem:s1] =	stream.indirect.scatter.add.f32 [tilespmem:s24], [sflag:$0x3], $0x80, s30, s23, $0xb8;
	[tilespmem:$0x1E800] =	vst v63  }
0x79: {  	_ =	swait.ge [sflag:s21], $0x4000  }
0x7a: {  	[sflag:s21] =	ssyncset.done $0x0  }
0x7b: {  	[sflag:s21] =	ssyncadd.s32 $0xFFFFC000  }
0x7c: {  	[tilespmem:s24], [sflag:$0x2] =	stream.indirect.gather [hbm4b:s4+s23], $0x80, s31, s23, $0xb8;
	[tilespmem:$0x1E800] =	vst v63  }
0x7d: {  	_ =	swait.ge [sflag:s25], $0x4000  }
0x7e: {  	[sflag:s25] =	ssyncset.done $0x0  }
0x7f: {  	[sflag:s25] =	ssyncadd.s32 $0xFFFFC000  }
0x80: {  	[spmem:s1] =	stream.indirect.scatter.add.f32 [tilespmem:s20], [sflag:$0x3], $0x80, s0, s23, $0xb8;
	[tilespmem:$0x1E800] =	vst v63  }
0x81: {  	_ =	swait.ge [sflag:s21], $0x4000  }
0x82: {  	[sflag:s21] =	ssyncset.done $0x0  }
0x83: {  	[sflag:s21] =	ssyncadd.s32 $0xFFFFC000  }
0x84: {  	[tilespmem:s20], [sflag:$0x1] =	stream.indirect.gather [hbm4b:s4+s23], $0x80, s31, s23, $0xb8;
	[tilespmem:$0x1E800] =	vst v63  }
0x85: {  	_ =	swait.ge [sflag:s26], $0x4000  }
0x86: {  	[sflag:s26] =	ssyncset.done $0x0  }
0x87: {  	[sflag:s26] =	ssyncadd.s32 $0xFFFFC000  }
0x88: {  	[spmem:s1] =	stream.indirect.scatter.add.f32 [tilespmem:s24], [sflag:$0x3], $0x80, s3, s23, $0xb8;
	[tilespmem:$0x1E800] =	vst v63  }
0x89: {  	_ =	swait.ge [sflag:s21], $0x4000  }
0x8a: {  	[sflag:s21] =	ssyncset.done $0x0  }
0x8b: {  	[sflag:s21] =	ssyncadd.s32 $0xFFFFC000  }
0x8c: {  	[tilespmem:s24], [sflag:$0x2] =	stream.indirect.gather [hbm4b:s4+s23], $0x80, s31, s23, $0xb8;
	[tilespmem:$0x1E800] =	vst v63  }
0x8d: {  	_ =	swait.ge [sflag:s25], $0x4000  }
0x8e: {  	[sflag:s25] =	ssyncset.done $0x0  }
0x8f: {  	[sflag:s25] =	ssyncadd.s32 $0xFFFFC000  }
0x90: {  	_ =	swait.ge [sflag:s26], $0x4000  }
0x91: {  	[sflag:s26] =	ssyncset.done $0x0  }
0x92: {  	s11 =	simm.s32 $0x0;
	s13 =	rddreg [dreg:$0x6];
	[sflag:s26] =	ssyncadd.s32 $0xFFFFC000  }
0x93: {  	[tilespmem:s11], [sflag:$0x3] =	stream.linear.gather [hbm4b:s13+s11], $0x1400, $0x38;
	[tilespmem:$0x1E800] =	vst v63  }
0x94: {  	_ =	swait.ge [sflag:s21], $0x1400  }
0x95: {  	[sflag:s21] =	ssyncset.done $0x0  }
0x96: {  	s13 =	rddreg [dreg:$0x7];
	[sflag:s21] =	ssyncadd.s32 $0xFFFFEC00  }
0x97: {  	[tilespmem:s22], [sflag:$0x3] =	stream.linear.gather [hbm4b:s13+s11], $0x1400, $0x38;
	[tilespmem:$0x1E800] =	vst v63  }
0x98: {  	_ =	swait.ge [sflag:s21], $0x1400  }
0x99: {  	[sflag:s21] =	ssyncset.done $0x0  }
0x9a: {  	[sflag:s21] =	ssyncadd.s32 $0xFFFFEC00  }
0x9b: {  	[tilespmem:s20], [sflag:$0x1] =	stream.indirect.gather [hbm4b:s4+s23], $0x80, s11, s23, $0xb8;
	[tilespmem:$0x1E800] =	vst v63  }
0x9c: {  	_ = 	snop  }
0x9d: {  	[tilespmem:s24], [sflag:$0x2] =	stream.indirect.gather [hbm4b:s4+s23], $0x80, s23, s23, $0xb8;
	[tilespmem:$0x1E800] =	vst v63  }
0x9e: {  	_ =	swait.ge [sflag:s25], $0x4000  }
0x9f: {  	[sflag:s25] =	ssyncset.done $0x0  }
0xa0: {  	s13 =	simm.s32 $0x1400;
	[sflag:s25] =	ssyncadd.s32 $0xFFFFC000  }
0xa1: {  	[spmem:s1] =	stream.indirect.scatter.add.f32 [tilespmem:s20], [sflag:$0x3], $0x80, s13, s23, $0xb8;
	[tilespmem:$0x1E800] =	vst v63  }
0xa2: {  	_ =	swait.ge [sflag:s21], $0x4000  }
0xa3: {  	[sflag:s21] =	ssyncset.done $0x0  }
0xa4: {  	s12 =	simm.s32 $0x100;
	[sflag:s21] =	ssyncadd.s32 $0xFFFFC000  }
0xa5: {  	[tilespmem:s20], [sflag:$0x1] =	stream.indirect.gather [hbm4b:s4+s23], $0x80, s12, s23, $0xb8;
	[tilespmem:$0x1E800] =	vst v63  }
0xa6: {  	_ =	swait.ge [sflag:s26], $0x4000  }
0xa7: {  	[sflag:s26] =	ssyncset.done $0x0  }
0xa8: {  	s13 =	simm.s32 $0x1480;
	[sflag:s26] =	ssyncadd.s32 $0xFFFFC000  }
0xa9: {  	[spmem:s1] =	stream.indirect.scatter.add.f32 [tilespmem:s24], [sflag:$0x3], $0x80, s13, s23, $0xb8;
	[tilespmem:$0x1E800] =	vst v63  }
0xaa: {  	_ =	swait.ge [sflag:s21], $0x4000  }
0xab: {  	[sflag:s21] =	ssyncset.done $0x0  }
0xac: {  	s11 =	simm.s32 $0x400;
	s12 =	simm.s32 $0x180;
	[sflag:s21] =	ssyncadd.s32 $0xFFFFC000  }
.LBB2_6:
0xad: {  	[tilespmem:s24], [sflag:$0x2] =	stream.indirect.gather [hbm4b:s4+s23], $0x80, s12, s23, $0xb8;
	[tilespmem:$0x1E800] =	vst v63  }
0xae: {  	s12 =	smov.u32 s11  }
0xaf: {  	p0 =	sne.s32 s11, $0x4400;
	s11 =	sadd.s32 $0x400, s11;
	_ =	swait.ge [sflag:s25], $0x4000  }
0xb0: {  	s12 =	sshra.s32 s12, $0x2;
	[sflag:s25] =	ssyncset.done $0x0  }
0xb1: {  	s13 =	sadd.s32 $0x1400, s12;
	[sflag:s25] =	ssyncadd.s32 $0xFFFFC000  }
0xb2: {  	[spmem:s1] =	stream.indirect.scatter.add.f32 [tilespmem:s20], [sflag:$0x3], $0x80, s13, s23, $0xb8;
	[tilespmem:$0x1E800] =	vst v63  }
0xb3: {  	_ =	swait.ge [sflag:s21], $0x4000  }
0xb4: {  	[sflag:s21] =	ssyncset.done $0x0  }
0xb5: {  	s13 =	sadd.s32 $0x100, s12;
	[sflag:s21] =	ssyncadd.s32 $0xFFFFC000  }
0xb6: {  	[tilespmem:s20], [sflag:$0x1] =	stream.indirect.gather [hbm4b:s4+s23], $0x80, s13, s23, $0xb8;
	[tilespmem:$0x1E800] =	vst v63  }
0xb7: {  	_ =	swait.ge [sflag:s26], $0x4000  }
0xb8: {  	[sflag:s26] =	ssyncset.done $0x0  }
.Ltmp2:
0xb9: {  	s13 =	sadd.s32 $0x1480, s12;
	[sflag:s26] =	ssyncadd.s32 $0xFFFFC000;
	(pc) =	sbr.rel @p0 .LBB2_6-.Ltmp2, $4  }
0xba: {  	[spmem:s1] =	stream.indirect.scatter.add.f32 [tilespmem:s24], [sflag:$0x3], $0x80, s13, s23, $0xb8;
	[tilespmem:$0x1E800] =	vst v63  }
0xbb: {  	_ =	swait.ge [sflag:s21], $0x4000  }
0xbc: {  	[sflag:s21] =	ssyncset.done $0x0  }
0xbd: {  	s12 =	sadd.s32 $0x180, s12;
	[sflag:s21] =	ssyncadd.s32 $0xFFFFC000  }
0xbe: {  	[tilespmem:s24], [sflag:$0x2] =	stream.indirect.gather [hbm4b:s4+s23], $0x80, s12, s23, $0xb8;
	[tilespmem:$0x1E800] =	vst v63  }
0xbf: {  	_ =	swait.ge [sflag:s25], $0x4000  }
0xc0: {  	[sflag:s25] =	ssyncset.done $0x0  }
0xc1: {  	[sflag:s25] =	ssyncadd.s32 $0xFFFFC000  }
0xc2: {  	[spmem:s1] =	stream.indirect.scatter.add.f32 [tilespmem:s20], [sflag:$0x3], $0x80, s28, s23, $0xb8;
	[tilespmem:$0x1E800] =	vst v63  }
0xc3: {  	_ =	swait.ge [sflag:s21], $0x4000  }
0xc4: {  	[sflag:s21] =	ssyncset.done $0x0  }
0xc5: {  	[sflag:s21] =	ssyncadd.s32 $0xFFFFC000  }
0xc6: {  	[tilespmem:s20], [sflag:$0x1] =	stream.indirect.gather [hbm4b:s4+s23], $0x80, s29, s23, $0xb8;
	[tilespmem:$0x1E800] =	vst v63  }
0xc7: {  	_ =	swait.ge [sflag:s26], $0x4000  }
0xc8: {  	[sflag:s26] =	ssyncset.done $0x0  }
0xc9: {  	[sflag:s26] =	ssyncadd.s32 $0xFFFFC000  }
0xca: {  	[spmem:s1] =	stream.indirect.scatter.add.f32 [tilespmem:s24], [sflag:$0x3], $0x80, s30, s23, $0xb8;
	[tilespmem:$0x1E800] =	vst v63  }
0xcb: {  	_ =	swait.ge [sflag:s21], $0x4000  }
0xcc: {  	[sflag:s21] =	ssyncset.done $0x0  }
0xcd: {  	[sflag:s21] =	ssyncadd.s32 $0xFFFFC000  }
0xce: {  	[tilespmem:s24], [sflag:$0x2] =	stream.indirect.gather [hbm4b:s4+s23], $0x80, s31, s23, $0xb8;
	[tilespmem:$0x1E800] =	vst v63  }
0xcf: {  	_ =	swait.ge [sflag:s25], $0x4000  }
0xd0: {  	[sflag:s25] =	ssyncset.done $0x0  }
0xd1: {  	[sflag:s25] =	ssyncadd.s32 $0xFFFFC000  }
0xd2: {  	[spmem:s1] =	stream.indirect.scatter.add.f32 [tilespmem:s20], [sflag:$0x3], $0x80, s0, s23, $0xb8;
	[tilespmem:$0x1E800] =	vst v63  }
0xd3: {  	_ =	swait.ge [sflag:s21], $0x4000  }
0xd4: {  	[sflag:s21] =	ssyncset.done $0x0  }
0xd5: {  	[sflag:s21] =	ssyncadd.s32 $0xFFFFC000  }
0xd6: {  	[tilespmem:s20], [sflag:$0x1] =	stream.indirect.gather [hbm4b:s4+s23], $0x80, s31, s23, $0xb8;
	[tilespmem:$0x1E800] =	vst v63  }
0xd7: {  	_ =	swait.ge [sflag:s26], $0x4000  }
0xd8: {  	[sflag:s26] =	ssyncset.done $0x0  }
0xd9: {  	[sflag:s26] =	ssyncadd.s32 $0xFFFFC000  }
0xda: {  	[spmem:s1] =	stream.indirect.scatter.add.f32 [tilespmem:s24], [sflag:$0x3], $0x80, s3, s23, $0xb8;
	[tilespmem:$0x1E800] =	vst v63  }
0xdb: {  	_ =	swait.ge [sflag:s21], $0x4000  }
0xdc: {  	[sflag:s21] =	ssyncset.done $0x0  }
0xdd: {  	[sflag:s21] =	ssyncadd.s32 $0xFFFFC000  }
0xde: {  	[tilespmem:s24], [sflag:$0x2] =	stream.indirect.gather [hbm4b:s4+s23], $0x80, s31, s23, $0xb8;
	[tilespmem:$0x1E800] =	vst v63  }
0xdf: {  	_ =	swait.ge [sflag:s25], $0x4000  }
0xe0: {  	[sflag:s25] =	ssyncset.done $0x0  }
0xe1: {  	[sflag:s25] =	ssyncadd.s32 $0xFFFFC000  }
0xe2: {  	_ =	swait.ge [sflag:s26], $0x4000  }
0xe3: {  	[sflag:s26] =	ssyncset.done $0x0  }
0xe4: {  	[sflag:s26] =	ssyncadd.s32 $0xFFFFC000  }
0xe5: {  	[bflag:$0x0] =	sbarrier.arrive $0xFFFF  }
0xe6: {  	[tilespmem:s20], [sflag:$0x3] =	stream.linear.gather [spmem:s5], $0x4000, $0x38;
	[tilespmem:$0x1E800] =	vst v63  }
0xe7: {  	_ =	swait.ge [sflag:s21], $0x4000  }
0xe8: {  	[sflag:s21] =	ssyncset.done $0x0  }
0xe9: {  	[sflag:s21] =	ssyncadd.s32 $0xFFFFC000  }
0xea: {  	[hbm4b:s14+s2] =	stream.linear.scatter [tilespmem:s20], [sflag:$0x3], $0x4000, $0x38;
	[tilespmem:$0x1E800] =	vst v63  }
0xeb: {  	_ =	swait.ge [sflag:s21], $0x4000  }
0xec: {  	[sflag:s21] =	ssyncset.done $0x0  }
0xed: {  	[sflag:s21] =	ssyncadd.s32 $0xFFFFC000  }
0xee: {  	[tilespmem:s20], [sflag:$0x3] =	stream.linear.gather [spmem:s6], $0x4000, $0x38;
	[tilespmem:$0x1E800] =	vst v63  }
0xef: {  	_ =	swait.ge [sflag:s21], $0x4000  }
0xf0: {  	[sflag:s21] =	ssyncset.done $0x0  }
0xf1: {  	[sflag:s21] =	ssyncadd.s32 $0xFFFFC000  }
0xf2: {  	[hbm4b:s15+s2] =	stream.linear.scatter [tilespmem:s20], [sflag:$0x3], $0x4000, $0x38;
	[tilespmem:$0x1E800] =	vst v63  }
0xf3: {  	_ =	swait.ge [sflag:s21], $0x4000  }
0xf4: {  	[sflag:s21] =	ssyncset.done $0x0  }
0xf5: {  	[sflag:s21] =	ssyncadd.s32 $0xFFFFC000  }
0xf6: {  	[tilespmem:s20], [sflag:$0x3] =	stream.linear.gather [spmem:s7], $0x4000, $0x38;
	[tilespmem:$0x1E800] =	vst v63  }
0xf7: {  	_ =	swait.ge [sflag:s21], $0x4000  }
0xf8: {  	[sflag:s21] =	ssyncset.done $0x0  }
0xf9: {  	[sflag:s21] =	ssyncadd.s32 $0xFFFFC000  }
0xfa: {  	[hbm4b:s16+s2] =	stream.linear.scatter [tilespmem:s20], [sflag:$0x3], $0x4000, $0x38;
	[tilespmem:$0x1E800] =	vst v63  }
0xfb: {  	_ =	swait.ge [sflag:s21], $0x4000  }
0xfc: {  	[sflag:s21] =	ssyncset.done $0x0  }
0xfd: {  	[sflag:s21] =	ssyncadd.s32 $0xFFFFC000  }
0xfe: {  	[tilespmem:s20], [sflag:$0x3] =	stream.linear.gather [spmem:s8], $0x4000, $0x38;
	[tilespmem:$0x1E800] =	vst v63  }
0xff: {  	_ =	swait.ge [sflag:s21], $0x4000  }
0x100: {  	[sflag:s21] =	ssyncset.done $0x0  }
0x101: {  	[sflag:s21] =	ssyncadd.s32 $0xFFFFC000  }
0x102: {  	[hbm4b:s17+s2] =	stream.linear.scatter [tilespmem:s20], [sflag:$0x3], $0x4000, $0x38;
	[tilespmem:$0x1E800] =	vst v63  }
0x103: {  	_ =	swait.ge [sflag:s21], $0x4000  }
0x104: {  	[sflag:s21] =	ssyncset.done $0x0  }
0x105: {  	[sflag:s21] =	ssyncadd.s32 $0xFFFFC000  }
0x106: {  	[tilespmem:s20], [sflag:$0x3] =	stream.linear.gather [spmem:s9], $0x4000, $0x38;
	[tilespmem:$0x1E800] =	vst v63  }
0x107: {  	s10 =	sadd.s32 $0x1, s10;
	_ =	swait.ge [sflag:s21], $0x4000  }
0x108: {  	p0 =	sne.s32 s10, s19;
	[sflag:s21] =	ssyncset.done $0x0  }
.Ltmp3:
0x109: {  	[sflag:s21] =	ssyncadd.s32 $0xFFFFC000;
	(pc) =	sbr.rel @p0 .LBB2_1-.Ltmp3, $4  }
0x10a: {  	[hbm4b:s18+s2] =	stream.linear.scatter [tilespmem:s20], [sflag:$0x3], $0x4000, $0x38;
	[tilespmem:$0x1E800] =	vst v63  }
0x10b: {  	_ =	swait.ge [sflag:s21], $0x4000  }
0x10c: {  	[sflag:s21] =	ssyncset.done $0x0  }
0x10d: {  	[sflag:s21] =	ssyncadd.s32 $0xFFFFC000  }
0x10e: {  	_ =	sfence.sel $0x180000  }
0x10f: {  	[bflag:$0x0] =	sbarrier.arrive $0xFFFF  }
0x110: {  	_ =	strace $0x9000004A  }
0x111: {  	s0 =	stileid.u32;
	[bflag:$0x2] =	sbarrier.arrive $0xFFFF  }
0x112: {  	p0 =	sne.s32 s0, $0x0;
	s0 =	rddreg [dreg:$0x3]  }
0x113: {  	s0 =	sadd.s32 @!p0 $0x100000, s0  }
0x114: {  	[sflag:s0] =	ssyncadd.tile.s32 @!p0 $0x1;
	_ =	shalt  }
.Lfunc_end2:
_tile_overlayer_lowered:
.L_overlay_start_2:
0x115: {  	(tag) =	ssettag $0x2  }
0x116: {  	s0 =	rddreg [dreg:$0x0];
	s2 =	stileid.u32  }
0x117: {  	s1 =	rddreg [dreg:$0x1];
	p0 =	sne.s32 s2, $0x0  }
0x118: {  	s3 =	rddreg [dreg:$0x2];
	[bflag:$0x3] =	sbarrier.arrive $0xFFFF;
	s2 =	simm.s32 @!p0 $0x1C03  }
0x119: {  	[timem:s3], [sflag:s2] =	dma.local @!p0 [hbm:s0], s1  }
0x11a: {  	s0 =	simm.s32 @!p0 $0x3  }
0x11b: {  	_ =	swait.ge @!p0 [sflag:s0], s1  }
0x11c: {  	s1 =	ssub.s32 @!p0 $0x0, s1;
	[sflag:s0] =	ssyncset.done @!p0 $0x0  }
0x11d: {  	[sflag:s0] =	ssyncadd.s32 @!p0 s1  }
0x11e: {  	[bflag:$0x3] =	sbarrier.arrive $0xFFFF  }
0x11f: {  	_ =	shalt  }

// kernel: sc_conv_agg.7.cloned.1.call-start
scs
__scs_entry_jumppad:
0x0: {  	(pc) =	sbr.rel $0x88, $3  }
0x1: {  	(tag) =	ssettag $0x0;
	lr =	simm.s32 $0x1  }
0x2: {  	[smem:$0x3F97] =	sst lr;
	_ =	strace $0xD0000000  }
0x3: {  	_ = 	snop  }
0x4: {  	_ = 	snop  }
0x5: {  	_ = 	snop  }
0x6: {  	_ = 	snop  }
0x7: {  	_ = 	snop  }
__scs_overlays_trampoline_lowered:
0x8: {  	[smem:$0x3FA6] =	sst s0  }
0x9: {  	[smem:$0x3FA7] =	sst s1  }
0xa: {  	[smem:$0x3FA8] =	sst s2  }
0xb: {  	[smem:$0x3FA9] =	sst s3  }
0xc: {  	[smem:$0x3FAA] =	sst s4  }
0xd: {  	[smem:$0x3FAB] =	sst s5  }
0xe: {  	[smem:$0x3FAC] =	sst s6  }
0xf: {  	[smem:$0x3FAD] =	sst s7  }
0x10: {  	[smem:$0x3FAE] =	sst s8  }
0x11: {  	[smem:$0x3FAF] =	sst s9;
	s0 =	simm.s32 @!p0 $0x0  }
0x12: {  	s1 =	sld [smem:$0x3F95];
	s0 =	simm.s32 @p0 $0x1  }
0x13: {  	[smem:$0x3FB0] =	sst s0;
	s0 =	simm.s32 @!p1 $0x0  }
0x14: {  	s2 =	sld [smem:$0x3F94];
	s0 =	simm.s32 @p1 $0x1  }
0x15: {  	[smem:$0x3FB1] =	sst s0;
	s0 =	simm.s32 @!p2 $0x0  }
0x16: {  	s3 =	sld [smem:$0x3FDB];
	s0 =	simm.s32 @p2 $0x1  }
0x17: {  	s4 =	simm.s32 $0x1BF5;
	[smem:$0x3FB3] =	sst s0  }
0x18: {  	s0 =	sld [smem:$0x3F96];
	_ =	swait.ge [sflag:s4], $0x0  }
0x19: {  	s7 =	sld [smem:$0x3F97]  }
0x1a: {  	s8 =	sadd.s32 $0xFFFFE003, lr  }
0x1b: {  	s9 =	sadd.s32 $0xFFFFFEF7, lr;
	s5 =	simm.s32 $0xFFFFFFFF;
	p2 =	slt.u32 s8, $0xFFFFF086  }
0x1c: {  	p1 =	slt.u32 s9, $0xF7A;
	s5 =	simm.s32 @!p2 $0x0  }
0x1d: {  	s5 =	simm.s32 @p1 $0x1;
	p0 =	seq.s32 s7, s2  }
0x1e: {  	s7 =	smul.u32 @!p0 $0xF7A, s2;
	p2 =	seq.s32 @!p0 s5, $0x0  }
0x1f: {  	s9 =	smul.u32 $0xF7A, s1;
	s8 =	simm.s32 @!p0 $0x1BF5;
	p2 =	por !p2, p0  }
0x20: {  	[sflag:s8] =	ssyncset.s32 @!p0 $0xFFFFF086;
	s6 =	sadd.s32 @!p0 s3, s7;
	s7 =	simm.s32 @!p0 $0x108  }
0x21: {  	s3 =	sadd.s32 s3, s9;
	s6 =	sadd.s32 @!p0 $0x88, s6;
	s7 =	simm.s32 @p2 $0x1082  }
0x22: {  	[simem:s7], [sflag:s8] =	dma.local @!p0 [hbm:s6], $0xF7A  }
0x23: {  	s9 =	sor.u32 $0xD0000000, s2;
	s6 =	simm.s32 $0x108;
	_ =	swait.ge @!p0 [sflag:s8], $0x0  }
0x24: {  	s3 =	sadd.s32 $0x88, s3;
	s6 =	simm.s32 @!p1 $0x1082;
	[sflag:s4] =	ssyncset.s32 $0xFFFFF086  }
0x25: {  	[simem:s6], [sflag:s4] =	dma.local [hbm:s3], $0xF7A  }
0x26: {  	[smem:$0x3F97] =	sst s1;
	(tag) =	ssettag s2;
	_ =	strace s9  }
0x27: {  	s1 =	sld [smem:$0x3FA7]  }
0x28: {  	s2 =	sld [smem:$0x3FA8]  }
0x29: {  	s4 =	sld [smem:$0x3FAA]  }
0x2a: {  	p0 =	seq.s32 s5, $0x0;
	s5 =	sld [smem:$0x3FAB]  }
0x2b: {  	s6 =	sld [smem:$0x3FAC]  }
0x2c: {  	s7 =	sld [smem:$0x3FAD]  }
0x2d: {  	s3 =	simm.s32 $0x108;
	s8 =	sld [smem:$0x3FAE]  }
0x2e: {  	s3 =	simm.s32 @!p0 $0x1082;
	s9 =	sld [smem:$0x3FAF]  }
0x2f: {  	lr =	sadd.s32 s0, s3;
	s0 =	sld [smem:$0x3FA6]  }
0x30: {  	s3 =	sld [smem:$0x3FA9]  }
0x31: {  	[smem:$0x3FB2] =	sst s10  }
0x32: {  	s10 =	sld [smem:$0x3FB0];
	_ =	sdelay $0x3  }
0x33: {  	p0 =	seq.s32 s10, $0x1;
	s10 =	sld [smem:$0x3FB2];
	_ =	sdelay $0x3  }
0x34: {  	[smem:$0x3FB2] =	sst s10  }
0x35: {  	s10 =	sld [smem:$0x3FB1];
	_ =	sdelay $0x3  }
0x36: {  	p1 =	seq.s32 s10, $0x1;
	s10 =	sld [smem:$0x3FB2];
	_ =	sdelay $0x3  }
0x37: {  	[smem:$0x3FB2] =	sst s10  }
0x38: {  	s10 =	sld [smem:$0x3FB3]  }
0x39: {  	_ = 	snop;
	(pc) =	sbr.ind lr, $3  }
0x3a: {  	_ = 	snop  }
0x3b: {  	_ = 	snop  }
0x3c: {  	p2 =	seq.s32 s10, $0x1;
	s10 =	sld [smem:$0x3FB2]  }
0x3d: {  	_ =	shalt  }
0x3e: {  	_ =	shalt  }
0x3f: {  	_ =	shalt  }
0x40: {  	_ =	shalt  }
0x41: {  	_ =	shalt  }
0x42: {  	_ =	shalt  }
0x43: {  	_ =	shalt  }
0x44: {  	_ =	shalt  }
0x45: {  	_ =	shalt  }
0x46: {  	_ =	shalt  }
0x47: {  	_ =	shalt  }
0x48: {  	_ =	shalt  }
0x49: {  	_ =	shalt  }
0x4a: {  	_ =	shalt  }
0x4b: {  	_ =	shalt  }
0x4c: {  	_ =	shalt  }
0x4d: {  	_ =	shalt  }
0x4e: {  	_ =	shalt  }
0x4f: {  	_ =	shalt  }
0x50: {  	_ =	shalt  }
0x51: {  	_ =	shalt  }
0x52: {  	_ =	shalt  }
0x53: {  	_ =	shalt  }
0x54: {  	_ =	shalt  }
0x55: {  	_ =	shalt  }
0x56: {  	_ =	shalt  }
0x57: {  	_ =	shalt  }
0x58: {  	_ =	shalt  }
0x59: {  	_ =	shalt  }
0x5a: {  	_ =	shalt  }
0x5b: {  	_ =	shalt  }
0x5c: {  	_ =	shalt  }
0x5d: {  	_ =	shalt  }
0x5e: {  	_ =	shalt  }
0x5f: {  	_ =	shalt  }
0x60: {  	_ =	shalt  }
0x61: {  	_ =	shalt  }
0x62: {  	_ =	shalt  }
0x63: {  	_ =	shalt  }
0x64: {  	_ =	shalt  }
0x65: {  	_ =	shalt  }
0x66: {  	_ =	shalt  }
0x67: {  	_ =	shalt  }
0x68: {  	_ =	shalt  }
0x69: {  	_ =	shalt  }
0x6a: {  	_ =	shalt  }
0x6b: {  	_ =	shalt  }
0x6c: {  	_ =	shalt  }
0x6d: {  	_ =	shalt  }
0x6e: {  	_ =	shalt  }
0x6f: {  	_ =	shalt  }
0x70: {  	_ =	shalt  }
0x71: {  	_ =	shalt  }
0x72: {  	_ =	shalt  }
0x73: {  	_ =	shalt  }
0x74: {  	_ =	shalt  }
0x75: {  	_ =	shalt  }
0x76: {  	_ =	shalt  }
0x77: {  	_ =	shalt  }
0x78: {  	_ =	shalt  }
0x79: {  	_ =	shalt  }
0x7a: {  	_ =	shalt  }
0x7b: {  	_ =	shalt  }
0x7c: {  	_ =	shalt  }
0x7d: {  	_ =	shalt  }
0x7e: {  	_ =	shalt  }
0x7f: {  	_ =	shalt  }
0x80: {  	_ =	shalt  }
0x81: {  	_ =	shalt  }
0x82: {  	_ =	shalt  }
0x83: {  	_ =	shalt  }
0x84: {  	_ =	shalt  }
0x85: {  	_ =	shalt  }
0x86: {  	_ =	shalt  }
0x87: {  	_ =	shalt  }
.Lfunc_end0:
.L_simem_size_0:
called_computation.2_lowered:
.L_overlay_start_0:
0x88: {  	s2 =	sld [smem:$0x3FD9]  }
0x89: {  	s3 =	sld [smem:$0x3FFE];
	_ =	sdelay $0x1  }
0x8a: {  	s1 =	srdreg.scid  }
0x8b: {  	s0 =	sand.u32 $0x1, s1  }
0x8c: {  	s17 =	sshll.u32 s0, $0xA;
	s2 =	sadd.s32 s3, s2  }
0x8d: {  	s2 =	sadd.s32 s2, s17  }
0x8e: {  	[smem:$0x3FBE] =	sst s2  }
0x8f: {  	_ = 	snop  }
0x90: {  	s2 =	sld [smem:$0x3FD0];
	(tm) =	ssettm $0x1  }
0x91: {  	s18 =	sld [smem:$0x3FFB];
	_ =	sdelay $0x3  }
0x92: {  	_ =	strace s18  }
0x93: {  	s3 =	sld [smem:$0x3FFC];
	_ =	sdelay $0x3  }
0x94: {  	_ =	strace s3  }
0x95: {  	s3 =	sld [smem:$0x3FFD];
	_ =	sdelay $0x3  }
0x96: {  	_ =	strace s3  }
0x97: {  	_ =	strace $0x8FFFFFFF  }
0x98: {  	s19 =	sld [smem:$0x3FDB];
	_ =	sdelay $0x1  }
0x99: {  	s4 =	simm.s32 $_scs_section_size  }
0x9a: {  	s5 =	simm.s32 $_size__tile_overlayer_lowered;
	s6 =	simm.s32 $_tile_overlayer_lowered  }
0x9b: {  	s22 =	simm.s32 $0x1BFF;
	s21 =	sshll.u32 s6, $0x1;
	s3 =	sadd.s32 s4, s19  }
0x9c: {  	s7 =	simm.s32 $0x0;
	s20 =	sshll.u32 s5, $0x1;
	s5 =	sadd.s32 s21, s3  }
0x9d: {  	[timem:s7], [sflag:s22] =	dma.local [hbm:s5], s20  }
0x9e: {  	_ =	swait.ge [sflag:s22], s20  }
0x9f: {  	s4 =	ssub.s32 $0x0, s20;
	[sflag:s22] =	ssyncset.done $0x0  }
0xa0: {  	[sflag:s22] =	ssyncadd.s32 s4;
	_ =	sdelay $0x1  }
0xa1: {  	s23 =	simm.s32 $0x1B8B  }
0xa2: {  	_ =	swait.ge [sflag:s23], $0x1  }
0xa3: {  	[sflag:s23] =	ssyncset.done $0x0  }
0xa4: {  	s25 =	simm.s32 $0x1B8E;
	s24 =	sld [smem:$0x3FFE];
	[sflag:s23] =	ssyncadd.s32 $0xFFFFFFFF  }
0xa5: {  	s26 =	simm.s32 $execute0_lowered;
	[smem:$0x3FD2] =	sst s25  }
0xa6: {  	s5 =	sshll.u32 s26, $0x1;
	_ =	strace $0x8000004C;
	[dreg:$0x1] =	wrdreg $0xFFFFFFFF  }
0xa7: {  	s28 =	simm.s32 $_size_execute0_lowered;
	s3 =	sadd.s32 s3, s5;
	[dreg:$0x0] =	wrdreg $0x0  }
0xa8: {  	s5 =	sshll.u32 s28, $0x1;
	[dreg:$0x2] =	wrdreg s3  }
0xa9: {  	[dreg:$0x3] =	wrdreg s5  }
0xaa: {  	[dreg:$0x4] =	wrdreg $0xC0  }
0xab: {  	_ =	task [dreg:s7], $0x5FFFF  }
0xac: {  	[dreg:$0x1] =	wrdreg $0xFFFFFFFF  }
0xad: {  	[dreg:$0x0] =	wrdreg $0x60  }
0xae: {  	[dreg:$0x2] =	wrdreg s24  }
0xaf: {  	[dreg:$0x3] =	wrdreg s2  }
0xb0: {  	[dreg:$0x4] =	wrdreg $0xA8000  }
0xb1: {  	[dreg:$0x5] =	wrdreg $0x9  }
0xb2: {  	_ =	task.clear_ibuf [dreg:s7], $0x6FFFF;
	_ =	strace $0x9000004C  }
0xb3: {  	s29 =	simm.s32 $0x9;
	_ =	strace $0x8000004E  }
0xb4: {  	_ =	swait.ge [sflag:s29], $0x1  }
0xb5: {  	[sflag:s29] =	ssyncadd.s32 $0xFFFFFFFF  }
0xb6: {  	_ =	strace $0x9000004E  }
0xb7: {  	_ =	sfence  }
0xb8: {  	s30 =	sld [smem:$0x0];
	_ =	sdelay $0x2  }
0xb9: {  	s31 =	sshll.u32 s1, $0xD;
	s1 =	sshrl.u32 s1, $0x2  }
0xba: {  	s3 =	sand.u32 $0x4000, s31;
	s1 =	sadd.s32 s1, s30  }
0xbb: {  	s0 =	sor.u32 s3, s0;
	s1 =	sshll.u32 s1, $0x11  }
0xbc: {  	s0 =	sor.u32 s1, s0  }
0xbd: {  	s0 =	sadd.s32 $0x8F2B, s0  }
0xbe: {  	[sflag:s0] =	ssyncadd.remote.s32 $0x1  }
0xbf: {  	_ =	sfence.sel $0xFFFF  }
0xc0: {  	[dreg:$0x0] =	wrdreg $0xFFFFFFFF;
	(pc) =	sbr.abs _section_cstart, $3  }
0xc1: {  	[dreg:$0x1] =	wrdreg $0xFFFFFFFF  }
0xc2: {  	_ =	task.clear_ibuf [dreg:s7], $0x2FFFF;
	_ =	strace $0x9FFFFFFF  }
0xc3: {  	(tm) =	ssettm $0x7FFFFFFF  }
tec
execute0_lowered:
.L_overlay_start_1:
0x0: {  	(tag) =	ssettag $0x1  }
0x1: {  	s0 =	rddreg [dreg:$0x0]  }
0x2: {  	s3 =	rddreg [dreg:$0x1]  }
0x3: {  	s1 =	rddreg [dreg:$0x2];
	s2 =	simm.s32 $0x0;
	s5 =	srdreg.scid  }
0x4: {  	s8 =	stileid.u32;
	s28 =	simm.s32 $0x2600;
	s29 =	simm.s32 $0x1300  }
0x5: {  	s30 =	simm.s32 $0x2680;
	s31 =	simm.s32 $0x1380;
	[smem:$0x7FF] =	sst s2  }
0x6: {  	s4 =	sadd.s32 $0xE400, s0;
	s9 =	sand.u32 $0x1, s5;
	s6 =	smul.u32 $0x50000, s8  }
0x7: {  	s10 =	sadd.s32 $0x4400, s0;
	s0 =	sadd.s32 $0x5E400, s0;
	s11 =	smul.u32 $0x14000, s8  }
0x8: {  	_ =	strace $0x8000004D;
	s5 =	ssub.s32 $0x2, s9;
	s19 =	sshll.u32 s9, $0x4  }
0x9: {  	s7 =	sshrl.u32 s5, $0x1;
	s6 =	sshrl.u32 s6, $0x2;
	s20 =	sor.u32 s8, s19  }
0xa: {  	s13 =	sadd.s32 $0x4000, s11;
	s16 =	sadd.s32 $0x8000, s11;
	s17 =	sadd.s32 $0xC000, s11  }
0xb: {  	s18 =	sadd.s32 $0x10000, s11;
	s19 =	smul.u32 $0x140000, s9;
	s12 =	ssub.s32 s5, s7  }
0xc: {  	s5 =	sadd.s32 s6, s1;
	s14 =	smul.u32 $0x2800, s20;
	s6 =	sadd.s32 s13, s1  }
0xd: {  	s7 =	sadd.s32 s16, s1;
	s8 =	sadd.s32 s17, s1;
	s9 =	sadd.s32 s18, s1  }
0xe: {  	s20 =	simm.s32 $0x2800;
	s11 =	sadd.s32 s11, s19;
	s13 =	sadd.s32 s19, s13  }
0xf: {  	s24 =	sadd.s32 s19, s16;
	s25 =	sadd.s32 s19, s17;
	s26 =	sadd.s32 s19, s18  }
0x10: {  	s19 =	smax.u32 s12, $0x1;
	s14 =	sshrl.u32 s14, $0x3;
	s22 =	sshrl.u32 s11, $0x3  }
0x11: {  	s23 =	sshrl.u32 s13, $0x3;
	s11 =	sshrl.u32 s26, $0x3;
	s15 =	sadd.s32 s3, s14  }
0x12: {  	s26 =	simm.s32 $0x2;
	s21 =	sadd.s32 s10, s14;
	[dreg:$0x4] =	wrdreg s15  }
0x13: {  	s14 =	sadd.s32 $0x280, s14;
	s18 =	sadd.s32 s0, s11;
	[dreg:$0x5] =	wrdreg s21  }
0x14: {  	s3 =	sadd.s32 s3, s14;
	s10 =	sadd.s32 s10, s14;
	s14 =	sadd.s32 s0, s22  }
0x15: {  	s15 =	sadd.s32 s0, s23;
	s21 =	simm.s32 $0x3;
	[dreg:$0x6] =	wrdreg s3  }
0x16: {  	s22 =	simm.s32 $0x1400;
	s23 =	simm.s32 $0x80;
	[dreg:$0x7] =	wrdreg s10  }
0x17: {  	s3 =	sshrl.u32 s24, $0x3;
	s10 =	sshrl.u32 s25, $0x3;
	s24 =	simm.s32 $0x6800  }
0x18: {  	s25 =	simm.s32 $0x1;
	s16 =	sadd.s32 s0, s3;
	s17 =	sadd.s32 s0, s10  }
0x19: {  	v0 =	vimm.f32 $0.0e+00;
	s0 =	simm.s32 $0x2700;
	s3 =	simm.s32 $0x2780;
	s10 =	simm.s32 $0x0  }
.LBB2_1:
0x1a: {  	s11 =	simm.s32 $0x0;
	s12 =	simm.s32 $0x200  }
.LBB2_2:
0x1b: {  	p0 =	sne.s32 s12, $0xFE00;
	[tilespmem:s11+$0x2870] =	vst v0  }
0x1c: {  	[tilespmem:s11+$0x2800] =	vst v0  }
0x1d: {  	[tilespmem:s11+$0x2810] =	vst v0  }
.Ltmp0:
0x1e: {  	[tilespmem:s11+$0x2820] =	vst v0;
	(pc) =	sbr.rel @p0 .LBB2_2-.Ltmp0, $4  }
0x1f: {  	[tilespmem:s11+$0x2830] =	vst v0  }
0x20: {  	[tilespmem:s11+$0x2840] =	vst v0  }
0x21: {  	[tilespmem:s11+$0x2850] =	vst v0  }
0x22: {  	[tilespmem:s11+$0x2860] =	vst v0;
	s11 =	sshra.s32 s12, $0x2;
	s12 =	sadd.s32 $0x200, s12  }
0x23: {  	[tilespmem:s11+$0x2870] =	vst v0  }
0x24: {  	[tilespmem:s11+$0x2800] =	vst v0  }
0x25: {  	[tilespmem:s11+$0x2810] =	vst v0  }
0x26: {  	[tilespmem:s11+$0x2820] =	vst v0  }
0x27: {  	[tilespmem:s11+$0x2830] =	vst v0  }
0x28: {  	[tilespmem:s11+$0x2840] =	vst v0  }
0x29: {  	[tilespmem:s11+$0x2850] =	vst v0  }
0x2a: {  	[tilespmem:s11+$0x2860] =	vst v0  }
0x2b: {  	[spmem:s5] =	stream.linear.scatter [tilespmem:s20], [sflag:$0x3], $0x4000, $0x38;
	[tilespmem:$0x1E800] =	vst v63  }
0x2c: {  	_ =	swait.ge [sflag:s21], $0x4000  }
0x2d: {  	[sflag:s21] =	ssyncset.done $0x0  }
0x2e: {  	[sflag:s21] =	ssyncadd.s32 $0xFFFFC000  }
0x2f: {  	[spmem:s6] =	stream.linear.scatter [tilespmem:s20], [sflag:$0x3], $0x4000, $0x38;
	[tilespmem:$0x1E800] =	vst v63  }
0x30: {  	_ =	swait.ge [sflag:s21], $0x4000  }
0x31: {  	[sflag:s21] =	ssyncset.done $0x0  }
0x32: {  	[sflag:s21] =	ssyncadd.s32 $0xFFFFC000  }
0x33: {  	[spmem:s7] =	stream.linear.scatter [tilespmem:s20], [sflag:$0x3], $0x4000, $0x38;
	[tilespmem:$0x1E800] =	vst v63  }
0x34: {  	_ =	swait.ge [sflag:s21], $0x4000  }
0x35: {  	[sflag:s21] =	ssyncset.done $0x0  }
0x36: {  	[sflag:s21] =	ssyncadd.s32 $0xFFFFC000  }
0x37: {  	[spmem:s8] =	stream.linear.scatter [tilespmem:s20], [sflag:$0x3], $0x4000, $0x38;
	[tilespmem:$0x1E800] =	vst v63  }
0x38: {  	_ =	swait.ge [sflag:s21], $0x4000  }
0x39: {  	[sflag:s21] =	ssyncset.done $0x0  }
0x3a: {  	[sflag:s21] =	ssyncadd.s32 $0xFFFFC000  }
0x3b: {  	[spmem:s9] =	stream.linear.scatter [tilespmem:s20], [sflag:$0x3], $0x4000, $0x38;
	[tilespmem:$0x1E800] =	vst v63  }
0x3c: {  	_ =	swait.ge [sflag:s21], $0x4000  }
0x3d: {  	[sflag:s21] =	ssyncset.done $0x0  }
0x3e: {  	[sflag:s21] =	ssyncadd.s32 $0xFFFFC000  }
0x3f: {  	[bflag:$0x0] =	sbarrier.arrive $0xFFFF  }
0x40: {  	s11 =	simm.s32 $0x0;
	s12 =	rddreg [dreg:$0x4]  }
0x41: {  	[tilespmem:s11], [sflag:$0x3] =	stream.linear.gather [hbm4b:s12+s11], $0x1400, $0x38;
	[tilespmem:$0x1E800] =	vst v63  }
0x42: {  	_ =	swait.ge [sflag:s21], $0x1400  }
0x43: {  	[sflag:s21] =	ssyncset.done $0x0  }
0x44: {  	s13 =	rddreg [dreg:$0x5];
	[sflag:s21] =	ssyncadd.s32 $0xFFFFEC00  }
0x45: {  	[tilespmem:s22], [sflag:$0x3] =	stream.linear.gather [hbm4b:s13+s11], $0x1400, $0x38;
	[tilespmem:$0x1E800] =	vst v63  }
0x46: {  	_ =	swait.ge [sflag:s21], $0x1400  }
0x47: {  	[sflag:s21] =	ssyncset.done $0x0  }
0x48: {  	[sflag:s21] =	ssyncadd.s32 $0xFFFFEC00  }
0x49: {  	[tilespmem:s20], [sflag:$0x1] =	stream.indirect.gather [hbm4b:s4+s23], $0x80, s11, s23, $0xb8;
	[tilespmem:$0x1E800] =	vst v63  }
0x4a: {  	_ = 	snop  }
0x4b: {  	[tilespmem:s24], [sflag:$0x2] =	stream.indirect.gather [hbm4b:s4+s23], $0x80, s23, s23, $0xb8;
	[tilespmem:$0x1E800] =	vst v63  }
0x4c: {  	_ =	swait.ge [sflag:s25], $0x4000  }
0x4d: {  	[sflag:s25] =	ssyncset.done $0x0  }
0x4e: {  	s13 =	simm.s32 $0x1400;
	[sflag:s25] =	ssyncadd.s32 $0xFFFFC000  }
0x4f: {  	[spmem:s1] =	stream.indirect.scatter.add.f32 [tilespmem:s20], [sflag:$0x3], $0x80, s13, s23, $0xb8;
	[tilespmem:$0x1E800] =	vst v63  }
0x50: {  	_ =	swait.ge [sflag:s21], $0x4000  }
0x51: {  	[sflag:s21] =	ssyncset.done $0x0  }
0x52: {  	s12 =	simm.s32 $0x100;
	[sflag:s21] =	ssyncadd.s32 $0xFFFFC000  }
0x53: {  	[tilespmem:s20], [sflag:$0x1] =	stream.indirect.gather [hbm4b:s4+s23], $0x80, s12, s23, $0xb8;
	[tilespmem:$0x1E800] =	vst v63  }
0x54: {  	_ =	swait.ge [sflag:s26], $0x4000  }
0x55: {  	[sflag:s26] =	ssyncset.done $0x0  }
0x56: {  	s13 =	simm.s32 $0x1480;
	[sflag:s26] =	ssyncadd.s32 $0xFFFFC000  }
0x57: {  	[spmem:s1] =	stream.indirect.scatter.add.f32 [tilespmem:s24], [sflag:$0x3], $0x80, s13, s23, $0xb8;
	[tilespmem:$0x1E800] =	vst v63  }
0x58: {  	_ =	swait.ge [sflag:s21], $0x4000  }
0x59: {  	[sflag:s21] =	ssyncset.done $0x0  }
0x5a: {  	s11 =	simm.s32 $0x400;
	s12 =	simm.s32 $0x180;
	[sflag:s21] =	ssyncadd.s32 $0xFFFFC000  }
.LBB2_4:
0x5b: {  	[tilespmem:s24], [sflag:$0x2] =	stream.indirect.gather [hbm4b:s4+s23], $0x80, s12, s23, $0xb8;
	[tilespmem:$0x1E800] =	vst v63  }
0x5c: {  	s12 =	smov.u32 s11  }
0x5d: {  	p0 =	sne.s32 s11, $0x4400;
	s11 =	sadd.s32 $0x400, s11;
	_ =	swait.ge [sflag:s25], $0x4000  }
0x5e: {  	s12 =	sshra.s32 s12, $0x2;
	[sflag:s25] =	ssyncset.done $0x0  }
0x5f: {  	s13 =	sadd.s32 $0x1400, s12;
	[sflag:s25] =	ssyncadd.s32 $0xFFFFC000  }
0x60: {  	[spmem:s1] =	stream.indirect.scatter.add.f32 [tilespmem:s20], [sflag:$0x3], $0x80, s13, s23, $0xb8;
	[tilespmem:$0x1E800] =	vst v63  }
0x61: {  	_ =	swait.ge [sflag:s21], $0x4000  }
0x62: {  	[sflag:s21] =	ssyncset.done $0x0  }
0x63: {  	s13 =	sadd.s32 $0x100, s12;
	[sflag:s21] =	ssyncadd.s32 $0xFFFFC000  }
0x64: {  	[tilespmem:s20], [sflag:$0x1] =	stream.indirect.gather [hbm4b:s4+s23], $0x80, s13, s23, $0xb8;
	[tilespmem:$0x1E800] =	vst v63  }
0x65: {  	_ =	swait.ge [sflag:s26], $0x4000  }
0x66: {  	[sflag:s26] =	ssyncset.done $0x0  }
.Ltmp1:
0x67: {  	s13 =	sadd.s32 $0x1480, s12;
	[sflag:s26] =	ssyncadd.s32 $0xFFFFC000;
	(pc) =	sbr.rel @p0 .LBB2_4-.Ltmp1, $4  }
0x68: {  	[spmem:s1] =	stream.indirect.scatter.add.f32 [tilespmem:s24], [sflag:$0x3], $0x80, s13, s23, $0xb8;
	[tilespmem:$0x1E800] =	vst v63  }
0x69: {  	_ =	swait.ge [sflag:s21], $0x4000  }
0x6a: {  	[sflag:s21] =	ssyncset.done $0x0  }
0x6b: {  	s12 =	sadd.s32 $0x180, s12;
	[sflag:s21] =	ssyncadd.s32 $0xFFFFC000  }
0x6c: {  	[tilespmem:s24], [sflag:$0x2] =	stream.indirect.gather [hbm4b:s4+s23], $0x80, s12, s23, $0xb8;
	[tilespmem:$0x1E800] =	vst v63  }
0x6d: {  	_ =	swait.ge [sflag:s25], $0x4000  }
0x6e: {  	[sflag:s25] =	ssyncset.done $0x0  }
0x6f: {  	[sflag:s25] =	ssyncadd.s32 $0xFFFFC000  }
0x70: {  	[spmem:s1] =	stream.indirect.scatter.add.f32 [tilespmem:s20], [sflag:$0x3], $0x80, s28, s23, $0xb8;
	[tilespmem:$0x1E800] =	vst v63  }
0x71: {  	_ =	swait.ge [sflag:s21], $0x4000  }
0x72: {  	[sflag:s21] =	ssyncset.done $0x0  }
0x73: {  	[sflag:s21] =	ssyncadd.s32 $0xFFFFC000  }
0x74: {  	[tilespmem:s20], [sflag:$0x1] =	stream.indirect.gather [hbm4b:s4+s23], $0x80, s29, s23, $0xb8;
	[tilespmem:$0x1E800] =	vst v63  }
0x75: {  	_ =	swait.ge [sflag:s26], $0x4000  }
0x76: {  	[sflag:s26] =	ssyncset.done $0x0  }
0x77: {  	[sflag:s26] =	ssyncadd.s32 $0xFFFFC000  }
0x78: {  	[spmem:s1] =	stream.indirect.scatter.add.f32 [tilespmem:s24], [sflag:$0x3], $0x80, s30, s23, $0xb8;
	[tilespmem:$0x1E800] =	vst v63  }
0x79: {  	_ =	swait.ge [sflag:s21], $0x4000  }
0x7a: {  	[sflag:s21] =	ssyncset.done $0x0  }
0x7b: {  	[sflag:s21] =	ssyncadd.s32 $0xFFFFC000  }
0x7c: {  	[tilespmem:s24], [sflag:$0x2] =	stream.indirect.gather [hbm4b:s4+s23], $0x80, s31, s23, $0xb8;
	[tilespmem:$0x1E800] =	vst v63  }
0x7d: {  	_ =	swait.ge [sflag:s25], $0x4000  }
0x7e: {  	[sflag:s25] =	ssyncset.done $0x0  }
0x7f: {  	[sflag:s25] =	ssyncadd.s32 $0xFFFFC000  }
0x80: {  	[spmem:s1] =	stream.indirect.scatter.add.f32 [tilespmem:s20], [sflag:$0x3], $0x80, s0, s23, $0xb8;
	[tilespmem:$0x1E800] =	vst v63  }
0x81: {  	_ =	swait.ge [sflag:s21], $0x4000  }
0x82: {  	[sflag:s21] =	ssyncset.done $0x0  }
0x83: {  	[sflag:s21] =	ssyncadd.s32 $0xFFFFC000  }
0x84: {  	[tilespmem:s20], [sflag:$0x1] =	stream.indirect.gather [hbm4b:s4+s23], $0x80, s31, s23, $0xb8;
	[tilespmem:$0x1E800] =	vst v63  }
0x85: {  	_ =	swait.ge [sflag:s26], $0x4000  }
0x86: {  	[sflag:s26] =	ssyncset.done $0x0  }
0x87: {  	[sflag:s26] =	ssyncadd.s32 $0xFFFFC000  }
0x88: {  	[spmem:s1] =	stream.indirect.scatter.add.f32 [tilespmem:s24], [sflag:$0x3], $0x80, s3, s23, $0xb8;
	[tilespmem:$0x1E800] =	vst v63  }
0x89: {  	_ =	swait.ge [sflag:s21], $0x4000  }
0x8a: {  	[sflag:s21] =	ssyncset.done $0x0  }
0x8b: {  	[sflag:s21] =	ssyncadd.s32 $0xFFFFC000  }
0x8c: {  	[tilespmem:s24], [sflag:$0x2] =	stream.indirect.gather [hbm4b:s4+s23], $0x80, s31, s23, $0xb8;
	[tilespmem:$0x1E800] =	vst v63  }
0x8d: {  	_ =	swait.ge [sflag:s25], $0x4000  }
0x8e: {  	[sflag:s25] =	ssyncset.done $0x0  }
0x8f: {  	[sflag:s25] =	ssyncadd.s32 $0xFFFFC000  }
0x90: {  	_ =	swait.ge [sflag:s26], $0x4000  }
0x91: {  	[sflag:s26] =	ssyncset.done $0x0  }
0x92: {  	s11 =	simm.s32 $0x0;
	s13 =	rddreg [dreg:$0x6];
	[sflag:s26] =	ssyncadd.s32 $0xFFFFC000  }
0x93: {  	[tilespmem:s11], [sflag:$0x3] =	stream.linear.gather [hbm4b:s13+s11], $0x1400, $0x38;
	[tilespmem:$0x1E800] =	vst v63  }
0x94: {  	_ =	swait.ge [sflag:s21], $0x1400  }
0x95: {  	[sflag:s21] =	ssyncset.done $0x0  }
0x96: {  	s13 =	rddreg [dreg:$0x7];
	[sflag:s21] =	ssyncadd.s32 $0xFFFFEC00  }
0x97: {  	[tilespmem:s22], [sflag:$0x3] =	stream.linear.gather [hbm4b:s13+s11], $0x1400, $0x38;
	[tilespmem:$0x1E800] =	vst v63  }
0x98: {  	_ =	swait.ge [sflag:s21], $0x1400  }
0x99: {  	[sflag:s21] =	ssyncset.done $0x0  }
0x9a: {  	[sflag:s21] =	ssyncadd.s32 $0xFFFFEC00  }
0x9b: {  	[tilespmem:s20], [sflag:$0x1] =	stream.indirect.gather [hbm4b:s4+s23], $0x80, s11, s23, $0xb8;
	[tilespmem:$0x1E800] =	vst v63  }
0x9c: {  	_ = 	snop  }
0x9d: {  	[tilespmem:s24], [sflag:$0x2] =	stream.indirect.gather [hbm4b:s4+s23], $0x80, s23, s23, $0xb8;
	[tilespmem:$0x1E800] =	vst v63  }
0x9e: {  	_ =	swait.ge [sflag:s25], $0x4000  }
0x9f: {  	[sflag:s25] =	ssyncset.done $0x0  }
0xa0: {  	s13 =	simm.s32 $0x1400;
	[sflag:s25] =	ssyncadd.s32 $0xFFFFC000  }
0xa1: {  	[spmem:s1] =	stream.indirect.scatter.add.f32 [tilespmem:s20], [sflag:$0x3], $0x80, s13, s23, $0xb8;
	[tilespmem:$0x1E800] =	vst v63  }
0xa2: {  	_ =	swait.ge [sflag:s21], $0x4000  }
0xa3: {  	[sflag:s21] =	ssyncset.done $0x0  }
0xa4: {  	s12 =	simm.s32 $0x100;
	[sflag:s21] =	ssyncadd.s32 $0xFFFFC000  }
0xa5: {  	[tilespmem:s20], [sflag:$0x1] =	stream.indirect.gather [hbm4b:s4+s23], $0x80, s12, s23, $0xb8;
	[tilespmem:$0x1E800] =	vst v63  }
0xa6: {  	_ =	swait.ge [sflag:s26], $0x4000  }
0xa7: {  	[sflag:s26] =	ssyncset.done $0x0  }
0xa8: {  	s13 =	simm.s32 $0x1480;
	[sflag:s26] =	ssyncadd.s32 $0xFFFFC000  }
0xa9: {  	[spmem:s1] =	stream.indirect.scatter.add.f32 [tilespmem:s24], [sflag:$0x3], $0x80, s13, s23, $0xb8;
	[tilespmem:$0x1E800] =	vst v63  }
0xaa: {  	_ =	swait.ge [sflag:s21], $0x4000  }
0xab: {  	[sflag:s21] =	ssyncset.done $0x0  }
0xac: {  	s11 =	simm.s32 $0x400;
	s12 =	simm.s32 $0x180;
	[sflag:s21] =	ssyncadd.s32 $0xFFFFC000  }
.LBB2_6:
0xad: {  	[tilespmem:s24], [sflag:$0x2] =	stream.indirect.gather [hbm4b:s4+s23], $0x80, s12, s23, $0xb8;
	[tilespmem:$0x1E800] =	vst v63  }
0xae: {  	s12 =	smov.u32 s11  }
0xaf: {  	p0 =	sne.s32 s11, $0x4400;
	s11 =	sadd.s32 $0x400, s11;
	_ =	swait.ge [sflag:s25], $0x4000  }
0xb0: {  	s12 =	sshra.s32 s12, $0x2;
	[sflag:s25] =	ssyncset.done $0x0  }
0xb1: {  	s13 =	sadd.s32 $0x1400, s12;
	[sflag:s25] =	ssyncadd.s32 $0xFFFFC000  }
0xb2: {  	[spmem:s1] =	stream.indirect.scatter.add.f32 [tilespmem:s20], [sflag:$0x3], $0x80, s13, s23, $0xb8;
	[tilespmem:$0x1E800] =	vst v63  }
0xb3: {  	_ =	swait.ge [sflag:s21], $0x4000  }
0xb4: {  	[sflag:s21] =	ssyncset.done $0x0  }
0xb5: {  	s13 =	sadd.s32 $0x100, s12;
	[sflag:s21] =	ssyncadd.s32 $0xFFFFC000  }
0xb6: {  	[tilespmem:s20], [sflag:$0x1] =	stream.indirect.gather [hbm4b:s4+s23], $0x80, s13, s23, $0xb8;
	[tilespmem:$0x1E800] =	vst v63  }
0xb7: {  	_ =	swait.ge [sflag:s26], $0x4000  }
0xb8: {  	[sflag:s26] =	ssyncset.done $0x0  }
.Ltmp2:
0xb9: {  	s13 =	sadd.s32 $0x1480, s12;
	[sflag:s26] =	ssyncadd.s32 $0xFFFFC000;
	(pc) =	sbr.rel @p0 .LBB2_6-.Ltmp2, $4  }
0xba: {  	[spmem:s1] =	stream.indirect.scatter.add.f32 [tilespmem:s24], [sflag:$0x3], $0x80, s13, s23, $0xb8;
	[tilespmem:$0x1E800] =	vst v63  }
0xbb: {  	_ =	swait.ge [sflag:s21], $0x4000  }
0xbc: {  	[sflag:s21] =	ssyncset.done $0x0  }
0xbd: {  	s12 =	sadd.s32 $0x180, s12;
	[sflag:s21] =	ssyncadd.s32 $0xFFFFC000  }
0xbe: {  	[tilespmem:s24], [sflag:$0x2] =	stream.indirect.gather [hbm4b:s4+s23], $0x80, s12, s23, $0xb8;
	[tilespmem:$0x1E800] =	vst v63  }
0xbf: {  	_ =	swait.ge [sflag:s25], $0x4000  }
0xc0: {  	[sflag:s25] =	ssyncset.done $0x0  }
0xc1: {  	[sflag:s25] =	ssyncadd.s32 $0xFFFFC000  }
0xc2: {  	[spmem:s1] =	stream.indirect.scatter.add.f32 [tilespmem:s20], [sflag:$0x3], $0x80, s28, s23, $0xb8;
	[tilespmem:$0x1E800] =	vst v63  }
0xc3: {  	_ =	swait.ge [sflag:s21], $0x4000  }
0xc4: {  	[sflag:s21] =	ssyncset.done $0x0  }
0xc5: {  	[sflag:s21] =	ssyncadd.s32 $0xFFFFC000  }
0xc6: {  	[tilespmem:s20], [sflag:$0x1] =	stream.indirect.gather [hbm4b:s4+s23], $0x80, s29, s23, $0xb8;
	[tilespmem:$0x1E800] =	vst v63  }
0xc7: {  	_ =	swait.ge [sflag:s26], $0x4000  }
0xc8: {  	[sflag:s26] =	ssyncset.done $0x0  }
0xc9: {  	[sflag:s26] =	ssyncadd.s32 $0xFFFFC000  }
0xca: {  	[spmem:s1] =	stream.indirect.scatter.add.f32 [tilespmem:s24], [sflag:$0x3], $0x80, s30, s23, $0xb8;
	[tilespmem:$0x1E800] =	vst v63  }
0xcb: {  	_ =	swait.ge [sflag:s21], $0x4000  }
0xcc: {  	[sflag:s21] =	ssyncset.done $0x0  }
0xcd: {  	[sflag:s21] =	ssyncadd.s32 $0xFFFFC000  }
0xce: {  	[tilespmem:s24], [sflag:$0x2] =	stream.indirect.gather [hbm4b:s4+s23], $0x80, s31, s23, $0xb8;
	[tilespmem:$0x1E800] =	vst v63  }
0xcf: {  	_ =	swait.ge [sflag:s25], $0x4000  }
0xd0: {  	[sflag:s25] =	ssyncset.done $0x0  }
0xd1: {  	[sflag:s25] =	ssyncadd.s32 $0xFFFFC000  }
0xd2: {  	[spmem:s1] =	stream.indirect.scatter.add.f32 [tilespmem:s20], [sflag:$0x3], $0x80, s0, s23, $0xb8;
	[tilespmem:$0x1E800] =	vst v63  }
0xd3: {  	_ =	swait.ge [sflag:s21], $0x4000  }
0xd4: {  	[sflag:s21] =	ssyncset.done $0x0  }
0xd5: {  	[sflag:s21] =	ssyncadd.s32 $0xFFFFC000  }
0xd6: {  	[tilespmem:s20], [sflag:$0x1] =	stream.indirect.gather [hbm4b:s4+s23], $0x80, s31, s23, $0xb8;
	[tilespmem:$0x1E800] =	vst v63  }
0xd7: {  	_ =	swait.ge [sflag:s26], $0x4000  }
0xd8: {  	[sflag:s26] =	ssyncset.done $0x0  }
0xd9: {  	[sflag:s26] =	ssyncadd.s32 $0xFFFFC000  }
0xda: {  	[spmem:s1] =	stream.indirect.scatter.add.f32 [tilespmem:s24], [sflag:$0x3], $0x80, s3, s23, $0xb8;
	[tilespmem:$0x1E800] =	vst v63  }
0xdb: {  	_ =	swait.ge [sflag:s21], $0x4000  }
0xdc: {  	[sflag:s21] =	ssyncset.done $0x0  }
0xdd: {  	[sflag:s21] =	ssyncadd.s32 $0xFFFFC000  }
0xde: {  	[tilespmem:s24], [sflag:$0x2] =	stream.indirect.gather [hbm4b:s4+s23], $0x80, s31, s23, $0xb8;
	[tilespmem:$0x1E800] =	vst v63  }
0xdf: {  	_ =	swait.ge [sflag:s25], $0x4000  }
0xe0: {  	[sflag:s25] =	ssyncset.done $0x0  }
0xe1: {  	[sflag:s25] =	ssyncadd.s32 $0xFFFFC000  }
0xe2: {  	_ =	swait.ge [sflag:s26], $0x4000  }
0xe3: {  	[sflag:s26] =	ssyncset.done $0x0  }
0xe4: {  	[sflag:s26] =	ssyncadd.s32 $0xFFFFC000  }
0xe5: {  	[bflag:$0x0] =	sbarrier.arrive $0xFFFF  }
0xe6: {  	[tilespmem:s20], [sflag:$0x3] =	stream.linear.gather [spmem:s5], $0x4000, $0x38;
	[tilespmem:$0x1E800] =	vst v63  }
0xe7: {  	_ =	swait.ge [sflag:s21], $0x4000  }
0xe8: {  	[sflag:s21] =	ssyncset.done $0x0  }
0xe9: {  	[sflag:s21] =	ssyncadd.s32 $0xFFFFC000  }
0xea: {  	[hbm4b:s14+s2] =	stream.linear.scatter [tilespmem:s20], [sflag:$0x3], $0x4000, $0x38;
	[tilespmem:$0x1E800] =	vst v63  }
0xeb: {  	_ =	swait.ge [sflag:s21], $0x4000  }
0xec: {  	[sflag:s21] =	ssyncset.done $0x0  }
0xed: {  	[sflag:s21] =	ssyncadd.s32 $0xFFFFC000  }
0xee: {  	[tilespmem:s20], [sflag:$0x3] =	stream.linear.gather [spmem:s6], $0x4000, $0x38;
	[tilespmem:$0x1E800] =	vst v63  }
0xef: {  	_ =	swait.ge [sflag:s21], $0x4000  }
0xf0: {  	[sflag:s21] =	ssyncset.done $0x0  }
0xf1: {  	[sflag:s21] =	ssyncadd.s32 $0xFFFFC000  }
0xf2: {  	[hbm4b:s15+s2] =	stream.linear.scatter [tilespmem:s20], [sflag:$0x3], $0x4000, $0x38;
	[tilespmem:$0x1E800] =	vst v63  }
0xf3: {  	_ =	swait.ge [sflag:s21], $0x4000  }
0xf4: {  	[sflag:s21] =	ssyncset.done $0x0  }
0xf5: {  	[sflag:s21] =	ssyncadd.s32 $0xFFFFC000  }
0xf6: {  	[tilespmem:s20], [sflag:$0x3] =	stream.linear.gather [spmem:s7], $0x4000, $0x38;
	[tilespmem:$0x1E800] =	vst v63  }
0xf7: {  	_ =	swait.ge [sflag:s21], $0x4000  }
0xf8: {  	[sflag:s21] =	ssyncset.done $0x0  }
0xf9: {  	[sflag:s21] =	ssyncadd.s32 $0xFFFFC000  }
0xfa: {  	[hbm4b:s16+s2] =	stream.linear.scatter [tilespmem:s20], [sflag:$0x3], $0x4000, $0x38;
	[tilespmem:$0x1E800] =	vst v63  }
0xfb: {  	_ =	swait.ge [sflag:s21], $0x4000  }
0xfc: {  	[sflag:s21] =	ssyncset.done $0x0  }
0xfd: {  	[sflag:s21] =	ssyncadd.s32 $0xFFFFC000  }
0xfe: {  	[tilespmem:s20], [sflag:$0x3] =	stream.linear.gather [spmem:s8], $0x4000, $0x38;
	[tilespmem:$0x1E800] =	vst v63  }
0xff: {  	_ =	swait.ge [sflag:s21], $0x4000  }
0x100: {  	[sflag:s21] =	ssyncset.done $0x0  }
0x101: {  	[sflag:s21] =	ssyncadd.s32 $0xFFFFC000  }
0x102: {  	[hbm4b:s17+s2] =	stream.linear.scatter [tilespmem:s20], [sflag:$0x3], $0x4000, $0x38;
	[tilespmem:$0x1E800] =	vst v63  }
0x103: {  	_ =	swait.ge [sflag:s21], $0x4000  }
0x104: {  	[sflag:s21] =	ssyncset.done $0x0  }
0x105: {  	[sflag:s21] =	ssyncadd.s32 $0xFFFFC000  }
0x106: {  	[tilespmem:s20], [sflag:$0x3] =	stream.linear.gather [spmem:s9], $0x4000, $0x38;
	[tilespmem:$0x1E800] =	vst v63  }
0x107: {  	s10 =	sadd.s32 $0x1, s10;
	_ =	swait.ge [sflag:s21], $0x4000  }
0x108: {  	p0 =	sne.s32 s10, s19;
	[sflag:s21] =	ssyncset.done $0x0  }
.Ltmp3:
0x109: {  	[sflag:s21] =	ssyncadd.s32 $0xFFFFC000;
	(pc) =	sbr.rel @p0 .LBB2_1-.Ltmp3, $4  }
0x10a: {  	[hbm4b:s18+s2] =	stream.linear.scatter [tilespmem:s20], [sflag:$0x3], $0x4000, $0x38;
	[tilespmem:$0x1E800] =	vst v63  }
0x10b: {  	_ =	swait.ge [sflag:s21], $0x4000  }
0x10c: {  	[sflag:s21] =	ssyncset.done $0x0  }
0x10d: {  	[sflag:s21] =	ssyncadd.s32 $0xFFFFC000  }
0x10e: {  	_ =	sfence.sel $0x180000  }
0x10f: {  	[bflag:$0x0] =	sbarrier.arrive $0xFFFF  }
0x110: {  	_ =	strace $0x9000004D  }
0x111: {  	s0 =	stileid.u32;
	[bflag:$0x2] =	sbarrier.arrive $0xFFFF  }
0x112: {  	p0 =	sne.s32 s0, $0x0;
	s0 =	rddreg [dreg:$0x3]  }
0x113: {  	s0 =	sadd.s32 @!p0 $0x100000, s0  }
0x114: {  	[sflag:s0] =	ssyncadd.tile.s32 @!p0 $0x1;
	_ =	shalt  }
.Lfunc_end2:
_tile_overlayer_lowered:
.L_overlay_start_2:
0x115: {  	(tag) =	ssettag $0x2  }
0x116: {  	s0 =	rddreg [dreg:$0x0];
	s2 =	stileid.u32  }
0x117: {  	s1 =	rddreg [dreg:$0x1];
	p0 =	sne.s32 s2, $0x0  }
0x118: {  	s3 =	rddreg [dreg:$0x2];
	[bflag:$0x3] =	sbarrier.arrive $0xFFFF;
	s2 =	simm.s32 @!p0 $0x1C03  }
0x119: {  	[timem:s3], [sflag:s2] =	dma.local @!p0 [hbm:s0], s1  }
0x11a: {  	s0 =	simm.s32 @!p0 $0x3  }
0x11b: {  	_ =	swait.ge @!p0 [sflag:s0], s1  }
0x11c: {  	s1 =	ssub.s32 @!p0 $0x0, s1;
	[sflag:s0] =	ssyncset.done @!p0 $0x0  }
0x11d: {  	[sflag:s0] =	ssyncadd.s32 @!p0 s1  }
0x11e: {  	[bflag:$0x3] =	sbarrier.arrive $0xFFFF  }
0x11f: {  	_ =	shalt  }

// kernel: sc_degree.3.cloned.1.call-start
scs
__scs_entry_jumppad:
0x0: {  	(pc) =	sbr.rel $0x88, $3  }
0x1: {  	(tag) =	ssettag $0x0;
	lr =	simm.s32 $0x1  }
0x2: {  	[smem:$0x3F97] =	sst lr;
	_ =	strace $0xD0000000  }
0x3: {  	_ = 	snop  }
0x4: {  	_ = 	snop  }
0x5: {  	_ = 	snop  }
0x6: {  	_ = 	snop  }
0x7: {  	_ = 	snop  }
__scs_overlays_trampoline_lowered:
0x8: {  	[smem:$0x3FA6] =	sst s0  }
0x9: {  	[smem:$0x3FA7] =	sst s1  }
0xa: {  	[smem:$0x3FA8] =	sst s2  }
0xb: {  	[smem:$0x3FA9] =	sst s3  }
0xc: {  	[smem:$0x3FAA] =	sst s4  }
0xd: {  	[smem:$0x3FAB] =	sst s5  }
0xe: {  	[smem:$0x3FAC] =	sst s6  }
0xf: {  	[smem:$0x3FAD] =	sst s7  }
0x10: {  	[smem:$0x3FAE] =	sst s8  }
0x11: {  	[smem:$0x3FAF] =	sst s9;
	s0 =	simm.s32 @!p0 $0x0  }
0x12: {  	s1 =	sld [smem:$0x3F95];
	s0 =	simm.s32 @p0 $0x1  }
0x13: {  	[smem:$0x3FB0] =	sst s0;
	s0 =	simm.s32 @!p1 $0x0  }
0x14: {  	s2 =	sld [smem:$0x3F94];
	s0 =	simm.s32 @p1 $0x1  }
0x15: {  	[smem:$0x3FB1] =	sst s0;
	s0 =	simm.s32 @!p2 $0x0  }
0x16: {  	s3 =	sld [smem:$0x3FDB];
	s0 =	simm.s32 @p2 $0x1  }
0x17: {  	s4 =	simm.s32 $0x1BF5;
	[smem:$0x3FB3] =	sst s0  }
0x18: {  	s0 =	sld [smem:$0x3F96];
	_ =	swait.ge [sflag:s4], $0x0  }
0x19: {  	s7 =	sld [smem:$0x3F97]  }
0x1a: {  	s8 =	sadd.s32 $0xFFFFE003, lr  }
0x1b: {  	s9 =	sadd.s32 $0xFFFFFEF7, lr;
	s5 =	simm.s32 $0xFFFFFFFF;
	p2 =	slt.u32 s8, $0xFFFFF086  }
0x1c: {  	p1 =	slt.u32 s9, $0xF7A;
	s5 =	simm.s32 @!p2 $0x0  }
0x1d: {  	s5 =	simm.s32 @p1 $0x1;
	p0 =	seq.s32 s7, s2  }
0x1e: {  	s7 =	smul.u32 @!p0 $0xF7A, s2;
	p2 =	seq.s32 @!p0 s5, $0x0  }
0x1f: {  	s9 =	smul.u32 $0xF7A, s1;
	s8 =	simm.s32 @!p0 $0x1BF5;
	p2 =	por !p2, p0  }
0x20: {  	[sflag:s8] =	ssyncset.s32 @!p0 $0xFFFFF086;
	s6 =	sadd.s32 @!p0 s3, s7;
	s7 =	simm.s32 @!p0 $0x108  }
0x21: {  	s3 =	sadd.s32 s3, s9;
	s6 =	sadd.s32 @!p0 $0x88, s6;
	s7 =	simm.s32 @p2 $0x1082  }
0x22: {  	[simem:s7], [sflag:s8] =	dma.local @!p0 [hbm:s6], $0xF7A  }
0x23: {  	s9 =	sor.u32 $0xD0000000, s2;
	s6 =	simm.s32 $0x108;
	_ =	swait.ge @!p0 [sflag:s8], $0x0  }
0x24: {  	s3 =	sadd.s32 $0x88, s3;
	s6 =	simm.s32 @!p1 $0x1082;
	[sflag:s4] =	ssyncset.s32 $0xFFFFF086  }
0x25: {  	[simem:s6], [sflag:s4] =	dma.local [hbm:s3], $0xF7A  }
0x26: {  	[smem:$0x3F97] =	sst s1;
	(tag) =	ssettag s2;
	_ =	strace s9  }
0x27: {  	s1 =	sld [smem:$0x3FA7]  }
0x28: {  	s2 =	sld [smem:$0x3FA8]  }
0x29: {  	s4 =	sld [smem:$0x3FAA]  }
0x2a: {  	p0 =	seq.s32 s5, $0x0;
	s5 =	sld [smem:$0x3FAB]  }
0x2b: {  	s6 =	sld [smem:$0x3FAC]  }
0x2c: {  	s7 =	sld [smem:$0x3FAD]  }
0x2d: {  	s3 =	simm.s32 $0x108;
	s8 =	sld [smem:$0x3FAE]  }
0x2e: {  	s3 =	simm.s32 @!p0 $0x1082;
	s9 =	sld [smem:$0x3FAF]  }
0x2f: {  	lr =	sadd.s32 s0, s3;
	s0 =	sld [smem:$0x3FA6]  }
0x30: {  	s3 =	sld [smem:$0x3FA9]  }
0x31: {  	[smem:$0x3FB2] =	sst s10  }
0x32: {  	s10 =	sld [smem:$0x3FB0];
	_ =	sdelay $0x3  }
0x33: {  	p0 =	seq.s32 s10, $0x1;
	s10 =	sld [smem:$0x3FB2];
	_ =	sdelay $0x3  }
0x34: {  	[smem:$0x3FB2] =	sst s10  }
0x35: {  	s10 =	sld [smem:$0x3FB1];
	_ =	sdelay $0x3  }
0x36: {  	p1 =	seq.s32 s10, $0x1;
	s10 =	sld [smem:$0x3FB2];
	_ =	sdelay $0x3  }
0x37: {  	[smem:$0x3FB2] =	sst s10  }
0x38: {  	s10 =	sld [smem:$0x3FB3]  }
0x39: {  	_ = 	snop;
	(pc) =	sbr.ind lr, $3  }
0x3a: {  	_ = 	snop  }
0x3b: {  	_ = 	snop  }
0x3c: {  	p2 =	seq.s32 s10, $0x1;
	s10 =	sld [smem:$0x3FB2]  }
0x3d: {  	_ =	shalt  }
0x3e: {  	_ =	shalt  }
0x3f: {  	_ =	shalt  }
0x40: {  	_ =	shalt  }
0x41: {  	_ =	shalt  }
0x42: {  	_ =	shalt  }
0x43: {  	_ =	shalt  }
0x44: {  	_ =	shalt  }
0x45: {  	_ =	shalt  }
0x46: {  	_ =	shalt  }
0x47: {  	_ =	shalt  }
0x48: {  	_ =	shalt  }
0x49: {  	_ =	shalt  }
0x4a: {  	_ =	shalt  }
0x4b: {  	_ =	shalt  }
0x4c: {  	_ =	shalt  }
0x4d: {  	_ =	shalt  }
0x4e: {  	_ =	shalt  }
0x4f: {  	_ =	shalt  }
0x50: {  	_ =	shalt  }
0x51: {  	_ =	shalt  }
0x52: {  	_ =	shalt  }
0x53: {  	_ =	shalt  }
0x54: {  	_ =	shalt  }
0x55: {  	_ =	shalt  }
0x56: {  	_ =	shalt  }
0x57: {  	_ =	shalt  }
0x58: {  	_ =	shalt  }
0x59: {  	_ =	shalt  }
0x5a: {  	_ =	shalt  }
0x5b: {  	_ =	shalt  }
0x5c: {  	_ =	shalt  }
0x5d: {  	_ =	shalt  }
0x5e: {  	_ =	shalt  }
0x5f: {  	_ =	shalt  }
0x60: {  	_ =	shalt  }
0x61: {  	_ =	shalt  }
0x62: {  	_ =	shalt  }
0x63: {  	_ =	shalt  }
0x64: {  	_ =	shalt  }
0x65: {  	_ =	shalt  }
0x66: {  	_ =	shalt  }
0x67: {  	_ =	shalt  }
0x68: {  	_ =	shalt  }
0x69: {  	_ =	shalt  }
0x6a: {  	_ =	shalt  }
0x6b: {  	_ =	shalt  }
0x6c: {  	_ =	shalt  }
0x6d: {  	_ =	shalt  }
0x6e: {  	_ =	shalt  }
0x6f: {  	_ =	shalt  }
0x70: {  	_ =	shalt  }
0x71: {  	_ =	shalt  }
0x72: {  	_ =	shalt  }
0x73: {  	_ =	shalt  }
0x74: {  	_ =	shalt  }
0x75: {  	_ =	shalt  }
0x76: {  	_ =	shalt  }
0x77: {  	_ =	shalt  }
0x78: {  	_ =	shalt  }
0x79: {  	_ =	shalt  }
0x7a: {  	_ =	shalt  }
0x7b: {  	_ =	shalt  }
0x7c: {  	_ =	shalt  }
0x7d: {  	_ =	shalt  }
0x7e: {  	_ =	shalt  }
0x7f: {  	_ =	shalt  }
0x80: {  	_ =	shalt  }
0x81: {  	_ =	shalt  }
0x82: {  	_ =	shalt  }
0x83: {  	_ =	shalt  }
0x84: {  	_ =	shalt  }
0x85: {  	_ =	shalt  }
0x86: {  	_ =	shalt  }
0x87: {  	_ =	shalt  }
.Lfunc_end0:
.L_simem_size_0:
called_computation_lowered:
.L_overlay_start_0:
0x88: {  	s2 =	sld [smem:$0x3FD9]  }
0x89: {  	s3 =	sld [smem:$0x3FFE];
	_ =	sdelay $0x1  }
0x8a: {  	s1 =	srdreg.scid  }
0x8b: {  	s0 =	sand.u32 $0x1, s1  }
0x8c: {  	s16 =	sshll.u32 s0, $0xA;
	s2 =	sadd.s32 s3, s2  }
0x8d: {  	s2 =	sadd.s32 s2, s16  }
0x8e: {  	[smem:$0x3FBE] =	sst s2  }
0x8f: {  	_ = 	snop  }
0x90: {  	(tm) =	ssettm $0x1  }
0x91: {  	s17 =	sld [smem:$0x3FFB];
	_ =	sdelay $0x3  }
0x92: {  	_ =	strace s17  }
0x93: {  	s2 =	sld [smem:$0x3FFC];
	_ =	sdelay $0x3  }
0x94: {  	_ =	strace s2  }
0x95: {  	s2 =	sld [smem:$0x3FFD];
	_ =	sdelay $0x3  }
0x96: {  	_ =	strace s2  }
0x97: {  	_ =	strace $0x8FFFFFFF  }
0x98: {  	s18 =	sld [smem:$0x3FDB];
	_ =	sdelay $0x1  }
0x99: {  	s19 =	simm.s32 $_scs_section_size  }
0x9a: {  	s4 =	simm.s32 $_size__tile_overlayer_lowered;
	s5 =	simm.s32 $_tile_overlayer_lowered  }
0x9b: {  	s22 =	simm.s32 $0x1BFF;
	s21 =	sshll.u32 s5, $0x1;
	s2 =	sadd.s32 s19, s18  }
0x9c: {  	s6 =	simm.s32 $0x0;
	s20 =	sshll.u32 s4, $0x1;
	s4 =	sadd.s32 s21, s2  }
0x9d: {  	[timem:s6], [sflag:s22] =	dma.local [hbm:s4], s20  }
0x9e: {  	_ =	swait.ge [sflag:s22], s20  }
0x9f: {  	s3 =	ssub.s32 $0x0, s20;
	[sflag:s22] =	ssyncset.done $0x0  }
0xa0: {  	[sflag:s22] =	ssyncadd.s32 s3;
	_ =	sdelay $0x1  }
0xa1: {  	s23 =	simm.s32 $0x1B8B  }
0xa2: {  	_ =	swait.ge [sflag:s23], $0x1  }
0xa3: {  	[sflag:s23] =	ssyncset.done $0x0  }
0xa4: {  	s25 =	simm.s32 $0x1B8E;
	s24 =	sld [smem:$0x3FFE];
	[sflag:s23] =	ssyncadd.s32 $0xFFFFFFFF  }
0xa5: {  	s26 =	simm.s32 $execute0_lowered;
	[smem:$0x3FD2] =	sst s25  }
0xa6: {  	s4 =	sshll.u32 s26, $0x1;
	_ =	strace $0x80000046;
	[dreg:$0x1] =	wrdreg $0xFFFFFFFF  }
0xa7: {  	s28 =	simm.s32 $_size_execute0_lowered;
	s2 =	sadd.s32 s2, s4;
	[dreg:$0x0] =	wrdreg $0x0  }
0xa8: {  	s4 =	sshll.u32 s28, $0x1;
	[dreg:$0x2] =	wrdreg s2  }
0xa9: {  	[dreg:$0x3] =	wrdreg s4  }
0xaa: {  	[dreg:$0x4] =	wrdreg $0xC0  }
0xab: {  	_ =	task [dreg:s6], $0x5FFFF  }
0xac: {  	[dreg:$0x1] =	wrdreg $0xFFFFFFFF  }
0xad: {  	[dreg:$0x0] =	wrdreg $0x60  }
0xae: {  	[dreg:$0x2] =	wrdreg s24  }
0xaf: {  	[dreg:$0x3] =	wrdreg $0xA8000  }
0xb0: {  	[dreg:$0x4] =	wrdreg $0x9  }
0xb1: {  	_ =	task.clear_ibuf [dreg:s6], $0x5FFFF;
	_ =	strace $0x90000046  }
0xb2: {  	s29 =	simm.s32 $0x9;
	_ =	strace $0x80000048  }
0xb3: {  	_ =	swait.ge [sflag:s29], $0x1  }
0xb4: {  	[sflag:s29] =	ssyncadd.s32 $0xFFFFFFFF  }
0xb5: {  	_ =	strace $0x90000048  }
0xb6: {  	_ =	sfence  }
0xb7: {  	s30 =	sld [smem:$0x0];
	_ =	sdelay $0x2  }
0xb8: {  	s31 =	sshll.u32 s1, $0xD;
	s1 =	sshrl.u32 s1, $0x2  }
0xb9: {  	s3 =	sand.u32 $0x4000, s31;
	s1 =	sadd.s32 s1, s30  }
0xba: {  	s0 =	sor.u32 s3, s0;
	s1 =	sshll.u32 s1, $0x11  }
0xbb: {  	s0 =	sor.u32 s1, s0  }
0xbc: {  	s0 =	sadd.s32 $0x8F2B, s0  }
0xbd: {  	[sflag:s0] =	ssyncadd.remote.s32 $0x1  }
0xbe: {  	_ =	sfence.sel $0xFFFF  }
0xbf: {  	[dreg:$0x0] =	wrdreg $0xFFFFFFFF;
	(pc) =	sbr.abs _section_cstart, $3  }
0xc0: {  	[dreg:$0x1] =	wrdreg $0xFFFFFFFF  }
0xc1: {  	_ =	task.clear_ibuf [dreg:s6], $0x2FFFF;
	_ =	strace $0x9FFFFFFF  }
0xc2: {  	(tm) =	ssettm $0x7FFFFFFF  }
0xc3: {  	_ =	shalt  }
tec
execute0_lowered:
.L_overlay_start_1:
0x0: {  	(tag) =	ssettag $0x1  }
0x1: {  	s0 =	srdreg.scid;
	s4 =	rddreg [dreg:$0x0]  }
0x2: {  	s2 =	rddreg [dreg:$0x1];
	s1 =	stileid.u32  }
0x3: {  	s3 =	simm.s32 $0x0;
	s19 =	simm.s32 $0x80;
	s20 =	simm.s32 $0x0  }
0x4: {  	s5 =	sand.u32 $0x1, s0;
	s0 =	rddreg [dreg:$0x2];
	s7 =	smul.u32 $0x50000, s1  }
0x5: {  	[smem:$0x7FF] =	sst s3;
	s8 =	smul.u32 $0x14000, s1;
	s14 =	sadd.s32 $0xE400, s4  }
0x6: {  	s6 =	sshll.u32 s5, $0x4;
	_ =	strace $0x80000047;
	s30 =	ssub.s32 $0x2, s5  }
0x7: {  	s16 =	smul.u32 $0x140000, s5;
	s6 =	sor.u32 s1, s6;
	s31 =	sshrl.u32 s30, $0x1  }
0x8: {  	s7 =	sshrl.u32 s7, $0x2;
	s10 =	sadd.s32 $0x4000, s8;
	s12 =	sadd.s32 $0x8000, s8  }
0x9: {  	s13 =	sadd.s32 $0xC000, s8;
	s17 =	sadd.s32 $0x10000, s8;
	s6 =	smul.u32 $0x500, s6  }
0xa: {  	s15 =	ssub.s32 s30, s31;
	s5 =	sadd.s32 s10, s2;
	s11 =	sadd.s32 s8, s16  }
0xb: {  	s10 =	sadd.s32 s16, s10;
	s8 =	sadd.s32 s17, s2;
	s11 =	sshrl.u32 s11, $0x3  }
0xc: {  	s18 =	sshrl.u32 s10, $0x3;
	s15 =	smax.u32 s15, $0x1;
	s9 =	sadd.s32 s6, s4  }
0xd: {  	s4 =	sadd.s32 s7, s2;
	s6 =	sadd.s32 s12, s2;
	s7 =	sadd.s32 s13, s2  }
0xe: {  	s10 =	sadd.s32 s14, s11;
	s11 =	sadd.s32 s14, s18;
	s12 =	sadd.s32 s16, s12  }
0xf: {  	s13 =	sadd.s32 s16, s13;
	s16 =	sadd.s32 s16, s17;
	s17 =	simm.s32 $0x1  }
0x10: {  	s18 =	simm.s32 $0x4000;
	s9 =	sadd.s32 $0x4400, s9;
	s12 =	sshrl.u32 s12, $0x3  }
0x11: {  	s13 =	sshrl.u32 s13, $0x3;
	s16 =	sshrl.u32 s16, $0x3;
	s12 =	sadd.s32 s14, s12  }
0x12: {  	v0 =	vimm.f32 $1.000000000e+00;
	v1 =	vimm.f32 $0.0e+00;
	s13 =	sadd.s32 s14, s13;
	s14 =	sadd.s32 s14, s16;
	s16 =	simm.s32 $0x6800  }
.LBB2_1:
0x13: {  	s21 =	simm.s32 $0x200;
	s22 =	simm.s32 $0x0  }
.LBB2_2:
0x14: {  	p0 =	sne.s32 s21, $0xFE00;
	[tilespmem:s22+$0x0] =	vst v0;
	s23 =	smov.u32 s21;
	s21 =	sadd.s32 $0x200, s21  }
.Ltmp0:
0x15: {  	[tilespmem:s22+$0x6800] =	vst v1;
	(pc) =	sbr.rel @p0 .LBB2_2-.Ltmp0, $2  }
0x16: {  	_ =	sdelay $0x2  }
0x17: {  	s22 =	sshra.s32 s23, $0x2  }
0x18: {  	[tilespmem:s22+$0x0] =	vst v0  }
0x19: {  	[tilespmem:s22+$0x6800] =	vst v1  }
0x1a: {  	[spmem:s4] =	stream.linear.scatter [tilespmem:s16], [sflag:$0x1], $0x4000, $0x38;
	[tilespmem:$0xD000] =	vst v63  }
0x1b: {  	_ =	swait.ge [sflag:s17], $0x4000  }
0x1c: {  	[sflag:s17] =	ssyncset.done $0x0  }
0x1d: {  	[sflag:s17] =	ssyncadd.s32 $0xFFFFC000  }
0x1e: {  	[spmem:s5] =	stream.linear.scatter [tilespmem:s16], [sflag:$0x1], $0x4000, $0x38;
	[tilespmem:$0xD000] =	vst v63  }
0x1f: {  	_ =	swait.ge [sflag:s17], $0x4000  }
0x20: {  	[sflag:s17] =	ssyncset.done $0x0  }
0x21: {  	[sflag:s17] =	ssyncadd.s32 $0xFFFFC000  }
0x22: {  	[spmem:s6] =	stream.linear.scatter [tilespmem:s16], [sflag:$0x1], $0x4000, $0x38;
	[tilespmem:$0xD000] =	vst v63  }
0x23: {  	_ =	swait.ge [sflag:s17], $0x4000  }
0x24: {  	[sflag:s17] =	ssyncset.done $0x0  }
0x25: {  	[sflag:s17] =	ssyncadd.s32 $0xFFFFC000  }
0x26: {  	[spmem:s7] =	stream.linear.scatter [tilespmem:s16], [sflag:$0x1], $0x4000, $0x38;
	[tilespmem:$0xD000] =	vst v63  }
0x27: {  	_ =	swait.ge [sflag:s17], $0x4000  }
0x28: {  	[sflag:s17] =	ssyncset.done $0x0  }
0x29: {  	[sflag:s17] =	ssyncadd.s32 $0xFFFFC000  }
0x2a: {  	[spmem:s8] =	stream.linear.scatter [tilespmem:s16], [sflag:$0x1], $0x4000, $0x38;
	[tilespmem:$0xD000] =	vst v63  }
0x2b: {  	_ =	swait.ge [sflag:s17], $0x4000  }
0x2c: {  	[sflag:s17] =	ssyncset.done $0x0  }
0x2d: {  	[sflag:s17] =	ssyncadd.s32 $0xFFFFC000  }
0x2e: {  	s21 =	simm.s32 $0x0;
	[bflag:$0x0] =	sbarrier.arrive $0xFFFF  }
0x2f: {  	[tilespmem:s18], [sflag:$0x1] =	stream.linear.gather [hbm4b:s9+s21], $0x2800, $0x38;
	[tilespmem:$0xD000] =	vst v63  }
0x30: {  	_ =	swait.ge [sflag:s17], $0x2800  }
0x31: {  	[sflag:s17] =	ssyncset.done $0x0  }
0x32: {  	s31 =	simm.s32 $0x4000;
	[sflag:s17] =	ssyncadd.s32 $0xFFFFD800  }
0x33: {  	[spmem:s2] =	stream.indirect.scatter.add.f32 [tilespmem:s3], [sflag:$0x1], $0x10, s31, s19, $0xb8;
	[tilespmem:$0xD000] =	vst v63  }
0x34: {  	s21 =	simm.s32 $0x200;
	_ =	swait.ge [sflag:s17], $0x800  }
.LBB2_4:
0x35: {  	s22 =	sshra.s32 s21, $0x2;
	[sflag:s17] =	ssyncset.done $0x0;
	p0 =	sne.s32 s21, $0x9E00  }
.Ltmp1:
0x36: {  	s22 =	sadd.s32 $0x4000, s22;
	[sflag:s17] =	ssyncadd.s32 $0xFFFFF800;
	(pc) =	sbr.rel @p0 .LBB2_4-.Ltmp1, $3  }
0x37: {  	[spmem:s2] =	stream.indirect.scatter.add.f32 [tilespmem:s3], [sflag:$0x1], $0x10, s22, s19, $0xb8;
	[tilespmem:$0xD000] =	vst v63  }
0x38: {  	s21 =	sadd.s32 $0x200, s21;
	_ =	sdelay $0x1  }
0x39: {  	_ =	swait.ge [sflag:s17], $0x800  }
0x3a: {  	[sflag:s17] =	ssyncset.done $0x0  }
0x3b: {  	[sflag:s17] =	ssyncadd.s32 $0xFFFFF800  }
0x3c: {  	[bflag:$0x0] =	sbarrier.arrive $0xFFFF  }
0x3d: {  	[tilespmem:s16], [sflag:$0x1] =	stream.linear.gather [spmem:s4], $0x4000, $0x38;
	[tilespmem:$0xD000] =	vst v63  }
0x3e: {  	_ =	swait.ge [sflag:s17], $0x4000  }
0x3f: {  	[sflag:s17] =	ssyncset.done $0x0  }
0x40: {  	[sflag:s17] =	ssyncadd.s32 $0xFFFFC000  }
0x41: {  	[hbm4b:s10+s3] =	stream.linear.scatter [tilespmem:s16], [sflag:$0x1], $0x4000, $0x38;
	[tilespmem:$0xD000] =	vst v63  }
0x42: {  	_ =	swait.ge [sflag:s17], $0x4000  }
0x43: {  	[sflag:s17] =	ssyncset.done $0x0  }
0x44: {  	[sflag:s17] =	ssyncadd.s32 $0xFFFFC000  }
0x45: {  	[tilespmem:s16], [sflag:$0x1] =	stream.linear.gather [spmem:s5], $0x4000, $0x38;
	[tilespmem:$0xD000] =	vst v63  }
0x46: {  	_ =	swait.ge [sflag:s17], $0x4000  }
0x47: {  	[sflag:s17] =	ssyncset.done $0x0  }
0x48: {  	[sflag:s17] =	ssyncadd.s32 $0xFFFFC000  }
0x49: {  	[hbm4b:s11+s3] =	stream.linear.scatter [tilespmem:s16], [sflag:$0x1], $0x4000, $0x38;
	[tilespmem:$0xD000] =	vst v63  }
0x4a: {  	_ =	swait.ge [sflag:s17], $0x4000  }
0x4b: {  	[sflag:s17] =	ssyncset.done $0x0  }
0x4c: {  	[sflag:s17] =	ssyncadd.s32 $0xFFFFC000  }
0x4d: {  	[tilespmem:s16], [sflag:$0x1] =	stream.linear.gather [spmem:s6], $0x4000, $0x38;
	[tilespmem:$0xD000] =	vst v63  }
0x4e: {  	_ =	swait.ge [sflag:s17], $0x4000  }
0x4f: {  	[sflag:s17] =	ssyncset.done $0x0  }
0x50: {  	[sflag:s17] =	ssyncadd.s32 $0xFFFFC000  }
0x51: {  	[hbm4b:s12+s3] =	stream.linear.scatter [tilespmem:s16], [sflag:$0x1], $0x4000, $0x38;
	[tilespmem:$0xD000] =	vst v63  }
0x52: {  	_ =	swait.ge [sflag:s17], $0x4000  }
0x53: {  	[sflag:s17] =	ssyncset.done $0x0  }
0x54: {  	[sflag:s17] =	ssyncadd.s32 $0xFFFFC000  }
0x55: {  	[tilespmem:s16], [sflag:$0x1] =	stream.linear.gather [spmem:s7], $0x4000, $0x38;
	[tilespmem:$0xD000] =	vst v63  }
0x56: {  	_ =	swait.ge [sflag:s17], $0x4000  }
0x57: {  	[sflag:s17] =	ssyncset.done $0x0  }
0x58: {  	[sflag:s17] =	ssyncadd.s32 $0xFFFFC000  }
0x59: {  	[hbm4b:s13+s3] =	stream.linear.scatter [tilespmem:s16], [sflag:$0x1], $0x4000, $0x38;
	[tilespmem:$0xD000] =	vst v63  }
0x5a: {  	_ =	swait.ge [sflag:s17], $0x4000  }
0x5b: {  	[sflag:s17] =	ssyncset.done $0x0  }
0x5c: {  	[sflag:s17] =	ssyncadd.s32 $0xFFFFC000  }
0x5d: {  	[tilespmem:s16], [sflag:$0x1] =	stream.linear.gather [spmem:s8], $0x4000, $0x38;
	[tilespmem:$0xD000] =	vst v63  }
0x5e: {  	s20 =	sadd.s32 $0x1, s20;
	_ =	swait.ge [sflag:s17], $0x4000  }
0x5f: {  	p0 =	sne.s32 s20, s15;
	[sflag:s17] =	ssyncset.done $0x0  }
.Ltmp2:
0x60: {  	[sflag:s17] =	ssyncadd.s32 $0xFFFFC000;
	(pc) =	sbr.rel @p0 .LBB2_1-.Ltmp2, $4  }
0x61: {  	[hbm4b:s14+s3] =	stream.linear.scatter [tilespmem:s16], [sflag:$0x1], $0x4000, $0x38;
	[tilespmem:$0xD000] =	vst v63  }
0x62: {  	_ =	swait.ge [sflag:s17], $0x4000  }
0x63: {  	[sflag:s17] =	ssyncset.done $0x0  }
0x64: {  	[sflag:s17] =	ssyncadd.s32 $0xFFFFC000  }
0x65: {  	_ =	sfence.sel $0x180000  }
0x66: {  	[bflag:$0x0] =	sbarrier.arrive $0xFFFF  }
0x67: {  	p0 =	sne.s32 s1, $0x0;
	_ =	strace $0x90000047  }
0x68: {  	s0 =	sadd.s32 @!p0 $0x100000, s0;
	[bflag:$0x2] =	sbarrier.arrive $0xFFFF  }
0x69: {  	[sflag:s0] =	ssyncadd.tile.s32 @!p0 $0x1;
	_ =	shalt  }
.Lfunc_end2:
_tile_overlayer_lowered:
.L_overlay_start_2:
0x6a: {  	(tag) =	ssettag $0x2  }
0x6b: {  	s0 =	rddreg [dreg:$0x0];
	s2 =	stileid.u32  }
0x6c: {  	s1 =	rddreg [dreg:$0x1];
	p0 =	sne.s32 s2, $0x0  }
0x6d: {  	s3 =	rddreg [dreg:$0x2];
	[bflag:$0x3] =	sbarrier.arrive $0xFFFF;
	s2 =	simm.s32 @!p0 $0x1C01  }
0x6e: {  	[timem:s3], [sflag:s2] =	dma.local @!p0 [hbm:s0], s1  }
0x6f: {  	s0 =	simm.s32 @!p0 $0x1  }
0x70: {  	_ =	swait.ge @!p0 [sflag:s0], s1  }
0x71: {  	s1 =	ssub.s32 @!p0 $0x0, s1;
	[sflag:s0] =	ssyncset.done @!p0 $0x0  }
0x72: {  	[sflag:s0] =	ssyncadd.s32 @!p0 s1  }
0x73: {  	[bflag:$0x3] =	sbarrier.arrive $0xFFFF  }
0x74: {  	_ =	shalt  }

// kernel: sc_edge_head.3.cloned.1.call-start
scs
__scs_entry_jumppad:
0x0: {  	(pc) =	sbr.rel $0x88, $3  }
0x1: {  	(tag) =	ssettag $0x0;
	lr =	simm.s32 $0x1  }
0x2: {  	[smem:$0x3F97] =	sst lr;
	_ =	strace $0xD0000000  }
0x3: {  	_ = 	snop  }
0x4: {  	_ = 	snop  }
0x5: {  	_ = 	snop  }
0x6: {  	_ = 	snop  }
0x7: {  	_ = 	snop  }
__scs_overlays_trampoline_lowered:
0x8: {  	[smem:$0x3FA6] =	sst s0  }
0x9: {  	[smem:$0x3FA7] =	sst s1  }
0xa: {  	[smem:$0x3FA8] =	sst s2  }
0xb: {  	[smem:$0x3FA9] =	sst s3  }
0xc: {  	[smem:$0x3FAA] =	sst s4  }
0xd: {  	[smem:$0x3FAB] =	sst s5  }
0xe: {  	[smem:$0x3FAC] =	sst s6  }
0xf: {  	[smem:$0x3FAD] =	sst s7  }
0x10: {  	[smem:$0x3FAE] =	sst s8  }
0x11: {  	[smem:$0x3FAF] =	sst s9;
	s0 =	simm.s32 @!p0 $0x0  }
0x12: {  	s1 =	sld [smem:$0x3F95];
	s0 =	simm.s32 @p0 $0x1  }
0x13: {  	[smem:$0x3FB0] =	sst s0;
	s0 =	simm.s32 @!p1 $0x0  }
0x14: {  	s2 =	sld [smem:$0x3F94];
	s0 =	simm.s32 @p1 $0x1  }
0x15: {  	[smem:$0x3FB1] =	sst s0;
	s0 =	simm.s32 @!p2 $0x0  }
0x16: {  	s3 =	sld [smem:$0x3FDB];
	s0 =	simm.s32 @p2 $0x1  }
0x17: {  	s4 =	simm.s32 $0x1BF5;
	[smem:$0x3FB3] =	sst s0  }
0x18: {  	s0 =	sld [smem:$0x3F96];
	_ =	swait.ge [sflag:s4], $0x0  }
0x19: {  	s7 =	sld [smem:$0x3F97]  }
0x1a: {  	s8 =	sadd.s32 $0xFFFFE003, lr  }
0x1b: {  	s9 =	sadd.s32 $0xFFFFFEF7, lr;
	s5 =	simm.s32 $0xFFFFFFFF;
	p2 =	slt.u32 s8, $0xFFFFF086  }
0x1c: {  	p1 =	slt.u32 s9, $0xF7A;
	s5 =	simm.s32 @!p2 $0x0  }
0x1d: {  	s5 =	simm.s32 @p1 $0x1;
	p0 =	seq.s32 s7, s2  }
0x1e: {  	s7 =	smul.u32 @!p0 $0xF7A, s2;
	p2 =	seq.s32 @!p0 s5, $0x0  }
0x1f: {  	s9 =	smul.u32 $0xF7A, s1;
	s8 =	simm.s32 @!p0 $0x1BF5;
	p2 =	por !p2, p0  }
0x20: {  	[sflag:s8] =	ssyncset.s32 @!p0 $0xFFFFF086;
	s6 =	sadd.s32 @!p0 s3, s7;
	s7 =	simm.s32 @!p0 $0x108  }
0x21: {  	s3 =	sadd.s32 s3, s9;
	s6 =	sadd.s32 @!p0 $0x88, s6;
	s7 =	simm.s32 @p2 $0x1082  }
0x22: {  	[simem:s7], [sflag:s8] =	dma.local @!p0 [hbm:s6], $0xF7A  }
0x23: {  	s9 =	sor.u32 $0xD0000000, s2;
	s6 =	simm.s32 $0x108;
	_ =	swait.ge @!p0 [sflag:s8], $0x0  }
0x24: {  	s3 =	sadd.s32 $0x88, s3;
	s6 =	simm.s32 @!p1 $0x1082;
	[sflag:s4] =	ssyncset.s32 $0xFFFFF086  }
0x25: {  	[simem:s6], [sflag:s4] =	dma.local [hbm:s3], $0xF7A  }
0x26: {  	[smem:$0x3F97] =	sst s1;
	(tag) =	ssettag s2;
	_ =	strace s9  }
0x27: {  	s1 =	sld [smem:$0x3FA7]  }
0x28: {  	s2 =	sld [smem:$0x3FA8]  }
0x29: {  	s4 =	sld [smem:$0x3FAA]  }
0x2a: {  	p0 =	seq.s32 s5, $0x0;
	s5 =	sld [smem:$0x3FAB]  }
0x2b: {  	s6 =	sld [smem:$0x3FAC]  }
0x2c: {  	s7 =	sld [smem:$0x3FAD]  }
0x2d: {  	s3 =	simm.s32 $0x108;
	s8 =	sld [smem:$0x3FAE]  }
0x2e: {  	s3 =	simm.s32 @!p0 $0x1082;
	s9 =	sld [smem:$0x3FAF]  }
0x2f: {  	lr =	sadd.s32 s0, s3;
	s0 =	sld [smem:$0x3FA6]  }
0x30: {  	s3 =	sld [smem:$0x3FA9]  }
0x31: {  	[smem:$0x3FB2] =	sst s10  }
0x32: {  	s10 =	sld [smem:$0x3FB0];
	_ =	sdelay $0x3  }
0x33: {  	p0 =	seq.s32 s10, $0x1;
	s10 =	sld [smem:$0x3FB2];
	_ =	sdelay $0x3  }
0x34: {  	[smem:$0x3FB2] =	sst s10  }
0x35: {  	s10 =	sld [smem:$0x3FB1];
	_ =	sdelay $0x3  }
0x36: {  	p1 =	seq.s32 s10, $0x1;
	s10 =	sld [smem:$0x3FB2];
	_ =	sdelay $0x3  }
0x37: {  	[smem:$0x3FB2] =	sst s10  }
0x38: {  	s10 =	sld [smem:$0x3FB3]  }
0x39: {  	_ = 	snop;
	(pc) =	sbr.ind lr, $3  }
0x3a: {  	_ = 	snop  }
0x3b: {  	_ = 	snop  }
0x3c: {  	p2 =	seq.s32 s10, $0x1;
	s10 =	sld [smem:$0x3FB2]  }
0x3d: {  	_ =	shalt  }
0x3e: {  	_ =	shalt  }
0x3f: {  	_ =	shalt  }
0x40: {  	_ =	shalt  }
0x41: {  	_ =	shalt  }
0x42: {  	_ =	shalt  }
0x43: {  	_ =	shalt  }
0x44: {  	_ =	shalt  }
0x45: {  	_ =	shalt  }
0x46: {  	_ =	shalt  }
0x47: {  	_ =	shalt  }
0x48: {  	_ =	shalt  }
0x49: {  	_ =	shalt  }
0x4a: {  	_ =	shalt  }
0x4b: {  	_ =	shalt  }
0x4c: {  	_ =	shalt  }
0x4d: {  	_ =	shalt  }
0x4e: {  	_ =	shalt  }
0x4f: {  	_ =	shalt  }
0x50: {  	_ =	shalt  }
0x51: {  	_ =	shalt  }
0x52: {  	_ =	shalt  }
0x53: {  	_ =	shalt  }
0x54: {  	_ =	shalt  }
0x55: {  	_ =	shalt  }
0x56: {  	_ =	shalt  }
0x57: {  	_ =	shalt  }
0x58: {  	_ =	shalt  }
0x59: {  	_ =	shalt  }
0x5a: {  	_ =	shalt  }
0x5b: {  	_ =	shalt  }
0x5c: {  	_ =	shalt  }
0x5d: {  	_ =	shalt  }
0x5e: {  	_ =	shalt  }
0x5f: {  	_ =	shalt  }
0x60: {  	_ =	shalt  }
0x61: {  	_ =	shalt  }
0x62: {  	_ =	shalt  }
0x63: {  	_ =	shalt  }
0x64: {  	_ =	shalt  }
0x65: {  	_ =	shalt  }
0x66: {  	_ =	shalt  }
0x67: {  	_ =	shalt  }
0x68: {  	_ =	shalt  }
0x69: {  	_ =	shalt  }
0x6a: {  	_ =	shalt  }
0x6b: {  	_ =	shalt  }
0x6c: {  	_ =	shalt  }
0x6d: {  	_ =	shalt  }
0x6e: {  	_ =	shalt  }
0x6f: {  	_ =	shalt  }
0x70: {  	_ =	shalt  }
0x71: {  	_ =	shalt  }
0x72: {  	_ =	shalt  }
0x73: {  	_ =	shalt  }
0x74: {  	_ =	shalt  }
0x75: {  	_ =	shalt  }
0x76: {  	_ =	shalt  }
0x77: {  	_ =	shalt  }
0x78: {  	_ =	shalt  }
0x79: {  	_ =	shalt  }
0x7a: {  	_ =	shalt  }
0x7b: {  	_ =	shalt  }
0x7c: {  	_ =	shalt  }
0x7d: {  	_ =	shalt  }
0x7e: {  	_ =	shalt  }
0x7f: {  	_ =	shalt  }
0x80: {  	_ =	shalt  }
0x81: {  	_ =	shalt  }
0x82: {  	_ =	shalt  }
0x83: {  	_ =	shalt  }
0x84: {  	_ =	shalt  }
0x85: {  	_ =	shalt  }
0x86: {  	_ =	shalt  }
0x87: {  	_ =	shalt  }
.Lfunc_end0:
.L_simem_size_0:
called_computation.3_lowered:
.L_overlay_start_0:
0x88: {  	s2 =	sld [smem:$0x3FD9]  }
0x89: {  	s3 =	sld [smem:$0x3FFE];
	_ =	sdelay $0x1  }
0x8a: {  	s1 =	srdreg.scid  }
0x8b: {  	s0 =	sand.u32 $0x1, s1  }
0x8c: {  	s17 =	sshll.u32 s0, $0xA;
	s2 =	sadd.s32 s3, s2  }
0x8d: {  	s2 =	sadd.s32 s2, s17  }
0x8e: {  	[smem:$0x3FBE] =	sst s2  }
0x8f: {  	_ = 	snop  }
0x90: {  	s2 =	sld [smem:$0x3FD0];
	(tm) =	ssettm $0x1  }
0x91: {  	s18 =	sld [smem:$0x3FFB];
	_ =	sdelay $0x3  }
0x92: {  	_ =	strace s18  }
0x93: {  	s3 =	sld [smem:$0x3FFC];
	_ =	sdelay $0x3  }
0x94: {  	_ =	strace s3  }
0x95: {  	s3 =	sld [smem:$0x3FFD];
	_ =	sdelay $0x3  }
0x96: {  	_ =	strace s3  }
0x97: {  	_ =	strace $0x8FFFFFFF  }
0x98: {  	s19 =	sld [smem:$0x3FDB];
	_ =	sdelay $0x1  }
0x99: {  	s4 =	simm.s32 $_scs_section_size  }
0x9a: {  	s5 =	simm.s32 $_size__tile_overlayer_lowered;
	s6 =	simm.s32 $_tile_overlayer_lowered  }
0x9b: {  	s22 =	simm.s32 $0x1BFF;
	s21 =	sshll.u32 s6, $0x1;
	s3 =	sadd.s32 s4, s19  }
0x9c: {  	s7 =	simm.s32 $0x0;
	s20 =	sshll.u32 s5, $0x1;
	s5 =	sadd.s32 s21, s3  }
0x9d: {  	[timem:s7], [sflag:s22] =	dma.local [hbm:s5], s20  }
0x9e: {  	_ =	swait.ge [sflag:s22], s20  }
0x9f: {  	s4 =	ssub.s32 $0x0, s20;
	[sflag:s22] =	ssyncset.done $0x0  }
0xa0: {  	[sflag:s22] =	ssyncadd.s32 s4;
	_ =	sdelay $0x1  }
0xa1: {  	s23 =	simm.s32 $0x1B8B  }
0xa2: {  	_ =	swait.ge [sflag:s23], $0x1  }
0xa3: {  	[sflag:s23] =	ssyncset.done $0x0  }
0xa4: {  	s25 =	simm.s32 $0x1B8E;
	s24 =	sld [smem:$0x3FFE];
	[sflag:s23] =	ssyncadd.s32 $0xFFFFFFFF  }
0xa5: {  	s26 =	simm.s32 $execute0_lowered;
	[smem:$0x3FD2] =	sst s25  }
0xa6: {  	s5 =	sshll.u32 s26, $0x1;
	_ =	strace $0x8000004F;
	[dreg:$0x1] =	wrdreg $0xFFFFFFFF  }
0xa7: {  	s28 =	simm.s32 $_size_execute0_lowered;
	s3 =	sadd.s32 s3, s5;
	[dreg:$0x0] =	wrdreg $0x0  }
0xa8: {  	s5 =	sshll.u32 s28, $0x1;
	[dreg:$0x2] =	wrdreg s3  }
0xa9: {  	[dreg:$0x3] =	wrdreg s5  }
0xaa: {  	[dreg:$0x4] =	wrdreg $0xC0  }
0xab: {  	_ =	task [dreg:s7], $0x5FFFF  }
0xac: {  	[dreg:$0x1] =	wrdreg $0xFFFFFFFF  }
0xad: {  	[dreg:$0x0] =	wrdreg $0x60  }
0xae: {  	[dreg:$0x2] =	wrdreg s24  }
0xaf: {  	[dreg:$0x3] =	wrdreg s2  }
0xb0: {  	[dreg:$0x4] =	wrdreg $0x9  }
0xb1: {  	_ =	task.clear_ibuf [dreg:s7], $0x5FFFF;
	_ =	strace $0x9000004F  }
0xb2: {  	s29 =	simm.s32 $0x9;
	_ =	strace $0x80000051  }
0xb3: {  	_ =	swait.ge [sflag:s29], $0x1  }
0xb4: {  	[sflag:s29] =	ssyncadd.s32 $0xFFFFFFFF  }
0xb5: {  	_ =	strace $0x90000051  }
0xb6: {  	_ =	sfence  }
0xb7: {  	s30 =	sld [smem:$0x0];
	_ =	sdelay $0x2  }
0xb8: {  	s31 =	sshll.u32 s1, $0xD;
	s1 =	sshrl.u32 s1, $0x2  }
0xb9: {  	s3 =	sand.u32 $0x4000, s31;
	s1 =	sadd.s32 s1, s30  }
0xba: {  	s0 =	sor.u32 s3, s0;
	s1 =	sshll.u32 s1, $0x11  }
0xbb: {  	s0 =	sor.u32 s1, s0  }
0xbc: {  	s0 =	sadd.s32 $0x8F2B, s0  }
0xbd: {  	[sflag:s0] =	ssyncadd.remote.s32 $0x1  }
0xbe: {  	_ =	sfence.sel $0xFFFF  }
0xbf: {  	[dreg:$0x0] =	wrdreg $0xFFFFFFFF;
	(pc) =	sbr.abs _section_cstart, $3  }
0xc0: {  	[dreg:$0x1] =	wrdreg $0xFFFFFFFF  }
0xc1: {  	_ =	task.clear_ibuf [dreg:s7], $0x2FFFF;
	_ =	strace $0x9FFFFFFF  }
0xc2: {  	(tm) =	ssettm $0x7FFFFFFF  }
0xc3: {  	_ =	shalt  }
tec
execute0_lowered:
.L_overlay_start_1:
0x0: {  	(tag) =	ssettag $0x1  }
0x1: {  	s0 =	srdreg.scid;
	s1 =	rddreg [dreg:$0x0]  }
0x2: {  	s9 =	rddreg [dreg:$0x1];
	s4 =	stileid.u32  }
0x3: {  	s2 =	simm.s32 $0x0;
	s14 =	simm.s32 $0x3;
	s16 =	simm.s32 $0x2800  }
0x4: {  	s17 =	simm.s32 $0x80;
	s18 =	simm.s32 $0x5000;
	s19 =	simm.s32 $0x9000  }
0x5: {  	s20 =	simm.s32 $0xD000;
	s22 =	simm.s32 $0x11000;
	s23 =	simm.s32 $0x1  }
0x6: {  	s24 =	simm.s32 $0x15100;
	s25 =	simm.s32 $0x2;
	s26 =	simm.s32 $0x0  }
0x7: {  	s0 =	sand.u32 $0x1, s0;
	[smem:$0x7FF] =	sst s2;
	s5 =	sadd.s32 $0xAE600, s1  }
0x8: {  	s7 =	sadd.s32 $0xAE400, s1;
	s8 =	sadd.s32 $0xAE800, s1;
	s3 =	sshll.u32 s0, $0x4  }
0x9: {  	_ =	strace $0x80000050;
	s0 =	ssub.s32 $0x2, s0;
	s6 =	sor.u32 s4, s3  }
0xa: {  	[dreg:$0x3] =	wrdreg s5;
	s12 =	sshrl.u32 s0, $0x1;
	s10 =	smul.u32 $0x500, s6  }
0xb: {  	s3 =	sadd.s32 $0xE400, s1;
	s6 =	smul.u32 $0x50, s6;
	s0 =	ssub.s32 s0, s12  }
0xc: {  	s4 =	sadd.s32 $0x36400, s1;
	s12 =	smax.u32 s0, $0x1;
	s11 =	sadd.s32 s10, s1  }
0xd: {  	s9 =	sadd.s32 s9, s10;
	s10 =	sadd.s32 $0x4400, s11;
	s11 =	sor.u32 $0x1, s6  }
.LBB2_1:
0xe: {  	s0 =	rddreg [dreg:$0x3];
	s1 =	simm.s32 $0x15000  }
0xf: {  	[tilespmem:s1], [sflag:$0x3] =	stream.linear.gather [hbm4b:s0+s2], $0x80, $0x38;
	[tilespmem:$0x16100] =	vst v63  }
0x10: {  	_ =	swait.ge [sflag:s14], $0x80  }
0x11: {  	[sflag:s14] =	ssyncset.done $0x0  }
0x12: {  	s30 =	simm.s32 $0x15080;
	[sflag:s14] =	ssyncadd.s32 $0xFFFFFF80  }
0x13: {  	[tilespmem:s30], [sflag:$0x3] =	stream.linear.gather [hbm4b:s7+s2], $0x80, $0x38;
	[tilespmem:$0x16100] =	vst v63  }
0x14: {  	_ =	swait.ge [sflag:s14], $0x80  }
0x15: {  	[sflag:s14] =	ssyncset.done $0x0  }
0x16: {  	[sflag:s14] =	ssyncadd.s32 $0xFFFFFF80  }
0x17: {  	[tilespmem:s2], [sflag:$0x3] =	stream.linear.gather [hbm4b:s9+s2], $0x2800, $0x38;
	[tilespmem:$0x16100] =	vst v63  }
0x18: {  	_ =	swait.ge [sflag:s14], $0x2800  }
0x19: {  	[sflag:s14] =	ssyncset.done $0x0  }
0x1a: {  	[sflag:s14] =	ssyncadd.s32 $0xFFFFD800  }
0x1b: {  	[tilespmem:s16], [sflag:$0x3] =	stream.linear.gather [hbm4b:s10+s2], $0x2800, $0x38;
	[tilespmem:$0x16100] =	vst v63  }
0x1c: {  	_ =	swait.ge [sflag:s14], $0x2800  }
0x1d: {  	[sflag:s14] =	ssyncset.done $0x0  }
0x1e: {  	[sflag:s14] =	ssyncadd.s32 $0xFFFFD800  }
0x1f: {  	v0 =	vld [tilespmem:$0x15000]  }
0x20: {  	v1 =	vld [tilespmem:$0x15010]  }
0x21: {  	v2 =	vld [tilespmem:$0x15020]  }
0x22: {  	v3 =	vld [tilespmem:$0x15030]  }
0x23: {  	v4 =	vld [tilespmem:$0x15040]  }
0x24: {  	v5 =	vld [tilespmem:$0x15050]  }
0x25: {  	v6 =	vld [tilespmem:$0x15060]  }
0x26: {  	v7 =	vld [tilespmem:$0x15070]  }
0x27: {  	v8 =	vld [tilespmem:$0x15080]  }
0x28: {  	v9 =	vld [tilespmem:$0x15090]  }
0x29: {  	v10 =	vld [tilespmem:$0x150A0]  }
0x2a: {  	v11 =	vld [tilespmem:$0x150B0]  }
0x2b: {  	v12 =	vld [tilespmem:$0x150C0]  }
0x2c: {  	v13 =	vld [tilespmem:$0x150D0]  }
0x2d: {  	v14 =	vld [tilespmem:$0x150E0]  }
0x2e: {  	v15 =	vld [tilespmem:$0x150F0];
	[tilespmem:s18], [sflag:$0x1] =	stream.indirect.gather [hbm4b:s3+s17], $0x80, s2, s17, $0xb8  }
0x2f: {  	_ = 	snop  }
0x30: {  	[tilespmem:s19], [sflag:$0x1] =	stream.indirect.gather [hbm4b:s4+s17], $0x80, s16, s17, $0xb8;
	[tilespmem:$0x16100] =	vst v63  }
0x31: {  	_ = 	snop  }
0x32: {  	[tilespmem:s20], [sflag:$0x2] =	stream.indirect.gather [hbm4b:s3+s17], $0x80, s17, s17, $0xb8;
	[tilespmem:$0x16100] =	vst v63  }
0x33: {  	s31 =	simm.s32 $0x2880;
	s28 =	simm.s32 $0x0  }
0x34: {  	[tilespmem:s22], [sflag:$0x2] =	stream.indirect.gather [hbm4b:s4+s17], $0x80, s31, s17, $0xb8;
	[tilespmem:$0x16100] =	vst v63  }
.LBB2_2:
0x35: {  	_ =	swait.ge [sflag:s23], $0x4000  }
0x36: {  	[sflag:s23] =	ssyncset.done $0x0  }
0x37: {  	[sflag:s23] =	ssyncadd.s32 $0xFFFFC000  }
0x38: {  	_ =	swait.ge [sflag:s23], $0x4000  }
0x39: {  	[sflag:s23] =	ssyncset.done $0x0  }
0x3a: {  	s0 =	simm.s32 $0x5040;
	[sflag:s23] =	ssyncadd.s32 $0xFFFFC000  }
0x3b: {  	s29 =	simm.s32 $0x9040;
	v16 =	vld [tilespmem:s0+$0xFFFFFFF0]  }
0x3c: {  	v17 =	vld [tilespmem:s29+$0xFFFFFFE0]  }
0x3d: {  	v18 =	vld [tilespmem:s29+$0xFFFFFFD0]  }
0x3e: {  	v19 =	vld [tilespmem:s0+$0xFFFFFFE0]  }
0x3f: {  	v20 =	vld [tilespmem:s29+$0xFFFFFFF0]  }
0x40: {  	v21 =	vld [tilespmem:s0+$0xFFFFFFD0]  }
0x41: {  	v22 =	vld [tilespmem:s29+$0x30]  }
0x42: {  	v23 =	vld [tilespmem:s0+$0x10]  }
0x43: {  	v24 =	vld [tilespmem:s29+$0x10]  }
0x44: {  	v25 =	vld [tilespmem:s0+$0x30]  }
0x45: {  	v54 =	vld [tilespmem:s29+$0x0]  }
0x46: {  	v55 =	vld [tilespmem:s0+$0x0]  }
0x47: {  	v27 =	vld [tilespmem:s29+$0x20]  }
0x48: {  	v57 =	vld [tilespmem:s0+$0x20];
	_ =	sdelay $0x1  }
0x49: {  	v26 =	vld [tilespmem:s0+$0xFFFFFFC0];
	v17 =	vadd.f32 v17, v19  }
0x4a: {  	v16 =	vadd.f32 v20, v16;
	v19 =	vld [tilespmem:s29+$0xFFFFFFC0];
	v18 =	vadd.f32 v18, v21  }
0x4b: {  	v23 =	vadd.f32 v24, v23;
	v22 =	vadd.f32 v22, v25  }
0x4c: {  	v20 =	vadd.f32 v54, v55;
	v61 =	vadd.f32 v27, v57  }
0x4d: {  	v17 =	vmax.f32 v17, $0.0e+00;
	v16 =	vmax.f32 v16, $0.0e+00;
	v18 =	vmax.f32 v18, $0.0e+00  }
0x4e: {  	v23 =	vmax.f32 v23, $0.0e+00;
	v20 =	vmax.f32 v20, $0.0e+00;
	v56 =	vmul.f32 v16, v3  }
0x4f: {  	v16 =	vmul.f32 v16, v11;
	v28 =	vmul.f32 v18, v1;
	v19 =	vadd.f32 v19, v26  }
0x50: {  	v22 =	vmax.f32 v22, $0.0e+00;
	v18 =	vmul.f32 v18, v9;
	v58 =	vmul.f32 v23, v5  }
0x51: {  	v59 =	vmul.f32 v17, v10;
	v17 =	vmul.f32 v17, v2;
	v19 =	vmax.f32 v19, $0.0e+00  }
0x52: {  	v16 =	vadd.f32 v16, v18;
	v18 =	vmul.f32 v19, v0;
	v19 =	vmul.f32 v19, v8  }
0x53: {  	v23 =	vmul.f32 v23, v13;
	v62 =	vmul.f32 v22, v7;
	v24 =	vadd.f32 v56, v28  }
0x54: {  	v17 =	vadd.f32 v17, v18;
	v18 =	vadd.f32 v59, v19;
	v19 =	vmul.f32 v20, v4  }
0x55: {  	v60 =	vadd.f32 v58, v24;
	v24 =	vmax.f32 v61, $0.0e+00;
	v20 =	vmul.f32 v20, v12  }
0x56: {  	v22 =	vmul.f32 v22, v15;
	v17 =	vadd.f32 v19, v17;
	v19 =	vmul.f32 v24, v6  }
0x57: {  	v16 =	vadd.f32 v23, v16;
	v63 =	vmul.f32 v24, v14;
	v18 =	vadd.f32 v20, v18  }
0x58: {  	s30 =	simm.s32 $0x0;
	v17 =	vadd.f32 v19, v17;
	v19 =	vadd.f32 v62, v60  }
0x59: {  	s21 =	sand.u32 $0x60, s30;
	s1 =	sand.u32 $0xC00, s30;
	v16 =	vadd.f32 v22, v16;
	v18 =	vadd.f32 v63, v18  }
0x5a: {  	s13 =	sand.u32 $0x380, s30;
	s0 =	sor.u32 s21, s1;
	v17 =	vadd.f32 v19, v17  }
0x5b: {  	s31 =	simm.s32 $0x8;
	s0 =	sor.u32 s0, s13;
	v16 =	vadd.f32 v16, v18  }
0x5c: {  	s1 =	simm.s32 $0x0;
	s13 =	sadd.s32 $0x15100, s0;
	[tilespmem:s0+$0x15100] =	vst v17;
	s0 =	simm.s32 $0x50C0  }
.LBB2_3:
0x5d: {  	[tilespmem:s13+$0x10] =	vst v16;
	s30 =	sadd.s32 $0x20, s30;
	s1 =	sadd.s32 $0x100, s1;
	s29 =	sadd.s32 $0x80, s29  }
0x5e: {  	p0 =	sne.s32 s31, $0x3F8;
	s13 =	smov.u32 s31;
	s31 =	sadd.s32 $0x8, s31;
	v16 =	vld [tilespmem:s0+$0xFFFFFFF0]  }
0x5f: {  	v17 =	vld [tilespmem:s29+$0xFFFFFFE0]  }
0x60: {  	v18 =	vld [tilespmem:s29+$0xFFFFFFD0]  }
0x61: {  	v19 =	vld [tilespmem:s0+$0xFFFFFFE0]  }
0x62: {  	v20 =	vld [tilespmem:s29+$0xFFFFFFF0]  }
0x63: {  	v21 =	vld [tilespmem:s0+$0xFFFFFFD0]  }
0x64: {  	v22 =	vld [tilespmem:s29+$0x30]  }
0x65: {  	v23 =	vld [tilespmem:s0+$0x10]  }
0x66: {  	v17 =	vadd.f32 v17, v19;
	v19 =	vld [tilespmem:s29+$0x10]  }
0x67: {  	v16 =	vadd.f32 v20, v16;
	v20 =	vld [tilespmem:s0+$0x30]  }
0x68: {  	v24 =	vld [tilespmem:s0+$0xFFFFFFC0];
	v18 =	vadd.f32 v18, v21;
	v17 =	vmax.f32 v17, $0.0e+00  }
0x69: {  	v21 =	vld [tilespmem:s29+$0xFFFFFFC0];
	v16 =	vmax.f32 v16, $0.0e+00  }
0x6a: {  	v18 =	vmax.f32 v18, $0.0e+00;
	v25 =	vmul.f32 v16, v3;
	v16 =	vmul.f32 v16, v11;
	v26 =	vld [tilespmem:s29+$0x0]  }
0x6b: {  	v27 =	vmul.f32 v18, v1;
	v18 =	vmul.f32 v18, v9;
	v28 =	vld [tilespmem:s0+$0x0];
	v19 =	vadd.f32 v19, v23  }
0x6c: {  	v23 =	vld [tilespmem:s29+$0x20];
	v20 =	vadd.f32 v22, v20  }
0x6d: {  	v22 =	vadd.f32 v25, v27;
	v16 =	vadd.f32 v16, v18;
	v18 =	vmax.f32 v19, $0.0e+00;
	v19 =	vld [tilespmem:s0+$0x20]  }
0x6e: {  	v21 =	vadd.f32 v21, v24;
	v24 =	vmul.f32 v18, v5;
	v18 =	vmul.f32 v18, v13  }
0x6f: {  	v25 =	vmul.f32 v17, v10  }
0x70: {  	v17 =	vmul.f32 v17, v2;
	v21 =	vmax.f32 v21, $0.0e+00;
	v26 =	vadd.f32 v26, v28  }
0x71: {  	v22 =	vadd.f32 v24, v22;
	v27 =	vmul.f32 v21, v0;
	v21 =	vmul.f32 v21, v8  }
0x72: {  	v16 =	vadd.f32 v18, v16;
	v24 =	vmax.f32 v26, $0.0e+00;
	v18 =	vadd.f32 v23, v19  }
0x73: {  	v17 =	vadd.f32 v17, v27;
	v19 =	vadd.f32 v25, v21;
	v21 =	vmul.f32 v24, v4  }
0x74: {  	v20 =	vmax.f32 v20, $0.0e+00;
	v23 =	vmul.f32 v24, v12;
	v18 =	vmax.f32 v18, $0.0e+00  }
0x75: {  	v24 =	vmul.f32 v20, v7;
	v17 =	vadd.f32 v21, v17;
	v21 =	vmul.f32 v18, v6  }
0x76: {  	v20 =	vmul.f32 v20, v15;
	v19 =	vadd.f32 v23, v19;
	v18 =	vmul.f32 v18, v14  }
.Ltmp0:
0x77: {  	v17 =	vadd.f32 v21, v17;
	v21 =	vadd.f32 v24, v22;
	(pc) =	sbr.rel @p0 .LBB2_3-.Ltmp0, $4  }
0x78: {  	s15 =	sand.u32 $0x60, s30;
	s21 =	sand.u32 $0xC00, s1;
	v16 =	vadd.f32 v20, v16;
	v18 =	vadd.f32 v18, v19  }
0x79: {  	s13 =	sand.u32 $0x380, s13;
	s15 =	sor.u32 s15, s21;
	v17 =	vadd.f32 v21, v17  }
0x7a: {  	s15 =	sor.u32 s15, s13;
	v16 =	vadd.f32 v16, v18  }
0x7b: {  	s13 =	sadd.s32 $0x15100, s15;
	s0 =	sadd.s32 $0x80, s0;
	[tilespmem:s15+$0x15100] =	vst v17  }
0x7c: {  	s29 =	sshll.u32 s28, $0x1  }
0x7d: {  	s0 =	sadd.s32 s6, s29  }
0x7e: {  	s0 =	sshll.u32 s0, $0x9  }
0x7f: {  	[tilespmem:s13+$0x10] =	vst v16;
	s30 =	simm.s32 $0x0;
	s0 =	sadd.s32 s8, s0  }
0x80: {  	[hbm4b:s0+s30] =	stream.linear.scatter [tilespmem:s24], [sflag:$0x3], $0x1000, $0x38;
	[tilespmem:$0x16100] =	vst v63  }
0x81: {  	s1 =	smin.u32 s29, $0x4D;
	_ =	swait.ge [sflag:s14], $0x1000  }
0x82: {  	s0 =	sshll.u32 s1, $0x7;
	[sflag:s14] =	ssyncset.done $0x0  }
0x83: {  	s1 =	sadd.s32 $0x100, s0;
	[sflag:s14] =	ssyncadd.s32 $0xFFFFF000  }
0x84: {  	[tilespmem:s18], [sflag:$0x1] =	stream.indirect.gather [hbm4b:s3+s17], $0x80, s1, s17, $0xb8;
	[tilespmem:$0x16100] =	vst v63  }
0x85: {  	s0 =	sadd.s32 $0x2900, s0  }
0x86: {  	[tilespmem:s19], [sflag:$0x1] =	stream.indirect.gather [hbm4b:s4+s17], $0x80, s0, s17, $0xb8;
	[tilespmem:$0x16100] =	vst v63  }
0x87: {  	_ =	swait.ge [sflag:s25], $0x4000  }
0x88: {  	[sflag:s25] =	ssyncset.done $0x0  }
0x89: {  	[sflag:s25] =	ssyncadd.s32 $0xFFFFC000  }
0x8a: {  	_ =	swait.ge [sflag:s25], $0x4000  }
0x8b: {  	[sflag:s25] =	ssyncset.done $0x0  }
0x8c: {  	s5 =	simm.s32 $0xD040;
	[sflag:s25] =	ssyncadd.s32 $0xFFFFC000  }
0x8d: {  	s31 =	simm.s32 $0x11040;
	v16 =	vld [tilespmem:s5+$0xFFFFFFF0]  }
0x8e: {  	v17 =	vld [tilespmem:s31+$0xFFFFFFE0]  }
0x8f: {  	v18 =	vld [tilespmem:s31+$0xFFFFFFD0]  }
0x90: {  	v19 =	vld [tilespmem:s5+$0xFFFFFFE0]  }
0x91: {  	v20 =	vld [tilespmem:s31+$0xFFFFFFF0]  }
0x92: {  	v21 =	vld [tilespmem:s5+$0xFFFFFFD0]  }
0x93: {  	v22 =	vld [tilespmem:s31+$0x30]  }
0x94: {  	v23 =	vld [tilespmem:s5+$0x10]  }
0x95: {  	v24 =	vld [tilespmem:s31+$0x10]  }
0x96: {  	v25 =	vld [tilespmem:s5+$0x30]  }
0x97: {  	v54 =	vld [tilespmem:s31+$0x0]  }
0x98: {  	v55 =	vld [tilespmem:s5+$0x0]  }
0x99: {  	v27 =	vld [tilespmem:s31+$0x20]  }
0x9a: {  	v57 =	vld [tilespmem:s5+$0x20];
	_ =	sdelay $0x1  }
0x9b: {  	v26 =	vld [tilespmem:s5+$0xFFFFFFC0];
	v17 =	vadd.f32 v17, v19  }
0x9c: {  	v16 =	vadd.f32 v20, v16;
	v19 =	vld [tilespmem:s31+$0xFFFFFFC0];
	v18 =	vadd.f32 v18, v21  }
0x9d: {  	v23 =	vadd.f32 v24, v23;
	v22 =	vadd.f32 v22, v25  }
0x9e: {  	v20 =	vadd.f32 v54, v55;
	v61 =	vadd.f32 v27, v57  }
0x9f: {  	v17 =	vmax.f32 v17, $0.0e+00;
	v16 =	vmax.f32 v16, $0.0e+00;
	v18 =	vmax.f32 v18, $0.0e+00  }
0xa0: {  	v23 =	vmax.f32 v23, $0.0e+00;
	v20 =	vmax.f32 v20, $0.0e+00;
	v56 =	vmul.f32 v16, v3  }
0xa1: {  	v16 =	vmul.f32 v16, v11;
	v28 =	vmul.f32 v18, v1;
	v19 =	vadd.f32 v19, v26  }
0xa2: {  	v22 =	vmax.f32 v22, $0.0e+00;
	v18 =	vmul.f32 v18, v9;
	v58 =	vmul.f32 v23, v5  }
0xa3: {  	v59 =	vmul.f32 v17, v10;
	v17 =	vmul.f32 v17, v2;
	v19 =	vmax.f32 v19, $0.0e+00  }
0xa4: {  	v16 =	vadd.f32 v16, v18;
	v18 =	vmul.f32 v19, v0;
	v19 =	vmul.f32 v19, v8  }
0xa5: {  	v23 =	vmul.f32 v23, v13;
	v62 =	vmul.f32 v22, v7;
	v24 =	vadd.f32 v56, v28  }
0xa6: {  	v17 =	vadd.f32 v17, v18;
	v18 =	vadd.f32 v59, v19;
	v19 =	vmul.f32 v20, v4  }
0xa7: {  	v60 =	vadd.f32 v58, v24;
	v24 =	vmax.f32 v61, $0.0e+00;
	v20 =	vmul.f32 v20, v12  }
0xa8: {  	v22 =	vmul.f32 v22, v15;
	v17 =	vadd.f32 v19, v17;
	v19 =	vmul.f32 v24, v6  }
0xa9: {  	v16 =	vadd.f32 v23, v16;
	v63 =	vmul.f32 v24, v14;
	v18 =	vadd.f32 v20, v18  }
0xaa: {  	v17 =	vadd.f32 v19, v17;
	v19 =	vadd.f32 v62, v60  }
0xab: {  	s13 =	sand.u32 $0x60, s30;
	s15 =	sand.u32 $0xC00, s30;
	v16 =	vadd.f32 v22, v16;
	v18 =	vadd.f32 v63, v18  }
0xac: {  	s21 =	sand.u32 $0x380, s30;
	s1 =	sor.u32 s13, s15;
	v17 =	vadd.f32 v19, v17  }
0xad: {  	s13 =	simm.s32 $0x0;
	s1 =	sor.u32 s1, s21;
	v16 =	vadd.f32 v16, v18  }
0xae: {  	s0 =	simm.s32 $0x8;
	s15 =	sadd.s32 $0x15100, s1;
	[tilespmem:s1+$0x15100] =	vst v17;
	s1 =	simm.s32 $0xD0C0  }
.LBB2_5:
0xaf: {  	[tilespmem:s15+$0x10] =	vst v16;
	s30 =	sadd.s32 $0x20, s30;
	s13 =	sadd.s32 $0x100, s13;
	s31 =	sadd.s32 $0x80, s31  }
0xb0: {  	p0 =	sne.s32 s0, $0x3F8;
	s15 =	smov.u32 s0;
	s0 =	sadd.s32 $0x8, s0;
	v16 =	vld [tilespmem:s1+$0xFFFFFFF0]  }
0xb1: {  	v17 =	vld [tilespmem:s31+$0xFFFFFFE0]  }
0xb2: {  	v18 =	vld [tilespmem:s31+$0xFFFFFFD0]  }
0xb3: {  	v19 =	vld [tilespmem:s1+$0xFFFFFFE0]  }
0xb4: {  	v20 =	vld [tilespmem:s31+$0xFFFFFFF0]  }
0xb5: {  	v21 =	vld [tilespmem:s1+$0xFFFFFFD0]  }
0xb6: {  	v22 =	vld [tilespmem:s31+$0x30]  }
0xb7: {  	v23 =	vld [tilespmem:s1+$0x10]  }
0xb8: {  	v17 =	vadd.f32 v17, v19;
	v19 =	vld [tilespmem:s31+$0x10]  }
0xb9: {  	v16 =	vadd.f32 v20, v16;
	v20 =	vld [tilespmem:s1+$0x30]  }
0xba: {  	v24 =	vld [tilespmem:s1+$0xFFFFFFC0];
	v18 =	vadd.f32 v18, v21;
	v17 =	vmax.f32 v17, $0.0e+00  }
0xbb: {  	v21 =	vld [tilespmem:s31+$0xFFFFFFC0];
	v16 =	vmax.f32 v16, $0.0e+00  }
0xbc: {  	v18 =	vmax.f32 v18, $0.0e+00;
	v25 =	vmul.f32 v16, v3;
	v16 =	vmul.f32 v16, v11;
	v26 =	vld [tilespmem:s31+$0x0]  }
0xbd: {  	v27 =	vmul.f32 v18, v1;
	v18 =	vmul.f32 v18, v9;
	v28 =	vld [tilespmem:s1+$0x0];
	v19 =	vadd.f32 v19, v23  }
0xbe: {  	v23 =	vld [tilespmem:s31+$0x20];
	v20 =	vadd.f32 v22, v20  }
0xbf: {  	v22 =	vadd.f32 v25, v27;
	v16 =	vadd.f32 v16, v18;
	v18 =	vmax.f32 v19, $0.0e+00;
	v19 =	vld [tilespmem:s1+$0x20]  }
0xc0: {  	v21 =	vadd.f32 v21, v24;
	v24 =	vmul.f32 v18, v5;
	v18 =	vmul.f32 v18, v13  }
0xc1: {  	v25 =	vmul.f32 v17, v10  }
0xc2: {  	v17 =	vmul.f32 v17, v2;
	v21 =	vmax.f32 v21, $0.0e+00;
	v26 =	vadd.f32 v26, v28  }
0xc3: {  	v22 =	vadd.f32 v24, v22;
	v27 =	vmul.f32 v21, v0;
	v21 =	vmul.f32 v21, v8  }
0xc4: {  	v16 =	vadd.f32 v18, v16;
	v24 =	vmax.f32 v26, $0.0e+00;
	v18 =	vadd.f32 v23, v19  }
0xc5: {  	v17 =	vadd.f32 v17, v27;
	v19 =	vadd.f32 v25, v21;
	v21 =	vmul.f32 v24, v4  }
0xc6: {  	v20 =	vmax.f32 v20, $0.0e+00;
	v23 =	vmul.f32 v24, v12;
	v18 =	vmax.f32 v18, $0.0e+00  }
0xc7: {  	v24 =	vmul.f32 v20, v7;
	v17 =	vadd.f32 v21, v17;
	v21 =	vmul.f32 v18, v6  }
0xc8: {  	v20 =	vmul.f32 v20, v15;
	v19 =	vadd.f32 v23, v19;
	v18 =	vmul.f32 v18, v14  }
.Ltmp1:
0xc9: {  	v17 =	vadd.f32 v21, v17;
	v21 =	vadd.f32 v24, v22;
	(pc) =	sbr.rel @p0 .LBB2_5-.Ltmp1, $4  }
0xca: {  	s21 =	sand.u32 $0x60, s30;
	s5 =	sand.u32 $0xC00, s13;
	v16 =	vadd.f32 v20, v16;
	v18 =	vadd.f32 v18, v19  }
0xcb: {  	s15 =	sand.u32 $0x380, s15;
	s5 =	sor.u32 s21, s5;
	v17 =	vadd.f32 v21, v17  }
0xcc: {  	s5 =	sor.u32 s5, s15;
	v16 =	vadd.f32 v16, v18  }
0xcd: {  	s15 =	sadd.s32 $0x15100, s5;
	s1 =	sadd.s32 $0x80, s1;
	[tilespmem:s5+$0x15100] =	vst v17  }
0xce: {  	s0 =	sadd.s32 s29, s11  }
0xcf: {  	s0 =	sshll.u32 s0, $0x9  }
0xd0: {  	s0 =	sand.u32 $0x1FFFFE00, s0  }
0xd1: {  	[tilespmem:s15+$0x10] =	vst v16;
	s28 =	sadd.s32 $0x1, s28;
	s0 =	sadd.s32 s8, s0  }
0xd2: {  	[hbm4b:s0+s2] =	stream.linear.scatter [tilespmem:s24], [sflag:$0x3], $0x1000, $0x38;
	[tilespmem:$0x16100] =	vst v63  }
0xd3: {  	s31 =	smin.u32 s29, $0x4C;
	p0 =	sne.s32 s28, $0x28;
	_ =	swait.ge [sflag:s14], $0x1000  }
.Ltmp2:
0xd4: {  	s0 =	sshll.u32 s31, $0x7;
	[sflag:s14] =	ssyncset.done $0x0;
	(pc) =	sbr.rel @p0 .LBB2_2-.Ltmp2, $4  }
0xd5: {  	s1 =	sadd.s32 $0x180, s0;
	[sflag:s14] =	ssyncadd.s32 $0xFFFFF000  }
0xd6: {  	[tilespmem:s20], [sflag:$0x2] =	stream.indirect.gather [hbm4b:s3+s17], $0x80, s1, s17, $0xb8;
	[tilespmem:$0x16100] =	vst v63  }
0xd7: {  	s0 =	sadd.s32 $0x2980, s0  }
0xd8: {  	[tilespmem:s22], [sflag:$0x2] =	stream.indirect.gather [hbm4b:s4+s17], $0x80, s0, s17, $0xb8;
	[tilespmem:$0x16100] =	vst v63  }
0xd9: {  	_ =	swait.ge [sflag:s23], $0x4000  }
0xda: {  	[sflag:s23] =	ssyncset.done $0x0  }
0xdb: {  	[sflag:s23] =	ssyncadd.s32 $0xFFFFC000  }
0xdc: {  	_ =	swait.ge [sflag:s23], $0x4000  }
0xdd: {  	[sflag:s23] =	ssyncset.done $0x0  }
0xde: {  	s26 =	sadd.s32 $0x1, s26;
	[sflag:s23] =	ssyncadd.s32 $0xFFFFC000  }
0xdf: {  	p0 =	sne.s32 s26, s12;
	_ =	swait.ge [sflag:s25], $0x4000  }
.Ltmp3:
0xe0: {  	[sflag:s25] =	ssyncset.done $0x0;
	(pc) =	sbr.rel @p0 .LBB2_1-.Ltmp3, $4  }
0xe1: {  	[sflag:s25] =	ssyncadd.s32 $0xFFFFC000  }
0xe2: {  	_ =	swait.ge [sflag:s25], $0x4000  }
0xe3: {  	[sflag:s25] =	ssyncset.done $0x0  }
0xe4: {  	[sflag:s25] =	ssyncadd.s32 $0xFFFFC000  }
0xe5: {  	_ =	sfence.sel $0x180000  }
0xe6: {  	[bflag:$0x0] =	sbarrier.arrive $0xFFFF  }
0xe7: {  	_ =	strace $0x90000050  }
0xe8: {  	s0 =	stileid.u32;
	[bflag:$0x2] =	sbarrier.arrive $0xFFFF  }
0xe9: {  	p0 =	sne.s32 s0, $0x0;
	s0 =	rddreg [dreg:$0x2]  }
0xea: {  	s0 =	sadd.s32 @!p0 $0x100000, s0  }
0xeb: {  	[sflag:s0] =	ssyncadd.tile.s32 @!p0 $0x1;
	_ =	shalt  }
.Lfunc_end2:
_tile_overlayer_lowered:
.L_overlay_start_2:
0xec: {  	(tag) =	ssettag $0x2  }
0xed: {  	s0 =	rddreg [dreg:$0x0];
	s2 =	stileid.u32  }
0xee: {  	s1 =	rddreg [dreg:$0x1];
	p0 =	sne.s32 s2, $0x0  }
0xef: {  	s3 =	rddreg [dreg:$0x2];
	[bflag:$0x3] =	sbarrier.arrive $0xFFFF;
	s2 =	simm.s32 @!p0 $0x1C03  }
0xf0: {  	[timem:s3], [sflag:s2] =	dma.local @!p0 [hbm:s0], s1  }
0xf1: {  	s0 =	simm.s32 @!p0 $0x3  }
0xf2: {  	_ =	swait.ge @!p0 [sflag:s0], s1  }
0xf3: {  	s1 =	ssub.s32 @!p0 $0x0, s1;
	[sflag:s0] =	ssyncset.done @!p0 $0x0  }
0xf4: {  	[sflag:s0] =	ssyncadd.s32 @!p0 s1  }
0xf5: {  	[bflag:$0x3] =	sbarrier.arrive $0xFFFF  }
0xf6: {  	_ =	shalt  }

</sc_bundles>
